<compile_context>
chip_gen: v7x
topology: tpu7x:2x2x1
jax: 0.10.2.dev20260603
libtpu: 0.0.44.dev20260713+nightly
codegen_flags: <defaults>
</compile_context>

<pallas_src>
import functools

import jax
import jax.numpy as jnp
from jax import lax
from jax.experimental import pallas as pl
from jax.experimental.pallas import tpu as pltpu
from jax.experimental.pallas import tpu_sc as plsc

_NC = 2
_NS = 16
_NW = _NC * _NS
_L = 16
_B = 1024
_D = 64
_R = 8
_BPW = _B // _NW


@functools.partial(
    pl.kernel,
    mesh=plsc.VectorSubcoreMesh(core_axis_name="c", subcore_axis_name="s"),
    out_type=jax.ShapeDtypeStruct((_NW, _L), jnp.float32),
    compiler_params=pltpu.CompilerParams(needs_layout_passes=False),
    scratch_types=[
        pltpu.VMEM((_BPW,), jnp.int32),
        pltpu.VMEM((_BPW, _D), jnp.float32),
        pltpu.VMEM((_BPW, _R, _D), jnp.float32),
        pltpu.VMEM((_L,), jnp.float32),
        pltpu.SemaphoreType.DMA,
    ],
)
def _center_mse_partials(features_hbm, labels_hbm, centers_hbm, out_hbm,
                         idx_v, feat_v, rows_v, acc_v, sem):
    wid = lax.axis_index("s") * _NC + lax.axis_index("c")
    base = wid * _BPW
    pltpu.sync_copy(labels_hbm.at[pl.ds(base, _BPW)], idx_v)
    copies = []
    for c in range(_BPW // _L):
        gidv = lax.shift_right_logical(idx_v[pl.ds(c * _L, _L)], 3)
        for i in range(_L):
            copies.append(
                pltpu.async_copy(
                    centers_hbm.at[gidv[i]], rows_v.at[c * _L + i], sem))
    pltpu.sync_copy(features_hbm.at[pl.ds(base, _BPW)], feat_v)
    for cp in copies:
        cp.wait()
    row_iota = lax.iota(jnp.int32, _L)
    acc = jnp.zeros((_L,), jnp.float32)
    for c in range(_BPW // _L):
        lbl = idx_v[pl.ds(c * _L, _L)]
        sub = lax.bitwise_and(lbl, jnp.full((_L,), _R - 1, jnp.int32))
        d0 = row_iota + c * _L
        for j in range(_D):
            col = jnp.full((_L,), j, jnp.int32)
            cv = plsc.load_gather(rows_v, [d0, sub, col])
            fv = plsc.load_gather(feat_v, [d0, col])
            d = fv - cv
            acc = acc + d * d
    acc_v[...] = acc
    pltpu.sync_copy(acc_v, out_hbm.at[wid])


def kernel(features, labels, centers):
    centers3 = centers.reshape(centers.shape[0] // _R, _R, _D)
    partials = _center_mse_partials(
        features, labels.astype(jnp.int32), centers3)
    return jnp.sum(partials) / jnp.float32(_B * _D)

# --- scband reference (transcript-rebuilt; emitter-appended) ---
"""Pipeline reference for scband-center-loss-21096879358537 (READ-ONLY COPY).

The authoritative reference and input builder live on the scoring server;
editing this copy changes nothing except your own understanding.
"""

import jax, jax.numpy as jnp
import numpy as np

NUM_CLASSES = 100000
FEAT_DIM = 64
BATCH = 1024


def _xavier_uniform(key, shape, dtype=jnp.float32):
    fan_in, fan_out = shape[1], shape[0]
    a = float(np.sqrt(6.0 / (fan_in + fan_out)))
    return jax.random.uniform(key, shape, dtype=dtype, minval=-a, maxval=a)


def setup_inputs(seed: int = 0) -> dict:
    key = jax.random.key(seed)
    k_feat, k_lab, k_cent = jax.random.split(key, 3)
    features = jax.random.normal(k_feat, (BATCH, FEAT_DIM), dtype=jnp.float32)
    labels = jax.random.randint(k_lab, (BATCH,), 0, NUM_CLASSES, dtype=jnp.int64)
    centers = _xavier_uniform(k_cent, (NUM_CLASSES, FEAT_DIM))
    return {"features": features, "labels": labels, "centers": centers}


def reference(features, labels, centers):
    batch_size = features.shape[0]
    num_classes = centers.shape[0]
    # distances = ||f||^2 + ||c||^2 - 2 f c^T  (computed in the torch module, result unused)
    distances = (
        jnp.sum(jnp.square(features), axis=1, keepdims=True)
        + jnp.sum(jnp.square(centers), axis=1)[None, :]
    )
    distances = distances - 2.0 * (features @ centers.T)
    # gather centers for each label (embedding lookup)
    centers_batch = jnp.take(centers, labels, axis=0)
    loss = jnp.mean(jnp.square(features - centers_batch))
    return loss

if __name__ == "__main__":
    import jax
    _d = setup_inputs()
    print(jax.jit(kernel)(*tuple(_d.values())))

</pallas_src>

<mosaic_0001>
#map = affine_map<(d0, d1) -> (0, 0)>
#map1 = affine_map<(d0, d1) -> (0)>
#map2 = affine_map<(d0, d1) -> (0, 0, 0)>
module attributes {stable_mosaic.version = 14 : i64} {
  func.func @_center_mse_partials(%arg0: i32, %arg1: i32, %arg2: memref<1024x64xf32, #tpu.memory_space<hbm>>, %arg3: memref<1024xi32, #tpu.memory_space<hbm>>, %arg4: memref<12500x8x64xf32, #tpu.memory_space<hbm>>, %arg5: memref<32x16xf32, #tpu.memory_space<hbm>>, %arg6: memref<32xi32, #tpu.memory_space<vmem>>, %arg7: memref<32x64xf32, #tpu.memory_space<vmem>>, %arg8: memref<32x8x64xf32, #tpu.memory_space<vmem>>, %arg9: memref<16xf32, #tpu.memory_space<vmem>>, %arg10: memref<!tpu.dma_semaphore, #tpu.memory_space<semaphore_mem>>) attributes {dimension_semantics = [#tpu.dimension_semantics<core_parallel>, #tpu.dimension_semantics<subcore_parallel>], iteration_bounds = array<i64: 2, 16>, scalar_prefetch = 0 : i64, scratch_operands = 5 : i64, tpu.core_type = #tpu.core_type<sc_vector_subcore>, window_params = [{transform_indices = #map}, {transform_indices = #map1}, {transform_indices = #map2}, {transform_indices = #map}]} {
    %mul3A = arith.constant 2 : i32
    %mul3A_0 = arith.muli %arg1, %mul3A : i32
    %add3A = arith.addi %mul3A_0, %arg0 : i32
    %mul3A_1 = arith.constant 32 : i32
    %mul3A_2 = arith.muli %add3A, %mul3A_1 : i32
    "tpu.region"() ({
      %run_scoped3A = tpu.sem_alloc : memref<!tpu.dma_semaphore, #tpu.memory_space<semaphore_mem>>
      %dma_start3A_2070 = tpu.memref_slice %arg3[%mul3A_2] : memref<1024xi32, #tpu.memory_space<hbm>> -> memref<32xi32, #tpu.memory_space<hbm>>
      %dma_start3A_2071 = tpu.memref_slice %arg3[%mul3A_2] : memref<1024xi32, #tpu.memory_space<hbm>> -> memref<32xi32, #tpu.memory_space<hbm>>
      tpu.enqueue_dma source(%dma_start3A_2071 : memref<32xi32, #tpu.memory_space<hbm>>) target(%arg6 : memref<32xi32, #tpu.memory_space<vmem>>) target_semaphore(%run_scoped3A : memref<!tpu.dma_semaphore, #tpu.memory_space<semaphore_mem>>)
      %dma_wait3A_2072 = tpu.memref_slice %arg3[%mul3A_2] : memref<1024xi32, #tpu.memory_space<hbm>> -> memref<32xi32, #tpu.memory_space<hbm>>
      %dma_wait3A_2073 = tpu.memref_slice %arg3[%mul3A_2] : memref<1024xi32, #tpu.memory_space<hbm>> -> memref<32xi32, #tpu.memory_space<hbm>>
      tpu.wait_dma2 semaphore(%run_scoped3A : memref<!tpu.dma_semaphore, #tpu.memory_space<semaphore_mem>>) src(%dma_wait3A_2073 : memref<32xi32, #tpu.memory_space<hbm>>) dst(%arg6 : memref<32xi32, #tpu.memory_space<vmem>>)
      tpu.yield
    }) : () -> ()
    %get3A = arith.constant 0 : index
    %get3A_3 = tpu.vector_load %arg6[%get3A] {strides = array<i32>} : memref<32xi32, #tpu.memory_space<vmem>>, vector<16xi32>,
    %shift_right_logical3A = arith.constant 3 : i32
    %shift_right_logical3A_4 = vector.broadcast %shift_right_logical3A : i32 to vector<16xi32>
    %shift_right_logical3A_5 = arith.shrui %get3A_3, %shift_right_logical3A_4 : vector<16xi32>
    %slice3A = vector.extract_strided_slice %shift_right_logical3A_5 {offsets = [0], sizes = [1], strides = [1]} : vector<16xi32> to vector<1xi32>
    %squeeze3A = vector.extract %slice3A[0] : i32 from vector<1xi32>
    %dma_start3A = arith.constant 0 : i32
    %dma_start3A_6 = arith.constant 0 : i32
    %dma_start3A_7 = arith.constant 0 : i32
    %dma_start3A_8 = tpu.memref_slice %arg8[%dma_start3A, %dma_start3A_6, %dma_start3A_7] : memref<32x8x64xf32, #tpu.memory_space<vmem>> -> memref<1x8x64xf32, #tpu.memory_space<vmem>>
    %dma_start3A_9 = tpu.memref_squeeze %dma_start3A_8 : memref<1x8x64xf32, #tpu.memory_space<vmem>> -> memref<8x64xf32, #tpu.memory_space<vmem>>
    %dma_start3A_10 = arith.constant 0 : i32
    %dma_start3A_11 = arith.constant 0 : i32
    %dma_start3A_12 = tpu.memref_slice %arg4[%squeeze3A, %dma_start3A_10, %dma_start3A_11] : memref<12500x8x64xf32, #tpu.memory_space<hbm>> -> memref<1x8x64xf32, #tpu.memory_space<hbm>>
    %dma_start3A_13 = tpu.memref_squeeze %dma_start3A_12 : memref<1x8x64xf32, #tpu.memory_space<hbm>> -> memref<8x64xf32, #tpu.memory_space<hbm>>
    %dma_start3A_14 = arith.constant 0 : i32
    %dma_start3A_15 = arith.constant 0 : i32
    %dma_start3A_16 = tpu.memref_slice %arg8[%dma_start3A, %dma_start3A_14, %dma_start3A_15] : memref<32x8x64xf32, #tpu.memory_space<vmem>> -> memref<1x8x64xf32, #tpu.memory_space<vmem>>
    %dma_start3A_17 = tpu.memref_squeeze %dma_start3A_16 : memref<1x8x64xf32, #tpu.memory_space<vmem>> -> memref<8x64xf32, #tpu.memory_space<vmem>>
    %dma_start3A_18 = arith.constant 0 : i32
    %dma_start3A_19 = arith.constant 0 : i32
    %dma_start3A_20 = tpu.memref_slice %arg4[%squeeze3A, %dma_start3A_18, %dma_start3A_19] : memref<12500x8x64xf32, #tpu.memory_space<hbm>> -> memref<1x8x64xf32, #tpu.memory_space<hbm>>
    %dma_start3A_21 = tpu.memref_squeeze %dma_start3A_20 : memref<1x8x64xf32, #tpu.memory_space<hbm>> -> memref<8x64xf32, #tpu.memory_space<hbm>>
    tpu.enqueue_dma source(%dma_start3A_21 : memref<8x64xf32, #tpu.memory_space<hbm>>) target(%dma_start3A_17 : memref<8x64xf32, #tpu.memory_space<vmem>>) target_semaphore(%arg10 : memref<!tpu.dma_semaphore, #tpu.memory_space<semaphore_mem>>)
    %slice3A_22 = vector.extract_strided_slice %shift_right_logical3A_5 {offsets = [1], sizes = [1], strides = [1]} : vector<16xi32> to vector<1xi32>
    %squeeze3A_23 = vector.extract %slice3A_22[0] : i32 from vector<1xi32>
    %dma_start3A_24 = arith.constant 1 : i32
    %dma_start3A_25 = arith.constant 0 : i32
    %dma_start3A_26 = arith.constant 0 : i32
    %dma_start3A_27 = tpu.memref_slice %arg8[%dma_start3A_24, %dma_start3A_25, %dma_start3A_26] : memref<32x8x64xf32, #tpu.memory_space<vmem>> -> memref<1x8x64xf32, #tpu.memory_space<vmem>>
    %dma_start3A_28 = tpu.memref_squeeze %dma_start3A_27 : memref<1x8x64xf32, #tpu.memory_space<vmem>> -> memref<8x64xf32, #tpu.memory_space<vmem>>
    %dma_start3A_29 = arith.constant 0 : i32
    %dma_start3A_30 = arith.constant 0 : i32
    %dma_start3A_31 = tpu.memref_slice %arg4[%squeeze3A_23, %dma_start3A_29, %dma_start3A_30] : memref<12500x8x64xf32, #tpu.memory_space<hbm>> -> memref<1x8x64xf32, #tpu.memory_space<hbm>>
    %dma_start3A_32 = tpu.memref_squeeze %dma_start3A_31 : memref<1x8x64xf32, #tpu.memory_space<hbm>> -> memref<8x64xf32, #tpu.memory_space<hbm>>
    %dma_start3A_33 = arith.constant 0 : i32
    %dma_start3A_34 = arith.constant 0 : i32
    %dma_start3A_35 = tpu.memref_slice %arg8[%dma_start3A_24, %dma_start3A_33, %dma_start3A_34] : memref<32x8x64xf32, #tpu.memory_space<vmem>> -> memref<1x8x64xf32, #tpu.memory_space<vmem>>
    %dma_start3A_36 = tpu.memref_squeeze %dma_start3A_35 : memref<1x8x64xf32, #tpu.memory_space<vmem>> -> memref<8x64xf32, #tpu.memory_space<vmem>>
    %dma_start3A_37 = arith.constant 0 : i32
    %dma_start3A_38 = arith.constant 0 : i32
    %dma_start3A_39 = tpu.memref_slice %arg4[%squeeze3A_23, %dma_start3A_37, %dma_start3A_38] : memref<12500x8x64xf32, #tpu.memory_space<hbm>> -> memref<1x8x64xf32, #tpu.memory_space<hbm>>
    %dma_start3A_40 = tpu.memref_squeeze %dma_start3A_39 : memref<1x8x64xf32, #tpu.memory_space<hbm>> -> memref<8x64xf32, #tpu.memory_space<hbm>>
    tpu.enqueue_dma source(%dma_start3A_40 : memref<8x64xf32, #tpu.memory_space<hbm>>) target(%dma_start3A_36 : memref<8x64xf32, #tpu.memory_space<vmem>>) target_semaphore(%arg10 : memref<!tpu.dma_semaphore, #tpu.memory_space<semaphore_mem>>)
    %slice3A_41 = vector.extract_strided_slice %shift_right_logical3A_5 {offsets = [2], sizes = [1], strides = [1]} : vector<16xi32> to vector<1xi32>
    %squeeze3A_42 = vector.extract %slice3A_41[0] : i32 from vector<1xi32>
    %dma_start3A_43 = arith.constant 2 : i32
    %dma_start3A_44 = arith.constant 0 : i32
    %dma_start3A_45 = arith.constant 0 : i32
    %dma_start3A_46 = tpu.memref_slice %arg8[%dma_start3A_43, %dma_start3A_44, %dma_start3A_45] : memref<32x8x64xf32, #tpu.memory_space<vmem>> -> memref<1x8x64xf32, #tpu.memory_space<vmem>>
    %dma_start3A_47 = tpu.memref_squeeze %dma_start3A_46 : memref<1x8x64xf32, #tpu.memory_space<vmem>> -> memref<8x64xf32, #tpu.memory_space<vmem>>
    %dma_start3A_48 = arith.constant 0 : i32
    %dma_start3A_49 = arith.constant 0 : i32
    %dma_start3A_50 = tpu.memref_slice %arg4[%squeeze3A_42, %dma_start3A_48, %dma_start3A_49] : memref<12500x8x64xf32, #tpu.memory_space<hbm>> -> memref<1x8x64xf32, #tpu.memory_space<hbm>>
    %dma_start3A_51 = tpu.memref_squeeze %dma_start3A_50 : memref<1x8x64xf32, #tpu.memory_space<hbm>> -> memref<8x64xf32, #tpu.memory_space<hbm>>
    %dma_start3A_52 = arith.constant 0 : i32
    %dma_start3A_53 = arith.constant 0 : i32
    %dma_start3A_54 = tpu.memref_slice %arg8[%dma_start3A_43, %dma_start3A_52, %dma_start3A_53] : memref<32x8x64xf32, #tpu.memory_space<vmem>> -> memref<1x8x64xf32, #tpu.memory_space<vmem>>
    %dma_start3A_55 = tpu.memref_squeeze %dma_start3A_54 : memref<1x8x64xf32, #tpu.memory_space<vmem>> -> memref<8x64xf32, #tpu.memory_space<vmem>>
    %dma_start3A_56 = arith.constant 0 : i32
    %dma_start3A_57 = arith.constant 0 : i32
    %dma_start3A_58 = tpu.memref_slice %arg4[%squeeze3A_42, %dma_start3A_56, %dma_start3A_57] : memref<12500x8x64xf32, #tpu.memory_space<hbm>> -> memref<1x8x64xf32, #tpu.memory_space<hbm>>
    %dma_start3A_59 = tpu.memref_squeeze %dma_start3A_58 : memref<1x8x64xf32, #tpu.memory_space<hbm>> -> memref<8x64xf32, #tpu.memory_space<hbm>>
    tpu.enqueue_dma source(%dma_start3A_59 : memref<8x64xf32, #tpu.memory_space<hbm>>) target(%dma_start3A_55 : memref<8x64xf32, #tpu.memory_space<vmem>>) target_semaphore(%arg10 : memref<!tpu.dma_semaphore, #tpu.memory_space<semaphore_mem>>)
    %slice3A_60 = vector.extract_strided_slice %shift_right_logical3A_5 {offsets = [3], sizes = [1], strides = [1]} : vector<16xi32> to vector<1xi32>
    %squeeze3A_61 = vector.extract %slice3A_60[0] : i32 from vector<1xi32>
    %dma_start3A_62 = arith.constant 3 : i32
    %dma_start3A_63 = arith.constant 0 : i32
    %dma_start3A_64 = arith.constant 0 : i32
    %dma_start3A_65 = tpu.memref_slice %arg8[%dma_start3A_62, %dma_start3A_63, %dma_start3A_64] : memref<32x8x64xf32, #tpu.memory_space<vmem>> -> memref<1x8x64xf32, #tpu.memory_space<vmem>>
    %dma_start3A_66 = tpu.memref_squeeze %dma_start3A_65 : memref<1x8x64xf32, #tpu.memory_space<vmem>> -> memref<8x64xf32, #tpu.memory_space<vmem>>
    %dma_start3A_67 = arith.constant 0 : i32
    %dma_start3A_68 = arith.constant 0 : i32
    %dma_start3A_69 = tpu.memref_slice %arg4[%squeeze3A_61, %dma_start3A_67, %dma_start3A_68] : memref<12500x8x64xf32, #tpu.memory_space<hbm>> -> memref<1x8x64xf32, #tpu.memory_space<hbm>>
    %dma_start3A_70 = tpu.memref_squeeze %dma_start3A_69 : memref<1x8x64xf32, #tpu.memory_space<hbm>> -> memref<8x64xf32, #tpu.memory_space<hbm>>
    %dma_start3A_71 = arith.constant 0 : i32
    %dma_start3A_72 = arith.constant 0 : i32
    %dma_start3A_73 = tpu.memref_slice %arg8[%dma_start3A_62, %dma_start3A_71, %dma_start3A_72] : memref<32x8x64xf32, #tpu.memory_space<vmem>> -> memref<1x8x64xf32, #tpu.memory_space<vmem>>
    %dma_start3A_74 = tpu.memref_squeeze %dma_start3A_73 : memref<1x8x64xf32, #tpu.memory_space<vmem>> -> memref<8x64xf32, #tpu.memory_space<vmem>>
    %dma_start3A_75 = arith.constant 0 : i32
    %dma_start3A_76 = arith.constant 0 : i32
    %dma_start3A_77 = tpu.memref_slice %arg4[%squeeze3A_61, %dma_start3A_75, %dma_start3A_76] : memref<12500x8x64xf32, #tpu.memory_space<hbm>> -> memref<1x8x64xf32, #tpu.memory_space<hbm>>
    %dma_start3A_78 = tpu.memref_squeeze %dma_start3A_77 : memref<1x8x64xf32, #tpu.memory_space<hbm>> -> memref<8x64xf32, #tpu.memory_space<hbm>>
    tpu.enqueue_dma source(%dma_start3A_78 : memref<8x64xf32, #tpu.memory_space<hbm>>) target(%dma_start3A_74 : memref<8x64xf32, #tpu.memory_space<vmem>>) target_semaphore(%arg10 : memref<!tpu.dma_semaphore, #tpu.memory_space<semaphore_mem>>)
    %slice3A_79 = vector.extract_strided_slice %shift_right_logical3A_5 {offsets = [4], sizes = [1], strides = [1]} : vector<16xi32> to vector<1xi32>
    %squeeze3A_80 = vector.extract %slice3A_79[0] : i32 from vector<1xi32>
    %dma_start3A_81 = arith.constant 4 : i32
    %dma_start3A_82 = arith.constant 0 : i32
    %dma_start3A_83 = arith.constant 0 : i32
    %dma_start3A_84 = tpu.memref_slice %arg8[%dma_start3A_81, %dma_start3A_82, %dma_start3A_83] : memref<32x8x64xf32, #tpu.memory_space<vmem>> -> memref<1x8x64xf32, #tpu.memory_space<vmem>>
    %dma_start3A_85 = tpu.memref_squeeze %dma_start3A_84 : memref<1x8x64xf32, #tpu.memory_space<vmem>> -> memref<8x64xf32, #tpu.memory_space<vmem>>
    %dma_start3A_86 = arith.constant 0 : i32
    %dma_start3A_87 = arith.constant 0 : i32
    %dma_start3A_88 = tpu.memref_slice %arg4[%squeeze3A_80, %dma_start3A_86, %dma_start3A_87] : memref<12500x8x64xf32, #tpu.memory_space<hbm>> -> memref<1x8x64xf32, #tpu.memory_space<hbm>>
    %dma_start3A_89 = tpu.memref_squeeze %dma_start3A_88 : memref<1x8x64xf32, #tpu.memory_space<hbm>> -> memref<8x64xf32, #tpu.memory_space<hbm>>
    %dma_start3A_90 = arith.constant 0 : i32
    %dma_start3A_91 = arith.constant 0 : i32
    %dma_start3A_92 = tpu.memref_slice %arg8[%dma_start3A_81, %dma_start3A_90, %dma_start3A_91] : memref<32x8x64xf32, #tpu.memory_space<vmem>> -> memref<1x8x64xf32, #tpu.memory_space<vmem>>
    %dma_start3A_93 = tpu.memref_squeeze %dma_start3A_92 : memref<1x8x64xf32, #tpu.memory_space<vmem>> -> memref<8x64xf32, #tpu.memory_space<vmem>>
    %dma_start3A_94 = arith.constant 0 : i32
    %dma_start3A_95 = arith.constant 0 : i32
    %dma_start3A_96 = tpu.memref_slice %arg4[%squeeze3A_80, %dma_start3A_94, %dma_start3A_95] : memref<12500x8x64xf32, #tpu.memory_space<hbm>> -> memref<1x8x64xf32, #tpu.memory_space<hbm>>
    %dma_start3A_97 = tpu.memref_squeeze %dma_start3A_96 : memref<1x8x64xf32, #tpu.memory_space<hbm>> -> memref<8x64xf32, #tpu.memory_space<hbm>>
    tpu.enqueue_dma source(%dma_start3A_97 : memref<8x64xf32, #tpu.memory_space<hbm>>) target(%dma_start3A_93 : memref<8x64xf32, #tpu.memory_space<vmem>>) target_semaphore(%arg10 : memref<!tpu.dma_semaphore, #tpu.memory_space<semaphore_mem>>)
    %slice3A_98 = vector.extract_strided_slice %shift_right_logical3A_5 {offsets = [5], sizes = [1], strides = [1]} : vector<16xi32> to vector<1xi32>
    %squeeze3A_99 = vector.extract %slice3A_98[0] : i32 from vector<1xi32>
    %dma_start3A_100 = arith.constant 5 : i32
    %dma_start3A_101 = arith.constant 0 : i32
    %dma_start3A_102 = arith.constant 0 : i32
    %dma_start3A_103 = tpu.memref_slice %arg8[%dma_start3A_100, %dma_start3A_101, %dma_start3A_102] : memref<32x8x64xf32, #tpu.memory_space<vmem>> -> memref<1x8x64xf32, #tpu.memory_space<vmem>>
    %dma_start3A_104 = tpu.memref_squeeze %dma_start3A_103 : memref<1x8x64xf32, #tpu.memory_space<vmem>> -> memref<8x64xf32, #tpu.memory_space<vmem>>
    %dma_start3A_105 = arith.constant 0 : i32
    %dma_start3A_106 = arith.constant 0 : i32
    %dma_start3A_107 = tpu.memref_slice %arg4[%squeeze3A_99, %dma_start3A_105, %dma_start3A_106] : memref<12500x8x64xf32, #tpu.memory_space<hbm>> -> memref<1x8x64xf32, #tpu.memory_space<hbm>>
    %dma_start3A_108 = tpu.memref_squeeze %dma_start3A_107 : memref<1x8x64xf32, #tpu.memory_space<hbm>> -> memref<8x64xf32, #tpu.memory_space<hbm>>
    %dma_start3A_109 = arith.constant 0 : i32
    %dma_start3A_110 = arith.constant 0 : i32
    %dma_start3A_111 = tpu.memref_slice %arg8[%dma_start3A_100, %dma_start3A_109, %dma_start3A_110] : memref<32x8x64xf32, #tpu.memory_space<vmem>> -> memref<1x8x64xf32, #tpu.memory_space<vmem>>
    %dma_start3A_112 = tpu.memref_squeeze %dma_start3A_111 : memref<1x8x64xf32, #tpu.memory_space<vmem>> -> memref<8x64xf32, #tpu.memory_space<vmem>>
    %dma_start3A_113 = arith.constant 0 : i32
    %dma_start3A_114 = arith.constant 0 : i32
    %dma_start3A_115 = tpu.memref_slice %arg4[%squeeze3A_99, %dma_start3A_113, %dma_start3A_114] : memref<12500x8x64xf32, #tpu.memory_space<hbm>> -> memref<1x8x64xf32, #tpu.memory_space<hbm>>
    %dma_start3A_116 = tpu.memref_squeeze %dma_start3A_115 : memref<1x8x64xf32, #tpu.memory_space<hbm>> -> memref<8x64xf32, #tpu.memory_space<hbm>>
    tpu.enqueue_dma source(%dma_start3A_116 : memref<8x64xf32, #tpu.memory_space<hbm>>) target(%dma_start3A_112 : memref<8x64xf32, #tpu.memory_space<vmem>>) target_semaphore(%arg10 : memref<!tpu.dma_semaphore, #tpu.memory_space<semaphore_mem>>)
    %slice3A_117 = vector.extract_strided_slice %shift_right_logical3A_5 {offsets = [6], sizes = [1], strides = [1]} : vector<16xi32> to vector<1xi32>
    %squeeze3A_118 = vector.extract %slice3A_117[0] : i32 from vector<1xi32>
    %dma_start3A_119 = arith.constant 6 : i32
    %dma_start3A_120 = arith.constant 0 : i32
    %dma_start3A_121 = arith.constant 0 : i32
    %dma_start3A_122 = tpu.memref_slice %arg8[%dma_start3A_119, %dma_start3A_120, %dma_start3A_121] : memref<32x8x64xf32, #tpu.memory_space<vmem>> -> memref<1x8x64xf32, #tpu.memory_space<vmem>>
    %dma_start3A_123 = tpu.memref_squeeze %dma_start3A_122 : memref<1x8x64xf32, #tpu.memory_space<vmem>> -> memref<8x64xf32, #tpu.memory_space<vmem>>
    %dma_start3A_124 = arith.constant 0 : i32
    %dma_start3A_125 = arith.constant 0 : i32
    %dma_start3A_126 = tpu.memref_slice %arg4[%squeeze3A_118, %dma_start3A_124, %dma_start3A_125] : memref<12500x8x64xf32, #tpu.memory_space<hbm>> -> memref<1x8x64xf32, #tpu.memory_space<hbm>>
    %dma_start3A_127 = tpu.memref_squeeze %dma_start3A_126 : memref<1x8x64xf32, #tpu.memory_space<hbm>> -> memref<8x64xf32, #tpu.memory_space<hbm>>
    %dma_start3A_128 = arith.constant 0 : i32
    %dma_start3A_129 = arith.constant 0 : i32
    %dma_start3A_130 = tpu.memref_slice %arg8[%dma_start3A_119, %dma_start3A_128, %dma_start3A_129] : memref<32x8x64xf32, #tpu.memory_space<vmem>> -> memref<1x8x64xf32, #tpu.memory_space<vmem>>
    %dma_start3A_131 = tpu.memref_squeeze %dma_start3A_130 : memref<1x8x64xf32, #tpu.memory_space<vmem>> -> memref<8x64xf32, #tpu.memory_space<vmem>>
    %dma_start3A_132 = arith.constant 0 : i32
    %dma_start3A_133 = arith.constant 0 : i32
    %dma_start3A_134 = tpu.memref_slice %arg4[%squeeze3A_118, %dma_start3A_132, %dma_start3A_133] : memref<12500x8x64xf32, #tpu.memory_space<hbm>> -> memref<1x8x64xf32, #tpu.memory_space<hbm>>
    %dma_start3A_135 = tpu.memref_squeeze %dma_start3A_134 : memref<1x8x64xf32, #tpu.memory_space<hbm>> -> memref<8x64xf32, #tpu.memory_space<hbm>>
    tpu.enqueue_dma source(%dma_start3A_135 : memref<8x64xf32, #tpu.memory_space<hbm>>) target(%dma_start3A_131 : memref<8x64xf32, #tpu.memory_space<vmem>>) target_semaphore(%arg10 : memref<!tpu.dma_semaphore, #tpu.memory_space<semaphore_mem>>)
    %slice3A_136 = vector.extract_strided_slice %shift_right_logical3A_5 {offsets = [7], sizes = [1], strides = [1]} : vector<16xi32> to vector<1xi32>
    %squeeze3A_137 = vector.extract %slice3A_136[0] : i32 from vector<1xi32>
    %dma_start3A_138 = arith.constant 7 : i32
    %dma_start3A_139 = arith.constant 0 : i32
    %dma_start3A_140 = arith.constant 0 : i32
    %dma_start3A_141 = tpu.memref_slice %arg8[%dma_start3A_138, %dma_start3A_139, %dma_start3A_140] : memref<32x8x64xf32, #tpu.memory_space<vmem>> -> memref<1x8x64xf32, #tpu.memory_space<vmem>>
    %dma_start3A_142 = tpu.memref_squeeze %dma_start3A_141 : memref<1x8x64xf32, #tpu.memory_space<vmem>> -> memref<8x64xf32, #tpu.memory_space<vmem>>
    %dma_start3A_143 = arith.constant 0 : i32
    %dma_start3A_144 = arith.constant 0 : i32
    %dma_start3A_145 = tpu.memref_slice %arg4[%squeeze3A_137, %dma_start3A_143, %dma_start3A_144] : memref<12500x8x64xf32, #tpu.memory_space<hbm>> -> memref<1x8x64xf32, #tpu.memory_space<hbm>>
    %dma_start3A_146 = tpu.memref_squeeze %dma_start3A_145 : memref<1x8x64xf32, #tpu.memory_space<hbm>> -> memref<8x64xf32, #tpu.memory_space<hbm>>
    %dma_start3A_147 = arith.constant 0 : i32
    %dma_start3A_148 = arith.constant 0 : i32
    %dma_start3A_149 = tpu.memref_slice %arg8[%dma_start3A_138, %dma_start3A_147, %dma_start3A_148] : memref<32x8x64xf32, #tpu.memory_space<vmem>> -> memref<1x8x64xf32, #tpu.memory_space<vmem>>
    %dma_start3A_150 = tpu.memref_squeeze %dma_start3A_149 : memref<1x8x64xf32, #tpu.memory_space<vmem>> -> memref<8x64xf32, #tpu.memory_space<vmem>>
    %dma_start3A_151 = arith.constant 0 : i32
    %dma_start3A_152 = arith.constant 0 : i32
    %dma_start3A_153 = tpu.memref_slice %arg4[%squeeze3A_137, %dma_start3A_151, %dma_start3A_152] : memref<12500x8x64xf32, #tpu.memory_space<hbm>> -> memref<1x8x64xf32, #tpu.memory_space<hbm>>
    %dma_start3A_154 = tpu.memref_squeeze %dma_start3A_153 : memref<1x8x64xf32, #tpu.memory_space<hbm>> -> memref<8x64xf32, #tpu.memory_space<hbm>>
    tpu.enqueue_dma source(%dma_start3A_154 : memref<8x64xf32, #tpu.memory_space<hbm>>) target(%dma_start3A_150 : memref<8x64xf32, #tpu.memory_space<vmem>>) target_semaphore(%arg10 : memref<!tpu.dma_semaphore, #tpu.memory_space<semaphore_mem>>)
    %slice3A_155 = vector.extract_strided_slice %shift_right_logical3A_5 {offsets = [8], sizes = [1], strides = [1]} : vector<16xi32> to vector<1xi32>
    %squeeze3A_156 = vector.extract %slice3A_155[0] : i32 from vector<1xi32>
    %dma_start3A_157 = arith.constant 8 : i32
    %dma_start3A_158 = arith.constant 0 : i32
    %dma_start3A_159 = arith.constant 0 : i32
    %dma_start3A_160 = tpu.memref_slice %arg8[%dma_start3A_157, %dma_start3A_158, %dma_start3A_159] : memref<32x8x64xf32, #tpu.memory_space<vmem>> -> memref<1x8x64xf32, #tpu.memory_space<vmem>>
    %dma_start3A_161 = tpu.memref_squeeze %dma_start3A_160 : memref<1x8x64xf32, #tpu.memory_space<vmem>> -> memref<8x64xf32, #tpu.memory_space<vmem>>
    %dma_start3A_162 = arith.constant 0 : i32
    %dma_start3A_163 = arith.constant 0 : i32
    %dma_start3A_164 = tpu.memref_slice %arg4[%squeeze3A_156, %dma_start3A_162, %dma_start3A_163] : memref<12500x8x64xf32, #tpu.memory_space<hbm>> -> memref<1x8x64xf32, #tpu.memory_space<hbm>>
    %dma_start3A_165 = tpu.memref_squeeze %dma_start3A_164 : memref<1x8x64xf32, #tpu.memory_space<hbm>> -> memref<8x64xf32, #tpu.memory_space<hbm>>
    %dma_start3A_166 = arith.constant 0 : i32
    %dma_start3A_167 = arith.constant 0 : i32
    %dma_start3A_168 = tpu.memref_slice %arg8[%dma_start3A_157, %dma_start3A_166, %dma_start3A_167] : memref<32x8x64xf32, #tpu.memory_space<vmem>> -> memref<1x8x64xf32, #tpu.memory_space<vmem>>
    %dma_start3A_169 = tpu.memref_squeeze %dma_start3A_168 : memref<1x8x64xf32, #tpu.memory_space<vmem>> -> memref<8x64xf32, #tpu.memory_space<vmem>>
    %dma_start3A_170 = arith.constant 0 : i32
    %dma_start3A_171 = arith.constant 0 : i32
    %dma_start3A_172 = tpu.memref_slice %arg4[%squeeze3A_156, %dma_start3A_170, %dma_start3A_171] : memref<12500x8x64xf32, #tpu.memory_space<hbm>> -> memref<1x8x64xf32, #tpu.memory_space<hbm>>
    %dma_start3A_173 = tpu.memref_squeeze %dma_start3A_172 : memref<1x8x64xf32, #tpu.memory_space<hbm>> -> memref<8x64xf32, #tpu.memory_space<hbm>>
    tpu.enqueue_dma source(%dma_start3A_173 : memref<8x64xf32, #tpu.memory_space<hbm>>) target(%dma_start3A_169 : memref<8x64xf32, #tpu.memory_space<vmem>>) target_semaphore(%arg10 : memref<!tpu.dma_semaphore, #tpu.memory_space<semaphore_mem>>)
    %slice3A_174 = vector.extract_strided_slice %shift_right_logical3A_5 {offsets = [9], sizes = [1], strides = [1]} : vector<16xi32> to vector<1xi32>
    %squeeze3A_175 = vector.extract %slice3A_174[0] : i32 from vector<1xi32>
    %dma_start3A_176 = arith.constant 9 : i32
    %dma_start3A_177 = arith.constant 0 : i32
    %dma_start3A_178 = arith.constant 0 : i32
    %dma_start3A_179 = tpu.memref_slice %arg8[%dma_start3A_176, %dma_start3A_177, %dma_start3A_178] : memref<32x8x64xf32, #tpu.memory_space<vmem>> -> memref<1x8x64xf32, #tpu.memory_space<vmem>>
    %dma_start3A_180 = tpu.memref_squeeze %dma_start3A_179 : memref<1x8x64xf32, #tpu.memory_space<vmem>> -> memref<8x64xf32, #tpu.memory_space<vmem>>
    %dma_start3A_181 = arith.constant 0 : i32
    %dma_start3A_182 = arith.constant 0 : i32
    %dma_start3A_183 = tpu.memref_slice %arg4[%squeeze3A_175, %dma_start3A_181, %dma_start3A_182] : memref<12500x8x64xf32, #tpu.memory_space<hbm>> -> memref<1x8x64xf32, #tpu.memory_space<hbm>>
    %dma_start3A_184 = tpu.memref_squeeze %dma_start3A_183 : memref<1x8x64xf32, #tpu.memory_space<hbm>> -> memref<8x64xf32, #tpu.memory_space<hbm>>
    %dma_start3A_185 = arith.constant 0 : i32
    %dma_start3A_186 = arith.constant 0 : i32
    %dma_start3A_187 = tpu.memref_slice %arg8[%dma_start3A_176, %dma_start3A_185, %dma_start3A_186] : memref<32x8x64xf32, #tpu.memory_space<vmem>> -> memref<1x8x64xf32, #tpu.memory_space<vmem>>
    %dma_start3A_188 = tpu.memref_squeeze %dma_start3A_187 : memref<1x8x64xf32, #tpu.memory_space<vmem>> -> memref<8x64xf32, #tpu.memory_space<vmem>>
    %dma_start3A_189 = arith.constant 0 : i32
    %dma_start3A_190 = arith.constant 0 : i32
    %dma_start3A_191 = tpu.memref_slice %arg4[%squeeze3A_175, %dma_start3A_189, %dma_start3A_190] : memref<12500x8x64xf32, #tpu.memory_space<hbm>> -> memref<1x8x64xf32, #tpu.memory_space<hbm>>
    %dma_start3A_192 = tpu.memref_squeeze %dma_start3A_191 : memref<1x8x64xf32, #tpu.memory_space<hbm>> -> memref<8x64xf32, #tpu.memory_space<hbm>>
    tpu.enqueue_dma source(%dma_start3A_192 : memref<8x64xf32, #tpu.memory_space<hbm>>) target(%dma_start3A_188 : memref<8x64xf32, #tpu.memory_space<vmem>>) target_semaphore(%arg10 : memref<!tpu.dma_semaphore, #tpu.memory_space<semaphore_mem>>)
    %slice3A_193 = vector.extract_strided_slice %shift_right_logical3A_5 {offsets = [10], sizes = [1], strides = [1]} : vector<16xi32> to vector<1xi32>
    %squeeze3A_194 = vector.extract %slice3A_193[0] : i32 from vector<1xi32>
    %dma_start3A_195 = arith.constant 10 : i32
    %dma_start3A_196 = arith.constant 0 : i32
    %dma_start3A_197 = arith.constant 0 : i32
    %dma_start3A_198 = tpu.memref_slice %arg8[%dma_start3A_195, %dma_start3A_196, %dma_start3A_197] : memref<32x8x64xf32, #tpu.memory_space<vmem>> -> memref<1x8x64xf32, #tpu.memory_space<vmem>>
    %dma_start3A_199 = tpu.memref_squeeze %dma_start3A_198 : memref<1x8x64xf32, #tpu.memory_space<vmem>> -> memref<8x64xf32, #tpu.memory_space<vmem>>
    %dma_start3A_200 = arith.constant 0 : i32
    %dma_start3A_201 = arith.constant 0 : i32
    %dma_start3A_202 = tpu.memref_slice %arg4[%squeeze3A_194, %dma_start3A_200, %dma_start3A_201] : memref<12500x8x64xf32, #tpu.memory_space<hbm>> -> memref<1x8x64xf32, #tpu.memory_space<hbm>>
    %dma_start3A_203 = tpu.memref_squeeze %dma_start3A_202 : memref<1x8x64xf32, #tpu.memory_space<hbm>> -> memref<8x64xf32, #tpu.memory_space<hbm>>
    %dma_start3A_204 = arith.constant 0 : i32
    %dma_start3A_205 = arith.constant 0 : i32
    %dma_start3A_206 = tpu.memref_slice %arg8[%dma_start3A_195, %dma_start3A_204, %dma_start3A_205] : memref<32x8x64xf32, #tpu.memory_space<vmem>> -> memref<1x8x64xf32, #tpu.memory_space<vmem>>
    %dma_start3A_207 = tpu.memref_squeeze %dma_start3A_206 : memref<1x8x64xf32, #tpu.memory_space<vmem>> -> memref<8x64xf32, #tpu.memory_space<vmem>>
    %dma_start3A_208 = arith.constant 0 : i32
    %dma_start3A_209 = arith.constant 0 : i32
    %dma_start3A_210 = tpu.memref_slice %arg4[%squeeze3A_194, %dma_start3A_208, %dma_start3A_209] : memref<12500x8x64xf32, #tpu.memory_space<hbm>> -> memref<1x8x64xf32, #tpu.memory_space<hbm>>
    %dma_start3A_211 = tpu.memref_squeeze %dma_start3A_210 : memref<1x8x64xf32, #tpu.memory_space<hbm>> -> memref<8x64xf32, #tpu.memory_space<hbm>>
    tpu.enqueue_dma source(%dma_start3A_211 : memref<8x64xf32, #tpu.memory_space<hbm>>) target(%dma_start3A_207 : memref<8x64xf32, #tpu.memory_space<vmem>>) target_semaphore(%arg10 : memref<!tpu.dma_semaphore, #tpu.memory_space<semaphore_mem>>)
    %slice3A_212 = vector.extract_strided_slice %shift_right_logical3A_5 {offsets = [11], sizes = [1], strides = [1]} : vector<16xi32> to vector<1xi32>
    %squeeze3A_213 = vector.extract %slice3A_212[0] : i32 from vector<1xi32>
    %dma_start3A_214 = arith.constant 11 : i32
    %dma_start3A_215 = arith.constant 0 : i32
    %dma_start3A_216 = arith.constant 0 : i32
    %dma_start3A_217 = tpu.memref_slice %arg8[%dma_start3A_214, %dma_start3A_215, %dma_start3A_216] : memref<32x8x64xf32, #tpu.memory_space<vmem>> -> memref<1x8x64xf32, #tpu.memory_space<vmem>>
    %dma_start3A_218 = tpu.memref_squeeze %dma_start3A_217 : memref<1x8x64xf32, #tpu.memory_space<vmem>> -> memref<8x64xf32, #tpu.memory_space<vmem>>
    %dma_start3A_219 = arith.constant 0 : i32
    %dma_start3A_220 = arith.constant 0 : i32
    %dma_start3A_221 = tpu.memref_slice %arg4[%squeeze3A_213, %dma_start3A_219, %dma_start3A_220] : memref<12500x8x64xf32, #tpu.memory_space<hbm>> -> memref<1x8x64xf32, #tpu.memory_space<hbm>>
    %dma_start3A_222 = tpu.memref_squeeze %dma_start3A_221 : memref<1x8x64xf32, #tpu.memory_space<hbm>> -> memref<8x64xf32, #tpu.memory_space<hbm>>
    %dma_start3A_223 = arith.constant 0 : i32
    %dma_start3A_224 = arith.constant 0 : i32
    %dma_start3A_225 = tpu.memref_slice %arg8[%dma_start3A_214, %dma_start3A_223, %dma_start3A_224] : memref<32x8x64xf32, #tpu.memory_space<vmem>> -> memref<1x8x64xf32, #tpu.memory_space<vmem>>
    %dma_start3A_226 = tpu.memref_squeeze %dma_start3A_225 : memref<1x8x64xf32, #tpu.memory_space<vmem>> -> memref<8x64xf32, #tpu.memory_space<vmem>>
    %dma_start3A_227 = arith.constant 0 : i32
    %dma_start3A_228 = arith.constant 0 : i32
    %dma_start3A_229 = tpu.memref_slice %arg4[%squeeze3A_213, %dma_start3A_227, %dma_start3A_228] : memref<12500x8x64xf32, #tpu.memory_space<hbm>> -> memref<1x8x64xf32, #tpu.memory_space<hbm>>
    %dma_start3A_230 = tpu.memref_squeeze %dma_start3A_229 : memref<1x8x64xf32, #tpu.memory_space<hbm>> -> memref<8x64xf32, #tpu.memory_space<hbm>>
    tpu.enqueue_dma source(%dma_start3A_230 : memref<8x64xf32, #tpu.memory_space<hbm>>) target(%dma_start3A_226 : memref<8x64xf32, #tpu.memory_space<vmem>>) target_semaphore(%arg10 : memref<!tpu.dma_semaphore, #tpu.memory_space<semaphore_mem>>)
    %slice3A_231 = vector.extract_strided_slice %shift_right_logical3A_5 {offsets = [12], sizes = [1], strides = [1]} : vector<16xi32> to vector<1xi32>
    %squeeze3A_232 = vector.extract %slice3A_231[0] : i32 from vector<1xi32>
    %dma_start3A_233 = arith.constant 12 : i32
    %dma_start3A_234 = arith.constant 0 : i32
    %dma_start3A_235 = arith.constant 0 : i32
    %dma_start3A_236 = tpu.memref_slice %arg8[%dma_start3A_233, %dma_start3A_234, %dma_start3A_235] : memref<32x8x64xf32, #tpu.memory_space<vmem>> -> memref<1x8x64xf32, #tpu.memory_space<vmem>>
    %dma_start3A_237 = tpu.memref_squeeze %dma_start3A_236 : memref<1x8x64xf32, #tpu.memory_space<vmem>> -> memref<8x64xf32, #tpu.memory_space<vmem>>
    %dma_start3A_238 = arith.constant 0 : i32
    %dma_start3A_239 = arith.constant 0 : i32
    %dma_start3A_240 = tpu.memref_slice %arg4[%squeeze3A_232, %dma_start3A_238, %dma_start3A_239] : memref<12500x8x64xf32, #tpu.memory_space<hbm>> -> memref<1x8x64xf32, #tpu.memory_space<hbm>>
    %dma_start3A_241 = tpu.memref_squeeze %dma_start3A_240 : memref<1x8x64xf32, #tpu.memory_space<hbm>> -> memref<8x64xf32, #tpu.memory_space<hbm>>
    %dma_start3A_242 = arith.constant 0 : i32
    %dma_start3A_243 = arith.constant 0 : i32
    %dma_start3A_244 = tpu.memref_slice %arg8[%dma_start3A_233, %dma_start3A_242, %dma_start3A_243] : memref<32x8x64xf32, #tpu.memory_space<vmem>> -> memref<1x8x64xf32, #tpu.memory_space<vmem>>
    %dma_start3A_245 = tpu.memref_squeeze %dma_start3A_244 : memref<1x8x64xf32, #tpu.memory_space<vmem>> -> memref<8x64xf32, #tpu.memory_space<vmem>>
    %dma_start3A_246 = arith.constant 0 : i32
    %dma_start3A_247 = arith.constant 0 : i32
    %dma_start3A_248 = tpu.memref_slice %arg4[%squeeze3A_232, %dma_start3A_246, %dma_start3A_247] : memref<12500x8x64xf32, #tpu.memory_space<hbm>> -> memref<1x8x64xf32, #tpu.memory_space<hbm>>
    %dma_start3A_249 = tpu.memref_squeeze %dma_start3A_248 : memref<1x8x64xf32, #tpu.memory_space<hbm>> -> memref<8x64xf32, #tpu.memory_space<hbm>>
    tpu.enqueue_dma source(%dma_start3A_249 : memref<8x64xf32, #tpu.memory_space<hbm>>) target(%dma_start3A_245 : memref<8x64xf32, #tpu.memory_space<vmem>>) target_semaphore(%arg10 : memref<!tpu.dma_semaphore, #tpu.memory_space<semaphore_mem>>)
    %slice3A_250 = vector.extract_strided_slice %shift_right_logical3A_5 {offsets = [13], sizes = [1], strides = [1]} : vector<16xi32> to vector<1xi32>
    %squeeze3A_251 = vector.extract %slice3A_250[0] : i32 from vector<1xi32>
    %dma_start3A_252 = arith.constant 13 : i32
    %dma_start3A_253 = arith.constant 0 : i32
    %dma_start3A_254 = arith.constant 0 : i32
    %dma_start3A_255 = tpu.memref_slice %arg8[%dma_start3A_252, %dma_start3A_253, %dma_start3A_254] : memref<32x8x64xf32, #tpu.memory_space<vmem>> -> memref<1x8x64xf32, #tpu.memory_space<vmem>>
    %dma_start3A_256 = tpu.memref_squeeze %dma_start3A_255 : memref<1x8x64xf32, #tpu.memory_space<vmem>> -> memref<8x64xf32, #tpu.memory_space<vmem>>
    %dma_start3A_257 = arith.constant 0 : i32
    %dma_start3A_258 = arith.constant 0 : i32
    %dma_start3A_259 = tpu.memref_slice %arg4[%squeeze3A_251, %dma_start3A_257, %dma_start3A_258] : memref<12500x8x64xf32, #tpu.memory_space<hbm>> -> memref<1x8x64xf32, #tpu.memory_space<hbm>>
    %dma_start3A_260 = tpu.memref_squeeze %dma_start3A_259 : memref<1x8x64xf32, #tpu.memory_space<hbm>> -> memref<8x64xf32, #tpu.memory_space<hbm>>
    %dma_start3A_261 = arith.constant 0 : i32
    %dma_start3A_262 = arith.constant 0 : i32
    %dma_start3A_263 = tpu.memref_slice %arg8[%dma_start3A_252, %dma_start3A_261, %dma_start3A_262] : memref<32x8x64xf32, #tpu.memory_space<vmem>> -> memref<1x8x64xf32, #tpu.memory_space<vmem>>
    %dma_start3A_264 = tpu.memref_squeeze %dma_start3A_263 : memref<1x8x64xf32, #tpu.memory_space<vmem>> -> memref<8x64xf32, #tpu.memory_space<vmem>>
    %dma_start3A_265 = arith.constant 0 : i32
    %dma_start3A_266 = arith.constant 0 : i32
    %dma_start3A_267 = tpu.memref_slice %arg4[%squeeze3A_251, %dma_start3A_265, %dma_start3A_266] : memref<12500x8x64xf32, #tpu.memory_space<hbm>> -> memref<1x8x64xf32, #tpu.memory_space<hbm>>
    %dma_start3A_268 = tpu.memref_squeeze %dma_start3A_267 : memref<1x8x64xf32, #tpu.memory_space<hbm>> -> memref<8x64xf32, #tpu.memory_space<hbm>>
    tpu.enqueue_dma source(%dma_start3A_268 : memref<8x64xf32, #tpu.memory_space<hbm>>) target(%dma_start3A_264 : memref<8x64xf32, #tpu.memory_space<vmem>>) target_semaphore(%arg10 : memref<!tpu.dma_semaphore, #tpu.memory_space<semaphore_mem>>)
    %slice3A_269 = vector.extract_strided_slice %shift_right_logical3A_5 {offsets = [14], sizes = [1], strides = [1]} : vector<16xi32> to vector<1xi32>
    %squeeze3A_270 = vector.extract %slice3A_269[0] : i32 from vector<1xi32>
    %dma_start3A_271 = arith.constant 14 : i32
    %dma_start3A_272 = arith.constant 0 : i32
    %dma_start3A_273 = arith.constant 0 : i32
    %dma_start3A_274 = tpu.memref_slice %arg8[%dma_start3A_271, %dma_start3A_272, %dma_start3A_273] : memref<32x8x64xf32, #tpu.memory_space<vmem>> -> memref<1x8x64xf32, #tpu.memory_space<vmem>>
    %dma_start3A_275 = tpu.memref_squeeze %dma_start3A_274 : memref<1x8x64xf32, #tpu.memory_space<vmem>> -> memref<8x64xf32, #tpu.memory_space<vmem>>
    %dma_start3A_276 = arith.constant 0 : i32
    %dma_start3A_277 = arith.constant 0 : i32
    %dma_start3A_278 = tpu.memref_slice %arg4[%squeeze3A_270, %dma_start3A_276, %dma_start3A_277] : memref<12500x8x64xf32, #tpu.memory_space<hbm>> -> memref<1x8x64xf32, #tpu.memory_space<hbm>>
    %dma_start3A_279 = tpu.memref_squeeze %dma_start3A_278 : memref<1x8x64xf32, #tpu.memory_space<hbm>> -> memref<8x64xf32, #tpu.memory_space<hbm>>
    %dma_start3A_280 = arith.constant 0 : i32
    %dma_start3A_281 = arith.constant 0 : i32
    %dma_start3A_282 = tpu.memref_slice %arg8[%dma_start3A_271, %dma_start3A_280, %dma_start3A_281] : memref<32x8x64xf32, #tpu.memory_space<vmem>> -> memref<1x8x64xf32, #tpu.memory_space<vmem>>
    %dma_start3A_283 = tpu.memref_squeeze %dma_start3A_282 : memref<1x8x64xf32, #tpu.memory_space<vmem>> -> memref<8x64xf32, #tpu.memory_space<vmem>>
    %dma_start3A_284 = arith.constant 0 : i32
    %dma_start3A_285 = arith.constant 0 : i32
    %dma_start3A_286 = tpu.memref_slice %arg4[%squeeze3A_270, %dma_start3A_284, %dma_start3A_285] : memref<12500x8x64xf32, #tpu.memory_space<hbm>> -> memref<1x8x64xf32, #tpu.memory_space<hbm>>
    %dma_start3A_287 = tpu.memref_squeeze %dma_start3A_286 : memref<1x8x64xf32, #tpu.memory_space<hbm>> -> memref<8x64xf32, #tpu.memory_space<hbm>>
    tpu.enqueue_dma source(%dma_start3A_287 : memref<8x64xf32, #tpu.memory_space<hbm>>) target(%dma_start3A_283 : memref<8x64xf32, #tpu.memory_space<vmem>>) target_semaphore(%arg10 : memref<!tpu.dma_semaphore, #tpu.memory_space<semaphore_mem>>)
    %slice3A_288 = vector.extract_strided_slice %shift_right_logical3A_5 {offsets = [15], sizes = [1], strides = [1]} : vector<16xi32> to vector<1xi32>
    %squeeze3A_289 = vector.extract %slice3A_288[0] : i32 from vector<1xi32>
    %dma_start3A_290 = arith.constant 15 : i32
    %dma_start3A_291 = arith.constant 0 : i32
    %dma_start3A_292 = arith.constant 0 : i32
    %dma_start3A_293 = tpu.memref_slice %arg8[%dma_start3A_290, %dma_start3A_291, %dma_start3A_292] : memref<32x8x64xf32, #tpu.memory_space<vmem>> -> memref<1x8x64xf32, #tpu.memory_space<vmem>>
    %dma_start3A_294 = tpu.memref_squeeze %dma_start3A_293 : memref<1x8x64xf32, #tpu.memory_space<vmem>> -> memref<8x64xf32, #tpu.memory_space<vmem>>
    %dma_start3A_295 = arith.constant 0 : i32
    %dma_start3A_296 = arith.constant 0 : i32
    %dma_start3A_297 = tpu.memref_slice %arg4[%squeeze3A_289, %dma_start3A_295, %dma_start3A_296] : memref<12500x8x64xf32, #tpu.memory_space<hbm>> -> memref<1x8x64xf32, #tpu.memory_space<hbm>>
    %dma_start3A_298 = tpu.memref_squeeze %dma_start3A_297 : memref<1x8x64xf32, #tpu.memory_space<hbm>> -> memref<8x64xf32, #tpu.memory_space<hbm>>
    %dma_start3A_299 = arith.constant 0 : i32
    %dma_start3A_300 = arith.constant 0 : i32
    %dma_start3A_301 = tpu.memref_slice %arg8[%dma_start3A_290, %dma_start3A_299, %dma_start3A_300] : memref<32x8x64xf32, #tpu.memory_space<vmem>> -> memref<1x8x64xf32, #tpu.memory_space<vmem>>
    %dma_start3A_302 = tpu.memref_squeeze %dma_start3A_301 : memref<1x8x64xf32, #tpu.memory_space<vmem>> -> memref<8x64xf32, #tpu.memory_space<vmem>>
    %dma_start3A_303 = arith.constant 0 : i32
    %dma_start3A_304 = arith.constant 0 : i32
    %dma_start3A_305 = tpu.memref_slice %arg4[%squeeze3A_289, %dma_start3A_303, %dma_start3A_304] : memref<12500x8x64xf32, #tpu.memory_space<hbm>> -> memref<1x8x64xf32, #tpu.memory_space<hbm>>
    %dma_start3A_306 = tpu.memref_squeeze %dma_start3A_305 : memref<1x8x64xf32, #tpu.memory_space<hbm>> -> memref<8x64xf32, #tpu.memory_space<hbm>>
    tpu.enqueue_dma source(%dma_start3A_306 : memref<8x64xf32, #tpu.memory_space<hbm>>) target(%dma_start3A_302 : memref<8x64xf32, #tpu.memory_space<vmem>>) target_semaphore(%arg10 : memref<!tpu.dma_semaphore, #tpu.memory_space<semaphore_mem>>)
    %get3A_307 = arith.constant 16 : index
    %get3A_308 = tpu.vector_load %arg6[%get3A_307] {strides = array<i32>} : memref<32xi32, #tpu.memory_space<vmem>>, vector<16xi32>,
    %shift_right_logical3A_309 = arith.constant 3 : i32
    %shift_right_logical3A_310 = vector.broadcast %shift_right_logical3A_309 : i32 to vector<16xi32>
    %shift_right_logical3A_311 = arith.shrui %get3A_308, %shift_right_logical3A_310 : vector<16xi32>
    %slice3A_312 = vector.extract_strided_slice %shift_right_logical3A_311 {offsets = [0], sizes = [1], strides = [1]} : vector<16xi32> to vector<1xi32>
    %squeeze3A_313 = vector.extract %slice3A_312[0] : i32 from vector<1xi32>
    %dma_start3A_314 = arith.constant 16 : i32
    %dma_start3A_315 = arith.constant 0 : i32
    %dma_start3A_316 = arith.constant 0 : i32
    %dma_start3A_317 = tpu.memref_slice %arg8[%dma_start3A_314, %dma_start3A_315, %dma_start3A_316] : memref<32x8x64xf32, #tpu.memory_space<vmem>> -> memref<1x8x64xf32, #tpu.memory_space<vmem>>
    %dma_start3A_318 = tpu.memref_squeeze %dma_start3A_317 : memref<1x8x64xf32, #tpu.memory_space<vmem>> -> memref<8x64xf32, #tpu.memory_space<vmem>>
    %dma_start3A_319 = arith.constant 0 : i32
    %dma_start3A_320 = arith.constant 0 : i32
    %dma_start3A_321 = tpu.memref_slice %arg4[%squeeze3A_313, %dma_start3A_319, %dma_start3A_320] : memref<12500x8x64xf32, #tpu.memory_space<hbm>> -> memref<1x8x64xf32, #tpu.memory_space<hbm>>
    %dma_start3A_322 = tpu.memref_squeeze %dma_start3A_321 : memref<1x8x64xf32, #tpu.memory_space<hbm>> -> memref<8x64xf32, #tpu.memory_space<hbm>>
    %dma_start3A_323 = arith.constant 0 : i32
    %dma_start3A_324 = arith.constant 0 : i32
    %dma_start3A_325 = tpu.memref_slice %arg8[%dma_start3A_314, %dma_start3A_323, %dma_start3A_324] : memref<32x8x64xf32, #tpu.memory_space<vmem>> -> memref<1x8x64xf32, #tpu.memory_space<vmem>>
    %dma_start3A_326 = tpu.memref_squeeze %dma_start3A_325 : memref<1x8x64xf32, #tpu.memory_space<vmem>> -> memref<8x64xf32, #tpu.memory_space<vmem>>
    %dma_start3A_327 = arith.constant 0 : i32
    %dma_start3A_328 = arith.constant 0 : i32
    %dma_start3A_329 = tpu.memref_slice %arg4[%squeeze3A_313, %dma_start3A_327, %dma_start3A_328] : memref<12500x8x64xf32, #tpu.memory_space<hbm>> -> memref<1x8x64xf32, #tpu.memory_space<hbm>>
    %dma_start3A_330 = tpu.memref_squeeze %dma_start3A_329 : memref<1x8x64xf32, #tpu.memory_space<hbm>> -> memref<8x64xf32, #tpu.memory_space<hbm>>
    tpu.enqueue_dma source(%dma_start3A_330 : memref<8x64xf32, #tpu.memory_space<hbm>>) target(%dma_start3A_326 : memref<8x64xf32, #tpu.memory_space<vmem>>) target_semaphore(%arg10 : memref<!tpu.dma_semaphore, #tpu.memory_space<semaphore_mem>>)
    %slice3A_331 = vector.extract_strided_slice %shift_right_logical3A_311 {offsets = [1], sizes = [1], strides = [1]} : vector<16xi32> to vector<1xi32>
    %squeeze3A_332 = vector.extract %slice3A_331[0] : i32 from vector<1xi32>
    %dma_start3A_333 = arith.constant 17 : i32
    %dma_start3A_334 = arith.constant 0 : i32
    %dma_start3A_335 = arith.constant 0 : i32
    %dma_start3A_336 = tpu.memref_slice %arg8[%dma_start3A_333, %dma_start3A_334, %dma_start3A_335] : memref<32x8x64xf32, #tpu.memory_space<vmem>> -> memref<1x8x64xf32, #tpu.memory_space<vmem>>
    %dma_start3A_337 = tpu.memref_squeeze %dma_start3A_336 : memref<1x8x64xf32, #tpu.memory_space<vmem>> -> memref<8x64xf32, #tpu.memory_space<vmem>>
    %dma_start3A_338 = arith.constant 0 : i32
    %dma_start3A_339 = arith.constant 0 : i32
    %dma_start3A_340 = tpu.memref_slice %arg4[%squeeze3A_332, %dma_start3A_338, %dma_start3A_339] : memref<12500x8x64xf32, #tpu.memory_space<hbm>> -> memref<1x8x64xf32, #tpu.memory_space<hbm>>
    %dma_start3A_341 = tpu.memref_squeeze %dma_start3A_340 : memref<1x8x64xf32, #tpu.memory_space<hbm>> -> memref<8x64xf32, #tpu.memory_space<hbm>>
    %dma_start3A_342 = arith.constant 0 : i32
    %dma_start3A_343 = arith.constant 0 : i32
    %dma_start3A_344 = tpu.memref_slice %arg8[%dma_start3A_333, %dma_start3A_342, %dma_start3A_343] : memref<32x8x64xf32, #tpu.memory_space<vmem>> -> memref<1x8x64xf32, #tpu.memory_space<vmem>>
    %dma_start3A_345 = tpu.memref_squeeze %dma_start3A_344 : memref<1x8x64xf32, #tpu.memory_space<vmem>> -> memref<8x64xf32, #tpu.memory_space<vmem>>
    %dma_start3A_346 = arith.constant 0 : i32
    %dma_start3A_347 = arith.constant 0 : i32
    %dma_start3A_348 = tpu.memref_slice %arg4[%squeeze3A_332, %dma_start3A_346, %dma_start3A_347] : memref<12500x8x64xf32, #tpu.memory_space<hbm>> -> memref<1x8x64xf32, #tpu.memory_space<hbm>>
    %dma_start3A_349 = tpu.memref_squeeze %dma_start3A_348 : memref<1x8x64xf32, #tpu.memory_space<hbm>> -> memref<8x64xf32, #tpu.memory_space<hbm>>
    tpu.enqueue_dma source(%dma_start3A_349 : memref<8x64xf32, #tpu.memory_space<hbm>>) target(%dma_start3A_345 : memref<8x64xf32, #tpu.memory_space<vmem>>) target_semaphore(%arg10 : memref<!tpu.dma_semaphore, #tpu.memory_space<semaphore_mem>>)
    %slice3A_350 = vector.extract_strided_slice %shift_right_logical3A_311 {offsets = [2], sizes = [1], strides = [1]} : vector<16xi32> to vector<1xi32>
    %squeeze3A_351 = vector.extract %slice3A_350[0] : i32 from vector<1xi32>
    %dma_start3A_352 = arith.constant 18 : i32
    %dma_start3A_353 = arith.constant 0 : i32
    %dma_start3A_354 = arith.constant 0 : i32
    %dma_start3A_355 = tpu.memref_slice %arg8[%dma_start3A_352, %dma_start3A_353, %dma_start3A_354] : memref<32x8x64xf32, #tpu.memory_space<vmem>> -> memref<1x8x64xf32, #tpu.memory_space<vmem>>
    %dma_start3A_356 = tpu.memref_squeeze %dma_start3A_355 : memref<1x8x64xf32, #tpu.memory_space<vmem>> -> memref<8x64xf32, #tpu.memory_space<vmem>>
    %dma_start3A_357 = arith.constant 0 : i32
    %dma_start3A_358 = arith.constant 0 : i32
    %dma_start3A_359 = tpu.memref_slice %arg4[%squeeze3A_351, %dma_start3A_357, %dma_start3A_358] : memref<12500x8x64xf32, #tpu.memory_space<hbm>> -> memref<1x8x64xf32, #tpu.memory_space<hbm>>
    %dma_start3A_360 = tpu.memref_squeeze %dma_start3A_359 : memref<1x8x64xf32, #tpu.memory_space<hbm>> -> memref<8x64xf32, #tpu.memory_space<hbm>>
    %dma_start3A_361 = arith.constant 0 : i32
    %dma_start3A_362 = arith.constant 0 : i32
    %dma_start3A_363 = tpu.memref_slice %arg8[%dma_start3A_352, %dma_start3A_361, %dma_start3A_362] : memref<32x8x64xf32, #tpu.memory_space<vmem>> -> memref<1x8x64xf32, #tpu.memory_space<vmem>>
    %dma_start3A_364 = tpu.memref_squeeze %dma_start3A_363 : memref<1x8x64xf32, #tpu.memory_space<vmem>> -> memref<8x64xf32, #tpu.memory_space<vmem>>
    %dma_start3A_365 = arith.constant 0 : i32
    %dma_start3A_366 = arith.constant 0 : i32
    %dma_start3A_367 = tpu.memref_slice %arg4[%squeeze3A_351, %dma_start3A_365, %dma_start3A_366] : memref<12500x8x64xf32, #tpu.memory_space<hbm>> -> memref<1x8x64xf32, #tpu.memory_space<hbm>>
    %dma_start3A_368 = tpu.memref_squeeze %dma_start3A_367 : memref<1x8x64xf32, #tpu.memory_space<hbm>> -> memref<8x64xf32, #tpu.memory_space<hbm>>
    tpu.enqueue_dma source(%dma_start3A_368 : memref<8x64xf32, #tpu.memory_space<hbm>>) target(%dma_start3A_364 : memref<8x64xf32, #tpu.memory_space<vmem>>) target_semaphore(%arg10 : memref<!tpu.dma_semaphore, #tpu.memory_space<semaphore_mem>>)
    %slice3A_369 = vector.extract_strided_slice %shift_right_logical3A_311 {offsets = [3], sizes = [1], strides = [1]} : vector<16xi32> to vector<1xi32>
    %squeeze3A_370 = vector.extract %slice3A_369[0] : i32 from vector<1xi32>
    %dma_start3A_371 = arith.constant 19 : i32
    %dma_start3A_372 = arith.constant 0 : i32
    %dma_start3A_373 = arith.constant 0 : i32
    %dma_start3A_374 = tpu.memref_slice %arg8[%dma_start3A_371, %dma_start3A_372, %dma_start3A_373] : memref<32x8x64xf32, #tpu.memory_space<vmem>> -> memref<1x8x64xf32, #tpu.memory_space<vmem>>
    %dma_start3A_375 = tpu.memref_squeeze %dma_start3A_374 : memref<1x8x64xf32, #tpu.memory_space<vmem>> -> memref<8x64xf32, #tpu.memory_space<vmem>>
    %dma_start3A_376 = arith.constant 0 : i32
    %dma_start3A_377 = arith.constant 0 : i32
    %dma_start3A_378 = tpu.memref_slice %arg4[%squeeze3A_370, %dma_start3A_376, %dma_start3A_377] : memref<12500x8x64xf32, #tpu.memory_space<hbm>> -> memref<1x8x64xf32, #tpu.memory_space<hbm>>
    %dma_start3A_379 = tpu.memref_squeeze %dma_start3A_378 : memref<1x8x64xf32, #tpu.memory_space<hbm>> -> memref<8x64xf32, #tpu.memory_space<hbm>>
    %dma_start3A_380 = arith.constant 0 : i32
    %dma_start3A_381 = arith.constant 0 : i32
    %dma_start3A_382 = tpu.memref_slice %arg8[%dma_start3A_371, %dma_start3A_380, %dma_start3A_381] : memref<32x8x64xf32, #tpu.memory_space<vmem>> -> memref<1x8x64xf32, #tpu.memory_space<vmem>>
    %dma_start3A_383 = tpu.memref_squeeze %dma_start3A_382 : memref<1x8x64xf32, #tpu.memory_space<vmem>> -> memref<8x64xf32, #tpu.memory_space<vmem>>
    %dma_start3A_384 = arith.constant 0 : i32
    %dma_start3A_385 = arith.constant 0 : i32
    %dma_start3A_386 = tpu.memref_slice %arg4[%squeeze3A_370, %dma_start3A_384, %dma_start3A_385] : memref<12500x8x64xf32, #tpu.memory_space<hbm>> -> memref<1x8x64xf32, #tpu.memory_space<hbm>>
    %dma_start3A_387 = tpu.memref_squeeze %dma_start3A_386 : memref<1x8x64xf32, #tpu.memory_space<hbm>> -> memref<8x64xf32, #tpu.memory_space<hbm>>
    tpu.enqueue_dma source(%dma_start3A_387 : memref<8x64xf32, #tpu.memory_space<hbm>>) target(%dma_start3A_383 : memref<8x64xf32, #tpu.memory_space<vmem>>) target_semaphore(%arg10 : memref<!tpu.dma_semaphore, #tpu.memory_space<semaphore_mem>>)
    %slice3A_388 = vector.extract_strided_slice %shift_right_logical3A_311 {offsets = [4], sizes = [1], strides = [1]} : vector<16xi32> to vector<1xi32>
    %squeeze3A_389 = vector.extract %slice3A_388[0] : i32 from vector<1xi32>
    %dma_start3A_390 = arith.constant 20 : i32
    %dma_start3A_391 = arith.constant 0 : i32
    %dma_start3A_392 = arith.constant 0 : i32
    %dma_start3A_393 = tpu.memref_slice %arg8[%dma_start3A_390, %dma_start3A_391, %dma_start3A_392] : memref<32x8x64xf32, #tpu.memory_space<vmem>> -> memref<1x8x64xf32, #tpu.memory_space<vmem>>
    %dma_start3A_394 = tpu.memref_squeeze %dma_start3A_393 : memref<1x8x64xf32, #tpu.memory_space<vmem>> -> memref<8x64xf32, #tpu.memory_space<vmem>>
    %dma_start3A_395 = arith.constant 0 : i32
    %dma_start3A_396 = arith.constant 0 : i32
    %dma_start3A_397 = tpu.memref_slice %arg4[%squeeze3A_389, %dma_start3A_395, %dma_start3A_396] : memref<12500x8x64xf32, #tpu.memory_space<hbm>> -> memref<1x8x64xf32, #tpu.memory_space<hbm>>
    %dma_start3A_398 = tpu.memref_squeeze %dma_start3A_397 : memref<1x8x64xf32, #tpu.memory_space<hbm>> -> memref<8x64xf32, #tpu.memory_space<hbm>>
    %dma_start3A_399 = arith.constant 0 : i32
    %dma_start3A_400 = arith.constant 0 : i32
    %dma_start3A_401 = tpu.memref_slice %arg8[%dma_start3A_390, %dma_start3A_399, %dma_start3A_400] : memref<32x8x64xf32, #tpu.memory_space<vmem>> -> memref<1x8x64xf32, #tpu.memory_space<vmem>>
    %dma_start3A_402 = tpu.memref_squeeze %dma_start3A_401 : memref<1x8x64xf32, #tpu.memory_space<vmem>> -> memref<8x64xf32, #tpu.memory_space<vmem>>
    %dma_start3A_403 = arith.constant 0 : i32
    %dma_start3A_404 = arith.constant 0 : i32
    %dma_start3A_405 = tpu.memref_slice %arg4[%squeeze3A_389, %dma_start3A_403, %dma_start3A_404] : memref<12500x8x64xf32, #tpu.memory_space<hbm>> -> memref<1x8x64xf32, #tpu.memory_space<hbm>>
    %dma_start3A_406 = tpu.memref_squeeze %dma_start3A_405 : memref<1x8x64xf32, #tpu.memory_space<hbm>> -> memref<8x64xf32, #tpu.memory_space<hbm>>
    tpu.enqueue_dma source(%dma_start3A_406 : memref<8x64xf32, #tpu.memory_space<hbm>>) target(%dma_start3A_402 : memref<8x64xf32, #tpu.memory_space<vmem>>) target_semaphore(%arg10 : memref<!tpu.dma_semaphore, #tpu.memory_space<semaphore_mem>>)
    %slice3A_407 = vector.extract_strided_slice %shift_right_logical3A_311 {offsets = [5], sizes = [1], strides = [1]} : vector<16xi32> to vector<1xi32>
    %squeeze3A_408 = vector.extract %slice3A_407[0] : i32 from vector<1xi32>
    %dma_start3A_409 = arith.constant 21 : i32
    %dma_start3A_410 = arith.constant 0 : i32
    %dma_start3A_411 = arith.constant 0 : i32
    %dma_start3A_412 = tpu.memref_slice %arg8[%dma_start3A_409, %dma_start3A_410, %dma_start3A_411] : memref<32x8x64xf32, #tpu.memory_space<vmem>> -> memref<1x8x64xf32, #tpu.memory_space<vmem>>
    %dma_start3A_413 = tpu.memref_squeeze %dma_start3A_412 : memref<1x8x64xf32, #tpu.memory_space<vmem>> -> memref<8x64xf32, #tpu.memory_space<vmem>>
    %dma_start3A_414 = arith.constant 0 : i32
    %dma_start3A_415 = arith.constant 0 : i32
    %dma_start3A_416 = tpu.memref_slice %arg4[%squeeze3A_408, %dma_start3A_414, %dma_start3A_415] : memref<12500x8x64xf32, #tpu.memory_space<hbm>> -> memref<1x8x64xf32, #tpu.memory_space<hbm>>
    %dma_start3A_417 = tpu.memref_squeeze %dma_start3A_416 : memref<1x8x64xf32, #tpu.memory_space<hbm>> -> memref<8x64xf32, #tpu.memory_space<hbm>>
    %dma_start3A_418 = arith.constant 0 : i32
    %dma_start3A_419 = arith.constant 0 : i32
    %dma_start3A_420 = tpu.memref_slice %arg8[%dma_start3A_409, %dma_start3A_418, %dma_start3A_419] : memref<32x8x64xf32, #tpu.memory_space<vmem>> -> memref<1x8x64xf32, #tpu.memory_space<vmem>>
    %dma_start3A_421 = tpu.memref_squeeze %dma_start3A_420 : memref<1x8x64xf32, #tpu.memory_space<vmem>> -> memref<8x64xf32, #tpu.memory_space<vmem>>
    %dma_start3A_422 = arith.constant 0 : i32
    %dma_start3A_423 = arith.constant 0 : i32
    %dma_start3A_424 = tpu.memref_slice %arg4[%squeeze3A_408, %dma_start3A_422, %dma_start3A_423] : memref<12500x8x64xf32, #tpu.memory_space<hbm>> -> memref<1x8x64xf32, #tpu.memory_space<hbm>>
    %dma_start3A_425 = tpu.memref_squeeze %dma_start3A_424 : memref<1x8x64xf32, #tpu.memory_space<hbm>> -> memref<8x64xf32, #tpu.memory_space<hbm>>
    tpu.enqueue_dma source(%dma_start3A_425 : memref<8x64xf32, #tpu.memory_space<hbm>>) target(%dma_start3A_421 : memref<8x64xf32, #tpu.memory_space<vmem>>) target_semaphore(%arg10 : memref<!tpu.dma_semaphore, #tpu.memory_space<semaphore_mem>>)
    %slice3A_426 = vector.extract_strided_slice %shift_right_logical3A_311 {offsets = [6], sizes = [1], strides = [1]} : vector<16xi32> to vector<1xi32>
    %squeeze3A_427 = vector.extract %slice3A_426[0] : i32 from vector<1xi32>
    %dma_start3A_428 = arith.constant 22 : i32
    %dma_start3A_429 = arith.constant 0 : i32
    %dma_start3A_430 = arith.constant 0 : i32
    %dma_start3A_431 = tpu.memref_slice %arg8[%dma_start3A_428, %dma_start3A_429, %dma_start3A_430] : memref<32x8x64xf32, #tpu.memory_space<vmem>> -> memref<1x8x64xf32, #tpu.memory_space<vmem>>
    %dma_start3A_432 = tpu.memref_squeeze %dma_start3A_431 : memref<1x8x64xf32, #tpu.memory_space<vmem>> -> memref<8x64xf32, #tpu.memory_space<vmem>>
    %dma_start3A_433 = arith.constant 0 : i32
    %dma_start3A_434 = arith.constant 0 : i32
    %dma_start3A_435 = tpu.memref_slice %arg4[%squeeze3A_427, %dma_start3A_433, %dma_start3A_434] : memref<12500x8x64xf32, #tpu.memory_space<hbm>> -> memref<1x8x64xf32, #tpu.memory_space<hbm>>
    %dma_start3A_436 = tpu.memref_squeeze %dma_start3A_435 : memref<1x8x64xf32, #tpu.memory_space<hbm>> -> memref<8x64xf32, #tpu.memory_space<hbm>>
    %dma_start3A_437 = arith.constant 0 : i32
    %dma_start3A_438 = arith.constant 0 : i32
    %dma_start3A_439 = tpu.memref_slice %arg8[%dma_start3A_428, %dma_start3A_437, %dma_start3A_438] : memref<32x8x64xf32, #tpu.memory_space<vmem>> -> memref<1x8x64xf32, #tpu.memory_space<vmem>>
    %dma_start3A_440 = tpu.memref_squeeze %dma_start3A_439 : memref<1x8x64xf32, #tpu.memory_space<vmem>> -> memref<8x64xf32, #tpu.memory_space<vmem>>
    %dma_start3A_441 = arith.constant 0 : i32
    %dma_start3A_442 = arith.constant 0 : i32
    %dma_start3A_443 = tpu.memref_slice %arg4[%squeeze3A_427, %dma_start3A_441, %dma_start3A_442] : memref<12500x8x64xf32, #tpu.memory_space<hbm>> -> memref<1x8x64xf32, #tpu.memory_space<hbm>>
    %dma_start3A_444 = tpu.memref_squeeze %dma_start3A_443 : memref<1x8x64xf32, #tpu.memory_space<hbm>> -> memref<8x64xf32, #tpu.memory_space<hbm>>
    tpu.enqueue_dma source(%dma_start3A_444 : memref<8x64xf32, #tpu.memory_space<hbm>>) target(%dma_start3A_440 : memref<8x64xf32, #tpu.memory_space<vmem>>) target_semaphore(%arg10 : memref<!tpu.dma_semaphore, #tpu.memory_space<semaphore_mem>>)
    %slice3A_445 = vector.extract_strided_slice %shift_right_logical3A_311 {offsets = [7], sizes = [1], strides = [1]} : vector<16xi32> to vector<1xi32>
    %squeeze3A_446 = vector.extract %slice3A_445[0] : i32 from vector<1xi32>
    %dma_start3A_447 = arith.constant 23 : i32
    %dma_start3A_448 = arith.constant 0 : i32
    %dma_start3A_449 = arith.constant 0 : i32
    %dma_start3A_450 = tpu.memref_slice %arg8[%dma_start3A_447, %dma_start3A_448, %dma_start3A_449] : memref<32x8x64xf32, #tpu.memory_space<vmem>> -> memref<1x8x64xf32, #tpu.memory_space<vmem>>
    %dma_start3A_451 = tpu.memref_squeeze %dma_start3A_450 : memref<1x8x64xf32, #tpu.memory_space<vmem>> -> memref<8x64xf32, #tpu.memory_space<vmem>>
    %dma_start3A_452 = arith.constant 0 : i32
    %dma_start3A_453 = arith.constant 0 : i32
    %dma_start3A_454 = tpu.memref_slice %arg4[%squeeze3A_446, %dma_start3A_452, %dma_start3A_453] : memref<12500x8x64xf32, #tpu.memory_space<hbm>> -> memref<1x8x64xf32, #tpu.memory_space<hbm>>
    %dma_start3A_455 = tpu.memref_squeeze %dma_start3A_454 : memref<1x8x64xf32, #tpu.memory_space<hbm>> -> memref<8x64xf32, #tpu.memory_space<hbm>>
    %dma_start3A_456 = arith.constant 0 : i32
    %dma_start3A_457 = arith.constant 0 : i32
    %dma_start3A_458 = tpu.memref_slice %arg8[%dma_start3A_447, %dma_start3A_456, %dma_start3A_457] : memref<32x8x64xf32, #tpu.memory_space<vmem>> -> memref<1x8x64xf32, #tpu.memory_space<vmem>>
    %dma_start3A_459 = tpu.memref_squeeze %dma_start3A_458 : memref<1x8x64xf32, #tpu.memory_space<vmem>> -> memref<8x64xf32, #tpu.memory_space<vmem>>
    %dma_start3A_460 = arith.constant 0 : i32
    %dma_start3A_461 = arith.constant 0 : i32
    %dma_start3A_462 = tpu.memref_slice %arg4[%squeeze3A_446, %dma_start3A_460, %dma_start3A_461] : memref<12500x8x64xf32, #tpu.memory_space<hbm>> -> memref<1x8x64xf32, #tpu.memory_space<hbm>>
    %dma_start3A_463 = tpu.memref_squeeze %dma_start3A_462 : memref<1x8x64xf32, #tpu.memory_space<hbm>> -> memref<8x64xf32, #tpu.memory_space<hbm>>
    tpu.enqueue_dma source(%dma_start3A_463 : memref<8x64xf32, #tpu.memory_space<hbm>>) target(%dma_start3A_459 : memref<8x64xf32, #tpu.memory_space<vmem>>) target_semaphore(%arg10 : memref<!tpu.dma_semaphore, #tpu.memory_space<semaphore_mem>>)
    %slice3A_464 = vector.extract_strided_slice %shift_right_logical3A_311 {offsets = [8], sizes = [1], strides = [1]} : vector<16xi32> to vector<1xi32>
    %squeeze3A_465 = vector.extract %slice3A_464[0] : i32 from vector<1xi32>
    %dma_start3A_466 = arith.constant 24 : i32
    %dma_start3A_467 = arith.constant 0 : i32
    %dma_start3A_468 = arith.constant 0 : i32
    %dma_start3A_469 = tpu.memref_slice %arg8[%dma_start3A_466, %dma_start3A_467, %dma_start3A_468] : memref<32x8x64xf32, #tpu.memory_space<vmem>> -> memref<1x8x64xf32, #tpu.memory_space<vmem>>
    %dma_start3A_470 = tpu.memref_squeeze %dma_start3A_469 : memref<1x8x64xf32, #tpu.memory_space<vmem>> -> memref<8x64xf32, #tpu.memory_space<vmem>>
    %dma_start3A_471 = arith.constant 0 : i32
    %dma_start3A_472 = arith.constant 0 : i32
    %dma_start3A_473 = tpu.memref_slice %arg4[%squeeze3A_465, %dma_start3A_471, %dma_start3A_472] : memref<12500x8x64xf32, #tpu.memory_space<hbm>> -> memref<1x8x64xf32, #tpu.memory_space<hbm>>
    %dma_start3A_474 = tpu.memref_squeeze %dma_start3A_473 : memref<1x8x64xf32, #tpu.memory_space<hbm>> -> memref<8x64xf32, #tpu.memory_space<hbm>>
    %dma_start3A_475 = arith.constant 0 : i32
    %dma_start3A_476 = arith.constant 0 : i32
    %dma_start3A_477 = tpu.memref_slice %arg8[%dma_start3A_466, %dma_start3A_475, %dma_start3A_476] : memref<32x8x64xf32, #tpu.memory_space<vmem>> -> memref<1x8x64xf32, #tpu.memory_space<vmem>>
    %dma_start3A_478 = tpu.memref_squeeze %dma_start3A_477 : memref<1x8x64xf32, #tpu.memory_space<vmem>> -> memref<8x64xf32, #tpu.memory_space<vmem>>
    %dma_start3A_479 = arith.constant 0 : i32
    %dma_start3A_480 = arith.constant 0 : i32
    %dma_start3A_481 = tpu.memref_slice %arg4[%squeeze3A_465, %dma_start3A_479, %dma_start3A_480] : memref<12500x8x64xf32, #tpu.memory_space<hbm>> -> memref<1x8x64xf32, #tpu.memory_space<hbm>>
    %dma_start3A_482 = tpu.memref_squeeze %dma_start3A_481 : memref<1x8x64xf32, #tpu.memory_space<hbm>> -> memref<8x64xf32, #tpu.memory_space<hbm>>
    tpu.enqueue_dma source(%dma_start3A_482 : memref<8x64xf32, #tpu.memory_space<hbm>>) target(%dma_start3A_478 : memref<8x64xf32, #tpu.memory_space<vmem>>) target_semaphore(%arg10 : memref<!tpu.dma_semaphore, #tpu.memory_space<semaphore_mem>>)
    %slice3A_483 = vector.extract_strided_slice %shift_right_logical3A_311 {offsets = [9], sizes = [1], strides = [1]} : vector<16xi32> to vector<1xi32>
    %squeeze3A_484 = vector.extract %slice3A_483[0] : i32 from vector<1xi32>
    %dma_start3A_485 = arith.constant 25 : i32
    %dma_start3A_486 = arith.constant 0 : i32
    %dma_start3A_487 = arith.constant 0 : i32
    %dma_start3A_488 = tpu.memref_slice %arg8[%dma_start3A_485, %dma_start3A_486, %dma_start3A_487] : memref<32x8x64xf32, #tpu.memory_space<vmem>> -> memref<1x8x64xf32, #tpu.memory_space<vmem>>
    %dma_start3A_489 = tpu.memref_squeeze %dma_start3A_488 : memref<1x8x64xf32, #tpu.memory_space<vmem>> -> memref<8x64xf32, #tpu.memory_space<vmem>>
    %dma_start3A_490 = arith.constant 0 : i32
    %dma_start3A_491 = arith.constant 0 : i32
    %dma_start3A_492 = tpu.memref_slice %arg4[%squeeze3A_484, %dma_start3A_490, %dma_start3A_491] : memref<12500x8x64xf32, #tpu.memory_space<hbm>> -> memref<1x8x64xf32, #tpu.memory_space<hbm>>
    %dma_start3A_493 = tpu.memref_squeeze %dma_start3A_492 : memref<1x8x64xf32, #tpu.memory_space<hbm>> -> memref<8x64xf32, #tpu.memory_space<hbm>>
    %dma_start3A_494 = arith.constant 0 : i32
    %dma_start3A_495 = arith.constant 0 : i32
    %dma_start3A_496 = tpu.memref_slice %arg8[%dma_start3A_485, %dma_start3A_494, %dma_start3A_495] : memref<32x8x64xf32, #tpu.memory_space<vmem>> -> memref<1x8x64xf32, #tpu.memory_space<vmem>>
    %dma_start3A_497 = tpu.memref_squeeze %dma_start3A_496 : memref<1x8x64xf32, #tpu.memory_space<vmem>> -> memref<8x64xf32, #tpu.memory_space<vmem>>
    %dma_start3A_498 = arith.constant 0 : i32
    %dma_start3A_499 = arith.constant 0 : i32
    %dma_start3A_500 = tpu.memref_slice %arg4[%squeeze3A_484, %dma_start3A_498, %dma_start3A_499] : memref<12500x8x64xf32, #tpu.memory_space<hbm>> -> memref<1x8x64xf32, #tpu.memory_space<hbm>>
    %dma_start3A_501 = tpu.memref_squeeze %dma_start3A_500 : memref<1x8x64xf32, #tpu.memory_space<hbm>> -> memref<8x64xf32, #tpu.memory_space<hbm>>
    tpu.enqueue_dma source(%dma_start3A_501 : memref<8x64xf32, #tpu.memory_space<hbm>>) target(%dma_start3A_497 : memref<8x64xf32, #tpu.memory_space<vmem>>) target_semaphore(%arg10 : memref<!tpu.dma_semaphore, #tpu.memory_space<semaphore_mem>>)
    %slice3A_502 = vector.extract_strided_slice %shift_right_logical3A_311 {offsets = [10], sizes = [1], strides = [1]} : vector<16xi32> to vector<1xi32>
    %squeeze3A_503 = vector.extract %slice3A_502[0] : i32 from vector<1xi32>
    %dma_start3A_504 = arith.constant 26 : i32
    %dma_start3A_505 = arith.constant 0 : i32
    %dma_start3A_506 = arith.constant 0 : i32
    %dma_start3A_507 = tpu.memref_slice %arg8[%dma_start3A_504, %dma_start3A_505, %dma_start3A_506] : memref<32x8x64xf32, #tpu.memory_space<vmem>> -> memref<1x8x64xf32, #tpu.memory_space<vmem>>
    %dma_start3A_508 = tpu.memref_squeeze %dma_start3A_507 : memref<1x8x64xf32, #tpu.memory_space<vmem>> -> memref<8x64xf32, #tpu.memory_space<vmem>>
    %dma_start3A_509 = arith.constant 0 : i32
    %dma_start3A_510 = arith.constant 0 : i32
    %dma_start3A_511 = tpu.memref_slice %arg4[%squeeze3A_503, %dma_start3A_509, %dma_start3A_510] : memref<12500x8x64xf32, #tpu.memory_space<hbm>> -> memref<1x8x64xf32, #tpu.memory_space<hbm>>
    %dma_start3A_512 = tpu.memref_squeeze %dma_start3A_511 : memref<1x8x64xf32, #tpu.memory_space<hbm>> -> memref<8x64xf32, #tpu.memory_space<hbm>>
    %dma_start3A_513 = arith.constant 0 : i32
    %dma_start3A_514 = arith.constant 0 : i32
    %dma_start3A_515 = tpu.memref_slice %arg8[%dma_start3A_504, %dma_start3A_513, %dma_start3A_514] : memref<32x8x64xf32, #tpu.memory_space<vmem>> -> memref<1x8x64xf32, #tpu.memory_space<vmem>>
    %dma_start3A_516 = tpu.memref_squeeze %dma_start3A_515 : memref<1x8x64xf32, #tpu.memory_space<vmem>> -> memref<8x64xf32, #tpu.memory_space<vmem>>
    %dma_start3A_517 = arith.constant 0 : i32
    %dma_start3A_518 = arith.constant 0 : i32
    %dma_start3A_519 = tpu.memref_slice %arg4[%squeeze3A_503, %dma_start3A_517, %dma_start3A_518] : memref<12500x8x64xf32, #tpu.memory_space<hbm>> -> memref<1x8x64xf32, #tpu.memory_space<hbm>>
    %dma_start3A_520 = tpu.memref_squeeze %dma_start3A_519 : memref<1x8x64xf32, #tpu.memory_space<hbm>> -> memref<8x64xf32, #tpu.memory_space<hbm>>
    tpu.enqueue_dma source(%dma_start3A_520 : memref<8x64xf32, #tpu.memory_space<hbm>>) target(%dma_start3A_516 : memref<8x64xf32, #tpu.memory_space<vmem>>) target_semaphore(%arg10 : memref<!tpu.dma_semaphore, #tpu.memory_space<semaphore_mem>>)
    %slice3A_521 = vector.extract_strided_slice %shift_right_logical3A_311 {offsets = [11], sizes = [1], strides = [1]} : vector<16xi32> to vector<1xi32>
    %squeeze3A_522 = vector.extract %slice3A_521[0] : i32 from vector<1xi32>
    %dma_start3A_523 = arith.constant 27 : i32
    %dma_start3A_524 = arith.constant 0 : i32
    %dma_start3A_525 = arith.constant 0 : i32
    %dma_start3A_526 = tpu.memref_slice %arg8[%dma_start3A_523, %dma_start3A_524, %dma_start3A_525] : memref<32x8x64xf32, #tpu.memory_space<vmem>> -> memref<1x8x64xf32, #tpu.memory_space<vmem>>
    %dma_start3A_527 = tpu.memref_squeeze %dma_start3A_526 : memref<1x8x64xf32, #tpu.memory_space<vmem>> -> memref<8x64xf32, #tpu.memory_space<vmem>>
    %dma_start3A_528 = arith.constant 0 : i32
    %dma_start3A_529 = arith.constant 0 : i32
    %dma_start3A_530 = tpu.memref_slice %arg4[%squeeze3A_522, %dma_start3A_528, %dma_start3A_529] : memref<12500x8x64xf32, #tpu.memory_space<hbm>> -> memref<1x8x64xf32, #tpu.memory_space<hbm>>
    %dma_start3A_531 = tpu.memref_squeeze %dma_start3A_530 : memref<1x8x64xf32, #tpu.memory_space<hbm>> -> memref<8x64xf32, #tpu.memory_space<hbm>>
    %dma_start3A_532 = arith.constant 0 : i32
    %dma_start3A_533 = arith.constant 0 : i32
    %dma_start3A_534 = tpu.memref_slice %arg8[%dma_start3A_523, %dma_start3A_532, %dma_start3A_533] : memref<32x8x64xf32, #tpu.memory_space<vmem>> -> memref<1x8x64xf32, #tpu.memory_space<vmem>>
    %dma_start3A_535 = tpu.memref_squeeze %dma_start3A_534 : memref<1x8x64xf32, #tpu.memory_space<vmem>> -> memref<8x64xf32, #tpu.memory_space<vmem>>
    %dma_start3A_536 = arith.constant 0 : i32
    %dma_start3A_537 = arith.constant 0 : i32
    %dma_start3A_538 = tpu.memref_slice %arg4[%squeeze3A_522, %dma_start3A_536, %dma_start3A_537] : memref<12500x8x64xf32, #tpu.memory_space<hbm>> -> memref<1x8x64xf32, #tpu.memory_space<hbm>>
    %dma_start3A_539 = tpu.memref_squeeze %dma_start3A_538 : memref<1x8x64xf32, #tpu.memory_space<hbm>> -> memref<8x64xf32, #tpu.memory_space<hbm>>
    tpu.enqueue_dma source(%dma_start3A_539 : memref<8x64xf32, #tpu.memory_space<hbm>>) target(%dma_start3A_535 : memref<8x64xf32, #tpu.memory_space<vmem>>) target_semaphore(%arg10 : memref<!tpu.dma_semaphore, #tpu.memory_space<semaphore_mem>>)
    %slice3A_540 = vector.extract_strided_slice %shift_right_logical3A_311 {offsets = [12], sizes = [1], strides = [1]} : vector<16xi32> to vector<1xi32>
    %squeeze3A_541 = vector.extract %slice3A_540[0] : i32 from vector<1xi32>
    %dma_start3A_542 = arith.constant 28 : i32
    %dma_start3A_543 = arith.constant 0 : i32
    %dma_start3A_544 = arith.constant 0 : i32
    %dma_start3A_545 = tpu.memref_slice %arg8[%dma_start3A_542, %dma_start3A_543, %dma_start3A_544] : memref<32x8x64xf32, #tpu.memory_space<vmem>> -> memref<1x8x64xf32, #tpu.memory_space<vmem>>
    %dma_start3A_546 = tpu.memref_squeeze %dma_start3A_545 : memref<1x8x64xf32, #tpu.memory_space<vmem>> -> memref<8x64xf32, #tpu.memory_space<vmem>>
    %dma_start3A_547 = arith.constant 0 : i32
    %dma_start3A_548 = arith.constant 0 : i32
    %dma_start3A_549 = tpu.memref_slice %arg4[%squeeze3A_541, %dma_start3A_547, %dma_start3A_548] : memref<12500x8x64xf32, #tpu.memory_space<hbm>> -> memref<1x8x64xf32, #tpu.memory_space<hbm>>
    %dma_start3A_550 = tpu.memref_squeeze %dma_start3A_549 : memref<1x8x64xf32, #tpu.memory_space<hbm>> -> memref<8x64xf32, #tpu.memory_space<hbm>>
    %dma_start3A_551 = arith.constant 0 : i32
    %dma_start3A_552 = arith.constant 0 : i32
    %dma_start3A_553 = tpu.memref_slice %arg8[%dma_start3A_542, %dma_start3A_551, %dma_start3A_552] : memref<32x8x64xf32, #tpu.memory_space<vmem>> -> memref<1x8x64xf32, #tpu.memory_space<vmem>>
    %dma_start3A_554 = tpu.memref_squeeze %dma_start3A_553 : memref<1x8x64xf32, #tpu.memory_space<vmem>> -> memref<8x64xf32, #tpu.memory_space<vmem>>
    %dma_start3A_555 = arith.constant 0 : i32
    %dma_start3A_556 = arith.constant 0 : i32
    %dma_start3A_557 = tpu.memref_slice %arg4[%squeeze3A_541, %dma_start3A_555, %dma_start3A_556] : memref<12500x8x64xf32, #tpu.memory_space<hbm>> -> memref<1x8x64xf32, #tpu.memory_space<hbm>>
    %dma_start3A_558 = tpu.memref_squeeze %dma_start3A_557 : memref<1x8x64xf32, #tpu.memory_space<hbm>> -> memref<8x64xf32, #tpu.memory_space<hbm>>
    tpu.enqueue_dma source(%dma_start3A_558 : memref<8x64xf32, #tpu.memory_space<hbm>>) target(%dma_start3A_554 : memref<8x64xf32, #tpu.memory_space<vmem>>) target_semaphore(%arg10 : memref<!tpu.dma_semaphore, #tpu.memory_space<semaphore_mem>>)
    %slice3A_559 = vector.extract_strided_slice %shift_right_logical3A_311 {offsets = [13], sizes = [1], strides = [1]} : vector<16xi32> to vector<1xi32>
    %squeeze3A_560 = vector.extract %slice3A_559[0] : i32 from vector<1xi32>
    %dma_start3A_561 = arith.constant 29 : i32
    %dma_start3A_562 = arith.constant 0 : i32
    %dma_start3A_563 = arith.constant 0 : i32
    %dma_start3A_564 = tpu.memref_slice %arg8[%dma_start3A_561, %dma_start3A_562, %dma_start3A_563] : memref<32x8x64xf32, #tpu.memory_space<vmem>> -> memref<1x8x64xf32, #tpu.memory_space<vmem>>
    %dma_start3A_565 = tpu.memref_squeeze %dma_start3A_564 : memref<1x8x64xf32, #tpu.memory_space<vmem>> -> memref<8x64xf32, #tpu.memory_space<vmem>>
    %dma_start3A_566 = arith.constant 0 : i32
    %dma_start3A_567 = arith.constant 0 : i32
    %dma_start3A_568 = tpu.memref_slice %arg4[%squeeze3A_560, %dma_start3A_566, %dma_start3A_567] : memref<12500x8x64xf32, #tpu.memory_space<hbm>> -> memref<1x8x64xf32, #tpu.memory_space<hbm>>
    %dma_start3A_569 = tpu.memref_squeeze %dma_start3A_568 : memref<1x8x64xf32, #tpu.memory_space<hbm>> -> memref<8x64xf32, #tpu.memory_space<hbm>>
    %dma_start3A_570 = arith.constant 0 : i32
    %dma_start3A_571 = arith.constant 0 : i32
    %dma_start3A_572 = tpu.memref_slice %arg8[%dma_start3A_561, %dma_start3A_570, %dma_start3A_571] : memref<32x8x64xf32, #tpu.memory_space<vmem>> -> memref<1x8x64xf32, #tpu.memory_space<vmem>>
    %dma_start3A_573 = tpu.memref_squeeze %dma_start3A_572 : memref<1x8x64xf32, #tpu.memory_space<vmem>> -> memref<8x64xf32, #tpu.memory_space<vmem>>
    %dma_start3A_574 = arith.constant 0 : i32
    %dma_start3A_575 = arith.constant 0 : i32
    %dma_start3A_576 = tpu.memref_slice %arg4[%squeeze3A_560, %dma_start3A_574, %dma_start3A_575] : memref<12500x8x64xf32, #tpu.memory_space<hbm>> -> memref<1x8x64xf32, #tpu.memory_space<hbm>>
    %dma_start3A_577 = tpu.memref_squeeze %dma_start3A_576 : memref<1x8x64xf32, #tpu.memory_space<hbm>> -> memref<8x64xf32, #tpu.memory_space<hbm>>
    tpu.enqueue_dma source(%dma_start3A_577 : memref<8x64xf32, #tpu.memory_space<hbm>>) target(%dma_start3A_573 : memref<8x64xf32, #tpu.memory_space<vmem>>) target_semaphore(%arg10 : memref<!tpu.dma_semaphore, #tpu.memory_space<semaphore_mem>>)
    %slice3A_578 = vector.extract_strided_slice %shift_right_logical3A_311 {offsets = [14], sizes = [1], strides = [1]} : vector<16xi32> to vector<1xi32>
    %squeeze3A_579 = vector.extract %slice3A_578[0] : i32 from vector<1xi32>
    %dma_start3A_580 = arith.constant 30 : i32
    %dma_start3A_581 = arith.constant 0 : i32
    %dma_start3A_582 = arith.constant 0 : i32
    %dma_start3A_583 = tpu.memref_slice %arg8[%dma_start3A_580, %dma_start3A_581, %dma_start3A_582] : memref<32x8x64xf32, #tpu.memory_space<vmem>> -> memref<1x8x64xf32, #tpu.memory_space<vmem>>
    %dma_start3A_584 = tpu.memref_squeeze %dma_start3A_583 : memref<1x8x64xf32, #tpu.memory_space<vmem>> -> memref<8x64xf32, #tpu.memory_space<vmem>>
    %dma_start3A_585 = arith.constant 0 : i32
    %dma_start3A_586 = arith.constant 0 : i32
    %dma_start3A_587 = tpu.memref_slice %arg4[%squeeze3A_579, %dma_start3A_585, %dma_start3A_586] : memref<12500x8x64xf32, #tpu.memory_space<hbm>> -> memref<1x8x64xf32, #tpu.memory_space<hbm>>
    %dma_start3A_588 = tpu.memref_squeeze %dma_start3A_587 : memref<1x8x64xf32, #tpu.memory_space<hbm>> -> memref<8x64xf32, #tpu.memory_space<hbm>>
    %dma_start3A_589 = arith.constant 0 : i32
    %dma_start3A_590 = arith.constant 0 : i32
    %dma_start3A_591 = tpu.memref_slice %arg8[%dma_start3A_580, %dma_start3A_589, %dma_start3A_590] : memref<32x8x64xf32, #tpu.memory_space<vmem>> -> memref<1x8x64xf32, #tpu.memory_space<vmem>>
    %dma_start3A_592 = tpu.memref_squeeze %dma_start3A_591 : memref<1x8x64xf32, #tpu.memory_space<vmem>> -> memref<8x64xf32, #tpu.memory_space<vmem>>
    %dma_start3A_593 = arith.constant 0 : i32
    %dma_start3A_594 = arith.constant 0 : i32
    %dma_start3A_595 = tpu.memref_slice %arg4[%squeeze3A_579, %dma_start3A_593, %dma_start3A_594] : memref<12500x8x64xf32, #tpu.memory_space<hbm>> -> memref<1x8x64xf32, #tpu.memory_space<hbm>>
    %dma_start3A_596 = tpu.memref_squeeze %dma_start3A_595 : memref<1x8x64xf32, #tpu.memory_space<hbm>> -> memref<8x64xf32, #tpu.memory_space<hbm>>
    tpu.enqueue_dma source(%dma_start3A_596 : memref<8x64xf32, #tpu.memory_space<hbm>>) target(%dma_start3A_592 : memref<8x64xf32, #tpu.memory_space<vmem>>) target_semaphore(%arg10 : memref<!tpu.dma_semaphore, #tpu.memory_space<semaphore_mem>>)
    %slice3A_597 = vector.extract_strided_slice %shift_right_logical3A_311 {offsets = [15], sizes = [1], strides = [1]} : vector<16xi32> to vector<1xi32>
    %squeeze3A_598 = vector.extract %slice3A_597[0] : i32 from vector<1xi32>
    %dma_start3A_599 = arith.constant 31 : i32
    %dma_start3A_600 = arith.constant 0 : i32
    %dma_start3A_601 = arith.constant 0 : i32
    %dma_start3A_602 = tpu.memref_slice %arg8[%dma_start3A_599, %dma_start3A_600, %dma_start3A_601] : memref<32x8x64xf32, #tpu.memory_space<vmem>> -> memref<1x8x64xf32, #tpu.memory_space<vmem>>
    %dma_start3A_603 = tpu.memref_squeeze %dma_start3A_602 : memref<1x8x64xf32, #tpu.memory_space<vmem>> -> memref<8x64xf32, #tpu.memory_space<vmem>>
    %dma_start3A_604 = arith.constant 0 : i32
    %dma_start3A_605 = arith.constant 0 : i32
    %dma_start3A_606 = tpu.memref_slice %arg4[%squeeze3A_598, %dma_start3A_604, %dma_start3A_605] : memref<12500x8x64xf32, #tpu.memory_space<hbm>> -> memref<1x8x64xf32, #tpu.memory_space<hbm>>
    %dma_start3A_607 = tpu.memref_squeeze %dma_start3A_606 : memref<1x8x64xf32, #tpu.memory_space<hbm>> -> memref<8x64xf32, #tpu.memory_space<hbm>>
    %dma_start3A_608 = arith.constant 0 : i32
    %dma_start3A_609 = arith.constant 0 : i32
    %dma_start3A_610 = tpu.memref_slice %arg8[%dma_start3A_599, %dma_start3A_608, %dma_start3A_609] : memref<32x8x64xf32, #tpu.memory_space<vmem>> -> memref<1x8x64xf32, #tpu.memory_space<vmem>>
    %dma_start3A_611 = tpu.memref_squeeze %dma_start3A_610 : memref<1x8x64xf32, #tpu.memory_space<vmem>> -> memref<8x64xf32, #tpu.memory_space<vmem>>
    %dma_start3A_612 = arith.constant 0 : i32
    %dma_start3A_613 = arith.constant 0 : i32
    %dma_start3A_614 = tpu.memref_slice %arg4[%squeeze3A_598, %dma_start3A_612, %dma_start3A_613] : memref<12500x8x64xf32, #tpu.memory_space<hbm>> -> memref<1x8x64xf32, #tpu.memory_space<hbm>>
    %dma_start3A_615 = tpu.memref_squeeze %dma_start3A_614 : memref<1x8x64xf32, #tpu.memory_space<hbm>> -> memref<8x64xf32, #tpu.memory_space<hbm>>
    tpu.enqueue_dma source(%dma_start3A_615 : memref<8x64xf32, #tpu.memory_space<hbm>>) target(%dma_start3A_611 : memref<8x64xf32, #tpu.memory_space<vmem>>) target_semaphore(%arg10 : memref<!tpu.dma_semaphore, #tpu.memory_space<semaphore_mem>>)
    "tpu.region"() ({
      %run_scoped3A = tpu.sem_alloc : memref<!tpu.dma_semaphore, #tpu.memory_space<semaphore_mem>>
      %dma_start3A_2070 = arith.constant 0 : i32
      %dma_start3A_2071 = tpu.memref_slice %arg2[%mul3A_2, %dma_start3A_2070] : memref<1024x64xf32, #tpu.memory_space<hbm>> -> memref<32x64xf32, #tpu.memory_space<hbm>>
      %dma_start3A_2072 = arith.constant 0 : i32
      %dma_start3A_2073 = tpu.memref_slice %arg2[%mul3A_2, %dma_start3A_2072] : memref<1024x64xf32, #tpu.memory_space<hbm>> -> memref<32x64xf32, #tpu.memory_space<hbm>>
      tpu.enqueue_dma source(%dma_start3A_2073 : memref<32x64xf32, #tpu.memory_space<hbm>>) target(%arg7 : memref<32x64xf32, #tpu.memory_space<vmem>>) target_semaphore(%run_scoped3A : memref<!tpu.dma_semaphore, #tpu.memory_space<semaphore_mem>>)
      %dma_wait3A_2074 = arith.constant 0 : i32
      %dma_wait3A_2075 = tpu.memref_slice %arg2[%mul3A_2, %dma_wait3A_2074] : memref<1024x64xf32, #tpu.memory_space<hbm>> -> memref<32x64xf32, #tpu.memory_space<hbm>>
      %dma_wait3A_2076 = arith.constant 0 : i32
      %dma_wait3A_2077 = tpu.memref_slice %arg2[%mul3A_2, %dma_wait3A_2076] : memref<1024x64xf32, #tpu.memory_space<hbm>> -> memref<32x64xf32, #tpu.memory_space<hbm>>
      tpu.wait_dma2 semaphore(%run_scoped3A : memref<!tpu.dma_semaphore, #tpu.memory_space<semaphore_mem>>) src(%dma_wait3A_2077 : memref<32x64xf32, #tpu.memory_space<hbm>>) dst(%arg7 : memref<32x64xf32, #tpu.memory_space<vmem>>)
      tpu.yield
    }) : () -> ()
    %dma_wait3A = arith.constant 0 : i32
    %dma_wait3A_616 = arith.constant 0 : i32
    %dma_wait3A_617 = arith.constant 0 : i32
    %dma_wait3A_618 = tpu.memref_slice %arg8[%dma_wait3A, %dma_wait3A_616, %dma_wait3A_617] : memref<32x8x64xf32, #tpu.memory_space<vmem>> -> memref<1x8x64xf32, #tpu.memory_space<vmem>>
    %dma_wait3A_619 = tpu.memref_squeeze %dma_wait3A_618 : memref<1x8x64xf32, #tpu.memory_space<vmem>> -> memref<8x64xf32, #tpu.memory_space<vmem>>
    %dma_wait3A_620 = arith.constant 0 : i32
    %dma_wait3A_621 = arith.constant 0 : i32
    %dma_wait3A_622 = tpu.memref_slice %arg4[%squeeze3A, %dma_wait3A_620, %dma_wait3A_621] : memref<12500x8x64xf32, #tpu.memory_space<hbm>> -> memref<1x8x64xf32, #tpu.memory_space<hbm>>
    %dma_wait3A_623 = tpu.memref_squeeze %dma_wait3A_622 : memref<1x8x64xf32, #tpu.memory_space<hbm>> -> memref<8x64xf32, #tpu.memory_space<hbm>>
    %dma_wait3A_624 = arith.constant 0 : i32
    %dma_wait3A_625 = arith.constant 0 : i32
    %dma_wait3A_626 = tpu.memref_slice %arg8[%dma_wait3A, %dma_wait3A_624, %dma_wait3A_625] : memref<32x8x64xf32, #tpu.memory_space<vmem>> -> memref<1x8x64xf32, #tpu.memory_space<vmem>>
    %dma_wait3A_627 = tpu.memref_squeeze %dma_wait3A_626 : memref<1x8x64xf32, #tpu.memory_space<vmem>> -> memref<8x64xf32, #tpu.memory_space<vmem>>
    %dma_wait3A_628 = arith.constant 0 : i32
    %dma_wait3A_629 = arith.constant 0 : i32
    %dma_wait3A_630 = tpu.memref_slice %arg4[%squeeze3A, %dma_wait3A_628, %dma_wait3A_629] : memref<12500x8x64xf32, #tpu.memory_space<hbm>> -> memref<1x8x64xf32, #tpu.memory_space<hbm>>
    %dma_wait3A_631 = tpu.memref_squeeze %dma_wait3A_630 : memref<1x8x64xf32, #tpu.memory_space<hbm>> -> memref<8x64xf32, #tpu.memory_space<hbm>>
    tpu.wait_dma2 semaphore(%arg10 : memref<!tpu.dma_semaphore, #tpu.memory_space<semaphore_mem>>) src(%dma_wait3A_631 : memref<8x64xf32, #tpu.memory_space<hbm>>) dst(%dma_wait3A_627 : memref<8x64xf32, #tpu.memory_space<vmem>>)
    %dma_wait3A_632 = arith.constant 1 : i32
    %dma_wait3A_633 = arith.constant 0 : i32
    %dma_wait3A_634 = arith.constant 0 : i32
    %dma_wait3A_635 = tpu.memref_slice %arg8[%dma_wait3A_632, %dma_wait3A_633, %dma_wait3A_634] : memref<32x8x64xf32, #tpu.memory_space<vmem>> -> memref<1x8x64xf32, #tpu.memory_space<vmem>>
    %dma_wait3A_636 = tpu.memref_squeeze %dma_wait3A_635 : memref<1x8x64xf32, #tpu.memory_space<vmem>> -> memref<8x64xf32, #tpu.memory_space<vmem>>
    %dma_wait3A_637 = arith.constant 0 : i32
    %dma_wait3A_638 = arith.constant 0 : i32
    %dma_wait3A_639 = tpu.memref_slice %arg4[%squeeze3A_23, %dma_wait3A_637, %dma_wait3A_638] : memref<12500x8x64xf32, #tpu.memory_space<hbm>> -> memref<1x8x64xf32, #tpu.memory_space<hbm>>
    %dma_wait3A_640 = tpu.memref_squeeze %dma_wait3A_639 : memref<1x8x64xf32, #tpu.memory_space<hbm>> -> memref<8x64xf32, #tpu.memory_space<hbm>>
    %dma_wait3A_641 = arith.constant 0 : i32
    %dma_wait3A_642 = arith.constant 0 : i32
    %dma_wait3A_643 = tpu.memref_slice %arg8[%dma_wait3A_632, %dma_wait3A_641, %dma_wait3A_642] : memref<32x8x64xf32, #tpu.memory_space<vmem>> -> memref<1x8x64xf32, #tpu.memory_space<vmem>>
    %dma_wait3A_644 = tpu.memref_squeeze %dma_wait3A_643 : memref<1x8x64xf32, #tpu.memory_space<vmem>> -> memref<8x64xf32, #tpu.memory_space<vmem>>
    %dma_wait3A_645 = arith.constant 0 : i32
    %dma_wait3A_646 = arith.constant 0 : i32
    %dma_wait3A_647 = tpu.memref_slice %arg4[%squeeze3A_23, %dma_wait3A_645, %dma_wait3A_646] : memref<12500x8x64xf32, #tpu.memory_space<hbm>> -> memref<1x8x64xf32, #tpu.memory_space<hbm>>
    %dma_wait3A_648 = tpu.memref_squeeze %dma_wait3A_647 : memref<1x8x64xf32, #tpu.memory_space<hbm>> -> memref<8x64xf32, #tpu.memory_space<hbm>>
    tpu.wait_dma2 semaphore(%arg10 : memref<!tpu.dma_semaphore, #tpu.memory_space<semaphore_mem>>) src(%dma_wait3A_648 : memref<8x64xf32, #tpu.memory_space<hbm>>) dst(%dma_wait3A_644 : memref<8x64xf32, #tpu.memory_space<vmem>>)
    %dma_wait3A_649 = arith.constant 2 : i32
    %dma_wait3A_650 = arith.constant 0 : i32
    %dma_wait3A_651 = arith.constant 0 : i32
    %dma_wait3A_652 = tpu.memref_slice %arg8[%dma_wait3A_649, %dma_wait3A_650, %dma_wait3A_651] : memref<32x8x64xf32, #tpu.memory_space<vmem>> -> memref<1x8x64xf32, #tpu.memory_space<vmem>>
    %dma_wait3A_653 = tpu.memref_squeeze %dma_wait3A_652 : memref<1x8x64xf32, #tpu.memory_space<vmem>> -> memref<8x64xf32, #tpu.memory_space<vmem>>
    %dma_wait3A_654 = arith.constant 0 : i32
    %dma_wait3A_655 = arith.constant 0 : i32
    %dma_wait3A_656 = tpu.memref_slice %arg4[%squeeze3A_42, %dma_wait3A_654, %dma_wait3A_655] : memref<12500x8x64xf32, #tpu.memory_space<hbm>> -> memref<1x8x64xf32, #tpu.memory_space<hbm>>
    %dma_wait3A_657 = tpu.memref_squeeze %dma_wait3A_656 : memref<1x8x64xf32, #tpu.memory_space<hbm>> -> memref<8x64xf32, #tpu.memory_space<hbm>>
    %dma_wait3A_658 = arith.constant 0 : i32
    %dma_wait3A_659 = arith.constant 0 : i32
    %dma_wait3A_660 = tpu.memref_slice %arg8[%dma_wait3A_649, %dma_wait3A_658, %dma_wait3A_659] : memref<32x8x64xf32, #tpu.memory_space<vmem>> -> memref<1x8x64xf32, #tpu.memory_space<vmem>>
    %dma_wait3A_661 = tpu.memref_squeeze %dma_wait3A_660 : memref<1x8x64xf32, #tpu.memory_space<vmem>> -> memref<8x64xf32, #tpu.memory_space<vmem>>
    %dma_wait3A_662 = arith.constant 0 : i32
    %dma_wait3A_663 = arith.constant 0 : i32
    %dma_wait3A_664 = tpu.memref_slice %arg4[%squeeze3A_42, %dma_wait3A_662, %dma_wait3A_663] : memref<12500x8x64xf32, #tpu.memory_space<hbm>> -> memref<1x8x64xf32, #tpu.memory_space<hbm>>
    %dma_wait3A_665 = tpu.memref_squeeze %dma_wait3A_664 : memref<1x8x64xf32, #tpu.memory_space<hbm>> -> memref<8x64xf32, #tpu.memory_space<hbm>>
    tpu.wait_dma2 semaphore(%arg10 : memref<!tpu.dma_semaphore, #tpu.memory_space<semaphore_mem>>) src(%dma_wait3A_665 : memref<8x64xf32, #tpu.memory_space<hbm>>) dst(%dma_wait3A_661 : memref<8x64xf32, #tpu.memory_space<vmem>>)
    %dma_wait3A_666 = arith.constant 3 : i32
    %dma_wait3A_667 = arith.constant 0 : i32
    %dma_wait3A_668 = arith.constant 0 : i32
    %dma_wait3A_669 = tpu.memref_slice %arg8[%dma_wait3A_666, %dma_wait3A_667, %dma_wait3A_668] : memref<32x8x64xf32, #tpu.memory_space<vmem>> -> memref<1x8x64xf32, #tpu.memory_space<vmem>>
    %dma_wait3A_670 = tpu.memref_squeeze %dma_wait3A_669 : memref<1x8x64xf32, #tpu.memory_space<vmem>> -> memref<8x64xf32, #tpu.memory_space<vmem>>
    %dma_wait3A_671 = arith.constant 0 : i32
    %dma_wait3A_672 = arith.constant 0 : i32
    %dma_wait3A_673 = tpu.memref_slice %arg4[%squeeze3A_61, %dma_wait3A_671, %dma_wait3A_672] : memref<12500x8x64xf32, #tpu.memory_space<hbm>> -> memref<1x8x64xf32, #tpu.memory_space<hbm>>
    %dma_wait3A_674 = tpu.memref_squeeze %dma_wait3A_673 : memref<1x8x64xf32, #tpu.memory_space<hbm>> -> memref<8x64xf32, #tpu.memory_space<hbm>>
    %dma_wait3A_675 = arith.constant 0 : i32
    %dma_wait3A_676 = arith.constant 0 : i32
    %dma_wait3A_677 = tpu.memref_slice %arg8[%dma_wait3A_666, %dma_wait3A_675, %dma_wait3A_676] : memref<32x8x64xf32, #tpu.memory_space<vmem>> -> memref<1x8x64xf32, #tpu.memory_space<vmem>>
    %dma_wait3A_678 = tpu.memref_squeeze %dma_wait3A_677 : memref<1x8x64xf32, #tpu.memory_space<vmem>> -> memref<8x64xf32, #tpu.memory_space<vmem>>
    %dma_wait3A_679 = arith.constant 0 : i32
    %dma_wait3A_680 = arith.constant 0 : i32
    %dma_wait3A_681 = tpu.memref_slice %arg4[%squeeze3A_61, %dma_wait3A_679, %dma_wait3A_680] : memref<12500x8x64xf32, #tpu.memory_space<hbm>> -> memref<1x8x64xf32, #tpu.memory_space<hbm>>
    %dma_wait3A_682 = tpu.memref_squeeze %dma_wait3A_681 : memref<1x8x64xf32, #tpu.memory_space<hbm>> -> memref<8x64xf32, #tpu.memory_space<hbm>>
    tpu.wait_dma2 semaphore(%arg10 : memref<!tpu.dma_semaphore, #tpu.memory_space<semaphore_mem>>) src(%dma_wait3A_682 : memref<8x64xf32, #tpu.memory_space<hbm>>) dst(%dma_wait3A_678 : memref<8x64xf32, #tpu.memory_space<vmem>>)
    %dma_wait3A_683 = arith.constant 4 : i32
    %dma_wait3A_684 = arith.constant 0 : i32
    %dma_wait3A_685 = arith.constant 0 : i32
    %dma_wait3A_686 = tpu.memref_slice %arg8[%dma_wait3A_683, %dma_wait3A_684, %dma_wait3A_685] : memref<32x8x64xf32, #tpu.memory_space<vmem>> -> memref<1x8x64xf32, #tpu.memory_space<vmem>>
    %dma_wait3A_687 = tpu.memref_squeeze %dma_wait3A_686 : memref<1x8x64xf32, #tpu.memory_space<vmem>> -> memref<8x64xf32, #tpu.memory_space<vmem>>
    %dma_wait3A_688 = arith.constant 0 : i32
    %dma_wait3A_689 = arith.constant 0 : i32
    %dma_wait3A_690 = tpu.memref_slice %arg4[%squeeze3A_80, %dma_wait3A_688, %dma_wait3A_689] : memref<12500x8x64xf32, #tpu.memory_space<hbm>> -> memref<1x8x64xf32, #tpu.memory_space<hbm>>
    %dma_wait3A_691 = tpu.memref_squeeze %dma_wait3A_690 : memref<1x8x64xf32, #tpu.memory_space<hbm>> -> memref<8x64xf32, #tpu.memory_space<hbm>>
    %dma_wait3A_692 = arith.constant 0 : i32
    %dma_wait3A_693 = arith.constant 0 : i32
    %dma_wait3A_694 = tpu.memref_slice %arg8[%dma_wait3A_683, %dma_wait3A_692, %dma_wait3A_693] : memref<32x8x64xf32, #tpu.memory_space<vmem>> -> memref<1x8x64xf32, #tpu.memory_space<vmem>>
    %dma_wait3A_695 = tpu.memref_squeeze %dma_wait3A_694 : memref<1x8x64xf32, #tpu.memory_space<vmem>> -> memref<8x64xf32, #tpu.memory_space<vmem>>
    %dma_wait3A_696 = arith.constant 0 : i32
    %dma_wait3A_697 = arith.constant 0 : i32
    %dma_wait3A_698 = tpu.memref_slice %arg4[%squeeze3A_80, %dma_wait3A_696, %dma_wait3A_697] : memref<12500x8x64xf32, #tpu.memory_space<hbm>> -> memref<1x8x64xf32, #tpu.memory_space<hbm>>
    %dma_wait3A_699 = tpu.memref_squeeze %dma_wait3A_698 : memref<1x8x64xf32, #tpu.memory_space<hbm>> -> memref<8x64xf32, #tpu.memory_space<hbm>>
    tpu.wait_dma2 semaphore(%arg10 : memref<!tpu.dma_semaphore, #tpu.memory_space<semaphore_mem>>) src(%dma_wait3A_699 : memref<8x64xf32, #tpu.memory_space<hbm>>) dst(%dma_wait3A_695 : memref<8x64xf32, #tpu.memory_space<vmem>>)
    %dma_wait3A_700 = arith.constant 5 : i32
    %dma_wait3A_701 = arith.constant 0 : i32
    %dma_wait3A_702 = arith.constant 0 : i32
    %dma_wait3A_703 = tpu.memref_slice %arg8[%dma_wait3A_700, %dma_wait3A_701, %dma_wait3A_702] : memref<32x8x64xf32, #tpu.memory_space<vmem>> -> memref<1x8x64xf32, #tpu.memory_space<vmem>>
    %dma_wait3A_704 = tpu.memref_squeeze %dma_wait3A_703 : memref<1x8x64xf32, #tpu.memory_space<vmem>> -> memref<8x64xf32, #tpu.memory_space<vmem>>
    %dma_wait3A_705 = arith.constant 0 : i32
    %dma_wait3A_706 = arith.constant 0 : i32
    %dma_wait3A_707 = tpu.memref_slice %arg4[%squeeze3A_99, %dma_wait3A_705, %dma_wait3A_706] : memref<12500x8x64xf32, #tpu.memory_space<hbm>> -> memref<1x8x64xf32, #tpu.memory_space<hbm>>
    %dma_wait3A_708 = tpu.memref_squeeze %dma_wait3A_707 : memref<1x8x64xf32, #tpu.memory_space<hbm>> -> memref<8x64xf32, #tpu.memory_space<hbm>>
    %dma_wait3A_709 = arith.constant 0 : i32
    %dma_wait3A_710 = arith.constant 0 : i32
    %dma_wait3A_711 = tpu.memref_slice %arg8[%dma_wait3A_700, %dma_wait3A_709, %dma_wait3A_710] : memref<32x8x64xf32, #tpu.memory_space<vmem>> -> memref<1x8x64xf32, #tpu.memory_space<vmem>>
    %dma_wait3A_712 = tpu.memref_squeeze %dma_wait3A_711 : memref<1x8x64xf32, #tpu.memory_space<vmem>> -> memref<8x64xf32, #tpu.memory_space<vmem>>
    %dma_wait3A_713 = arith.constant 0 : i32
    %dma_wait3A_714 = arith.constant 0 : i32
    %dma_wait3A_715 = tpu.memref_slice %arg4[%squeeze3A_99, %dma_wait3A_713, %dma_wait3A_714] : memref<12500x8x64xf32, #tpu.memory_space<hbm>> -> memref<1x8x64xf32, #tpu.memory_space<hbm>>
    %dma_wait3A_716 = tpu.memref_squeeze %dma_wait3A_715 : memref<1x8x64xf32, #tpu.memory_space<hbm>> -> memref<8x64xf32, #tpu.memory_space<hbm>>
    tpu.wait_dma2 semaphore(%arg10 : memref<!tpu.dma_semaphore, #tpu.memory_space<semaphore_mem>>) src(%dma_wait3A_716 : memref<8x64xf32, #tpu.memory_space<hbm>>) dst(%dma_wait3A_712 : memref<8x64xf32, #tpu.memory_space<vmem>>)
    %dma_wait3A_717 = arith.constant 6 : i32
    %dma_wait3A_718 = arith.constant 0 : i32
    %dma_wait3A_719 = arith.constant 0 : i32
    %dma_wait3A_720 = tpu.memref_slice %arg8[%dma_wait3A_717, %dma_wait3A_718, %dma_wait3A_719] : memref<32x8x64xf32, #tpu.memory_space<vmem>> -> memref<1x8x64xf32, #tpu.memory_space<vmem>>
    %dma_wait3A_721 = tpu.memref_squeeze %dma_wait3A_720 : memref<1x8x64xf32, #tpu.memory_space<vmem>> -> memref<8x64xf32, #tpu.memory_space<vmem>>
    %dma_wait3A_722 = arith.constant 0 : i32
    %dma_wait3A_723 = arith.constant 0 : i32
    %dma_wait3A_724 = tpu.memref_slice %arg4[%squeeze3A_118, %dma_wait3A_722, %dma_wait3A_723] : memref<12500x8x64xf32, #tpu.memory_space<hbm>> -> memref<1x8x64xf32, #tpu.memory_space<hbm>>
    %dma_wait3A_725 = tpu.memref_squeeze %dma_wait3A_724 : memref<1x8x64xf32, #tpu.memory_space<hbm>> -> memref<8x64xf32, #tpu.memory_space<hbm>>
    %dma_wait3A_726 = arith.constant 0 : i32
    %dma_wait3A_727 = arith.constant 0 : i32
    %dma_wait3A_728 = tpu.memref_slice %arg8[%dma_wait3A_717, %dma_wait3A_726, %dma_wait3A_727] : memref<32x8x64xf32, #tpu.memory_space<vmem>> -> memref<1x8x64xf32, #tpu.memory_space<vmem>>
    %dma_wait3A_729 = tpu.memref_squeeze %dma_wait3A_728 : memref<1x8x64xf32, #tpu.memory_space<vmem>> -> memref<8x64xf32, #tpu.memory_space<vmem>>
    %dma_wait3A_730 = arith.constant 0 : i32
    %dma_wait3A_731 = arith.constant 0 : i32
    %dma_wait3A_732 = tpu.memref_slice %arg4[%squeeze3A_118, %dma_wait3A_730, %dma_wait3A_731] : memref<12500x8x64xf32, #tpu.memory_space<hbm>> -> memref<1x8x64xf32, #tpu.memory_space<hbm>>
    %dma_wait3A_733 = tpu.memref_squeeze %dma_wait3A_732 : memref<1x8x64xf32, #tpu.memory_space<hbm>> -> memref<8x64xf32, #tpu.memory_space<hbm>>
    tpu.wait_dma2 semaphore(%arg10 : memref<!tpu.dma_semaphore, #tpu.memory_space<semaphore_mem>>) src(%dma_wait3A_733 : memref<8x64xf32, #tpu.memory_space<hbm>>) dst(%dma_wait3A_729 : memref<8x64xf32, #tpu.memory_space<vmem>>)
    %dma_wait3A_734 = arith.constant 7 : i32
    %dma_wait3A_735 = arith.constant 0 : i32
    %dma_wait3A_736 = arith.constant 0 : i32
    %dma_wait3A_737 = tpu.memref_slice %arg8[%dma_wait3A_734, %dma_wait3A_735, %dma_wait3A_736] : memref<32x8x64xf32, #tpu.memory_space<vmem>> -> memref<1x8x64xf32, #tpu.memory_space<vmem>>
    %dma_wait3A_738 = tpu.memref_squeeze %dma_wait3A_737 : memref<1x8x64xf32, #tpu.memory_space<vmem>> -> memref<8x64xf32, #tpu.memory_space<vmem>>
    %dma_wait3A_739 = arith.constant 0 : i32
    %dma_wait3A_740 = arith.constant 0 : i32
    %dma_wait3A_741 = tpu.memref_slice %arg4[%squeeze3A_137, %dma_wait3A_739, %dma_wait3A_740] : memref<12500x8x64xf32, #tpu.memory_space<hbm>> -> memref<1x8x64xf32, #tpu.memory_space<hbm>>
    %dma_wait3A_742 = tpu.memref_squeeze %dma_wait3A_741 : memref<1x8x64xf32, #tpu.memory_space<hbm>> -> memref<8x64xf32, #tpu.memory_space<hbm>>
    %dma_wait3A_743 = arith.constant 0 : i32
    %dma_wait3A_744 = arith.constant 0 : i32
    %dma_wait3A_745 = tpu.memref_slice %arg8[%dma_wait3A_734, %dma_wait3A_743, %dma_wait3A_744] : memref<32x8x64xf32, #tpu.memory_space<vmem>> -> memref<1x8x64xf32, #tpu.memory_space<vmem>>
    %dma_wait3A_746 = tpu.memref_squeeze %dma_wait3A_745 : memref<1x8x64xf32, #tpu.memory_space<vmem>> -> memref<8x64xf32, #tpu.memory_space<vmem>>
    %dma_wait3A_747 = arith.constant 0 : i32
    %dma_wait3A_748 = arith.constant 0 : i32
    %dma_wait3A_749 = tpu.memref_slice %arg4[%squeeze3A_137, %dma_wait3A_747, %dma_wait3A_748] : memref<12500x8x64xf32, #tpu.memory_space<hbm>> -> memref<1x8x64xf32, #tpu.memory_space<hbm>>
    %dma_wait3A_750 = tpu.memref_squeeze %dma_wait3A_749 : memref<1x8x64xf32, #tpu.memory_space<hbm>> -> memref<8x64xf32, #tpu.memory_space<hbm>>
    tpu.wait_dma2 semaphore(%arg10 : memref<!tpu.dma_semaphore, #tpu.memory_space<semaphore_mem>>) src(%dma_wait3A_750 : memref<8x64xf32, #tpu.memory_space<hbm>>) dst(%dma_wait3A_746 : memref<8x64xf32, #tpu.memory_space<vmem>>)
    %dma_wait3A_751 = arith.constant 8 : i32
    %dma_wait3A_752 = arith.constant 0 : i32
    %dma_wait3A_753 = arith.constant 0 : i32
    %dma_wait3A_754 = tpu.memref_slice %arg8[%dma_wait3A_751, %dma_wait3A_752, %dma_wait3A_753] : memref<32x8x64xf32, #tpu.memory_space<vmem>> -> memref<1x8x64xf32, #tpu.memory_space<vmem>>
    %dma_wait3A_755 = tpu.memref_squeeze %dma_wait3A_754 : memref<1x8x64xf32, #tpu.memory_space<vmem>> -> memref<8x64xf32, #tpu.memory_space<vmem>>
    %dma_wait3A_756 = arith.constant 0 : i32
    %dma_wait3A_757 = arith.constant 0 : i32
    %dma_wait3A_758 = tpu.memref_slice %arg4[%squeeze3A_156, %dma_wait3A_756, %dma_wait3A_757] : memref<12500x8x64xf32, #tpu.memory_space<hbm>> -> memref<1x8x64xf32, #tpu.memory_space<hbm>>
    %dma_wait3A_759 = tpu.memref_squeeze %dma_wait3A_758 : memref<1x8x64xf32, #tpu.memory_space<hbm>> -> memref<8x64xf32, #tpu.memory_space<hbm>>
    %dma_wait3A_760 = arith.constant 0 : i32
    %dma_wait3A_761 = arith.constant 0 : i32
    %dma_wait3A_762 = tpu.memref_slice %arg8[%dma_wait3A_751, %dma_wait3A_760, %dma_wait3A_761] : memref<32x8x64xf32, #tpu.memory_space<vmem>> -> memref<1x8x64xf32, #tpu.memory_space<vmem>>
    %dma_wait3A_763 = tpu.memref_squeeze %dma_wait3A_762 : memref<1x8x64xf32, #tpu.memory_space<vmem>> -> memref<8x64xf32, #tpu.memory_space<vmem>>
    %dma_wait3A_764 = arith.constant 0 : i32
    %dma_wait3A_765 = arith.constant 0 : i32
    %dma_wait3A_766 = tpu.memref_slice %arg4[%squeeze3A_156, %dma_wait3A_764, %dma_wait3A_765] : memref<12500x8x64xf32, #tpu.memory_space<hbm>> -> memref<1x8x64xf32, #tpu.memory_space<hbm>>
    %dma_wait3A_767 = tpu.memref_squeeze %dma_wait3A_766 : memref<1x8x64xf32, #tpu.memory_space<hbm>> -> memref<8x64xf32, #tpu.memory_space<hbm>>
    tpu.wait_dma2 semaphore(%arg10 : memref<!tpu.dma_semaphore, #tpu.memory_space<semaphore_mem>>) src(%dma_wait3A_767 : memref<8x64xf32, #tpu.memory_space<hbm>>) dst(%dma_wait3A_763 : memref<8x64xf32, #tpu.memory_space<vmem>>)
    %dma_wait3A_768 = arith.constant 9 : i32
    %dma_wait3A_769 = arith.constant 0 : i32
    %dma_wait3A_770 = arith.constant 0 : i32
    %dma_wait3A_771 = tpu.memref_slice %arg8[%dma_wait3A_768, %dma_wait3A_769, %dma_wait3A_770] : memref<32x8x64xf32, #tpu.memory_space<vmem>> -> memref<1x8x64xf32, #tpu.memory_space<vmem>>
    %dma_wait3A_772 = tpu.memref_squeeze %dma_wait3A_771 : memref<1x8x64xf32, #tpu.memory_space<vmem>> -> memref<8x64xf32, #tpu.memory_space<vmem>>
    %dma_wait3A_773 = arith.constant 0 : i32
    %dma_wait3A_774 = arith.constant 0 : i32
    %dma_wait3A_775 = tpu.memref_slice %arg4[%squeeze3A_175, %dma_wait3A_773, %dma_wait3A_774] : memref<12500x8x64xf32, #tpu.memory_space<hbm>> -> memref<1x8x64xf32, #tpu.memory_space<hbm>>
    %dma_wait3A_776 = tpu.memref_squeeze %dma_wait3A_775 : memref<1x8x64xf32, #tpu.memory_space<hbm>> -> memref<8x64xf32, #tpu.memory_space<hbm>>
    %dma_wait3A_777 = arith.constant 0 : i32
    %dma_wait3A_778 = arith.constant 0 : i32
    %dma_wait3A_779 = tpu.memref_slice %arg8[%dma_wait3A_768, %dma_wait3A_777, %dma_wait3A_778] : memref<32x8x64xf32, #tpu.memory_space<vmem>> -> memref<1x8x64xf32, #tpu.memory_space<vmem>>
    %dma_wait3A_780 = tpu.memref_squeeze %dma_wait3A_779 : memref<1x8x64xf32, #tpu.memory_space<vmem>> -> memref<8x64xf32, #tpu.memory_space<vmem>>
    %dma_wait3A_781 = arith.constant 0 : i32
    %dma_wait3A_782 = arith.constant 0 : i32
    %dma_wait3A_783 = tpu.memref_slice %arg4[%squeeze3A_175, %dma_wait3A_781, %dma_wait3A_782] : memref<12500x8x64xf32, #tpu.memory_space<hbm>> -> memref<1x8x64xf32, #tpu.memory_space<hbm>>
    %dma_wait3A_784 = tpu.memref_squeeze %dma_wait3A_783 : memref<1x8x64xf32, #tpu.memory_space<hbm>> -> memref<8x64xf32, #tpu.memory_space<hbm>>
    tpu.wait_dma2 semaphore(%arg10 : memref<!tpu.dma_semaphore, #tpu.memory_space<semaphore_mem>>) src(%dma_wait3A_784 : memref<8x64xf32, #tpu.memory_space<hbm>>) dst(%dma_wait3A_780 : memref<8x64xf32, #tpu.memory_space<vmem>>)
    %dma_wait3A_785 = arith.constant 10 : i32
    %dma_wait3A_786 = arith.constant 0 : i32
    %dma_wait3A_787 = arith.constant 0 : i32
    %dma_wait3A_788 = tpu.memref_slice %arg8[%dma_wait3A_785, %dma_wait3A_786, %dma_wait3A_787] : memref<32x8x64xf32, #tpu.memory_space<vmem>> -> memref<1x8x64xf32, #tpu.memory_space<vmem>>
    %dma_wait3A_789 = tpu.memref_squeeze %dma_wait3A_788 : memref<1x8x64xf32, #tpu.memory_space<vmem>> -> memref<8x64xf32, #tpu.memory_space<vmem>>
    %dma_wait3A_790 = arith.constant 0 : i32
    %dma_wait3A_791 = arith.constant 0 : i32
    %dma_wait3A_792 = tpu.memref_slice %arg4[%squeeze3A_194, %dma_wait3A_790, %dma_wait3A_791] : memref<12500x8x64xf32, #tpu.memory_space<hbm>> -> memref<1x8x64xf32, #tpu.memory_space<hbm>>
    %dma_wait3A_793 = tpu.memref_squeeze %dma_wait3A_792 : memref<1x8x64xf32, #tpu.memory_space<hbm>> -> memref<8x64xf32, #tpu.memory_space<hbm>>
    %dma_wait3A_794 = arith.constant 0 : i32
    %dma_wait3A_795 = arith.constant 0 : i32
    %dma_wait3A_796 = tpu.memref_slice %arg8[%dma_wait3A_785, %dma_wait3A_794, %dma_wait3A_795] : memref<32x8x64xf32, #tpu.memory_space<vmem>> -> memref<1x8x64xf32, #tpu.memory_space<vmem>>
    %dma_wait3A_797 = tpu.memref_squeeze %dma_wait3A_796 : memref<1x8x64xf32, #tpu.memory_space<vmem>> -> memref<8x64xf32, #tpu.memory_space<vmem>>
    %dma_wait3A_798 = arith.constant 0 : i32
    %dma_wait3A_799 = arith.constant 0 : i32
    %dma_wait3A_800 = tpu.memref_slice %arg4[%squeeze3A_194, %dma_wait3A_798, %dma_wait3A_799] : memref<12500x8x64xf32, #tpu.memory_space<hbm>> -> memref<1x8x64xf32, #tpu.memory_space<hbm>>
    %dma_wait3A_801 = tpu.memref_squeeze %dma_wait3A_800 : memref<1x8x64xf32, #tpu.memory_space<hbm>> -> memref<8x64xf32, #tpu.memory_space<hbm>>
    tpu.wait_dma2 semaphore(%arg10 : memref<!tpu.dma_semaphore, #tpu.memory_space<semaphore_mem>>) src(%dma_wait3A_801 : memref<8x64xf32, #tpu.memory_space<hbm>>) dst(%dma_wait3A_797 : memref<8x64xf32, #tpu.memory_space<vmem>>)
    %dma_wait3A_802 = arith.constant 11 : i32
    %dma_wait3A_803 = arith.constant 0 : i32
    %dma_wait3A_804 = arith.constant 0 : i32
    %dma_wait3A_805 = tpu.memref_slice %arg8[%dma_wait3A_802, %dma_wait3A_803, %dma_wait3A_804] : memref<32x8x64xf32, #tpu.memory_space<vmem>> -> memref<1x8x64xf32, #tpu.memory_space<vmem>>
    %dma_wait3A_806 = tpu.memref_squeeze %dma_wait3A_805 : memref<1x8x64xf32, #tpu.memory_space<vmem>> -> memref<8x64xf32, #tpu.memory_space<vmem>>
    %dma_wait3A_807 = arith.constant 0 : i32
    %dma_wait3A_808 = arith.constant 0 : i32
    %dma_wait3A_809 = tpu.memref_slice %arg4[%squeeze3A_213, %dma_wait3A_807, %dma_wait3A_808] : memref<12500x8x64xf32, #tpu.memory_space<hbm>> -> memref<1x8x64xf32, #tpu.memory_space<hbm>>
    %dma_wait3A_810 = tpu.memref_squeeze %dma_wait3A_809 : memref<1x8x64xf32, #tpu.memory_space<hbm>> -> memref<8x64xf32, #tpu.memory_space<hbm>>
    %dma_wait3A_811 = arith.constant 0 : i32
    %dma_wait3A_812 = arith.constant 0 : i32
    %dma_wait3A_813 = tpu.memref_slice %arg8[%dma_wait3A_802, %dma_wait3A_811, %dma_wait3A_812] : memref<32x8x64xf32, #tpu.memory_space<vmem>> -> memref<1x8x64xf32, #tpu.memory_space<vmem>>
    %dma_wait3A_814 = tpu.memref_squeeze %dma_wait3A_813 : memref<1x8x64xf32, #tpu.memory_space<vmem>> -> memref<8x64xf32, #tpu.memory_space<vmem>>
    %dma_wait3A_815 = arith.constant 0 : i32
    %dma_wait3A_816 = arith.constant 0 : i32
    %dma_wait3A_817 = tpu.memref_slice %arg4[%squeeze3A_213, %dma_wait3A_815, %dma_wait3A_816] : memref<12500x8x64xf32, #tpu.memory_space<hbm>> -> memref<1x8x64xf32, #tpu.memory_space<hbm>>
    %dma_wait3A_818 = tpu.memref_squeeze %dma_wait3A_817 : memref<1x8x64xf32, #tpu.memory_space<hbm>> -> memref<8x64xf32, #tpu.memory_space<hbm>>
    tpu.wait_dma2 semaphore(%arg10 : memref<!tpu.dma_semaphore, #tpu.memory_space<semaphore_mem>>) src(%dma_wait3A_818 : memref<8x64xf32, #tpu.memory_space<hbm>>) dst(%dma_wait3A_814 : memref<8x64xf32, #tpu.memory_space<vmem>>)
    %dma_wait3A_819 = arith.constant 12 : i32
    %dma_wait3A_820 = arith.constant 0 : i32
    %dma_wait3A_821 = arith.constant 0 : i32
    %dma_wait3A_822 = tpu.memref_slice %arg8[%dma_wait3A_819, %dma_wait3A_820, %dma_wait3A_821] : memref<32x8x64xf32, #tpu.memory_space<vmem>> -> memref<1x8x64xf32, #tpu.memory_space<vmem>>
    %dma_wait3A_823 = tpu.memref_squeeze %dma_wait3A_822 : memref<1x8x64xf32, #tpu.memory_space<vmem>> -> memref<8x64xf32, #tpu.memory_space<vmem>>
    %dma_wait3A_824 = arith.constant 0 : i32
    %dma_wait3A_825 = arith.constant 0 : i32
    %dma_wait3A_826 = tpu.memref_slice %arg4[%squeeze3A_232, %dma_wait3A_824, %dma_wait3A_825] : memref<12500x8x64xf32, #tpu.memory_space<hbm>> -> memref<1x8x64xf32, #tpu.memory_space<hbm>>
    %dma_wait3A_827 = tpu.memref_squeeze %dma_wait3A_826 : memref<1x8x64xf32, #tpu.memory_space<hbm>> -> memref<8x64xf32, #tpu.memory_space<hbm>>
    %dma_wait3A_828 = arith.constant 0 : i32
    %dma_wait3A_829 = arith.constant 0 : i32
    %dma_wait3A_830 = tpu.memref_slice %arg8[%dma_wait3A_819, %dma_wait3A_828, %dma_wait3A_829] : memref<32x8x64xf32, #tpu.memory_space<vmem>> -> memref<1x8x64xf32, #tpu.memory_space<vmem>>
    %dma_wait3A_831 = tpu.memref_squeeze %dma_wait3A_830 : memref<1x8x64xf32, #tpu.memory_space<vmem>> -> memref<8x64xf32, #tpu.memory_space<vmem>>
    %dma_wait3A_832 = arith.constant 0 : i32
    %dma_wait3A_833 = arith.constant 0 : i32
    %dma_wait3A_834 = tpu.memref_slice %arg4[%squeeze3A_232, %dma_wait3A_832, %dma_wait3A_833] : memref<12500x8x64xf32, #tpu.memory_space<hbm>> -> memref<1x8x64xf32, #tpu.memory_space<hbm>>
    %dma_wait3A_835 = tpu.memref_squeeze %dma_wait3A_834 : memref<1x8x64xf32, #tpu.memory_space<hbm>> -> memref<8x64xf32, #tpu.memory_space<hbm>>
    tpu.wait_dma2 semaphore(%arg10 : memref<!tpu.dma_semaphore, #tpu.memory_space<semaphore_mem>>) src(%dma_wait3A_835 : memref<8x64xf32, #tpu.memory_space<hbm>>) dst(%dma_wait3A_831 : memref<8x64xf32, #tpu.memory_space<vmem>>)
    %dma_wait3A_836 = arith.constant 13 : i32
    %dma_wait3A_837 = arith.constant 0 : i32
    %dma_wait3A_838 = arith.constant 0 : i32
    %dma_wait3A_839 = tpu.memref_slice %arg8[%dma_wait3A_836, %dma_wait3A_837, %dma_wait3A_838] : memref<32x8x64xf32, #tpu.memory_space<vmem>> -> memref<1x8x64xf32, #tpu.memory_space<vmem>>
    %dma_wait3A_840 = tpu.memref_squeeze %dma_wait3A_839 : memref<1x8x64xf32, #tpu.memory_space<vmem>> -> memref<8x64xf32, #tpu.memory_space<vmem>>
    %dma_wait3A_841 = arith.constant 0 : i32
    %dma_wait3A_842 = arith.constant 0 : i32
    %dma_wait3A_843 = tpu.memref_slice %arg4[%squeeze3A_251, %dma_wait3A_841, %dma_wait3A_842] : memref<12500x8x64xf32, #tpu.memory_space<hbm>> -> memref<1x8x64xf32, #tpu.memory_space<hbm>>
    %dma_wait3A_844 = tpu.memref_squeeze %dma_wait3A_843 : memref<1x8x64xf32, #tpu.memory_space<hbm>> -> memref<8x64xf32, #tpu.memory_space<hbm>>
    %dma_wait3A_845 = arith.constant 0 : i32
    %dma_wait3A_846 = arith.constant 0 : i32
    %dma_wait3A_847 = tpu.memref_slice %arg8[%dma_wait3A_836, %dma_wait3A_845, %dma_wait3A_846] : memref<32x8x64xf32, #tpu.memory_space<vmem>> -> memref<1x8x64xf32, #tpu.memory_space<vmem>>
    %dma_wait3A_848 = tpu.memref_squeeze %dma_wait3A_847 : memref<1x8x64xf32, #tpu.memory_space<vmem>> -> memref<8x64xf32, #tpu.memory_space<vmem>>
    %dma_wait3A_849 = arith.constant 0 : i32
    %dma_wait3A_850 = arith.constant 0 : i32
    %dma_wait3A_851 = tpu.memref_slice %arg4[%squeeze3A_251, %dma_wait3A_849, %dma_wait3A_850] : memref<12500x8x64xf32, #tpu.memory_space<hbm>> -> memref<1x8x64xf32, #tpu.memory_space<hbm>>
    %dma_wait3A_852 = tpu.memref_squeeze %dma_wait3A_851 : memref<1x8x64xf32, #tpu.memory_space<hbm>> -> memref<8x64xf32, #tpu.memory_space<hbm>>
    tpu.wait_dma2 semaphore(%arg10 : memref<!tpu.dma_semaphore, #tpu.memory_space<semaphore_mem>>) src(%dma_wait3A_852 : memref<8x64xf32, #tpu.memory_space<hbm>>) dst(%dma_wait3A_848 : memref<8x64xf32, #tpu.memory_space<vmem>>)
    %dma_wait3A_853 = arith.constant 14 : i32
    %dma_wait3A_854 = arith.constant 0 : i32
    %dma_wait3A_855 = arith.constant 0 : i32
    %dma_wait3A_856 = tpu.memref_slice %arg8[%dma_wait3A_853, %dma_wait3A_854, %dma_wait3A_855] : memref<32x8x64xf32, #tpu.memory_space<vmem>> -> memref<1x8x64xf32, #tpu.memory_space<vmem>>
    %dma_wait3A_857 = tpu.memref_squeeze %dma_wait3A_856 : memref<1x8x64xf32, #tpu.memory_space<vmem>> -> memref<8x64xf32, #tpu.memory_space<vmem>>
    %dma_wait3A_858 = arith.constant 0 : i32
    %dma_wait3A_859 = arith.constant 0 : i32
    %dma_wait3A_860 = tpu.memref_slice %arg4[%squeeze3A_270, %dma_wait3A_858, %dma_wait3A_859] : memref<12500x8x64xf32, #tpu.memory_space<hbm>> -> memref<1x8x64xf32, #tpu.memory_space<hbm>>
    %dma_wait3A_861 = tpu.memref_squeeze %dma_wait3A_860 : memref<1x8x64xf32, #tpu.memory_space<hbm>> -> memref<8x64xf32, #tpu.memory_space<hbm>>
    %dma_wait3A_862 = arith.constant 0 : i32
    %dma_wait3A_863 = arith.constant 0 : i32
    %dma_wait3A_864 = tpu.memref_slice %arg8[%dma_wait3A_853, %dma_wait3A_862, %dma_wait3A_863] : memref<32x8x64xf32, #tpu.memory_space<vmem>> -> memref<1x8x64xf32, #tpu.memory_space<vmem>>
    %dma_wait3A_865 = tpu.memref_squeeze %dma_wait3A_864 : memref<1x8x64xf32, #tpu.memory_space<vmem>> -> memref<8x64xf32, #tpu.memory_space<vmem>>
    %dma_wait3A_866 = arith.constant 0 : i32
    %dma_wait3A_867 = arith.constant 0 : i32
    %dma_wait3A_868 = tpu.memref_slice %arg4[%squeeze3A_270, %dma_wait3A_866, %dma_wait3A_867] : memref<12500x8x64xf32, #tpu.memory_space<hbm>> -> memref<1x8x64xf32, #tpu.memory_space<hbm>>
    %dma_wait3A_869 = tpu.memref_squeeze %dma_wait3A_868 : memref<1x8x64xf32, #tpu.memory_space<hbm>> -> memref<8x64xf32, #tpu.memory_space<hbm>>
    tpu.wait_dma2 semaphore(%arg10 : memref<!tpu.dma_semaphore, #tpu.memory_space<semaphore_mem>>) src(%dma_wait3A_869 : memref<8x64xf32, #tpu.memory_space<hbm>>) dst(%dma_wait3A_865 : memref<8x64xf32, #tpu.memory_space<vmem>>)
    %dma_wait3A_870 = arith.constant 15 : i32
    %dma_wait3A_871 = arith.constant 0 : i32
    %dma_wait3A_872 = arith.constant 0 : i32
    %dma_wait3A_873 = tpu.memref_slice %arg8[%dma_wait3A_870, %dma_wait3A_871, %dma_wait3A_872] : memref<32x8x64xf32, #tpu.memory_space<vmem>> -> memref<1x8x64xf32, #tpu.memory_space<vmem>>
    %dma_wait3A_874 = tpu.memref_squeeze %dma_wait3A_873 : memref<1x8x64xf32, #tpu.memory_space<vmem>> -> memref<8x64xf32, #tpu.memory_space<vmem>>
    %dma_wait3A_875 = arith.constant 0 : i32
    %dma_wait3A_876 = arith.constant 0 : i32
    %dma_wait3A_877 = tpu.memref_slice %arg4[%squeeze3A_289, %dma_wait3A_875, %dma_wait3A_876] : memref<12500x8x64xf32, #tpu.memory_space<hbm>> -> memref<1x8x64xf32, #tpu.memory_space<hbm>>
    %dma_wait3A_878 = tpu.memref_squeeze %dma_wait3A_877 : memref<1x8x64xf32, #tpu.memory_space<hbm>> -> memref<8x64xf32, #tpu.memory_space<hbm>>
    %dma_wait3A_879 = arith.constant 0 : i32
    %dma_wait3A_880 = arith.constant 0 : i32
    %dma_wait3A_881 = tpu.memref_slice %arg8[%dma_wait3A_870, %dma_wait3A_879, %dma_wait3A_880] : memref<32x8x64xf32, #tpu.memory_space<vmem>> -> memref<1x8x64xf32, #tpu.memory_space<vmem>>
    %dma_wait3A_882 = tpu.memref_squeeze %dma_wait3A_881 : memref<1x8x64xf32, #tpu.memory_space<vmem>> -> memref<8x64xf32, #tpu.memory_space<vmem>>
    %dma_wait3A_883 = arith.constant 0 : i32
    %dma_wait3A_884 = arith.constant 0 : i32
    %dma_wait3A_885 = tpu.memref_slice %arg4[%squeeze3A_289, %dma_wait3A_883, %dma_wait3A_884] : memref<12500x8x64xf32, #tpu.memory_space<hbm>> -> memref<1x8x64xf32, #tpu.memory_space<hbm>>
    %dma_wait3A_886 = tpu.memref_squeeze %dma_wait3A_885 : memref<1x8x64xf32, #tpu.memory_space<hbm>> -> memref<8x64xf32, #tpu.memory_space<hbm>>
    tpu.wait_dma2 semaphore(%arg10 : memref<!tpu.dma_semaphore, #tpu.memory_space<semaphore_mem>>) src(%dma_wait3A_886 : memref<8x64xf32, #tpu.memory_space<hbm>>) dst(%dma_wait3A_882 : memref<8x64xf32, #tpu.memory_space<vmem>>)
    %dma_wait3A_887 = arith.constant 16 : i32
    %dma_wait3A_888 = arith.constant 0 : i32
    %dma_wait3A_889 = arith.constant 0 : i32
    %dma_wait3A_890 = tpu.memref_slice %arg8[%dma_wait3A_887, %dma_wait3A_888, %dma_wait3A_889] : memref<32x8x64xf32, #tpu.memory_space<vmem>> -> memref<1x8x64xf32, #tpu.memory_space<vmem>>
    %dma_wait3A_891 = tpu.memref_squeeze %dma_wait3A_890 : memref<1x8x64xf32, #tpu.memory_space<vmem>> -> memref<8x64xf32, #tpu.memory_space<vmem>>
    %dma_wait3A_892 = arith.constant 0 : i32
    %dma_wait3A_893 = arith.constant 0 : i32
    %dma_wait3A_894 = tpu.memref_slice %arg4[%squeeze3A_313, %dma_wait3A_892, %dma_wait3A_893] : memref<12500x8x64xf32, #tpu.memory_space<hbm>> -> memref<1x8x64xf32, #tpu.memory_space<hbm>>
    %dma_wait3A_895 = tpu.memref_squeeze %dma_wait3A_894 : memref<1x8x64xf32, #tpu.memory_space<hbm>> -> memref<8x64xf32, #tpu.memory_space<hbm>>
    %dma_wait3A_896 = arith.constant 0 : i32
    %dma_wait3A_897 = arith.constant 0 : i32
    %dma_wait3A_898 = tpu.memref_slice %arg8[%dma_wait3A_887, %dma_wait3A_896, %dma_wait3A_897] : memref<32x8x64xf32, #tpu.memory_space<vmem>> -> memref<1x8x64xf32, #tpu.memory_space<vmem>>
    %dma_wait3A_899 = tpu.memref_squeeze %dma_wait3A_898 : memref<1x8x64xf32, #tpu.memory_space<vmem>> -> memref<8x64xf32, #tpu.memory_space<vmem>>
    %dma_wait3A_900 = arith.constant 0 : i32
    %dma_wait3A_901 = arith.constant 0 : i32
    %dma_wait3A_902 = tpu.memref_slice %arg4[%squeeze3A_313, %dma_wait3A_900, %dma_wait3A_901] : memref<12500x8x64xf32, #tpu.memory_space<hbm>> -> memref<1x8x64xf32, #tpu.memory_space<hbm>>
    %dma_wait3A_903 = tpu.memref_squeeze %dma_wait3A_902 : memref<1x8x64xf32, #tpu.memory_space<hbm>> -> memref<8x64xf32, #tpu.memory_space<hbm>>
    tpu.wait_dma2 semaphore(%arg10 : memref<!tpu.dma_semaphore, #tpu.memory_space<semaphore_mem>>) src(%dma_wait3A_903 : memref<8x64xf32, #tpu.memory_space<hbm>>) dst(%dma_wait3A_899 : memref<8x64xf32, #tpu.memory_space<vmem>>)
    %dma_wait3A_904 = arith.constant 17 : i32
    %dma_wait3A_905 = arith.constant 0 : i32
    %dma_wait3A_906 = arith.constant 0 : i32
    %dma_wait3A_907 = tpu.memref_slice %arg8[%dma_wait3A_904, %dma_wait3A_905, %dma_wait3A_906] : memref<32x8x64xf32, #tpu.memory_space<vmem>> -> memref<1x8x64xf32, #tpu.memory_space<vmem>>
    %dma_wait3A_908 = tpu.memref_squeeze %dma_wait3A_907 : memref<1x8x64xf32, #tpu.memory_space<vmem>> -> memref<8x64xf32, #tpu.memory_space<vmem>>
    %dma_wait3A_909 = arith.constant 0 : i32
    %dma_wait3A_910 = arith.constant 0 : i32
    %dma_wait3A_911 = tpu.memref_slice %arg4[%squeeze3A_332, %dma_wait3A_909, %dma_wait3A_910] : memref<12500x8x64xf32, #tpu.memory_space<hbm>> -> memref<1x8x64xf32, #tpu.memory_space<hbm>>
    %dma_wait3A_912 = tpu.memref_squeeze %dma_wait3A_911 : memref<1x8x64xf32, #tpu.memory_space<hbm>> -> memref<8x64xf32, #tpu.memory_space<hbm>>
    %dma_wait3A_913 = arith.constant 0 : i32
    %dma_wait3A_914 = arith.constant 0 : i32
    %dma_wait3A_915 = tpu.memref_slice %arg8[%dma_wait3A_904, %dma_wait3A_913, %dma_wait3A_914] : memref<32x8x64xf32, #tpu.memory_space<vmem>> -> memref<1x8x64xf32, #tpu.memory_space<vmem>>
    %dma_wait3A_916 = tpu.memref_squeeze %dma_wait3A_915 : memref<1x8x64xf32, #tpu.memory_space<vmem>> -> memref<8x64xf32, #tpu.memory_space<vmem>>
    %dma_wait3A_917 = arith.constant 0 : i32
    %dma_wait3A_918 = arith.constant 0 : i32
    %dma_wait3A_919 = tpu.memref_slice %arg4[%squeeze3A_332, %dma_wait3A_917, %dma_wait3A_918] : memref<12500x8x64xf32, #tpu.memory_space<hbm>> -> memref<1x8x64xf32, #tpu.memory_space<hbm>>
    %dma_wait3A_920 = tpu.memref_squeeze %dma_wait3A_919 : memref<1x8x64xf32, #tpu.memory_space<hbm>> -> memref<8x64xf32, #tpu.memory_space<hbm>>
    tpu.wait_dma2 semaphore(%arg10 : memref<!tpu.dma_semaphore, #tpu.memory_space<semaphore_mem>>) src(%dma_wait3A_920 : memref<8x64xf32, #tpu.memory_space<hbm>>) dst(%dma_wait3A_916 : memref<8x64xf32, #tpu.memory_space<vmem>>)
    %dma_wait3A_921 = arith.constant 18 : i32
    %dma_wait3A_922 = arith.constant 0 : i32
    %dma_wait3A_923 = arith.constant 0 : i32
    %dma_wait3A_924 = tpu.memref_slice %arg8[%dma_wait3A_921, %dma_wait3A_922, %dma_wait3A_923] : memref<32x8x64xf32, #tpu.memory_space<vmem>> -> memref<1x8x64xf32, #tpu.memory_space<vmem>>
    %dma_wait3A_925 = tpu.memref_squeeze %dma_wait3A_924 : memref<1x8x64xf32, #tpu.memory_space<vmem>> -> memref<8x64xf32, #tpu.memory_space<vmem>>
    %dma_wait3A_926 = arith.constant 0 : i32
    %dma_wait3A_927 = arith.constant 0 : i32
    %dma_wait3A_928 = tpu.memref_slice %arg4[%squeeze3A_351, %dma_wait3A_926, %dma_wait3A_927] : memref<12500x8x64xf32, #tpu.memory_space<hbm>> -> memref<1x8x64xf32, #tpu.memory_space<hbm>>
    %dma_wait3A_929 = tpu.memref_squeeze %dma_wait3A_928 : memref<1x8x64xf32, #tpu.memory_space<hbm>> -> memref<8x64xf32, #tpu.memory_space<hbm>>
    %dma_wait3A_930 = arith.constant 0 : i32
    %dma_wait3A_931 = arith.constant 0 : i32
    %dma_wait3A_932 = tpu.memref_slice %arg8[%dma_wait3A_921, %dma_wait3A_930, %dma_wait3A_931] : memref<32x8x64xf32, #tpu.memory_space<vmem>> -> memref<1x8x64xf32, #tpu.memory_space<vmem>>
    %dma_wait3A_933 = tpu.memref_squeeze %dma_wait3A_932 : memref<1x8x64xf32, #tpu.memory_space<vmem>> -> memref<8x64xf32, #tpu.memory_space<vmem>>
    %dma_wait3A_934 = arith.constant 0 : i32
    %dma_wait3A_935 = arith.constant 0 : i32
    %dma_wait3A_936 = tpu.memref_slice %arg4[%squeeze3A_351, %dma_wait3A_934, %dma_wait3A_935] : memref<12500x8x64xf32, #tpu.memory_space<hbm>> -> memref<1x8x64xf32, #tpu.memory_space<hbm>>
    %dma_wait3A_937 = tpu.memref_squeeze %dma_wait3A_936 : memref<1x8x64xf32, #tpu.memory_space<hbm>> -> memref<8x64xf32, #tpu.memory_space<hbm>>
    tpu.wait_dma2 semaphore(%arg10 : memref<!tpu.dma_semaphore, #tpu.memory_space<semaphore_mem>>) src(%dma_wait3A_937 : memref<8x64xf32, #tpu.memory_space<hbm>>) dst(%dma_wait3A_933 : memref<8x64xf32, #tpu.memory_space<vmem>>)
    %dma_wait3A_938 = arith.constant 19 : i32
    %dma_wait3A_939 = arith.constant 0 : i32
    %dma_wait3A_940 = arith.constant 0 : i32
    %dma_wait3A_941 = tpu.memref_slice %arg8[%dma_wait3A_938, %dma_wait3A_939, %dma_wait3A_940] : memref<32x8x64xf32, #tpu.memory_space<vmem>> -> memref<1x8x64xf32, #tpu.memory_space<vmem>>
    %dma_wait3A_942 = tpu.memref_squeeze %dma_wait3A_941 : memref<1x8x64xf32, #tpu.memory_space<vmem>> -> memref<8x64xf32, #tpu.memory_space<vmem>>
    %dma_wait3A_943 = arith.constant 0 : i32
    %dma_wait3A_944 = arith.constant 0 : i32
    %dma_wait3A_945 = tpu.memref_slice %arg4[%squeeze3A_370, %dma_wait3A_943, %dma_wait3A_944] : memref<12500x8x64xf32, #tpu.memory_space<hbm>> -> memref<1x8x64xf32, #tpu.memory_space<hbm>>
    %dma_wait3A_946 = tpu.memref_squeeze %dma_wait3A_945 : memref<1x8x64xf32, #tpu.memory_space<hbm>> -> memref<8x64xf32, #tpu.memory_space<hbm>>
    %dma_wait3A_947 = arith.constant 0 : i32
    %dma_wait3A_948 = arith.constant 0 : i32
    %dma_wait3A_949 = tpu.memref_slice %arg8[%dma_wait3A_938, %dma_wait3A_947, %dma_wait3A_948] : memref<32x8x64xf32, #tpu.memory_space<vmem>> -> memref<1x8x64xf32, #tpu.memory_space<vmem>>
    %dma_wait3A_950 = tpu.memref_squeeze %dma_wait3A_949 : memref<1x8x64xf32, #tpu.memory_space<vmem>> -> memref<8x64xf32, #tpu.memory_space<vmem>>
    %dma_wait3A_951 = arith.constant 0 : i32
    %dma_wait3A_952 = arith.constant 0 : i32
    %dma_wait3A_953 = tpu.memref_slice %arg4[%squeeze3A_370, %dma_wait3A_951, %dma_wait3A_952] : memref<12500x8x64xf32, #tpu.memory_space<hbm>> -> memref<1x8x64xf32, #tpu.memory_space<hbm>>
    %dma_wait3A_954 = tpu.memref_squeeze %dma_wait3A_953 : memref<1x8x64xf32, #tpu.memory_space<hbm>> -> memref<8x64xf32, #tpu.memory_space<hbm>>
    tpu.wait_dma2 semaphore(%arg10 : memref<!tpu.dma_semaphore, #tpu.memory_space<semaphore_mem>>) src(%dma_wait3A_954 : memref<8x64xf32, #tpu.memory_space<hbm>>) dst(%dma_wait3A_950 : memref<8x64xf32, #tpu.memory_space<vmem>>)
    %dma_wait3A_955 = arith.constant 20 : i32
    %dma_wait3A_956 = arith.constant 0 : i32
    %dma_wait3A_957 = arith.constant 0 : i32
    %dma_wait3A_958 = tpu.memref_slice %arg8[%dma_wait3A_955, %dma_wait3A_956, %dma_wait3A_957] : memref<32x8x64xf32, #tpu.memory_space<vmem>> -> memref<1x8x64xf32, #tpu.memory_space<vmem>>
    %dma_wait3A_959 = tpu.memref_squeeze %dma_wait3A_958 : memref<1x8x64xf32, #tpu.memory_space<vmem>> -> memref<8x64xf32, #tpu.memory_space<vmem>>
    %dma_wait3A_960 = arith.constant 0 : i32
    %dma_wait3A_961 = arith.constant 0 : i32
    %dma_wait3A_962 = tpu.memref_slice %arg4[%squeeze3A_389, %dma_wait3A_960, %dma_wait3A_961] : memref<12500x8x64xf32, #tpu.memory_space<hbm>> -> memref<1x8x64xf32, #tpu.memory_space<hbm>>
    %dma_wait3A_963 = tpu.memref_squeeze %dma_wait3A_962 : memref<1x8x64xf32, #tpu.memory_space<hbm>> -> memref<8x64xf32, #tpu.memory_space<hbm>>
    %dma_wait3A_964 = arith.constant 0 : i32
    %dma_wait3A_965 = arith.constant 0 : i32
    %dma_wait3A_966 = tpu.memref_slice %arg8[%dma_wait3A_955, %dma_wait3A_964, %dma_wait3A_965] : memref<32x8x64xf32, #tpu.memory_space<vmem>> -> memref<1x8x64xf32, #tpu.memory_space<vmem>>
    %dma_wait3A_967 = tpu.memref_squeeze %dma_wait3A_966 : memref<1x8x64xf32, #tpu.memory_space<vmem>> -> memref<8x64xf32, #tpu.memory_space<vmem>>
    %dma_wait3A_968 = arith.constant 0 : i32
    %dma_wait3A_969 = arith.constant 0 : i32
    %dma_wait3A_970 = tpu.memref_slice %arg4[%squeeze3A_389, %dma_wait3A_968, %dma_wait3A_969] : memref<12500x8x64xf32, #tpu.memory_space<hbm>> -> memref<1x8x64xf32, #tpu.memory_space<hbm>>
    %dma_wait3A_971 = tpu.memref_squeeze %dma_wait3A_970 : memref<1x8x64xf32, #tpu.memory_space<hbm>> -> memref<8x64xf32, #tpu.memory_space<hbm>>
    tpu.wait_dma2 semaphore(%arg10 : memref<!tpu.dma_semaphore, #tpu.memory_space<semaphore_mem>>) src(%dma_wait3A_971 : memref<8x64xf32, #tpu.memory_space<hbm>>) dst(%dma_wait3A_967 : memref<8x64xf32, #tpu.memory_space<vmem>>)
    %dma_wait3A_972 = arith.constant 21 : i32
    %dma_wait3A_973 = arith.constant 0 : i32
    %dma_wait3A_974 = arith.constant 0 : i32
    %dma_wait3A_975 = tpu.memref_slice %arg8[%dma_wait3A_972, %dma_wait3A_973, %dma_wait3A_974] : memref<32x8x64xf32, #tpu.memory_space<vmem>> -> memref<1x8x64xf32, #tpu.memory_space<vmem>>
    %dma_wait3A_976 = tpu.memref_squeeze %dma_wait3A_975 : memref<1x8x64xf32, #tpu.memory_space<vmem>> -> memref<8x64xf32, #tpu.memory_space<vmem>>
    %dma_wait3A_977 = arith.constant 0 : i32
    %dma_wait3A_978 = arith.constant 0 : i32
    %dma_wait3A_979 = tpu.memref_slice %arg4[%squeeze3A_408, %dma_wait3A_977, %dma_wait3A_978] : memref<12500x8x64xf32, #tpu.memory_space<hbm>> -> memref<1x8x64xf32, #tpu.memory_space<hbm>>
    %dma_wait3A_980 = tpu.memref_squeeze %dma_wait3A_979 : memref<1x8x64xf32, #tpu.memory_space<hbm>> -> memref<8x64xf32, #tpu.memory_space<hbm>>
    %dma_wait3A_981 = arith.constant 0 : i32
    %dma_wait3A_982 = arith.constant 0 : i32
    %dma_wait3A_983 = tpu.memref_slice %arg8[%dma_wait3A_972, %dma_wait3A_981, %dma_wait3A_982] : memref<32x8x64xf32, #tpu.memory_space<vmem>> -> memref<1x8x64xf32, #tpu.memory_space<vmem>>
    %dma_wait3A_984 = tpu.memref_squeeze %dma_wait3A_983 : memref<1x8x64xf32, #tpu.memory_space<vmem>> -> memref<8x64xf32, #tpu.memory_space<vmem>>
    %dma_wait3A_985 = arith.constant 0 : i32
    %dma_wait3A_986 = arith.constant 0 : i32
    %dma_wait3A_987 = tpu.memref_slice %arg4[%squeeze3A_408, %dma_wait3A_985, %dma_wait3A_986] : memref<12500x8x64xf32, #tpu.memory_space<hbm>> -> memref<1x8x64xf32, #tpu.memory_space<hbm>>
    %dma_wait3A_988 = tpu.memref_squeeze %dma_wait3A_987 : memref<1x8x64xf32, #tpu.memory_space<hbm>> -> memref<8x64xf32, #tpu.memory_space<hbm>>
    tpu.wait_dma2 semaphore(%arg10 : memref<!tpu.dma_semaphore, #tpu.memory_space<semaphore_mem>>) src(%dma_wait3A_988 : memref<8x64xf32, #tpu.memory_space<hbm>>) dst(%dma_wait3A_984 : memref<8x64xf32, #tpu.memory_space<vmem>>)
    %dma_wait3A_989 = arith.constant 22 : i32
    %dma_wait3A_990 = arith.constant 0 : i32
    %dma_wait3A_991 = arith.constant 0 : i32
    %dma_wait3A_992 = tpu.memref_slice %arg8[%dma_wait3A_989, %dma_wait3A_990, %dma_wait3A_991] : memref<32x8x64xf32, #tpu.memory_space<vmem>> -> memref<1x8x64xf32, #tpu.memory_space<vmem>>
    %dma_wait3A_993 = tpu.memref_squeeze %dma_wait3A_992 : memref<1x8x64xf32, #tpu.memory_space<vmem>> -> memref<8x64xf32, #tpu.memory_space<vmem>>
    %dma_wait3A_994 = arith.constant 0 : i32
    %dma_wait3A_995 = arith.constant 0 : i32
    %dma_wait3A_996 = tpu.memref_slice %arg4[%squeeze3A_427, %dma_wait3A_994, %dma_wait3A_995] : memref<12500x8x64xf32, #tpu.memory_space<hbm>> -> memref<1x8x64xf32, #tpu.memory_space<hbm>>
    %dma_wait3A_997 = tpu.memref_squeeze %dma_wait3A_996 : memref<1x8x64xf32, #tpu.memory_space<hbm>> -> memref<8x64xf32, #tpu.memory_space<hbm>>
    %dma_wait3A_998 = arith.constant 0 : i32
    %dma_wait3A_999 = arith.constant 0 : i32
    %dma_wait3A_1000 = tpu.memref_slice %arg8[%dma_wait3A_989, %dma_wait3A_998, %dma_wait3A_999] : memref<32x8x64xf32, #tpu.memory_space<vmem>> -> memref<1x8x64xf32, #tpu.memory_space<vmem>>
    %dma_wait3A_1001 = tpu.memref_squeeze %dma_wait3A_1000 : memref<1x8x64xf32, #tpu.memory_space<vmem>> -> memref<8x64xf32, #tpu.memory_space<vmem>>
    %dma_wait3A_1002 = arith.constant 0 : i32
    %dma_wait3A_1003 = arith.constant 0 : i32
    %dma_wait3A_1004 = tpu.memref_slice %arg4[%squeeze3A_427, %dma_wait3A_1002, %dma_wait3A_1003] : memref<12500x8x64xf32, #tpu.memory_space<hbm>> -> memref<1x8x64xf32, #tpu.memory_space<hbm>>
    %dma_wait3A_1005 = tpu.memref_squeeze %dma_wait3A_1004 : memref<1x8x64xf32, #tpu.memory_space<hbm>> -> memref<8x64xf32, #tpu.memory_space<hbm>>
    tpu.wait_dma2 semaphore(%arg10 : memref<!tpu.dma_semaphore, #tpu.memory_space<semaphore_mem>>) src(%dma_wait3A_1005 : memref<8x64xf32, #tpu.memory_space<hbm>>) dst(%dma_wait3A_1001 : memref<8x64xf32, #tpu.memory_space<vmem>>)
    %dma_wait3A_1006 = arith.constant 23 : i32
    %dma_wait3A_1007 = arith.constant 0 : i32
    %dma_wait3A_1008 = arith.constant 0 : i32
    %dma_wait3A_1009 = tpu.memref_slice %arg8[%dma_wait3A_1006, %dma_wait3A_1007, %dma_wait3A_1008] : memref<32x8x64xf32, #tpu.memory_space<vmem>> -> memref<1x8x64xf32, #tpu.memory_space<vmem>>
    %dma_wait3A_1010 = tpu.memref_squeeze %dma_wait3A_1009 : memref<1x8x64xf32, #tpu.memory_space<vmem>> -> memref<8x64xf32, #tpu.memory_space<vmem>>
    %dma_wait3A_1011 = arith.constant 0 : i32
    %dma_wait3A_1012 = arith.constant 0 : i32
    %dma_wait3A_1013 = tpu.memref_slice %arg4[%squeeze3A_446, %dma_wait3A_1011, %dma_wait3A_1012] : memref<12500x8x64xf32, #tpu.memory_space<hbm>> -> memref<1x8x64xf32, #tpu.memory_space<hbm>>
    %dma_wait3A_1014 = tpu.memref_squeeze %dma_wait3A_1013 : memref<1x8x64xf32, #tpu.memory_space<hbm>> -> memref<8x64xf32, #tpu.memory_space<hbm>>
    %dma_wait3A_1015 = arith.constant 0 : i32
    %dma_wait3A_1016 = arith.constant 0 : i32
    %dma_wait3A_1017 = tpu.memref_slice %arg8[%dma_wait3A_1006, %dma_wait3A_1015, %dma_wait3A_1016] : memref<32x8x64xf32, #tpu.memory_space<vmem>> -> memref<1x8x64xf32, #tpu.memory_space<vmem>>
    %dma_wait3A_1018 = tpu.memref_squeeze %dma_wait3A_1017 : memref<1x8x64xf32, #tpu.memory_space<vmem>> -> memref<8x64xf32, #tpu.memory_space<vmem>>
    %dma_wait3A_1019 = arith.constant 0 : i32
    %dma_wait3A_1020 = arith.constant 0 : i32
    %dma_wait3A_1021 = tpu.memref_slice %arg4[%squeeze3A_446, %dma_wait3A_1019, %dma_wait3A_1020] : memref<12500x8x64xf32, #tpu.memory_space<hbm>> -> memref<1x8x64xf32, #tpu.memory_space<hbm>>
    %dma_wait3A_1022 = tpu.memref_squeeze %dma_wait3A_1021 : memref<1x8x64xf32, #tpu.memory_space<hbm>> -> memref<8x64xf32, #tpu.memory_space<hbm>>
    tpu.wait_dma2 semaphore(%arg10 : memref<!tpu.dma_semaphore, #tpu.memory_space<semaphore_mem>>) src(%dma_wait3A_1022 : memref<8x64xf32, #tpu.memory_space<hbm>>) dst(%dma_wait3A_1018 : memref<8x64xf32, #tpu.memory_space<vmem>>)
    %dma_wait3A_1023 = arith.constant 24 : i32
    %dma_wait3A_1024 = arith.constant 0 : i32
    %dma_wait3A_1025 = arith.constant 0 : i32
    %dma_wait3A_1026 = tpu.memref_slice %arg8[%dma_wait3A_1023, %dma_wait3A_1024, %dma_wait3A_1025] : memref<32x8x64xf32, #tpu.memory_space<vmem>> -> memref<1x8x64xf32, #tpu.memory_space<vmem>>
    %dma_wait3A_1027 = tpu.memref_squeeze %dma_wait3A_1026 : memref<1x8x64xf32, #tpu.memory_space<vmem>> -> memref<8x64xf32, #tpu.memory_space<vmem>>
    %dma_wait3A_1028 = arith.constant 0 : i32
    %dma_wait3A_1029 = arith.constant 0 : i32
    %dma_wait3A_1030 = tpu.memref_slice %arg4[%squeeze3A_465, %dma_wait3A_1028, %dma_wait3A_1029] : memref<12500x8x64xf32, #tpu.memory_space<hbm>> -> memref<1x8x64xf32, #tpu.memory_space<hbm>>
    %dma_wait3A_1031 = tpu.memref_squeeze %dma_wait3A_1030 : memref<1x8x64xf32, #tpu.memory_space<hbm>> -> memref<8x64xf32, #tpu.memory_space<hbm>>
    %dma_wait3A_1032 = arith.constant 0 : i32
    %dma_wait3A_1033 = arith.constant 0 : i32
    %dma_wait3A_1034 = tpu.memref_slice %arg8[%dma_wait3A_1023, %dma_wait3A_1032, %dma_wait3A_1033] : memref<32x8x64xf32, #tpu.memory_space<vmem>> -> memref<1x8x64xf32, #tpu.memory_space<vmem>>
    %dma_wait3A_1035 = tpu.memref_squeeze %dma_wait3A_1034 : memref<1x8x64xf32, #tpu.memory_space<vmem>> -> memref<8x64xf32, #tpu.memory_space<vmem>>
    %dma_wait3A_1036 = arith.constant 0 : i32
    %dma_wait3A_1037 = arith.constant 0 : i32
    %dma_wait3A_1038 = tpu.memref_slice %arg4[%squeeze3A_465, %dma_wait3A_1036, %dma_wait3A_1037] : memref<12500x8x64xf32, #tpu.memory_space<hbm>> -> memref<1x8x64xf32, #tpu.memory_space<hbm>>
    %dma_wait3A_1039 = tpu.memref_squeeze %dma_wait3A_1038 : memref<1x8x64xf32, #tpu.memory_space<hbm>> -> memref<8x64xf32, #tpu.memory_space<hbm>>
    tpu.wait_dma2 semaphore(%arg10 : memref<!tpu.dma_semaphore, #tpu.memory_space<semaphore_mem>>) src(%dma_wait3A_1039 : memref<8x64xf32, #tpu.memory_space<hbm>>) dst(%dma_wait3A_1035 : memref<8x64xf32, #tpu.memory_space<vmem>>)
    %dma_wait3A_1040 = arith.constant 25 : i32
    %dma_wait3A_1041 = arith.constant 0 : i32
    %dma_wait3A_1042 = arith.constant 0 : i32
    %dma_wait3A_1043 = tpu.memref_slice %arg8[%dma_wait3A_1040, %dma_wait3A_1041, %dma_wait3A_1042] : memref<32x8x64xf32, #tpu.memory_space<vmem>> -> memref<1x8x64xf32, #tpu.memory_space<vmem>>
    %dma_wait3A_1044 = tpu.memref_squeeze %dma_wait3A_1043 : memref<1x8x64xf32, #tpu.memory_space<vmem>> -> memref<8x64xf32, #tpu.memory_space<vmem>>
    %dma_wait3A_1045 = arith.constant 0 : i32
    %dma_wait3A_1046 = arith.constant 0 : i32
    %dma_wait3A_1047 = tpu.memref_slice %arg4[%squeeze3A_484, %dma_wait3A_1045, %dma_wait3A_1046] : memref<12500x8x64xf32, #tpu.memory_space<hbm>> -> memref<1x8x64xf32, #tpu.memory_space<hbm>>
    %dma_wait3A_1048 = tpu.memref_squeeze %dma_wait3A_1047 : memref<1x8x64xf32, #tpu.memory_space<hbm>> -> memref<8x64xf32, #tpu.memory_space<hbm>>
    %dma_wait3A_1049 = arith.constant 0 : i32
    %dma_wait3A_1050 = arith.constant 0 : i32
    %dma_wait3A_1051 = tpu.memref_slice %arg8[%dma_wait3A_1040, %dma_wait3A_1049, %dma_wait3A_1050] : memref<32x8x64xf32, #tpu.memory_space<vmem>> -> memref<1x8x64xf32, #tpu.memory_space<vmem>>
    %dma_wait3A_1052 = tpu.memref_squeeze %dma_wait3A_1051 : memref<1x8x64xf32, #tpu.memory_space<vmem>> -> memref<8x64xf32, #tpu.memory_space<vmem>>
    %dma_wait3A_1053 = arith.constant 0 : i32
    %dma_wait3A_1054 = arith.constant 0 : i32
    %dma_wait3A_1055 = tpu.memref_slice %arg4[%squeeze3A_484, %dma_wait3A_1053, %dma_wait3A_1054] : memref<12500x8x64xf32, #tpu.memory_space<hbm>> -> memref<1x8x64xf32, #tpu.memory_space<hbm>>
    %dma_wait3A_1056 = tpu.memref_squeeze %dma_wait3A_1055 : memref<1x8x64xf32, #tpu.memory_space<hbm>> -> memref<8x64xf32, #tpu.memory_space<hbm>>
    tpu.wait_dma2 semaphore(%arg10 : memref<!tpu.dma_semaphore, #tpu.memory_space<semaphore_mem>>) src(%dma_wait3A_1056 : memref<8x64xf32, #tpu.memory_space<hbm>>) dst(%dma_wait3A_1052 : memref<8x64xf32, #tpu.memory_space<vmem>>)
    %dma_wait3A_1057 = arith.constant 26 : i32
    %dma_wait3A_1058 = arith.constant 0 : i32
    %dma_wait3A_1059 = arith.constant 0 : i32
    %dma_wait3A_1060 = tpu.memref_slice %arg8[%dma_wait3A_1057, %dma_wait3A_1058, %dma_wait3A_1059] : memref<32x8x64xf32, #tpu.memory_space<vmem>> -> memref<1x8x64xf32, #tpu.memory_space<vmem>>
    %dma_wait3A_1061 = tpu.memref_squeeze %dma_wait3A_1060 : memref<1x8x64xf32, #tpu.memory_space<vmem>> -> memref<8x64xf32, #tpu.memory_space<vmem>>
    %dma_wait3A_1062 = arith.constant 0 : i32
    %dma_wait3A_1063 = arith.constant 0 : i32
    %dma_wait3A_1064 = tpu.memref_slice %arg4[%squeeze3A_503, %dma_wait3A_1062, %dma_wait3A_1063] : memref<12500x8x64xf32, #tpu.memory_space<hbm>> -> memref<1x8x64xf32, #tpu.memory_space<hbm>>
    %dma_wait3A_1065 = tpu.memref_squeeze %dma_wait3A_1064 : memref<1x8x64xf32, #tpu.memory_space<hbm>> -> memref<8x64xf32, #tpu.memory_space<hbm>>
    %dma_wait3A_1066 = arith.constant 0 : i32
    %dma_wait3A_1067 = arith.constant 0 : i32
    %dma_wait3A_1068 = tpu.memref_slice %arg8[%dma_wait3A_1057, %dma_wait3A_1066, %dma_wait3A_1067] : memref<32x8x64xf32, #tpu.memory_space<vmem>> -> memref<1x8x64xf32, #tpu.memory_space<vmem>>
    %dma_wait3A_1069 = tpu.memref_squeeze %dma_wait3A_1068 : memref<1x8x64xf32, #tpu.memory_space<vmem>> -> memref<8x64xf32, #tpu.memory_space<vmem>>
    %dma_wait3A_1070 = arith.constant 0 : i32
    %dma_wait3A_1071 = arith.constant 0 : i32
    %dma_wait3A_1072 = tpu.memref_slice %arg4[%squeeze3A_503, %dma_wait3A_1070, %dma_wait3A_1071] : memref<12500x8x64xf32, #tpu.memory_space<hbm>> -> memref<1x8x64xf32, #tpu.memory_space<hbm>>
    %dma_wait3A_1073 = tpu.memref_squeeze %dma_wait3A_1072 : memref<1x8x64xf32, #tpu.memory_space<hbm>> -> memref<8x64xf32, #tpu.memory_space<hbm>>
    tpu.wait_dma2 semaphore(%arg10 : memref<!tpu.dma_semaphore, #tpu.memory_space<semaphore_mem>>) src(%dma_wait3A_1073 : memref<8x64xf32, #tpu.memory_space<hbm>>) dst(%dma_wait3A_1069 : memref<8x64xf32, #tpu.memory_space<vmem>>)
    %dma_wait3A_1074 = arith.constant 27 : i32
    %dma_wait3A_1075 = arith.constant 0 : i32
    %dma_wait3A_1076 = arith.constant 0 : i32
    %dma_wait3A_1077 = tpu.memref_slice %arg8[%dma_wait3A_1074, %dma_wait3A_1075, %dma_wait3A_1076] : memref<32x8x64xf32, #tpu.memory_space<vmem>> -> memref<1x8x64xf32, #tpu.memory_space<vmem>>
    %dma_wait3A_1078 = tpu.memref_squeeze %dma_wait3A_1077 : memref<1x8x64xf32, #tpu.memory_space<vmem>> -> memref<8x64xf32, #tpu.memory_space<vmem>>
    %dma_wait3A_1079 = arith.constant 0 : i32
    %dma_wait3A_1080 = arith.constant 0 : i32
    %dma_wait3A_1081 = tpu.memref_slice %arg4[%squeeze3A_522, %dma_wait3A_1079, %dma_wait3A_1080] : memref<12500x8x64xf32, #tpu.memory_space<hbm>> -> memref<1x8x64xf32, #tpu.memory_space<hbm>>
    %dma_wait3A_1082 = tpu.memref_squeeze %dma_wait3A_1081 : memref<1x8x64xf32, #tpu.memory_space<hbm>> -> memref<8x64xf32, #tpu.memory_space<hbm>>
    %dma_wait3A_1083 = arith.constant 0 : i32
    %dma_wait3A_1084 = arith.constant 0 : i32
    %dma_wait3A_1085 = tpu.memref_slice %arg8[%dma_wait3A_1074, %dma_wait3A_1083, %dma_wait3A_1084] : memref<32x8x64xf32, #tpu.memory_space<vmem>> -> memref<1x8x64xf32, #tpu.memory_space<vmem>>
    %dma_wait3A_1086 = tpu.memref_squeeze %dma_wait3A_1085 : memref<1x8x64xf32, #tpu.memory_space<vmem>> -> memref<8x64xf32, #tpu.memory_space<vmem>>
    %dma_wait3A_1087 = arith.constant 0 : i32
    %dma_wait3A_1088 = arith.constant 0 : i32
    %dma_wait3A_1089 = tpu.memref_slice %arg4[%squeeze3A_522, %dma_wait3A_1087, %dma_wait3A_1088] : memref<12500x8x64xf32, #tpu.memory_space<hbm>> -> memref<1x8x64xf32, #tpu.memory_space<hbm>>
    %dma_wait3A_1090 = tpu.memref_squeeze %dma_wait3A_1089 : memref<1x8x64xf32, #tpu.memory_space<hbm>> -> memref<8x64xf32, #tpu.memory_space<hbm>>
    tpu.wait_dma2 semaphore(%arg10 : memref<!tpu.dma_semaphore, #tpu.memory_space<semaphore_mem>>) src(%dma_wait3A_1090 : memref<8x64xf32, #tpu.memory_space<hbm>>) dst(%dma_wait3A_1086 : memref<8x64xf32, #tpu.memory_space<vmem>>)
    %dma_wait3A_1091 = arith.constant 28 : i32
    %dma_wait3A_1092 = arith.constant 0 : i32
    %dma_wait3A_1093 = arith.constant 0 : i32
    %dma_wait3A_1094 = tpu.memref_slice %arg8[%dma_wait3A_1091, %dma_wait3A_1092, %dma_wait3A_1093] : memref<32x8x64xf32, #tpu.memory_space<vmem>> -> memref<1x8x64xf32, #tpu.memory_space<vmem>>
    %dma_wait3A_1095 = tpu.memref_squeeze %dma_wait3A_1094 : memref<1x8x64xf32, #tpu.memory_space<vmem>> -> memref<8x64xf32, #tpu.memory_space<vmem>>
    %dma_wait3A_1096 = arith.constant 0 : i32
    %dma_wait3A_1097 = arith.constant 0 : i32
    %dma_wait3A_1098 = tpu.memref_slice %arg4[%squeeze3A_541, %dma_wait3A_1096, %dma_wait3A_1097] : memref<12500x8x64xf32, #tpu.memory_space<hbm>> -> memref<1x8x64xf32, #tpu.memory_space<hbm>>
    %dma_wait3A_1099 = tpu.memref_squeeze %dma_wait3A_1098 : memref<1x8x64xf32, #tpu.memory_space<hbm>> -> memref<8x64xf32, #tpu.memory_space<hbm>>
    %dma_wait3A_1100 = arith.constant 0 : i32
    %dma_wait3A_1101 = arith.constant 0 : i32
    %dma_wait3A_1102 = tpu.memref_slice %arg8[%dma_wait3A_1091, %dma_wait3A_1100, %dma_wait3A_1101] : memref<32x8x64xf32, #tpu.memory_space<vmem>> -> memref<1x8x64xf32, #tpu.memory_space<vmem>>
    %dma_wait3A_1103 = tpu.memref_squeeze %dma_wait3A_1102 : memref<1x8x64xf32, #tpu.memory_space<vmem>> -> memref<8x64xf32, #tpu.memory_space<vmem>>
    %dma_wait3A_1104 = arith.constant 0 : i32
    %dma_wait3A_1105 = arith.constant 0 : i32
    %dma_wait3A_1106 = tpu.memref_slice %arg4[%squeeze3A_541, %dma_wait3A_1104, %dma_wait3A_1105] : memref<12500x8x64xf32, #tpu.memory_space<hbm>> -> memref<1x8x64xf32, #tpu.memory_space<hbm>>
    %dma_wait3A_1107 = tpu.memref_squeeze %dma_wait3A_1106 : memref<1x8x64xf32, #tpu.memory_space<hbm>> -> memref<8x64xf32, #tpu.memory_space<hbm>>
    tpu.wait_dma2 semaphore(%arg10 : memref<!tpu.dma_semaphore, #tpu.memory_space<semaphore_mem>>) src(%dma_wait3A_1107 : memref<8x64xf32, #tpu.memory_space<hbm>>) dst(%dma_wait3A_1103 : memref<8x64xf32, #tpu.memory_space<vmem>>)
    %dma_wait3A_1108 = arith.constant 29 : i32
    %dma_wait3A_1109 = arith.constant 0 : i32
    %dma_wait3A_1110 = arith.constant 0 : i32
    %dma_wait3A_1111 = tpu.memref_slice %arg8[%dma_wait3A_1108, %dma_wait3A_1109, %dma_wait3A_1110] : memref<32x8x64xf32, #tpu.memory_space<vmem>> -> memref<1x8x64xf32, #tpu.memory_space<vmem>>
    %dma_wait3A_1112 = tpu.memref_squeeze %dma_wait3A_1111 : memref<1x8x64xf32, #tpu.memory_space<vmem>> -> memref<8x64xf32, #tpu.memory_space<vmem>>
    %dma_wait3A_1113 = arith.constant 0 : i32
    %dma_wait3A_1114 = arith.constant 0 : i32
    %dma_wait3A_1115 = tpu.memref_slice %arg4[%squeeze3A_560, %dma_wait3A_1113, %dma_wait3A_1114] : memref<12500x8x64xf32, #tpu.memory_space<hbm>> -> memref<1x8x64xf32, #tpu.memory_space<hbm>>
    %dma_wait3A_1116 = tpu.memref_squeeze %dma_wait3A_1115 : memref<1x8x64xf32, #tpu.memory_space<hbm>> -> memref<8x64xf32, #tpu.memory_space<hbm>>
    %dma_wait3A_1117 = arith.constant 0 : i32
    %dma_wait3A_1118 = arith.constant 0 : i32
    %dma_wait3A_1119 = tpu.memref_slice %arg8[%dma_wait3A_1108, %dma_wait3A_1117, %dma_wait3A_1118] : memref<32x8x64xf32, #tpu.memory_space<vmem>> -> memref<1x8x64xf32, #tpu.memory_space<vmem>>
    %dma_wait3A_1120 = tpu.memref_squeeze %dma_wait3A_1119 : memref<1x8x64xf32, #tpu.memory_space<vmem>> -> memref<8x64xf32, #tpu.memory_space<vmem>>
    %dma_wait3A_1121 = arith.constant 0 : i32
    %dma_wait3A_1122 = arith.constant 0 : i32
    %dma_wait3A_1123 = tpu.memref_slice %arg4[%squeeze3A_560, %dma_wait3A_1121, %dma_wait3A_1122] : memref<12500x8x64xf32, #tpu.memory_space<hbm>> -> memref<1x8x64xf32, #tpu.memory_space<hbm>>
    %dma_wait3A_1124 = tpu.memref_squeeze %dma_wait3A_1123 : memref<1x8x64xf32, #tpu.memory_space<hbm>> -> memref<8x64xf32, #tpu.memory_space<hbm>>
    tpu.wait_dma2 semaphore(%arg10 : memref<!tpu.dma_semaphore, #tpu.memory_space<semaphore_mem>>) src(%dma_wait3A_1124 : memref<8x64xf32, #tpu.memory_space<hbm>>) dst(%dma_wait3A_1120 : memref<8x64xf32, #tpu.memory_space<vmem>>)
    %dma_wait3A_1125 = arith.constant 30 : i32
    %dma_wait3A_1126 = arith.constant 0 : i32
    %dma_wait3A_1127 = arith.constant 0 : i32
    %dma_wait3A_1128 = tpu.memref_slice %arg8[%dma_wait3A_1125, %dma_wait3A_1126, %dma_wait3A_1127] : memref<32x8x64xf32, #tpu.memory_space<vmem>> -> memref<1x8x64xf32, #tpu.memory_space<vmem>>
    %dma_wait3A_1129 = tpu.memref_squeeze %dma_wait3A_1128 : memref<1x8x64xf32, #tpu.memory_space<vmem>> -> memref<8x64xf32, #tpu.memory_space<vmem>>
    %dma_wait3A_1130 = arith.constant 0 : i32
    %dma_wait3A_1131 = arith.constant 0 : i32
    %dma_wait3A_1132 = tpu.memref_slice %arg4[%squeeze3A_579, %dma_wait3A_1130, %dma_wait3A_1131] : memref<12500x8x64xf32, #tpu.memory_space<hbm>> -> memref<1x8x64xf32, #tpu.memory_space<hbm>>
    %dma_wait3A_1133 = tpu.memref_squeeze %dma_wait3A_1132 : memref<1x8x64xf32, #tpu.memory_space<hbm>> -> memref<8x64xf32, #tpu.memory_space<hbm>>
    %dma_wait3A_1134 = arith.constant 0 : i32
    %dma_wait3A_1135 = arith.constant 0 : i32
    %dma_wait3A_1136 = tpu.memref_slice %arg8[%dma_wait3A_1125, %dma_wait3A_1134, %dma_wait3A_1135] : memref<32x8x64xf32, #tpu.memory_space<vmem>> -> memref<1x8x64xf32, #tpu.memory_space<vmem>>
    %dma_wait3A_1137 = tpu.memref_squeeze %dma_wait3A_1136 : memref<1x8x64xf32, #tpu.memory_space<vmem>> -> memref<8x64xf32, #tpu.memory_space<vmem>>
    %dma_wait3A_1138 = arith.constant 0 : i32
    %dma_wait3A_1139 = arith.constant 0 : i32
    %dma_wait3A_1140 = tpu.memref_slice %arg4[%squeeze3A_579, %dma_wait3A_1138, %dma_wait3A_1139] : memref<12500x8x64xf32, #tpu.memory_space<hbm>> -> memref<1x8x64xf32, #tpu.memory_space<hbm>>
    %dma_wait3A_1141 = tpu.memref_squeeze %dma_wait3A_1140 : memref<1x8x64xf32, #tpu.memory_space<hbm>> -> memref<8x64xf32, #tpu.memory_space<hbm>>
    tpu.wait_dma2 semaphore(%arg10 : memref<!tpu.dma_semaphore, #tpu.memory_space<semaphore_mem>>) src(%dma_wait3A_1141 : memref<8x64xf32, #tpu.memory_space<hbm>>) dst(%dma_wait3A_1137 : memref<8x64xf32, #tpu.memory_space<vmem>>)
    %dma_wait3A_1142 = arith.constant 31 : i32
    %dma_wait3A_1143 = arith.constant 0 : i32
    %dma_wait3A_1144 = arith.constant 0 : i32
    %dma_wait3A_1145 = tpu.memref_slice %arg8[%dma_wait3A_1142, %dma_wait3A_1143, %dma_wait3A_1144] : memref<32x8x64xf32, #tpu.memory_space<vmem>> -> memref<1x8x64xf32, #tpu.memory_space<vmem>>
    %dma_wait3A_1146 = tpu.memref_squeeze %dma_wait3A_1145 : memref<1x8x64xf32, #tpu.memory_space<vmem>> -> memref<8x64xf32, #tpu.memory_space<vmem>>
    %dma_wait3A_1147 = arith.constant 0 : i32
    %dma_wait3A_1148 = arith.constant 0 : i32
    %dma_wait3A_1149 = tpu.memref_slice %arg4[%squeeze3A_598, %dma_wait3A_1147, %dma_wait3A_1148] : memref<12500x8x64xf32, #tpu.memory_space<hbm>> -> memref<1x8x64xf32, #tpu.memory_space<hbm>>
    %dma_wait3A_1150 = tpu.memref_squeeze %dma_wait3A_1149 : memref<1x8x64xf32, #tpu.memory_space<hbm>> -> memref<8x64xf32, #tpu.memory_space<hbm>>
    %dma_wait3A_1151 = arith.constant 0 : i32
    %dma_wait3A_1152 = arith.constant 0 : i32
    %dma_wait3A_1153 = tpu.memref_slice %arg8[%dma_wait3A_1142, %dma_wait3A_1151, %dma_wait3A_1152] : memref<32x8x64xf32, #tpu.memory_space<vmem>> -> memref<1x8x64xf32, #tpu.memory_space<vmem>>
    %dma_wait3A_1154 = tpu.memref_squeeze %dma_wait3A_1153 : memref<1x8x64xf32, #tpu.memory_space<vmem>> -> memref<8x64xf32, #tpu.memory_space<vmem>>
    %dma_wait3A_1155 = arith.constant 0 : i32
    %dma_wait3A_1156 = arith.constant 0 : i32
    %dma_wait3A_1157 = tpu.memref_slice %arg4[%squeeze3A_598, %dma_wait3A_1155, %dma_wait3A_1156] : memref<12500x8x64xf32, #tpu.memory_space<hbm>> -> memref<1x8x64xf32, #tpu.memory_space<hbm>>
    %dma_wait3A_1158 = tpu.memref_squeeze %dma_wait3A_1157 : memref<1x8x64xf32, #tpu.memory_space<hbm>> -> memref<8x64xf32, #tpu.memory_space<hbm>>
    tpu.wait_dma2 semaphore(%arg10 : memref<!tpu.dma_semaphore, #tpu.memory_space<semaphore_mem>>) src(%dma_wait3A_1158 : memref<8x64xf32, #tpu.memory_space<hbm>>) dst(%dma_wait3A_1154 : memref<8x64xf32, #tpu.memory_space<vmem>>)
    %iota3A = tpu.iota {dimensions = array<i32: 0>} : vector<16xi32>
    %broadcast_in_dim3A = arith.constant 0.000000e+00 : f32
    %broadcast_in_dim3A_1159 = vector.broadcast %broadcast_in_dim3A : f32 to vector<16xf32>
    %get3A_1160 = arith.constant 0 : index
    %get3A_1161 = tpu.vector_load %arg6[%get3A_1160] {strides = array<i32>} : memref<32xi32, #tpu.memory_space<vmem>>, vector<16xi32>,
    %broadcast_in_dim3A_1162 = arith.constant 7 : i32
    %broadcast_in_dim3A_1163 = vector.broadcast %broadcast_in_dim3A_1162 : i32 to vector<16xi32>
    %and3A = arith.andi %get3A_1161, %broadcast_in_dim3A_1163 : vector<16xi32>
    %add3A_1164 = arith.constant 0 : i32
    %add3A_1165 = vector.broadcast %add3A_1164 : i32 to vector<16xi32>
    %add3A_1166 = arith.addi %iota3A, %add3A_1165 : vector<16xi32>
    %broadcast_in_dim3A_1167 = arith.constant 0 : i32
    %broadcast_in_dim3A_1168 = vector.broadcast %broadcast_in_dim3A_1167 : i32 to vector<16xi32>
    %gather3A = tpu.vector_load_idx %arg8[%add3A_1166, %and3A, %broadcast_in_dim3A_1168] : memref<32x8x64xf32, #tpu.memory_space<vmem>>[vector<16xi32>, vector<16xi32>, vector<16xi32>], vector<16xf32>,
    %gather3A_1169 = tpu.vector_load_idx %arg7[%add3A_1166, %broadcast_in_dim3A_1168] : memref<32x64xf32, #tpu.memory_space<vmem>>[vector<16xi32>, vector<16xi32>], vector<16xf32>,
    %sub3A = arith.subf %gather3A_1169, %gather3A : vector<16xf32>
    %mul3A_1170 = arith.mulf %sub3A, %sub3A : vector<16xf32>
    %add3A_1171 = arith.addf %broadcast_in_dim3A_1159, %mul3A_1170 : vector<16xf32>
    %broadcast_in_dim3A_1172 = arith.constant 1 : i32
    %broadcast_in_dim3A_1173 = vector.broadcast %broadcast_in_dim3A_1172 : i32 to vector<16xi32>
    %gather3A_1174 = tpu.vector_load_idx %arg8[%add3A_1166, %and3A, %broadcast_in_dim3A_1173] : memref<32x8x64xf32, #tpu.memory_space<vmem>>[vector<16xi32>, vector<16xi32>, vector<16xi32>], vector<16xf32>,
    %gather3A_1175 = tpu.vector_load_idx %arg7[%add3A_1166, %broadcast_in_dim3A_1173] : memref<32x64xf32, #tpu.memory_space<vmem>>[vector<16xi32>, vector<16xi32>], vector<16xf32>,
    %sub3A_1176 = arith.subf %gather3A_1175, %gather3A_1174 : vector<16xf32>
    %mul3A_1177 = arith.mulf %sub3A_1176, %sub3A_1176 : vector<16xf32>
    %add3A_1178 = arith.addf %add3A_1171, %mul3A_1177 : vector<16xf32>
    %broadcast_in_dim3A_1179 = arith.constant 2 : i32
    %broadcast_in_dim3A_1180 = vector.broadcast %broadcast_in_dim3A_1179 : i32 to vector<16xi32>
    %gather3A_1181 = tpu.vector_load_idx %arg8[%add3A_1166, %and3A, %broadcast_in_dim3A_1180] : memref<32x8x64xf32, #tpu.memory_space<vmem>>[vector<16xi32>, vector<16xi32>, vector<16xi32>], vector<16xf32>,
    %gather3A_1182 = tpu.vector_load_idx %arg7[%add3A_1166, %broadcast_in_dim3A_1180] : memref<32x64xf32, #tpu.memory_space<vmem>>[vector<16xi32>, vector<16xi32>], vector<16xf32>,
    %sub3A_1183 = arith.subf %gather3A_1182, %gather3A_1181 : vector<16xf32>
    %mul3A_1184 = arith.mulf %sub3A_1183, %sub3A_1183 : vector<16xf32>
    %add3A_1185 = arith.addf %add3A_1178, %mul3A_1184 : vector<16xf32>
    %broadcast_in_dim3A_1186 = arith.constant 3 : i32
    %broadcast_in_dim3A_1187 = vector.broadcast %broadcast_in_dim3A_1186 : i32 to vector<16xi32>
    %gather3A_1188 = tpu.vector_load_idx %arg8[%add3A_1166, %and3A, %broadcast_in_dim3A_1187] : memref<32x8x64xf32, #tpu.memory_space<vmem>>[vector<16xi32>, vector<16xi32>, vector<16xi32>], vector<16xf32>,
    %gather3A_1189 = tpu.vector_load_idx %arg7[%add3A_1166, %broadcast_in_dim3A_1187] : memref<32x64xf32, #tpu.memory_space<vmem>>[vector<16xi32>, vector<16xi32>], vector<16xf32>,
    %sub3A_1190 = arith.subf %gather3A_1189, %gather3A_1188 : vector<16xf32>
    %mul3A_1191 = arith.mulf %sub3A_1190, %sub3A_1190 : vector<16xf32>
    %add3A_1192 = arith.addf %add3A_1185, %mul3A_1191 : vector<16xf32>
    %broadcast_in_dim3A_1193 = arith.constant 4 : i32
    %broadcast_in_dim3A_1194 = vector.broadcast %broadcast_in_dim3A_1193 : i32 to vector<16xi32>
    %gather3A_1195 = tpu.vector_load_idx %arg8[%add3A_1166, %and3A, %broadcast_in_dim3A_1194] : memref<32x8x64xf32, #tpu.memory_space<vmem>>[vector<16xi32>, vector<16xi32>, vector<16xi32>], vector<16xf32>,
    %gather3A_1196 = tpu.vector_load_idx %arg7[%add3A_1166, %broadcast_in_dim3A_1194] : memref<32x64xf32, #tpu.memory_space<vmem>>[vector<16xi32>, vector<16xi32>], vector<16xf32>,
    %sub3A_1197 = arith.subf %gather3A_1196, %gather3A_1195 : vector<16xf32>
    %mul3A_1198 = arith.mulf %sub3A_1197, %sub3A_1197 : vector<16xf32>
    %add3A_1199 = arith.addf %add3A_1192, %mul3A_1198 : vector<16xf32>
    %broadcast_in_dim3A_1200 = arith.constant 5 : i32
    %broadcast_in_dim3A_1201 = vector.broadcast %broadcast_in_dim3A_1200 : i32 to vector<16xi32>
    %gather3A_1202 = tpu.vector_load_idx %arg8[%add3A_1166, %and3A, %broadcast_in_dim3A_1201] : memref<32x8x64xf32, #tpu.memory_space<vmem>>[vector<16xi32>, vector<16xi32>, vector<16xi32>], vector<16xf32>,
    %gather3A_1203 = tpu.vector_load_idx %arg7[%add3A_1166, %broadcast_in_dim3A_1201] : memref<32x64xf32, #tpu.memory_space<vmem>>[vector<16xi32>, vector<16xi32>], vector<16xf32>,
    %sub3A_1204 = arith.subf %gather3A_1203, %gather3A_1202 : vector<16xf32>
    %mul3A_1205 = arith.mulf %sub3A_1204, %sub3A_1204 : vector<16xf32>
    %add3A_1206 = arith.addf %add3A_1199, %mul3A_1205 : vector<16xf32>
    %broadcast_in_dim3A_1207 = arith.constant 6 : i32
    %broadcast_in_dim3A_1208 = vector.broadcast %broadcast_in_dim3A_1207 : i32 to vector<16xi32>
    %gather3A_1209 = tpu.vector_load_idx %arg8[%add3A_1166, %and3A, %broadcast_in_dim3A_1208] : memref<32x8x64xf32, #tpu.memory_space<vmem>>[vector<16xi32>, vector<16xi32>, vector<16xi32>], vector<16xf32>,
    %gather3A_1210 = tpu.vector_load_idx %arg7[%add3A_1166, %broadcast_in_dim3A_1208] : memref<32x64xf32, #tpu.memory_space<vmem>>[vector<16xi32>, vector<16xi32>], vector<16xf32>,
    %sub3A_1211 = arith.subf %gather3A_1210, %gather3A_1209 : vector<16xf32>
    %mul3A_1212 = arith.mulf %sub3A_1211, %sub3A_1211 : vector<16xf32>
    %add3A_1213 = arith.addf %add3A_1206, %mul3A_1212 : vector<16xf32>
    %broadcast_in_dim3A_1214 = arith.constant 7 : i32
    %broadcast_in_dim3A_1215 = vector.broadcast %broadcast_in_dim3A_1214 : i32 to vector<16xi32>
    %gather3A_1216 = tpu.vector_load_idx %arg8[%add3A_1166, %and3A, %broadcast_in_dim3A_1215] : memref<32x8x64xf32, #tpu.memory_space<vmem>>[vector<16xi32>, vector<16xi32>, vector<16xi32>], vector<16xf32>,
    %gather3A_1217 = tpu.vector_load_idx %arg7[%add3A_1166, %broadcast_in_dim3A_1215] : memref<32x64xf32, #tpu.memory_space<vmem>>[vector<16xi32>, vector<16xi32>], vector<16xf32>,
    %sub3A_1218 = arith.subf %gather3A_1217, %gather3A_1216 : vector<16xf32>
    %mul3A_1219 = arith.mulf %sub3A_1218, %sub3A_1218 : vector<16xf32>
    %add3A_1220 = arith.addf %add3A_1213, %mul3A_1219 : vector<16xf32>
    %broadcast_in_dim3A_1221 = arith.constant 8 : i32
    %broadcast_in_dim3A_1222 = vector.broadcast %broadcast_in_dim3A_1221 : i32 to vector<16xi32>
    %gather3A_1223 = tpu.vector_load_idx %arg8[%add3A_1166, %and3A, %broadcast_in_dim3A_1222] : memref<32x8x64xf32, #tpu.memory_space<vmem>>[vector<16xi32>, vector<16xi32>, vector<16xi32>], vector<16xf32>,
    %gather3A_1224 = tpu.vector_load_idx %arg7[%add3A_1166, %broadcast_in_dim3A_1222] : memref<32x64xf32, #tpu.memory_space<vmem>>[vector<16xi32>, vector<16xi32>], vector<16xf32>,
    %sub3A_1225 = arith.subf %gather3A_1224, %gather3A_1223 : vector<16xf32>
    %mul3A_1226 = arith.mulf %sub3A_1225, %sub3A_1225 : vector<16xf32>
    %add3A_1227 = arith.addf %add3A_1220, %mul3A_1226 : vector<16xf32>
    %broadcast_in_dim3A_1228 = arith.constant 9 : i32
    %broadcast_in_dim3A_1229 = vector.broadcast %broadcast_in_dim3A_1228 : i32 to vector<16xi32>
    %gather3A_1230 = tpu.vector_load_idx %arg8[%add3A_1166, %and3A, %broadcast_in_dim3A_1229] : memref<32x8x64xf32, #tpu.memory_space<vmem>>[vector<16xi32>, vector<16xi32>, vector<16xi32>], vector<16xf32>,
    %gather3A_1231 = tpu.vector_load_idx %arg7[%add3A_1166, %broadcast_in_dim3A_1229] : memref<32x64xf32, #tpu.memory_space<vmem>>[vector<16xi32>, vector<16xi32>], vector<16xf32>,
    %sub3A_1232 = arith.subf %gather3A_1231, %gather3A_1230 : vector<16xf32>
    %mul3A_1233 = arith.mulf %sub3A_1232, %sub3A_1232 : vector<16xf32>
    %add3A_1234 = arith.addf %add3A_1227, %mul3A_1233 : vector<16xf32>
    %broadcast_in_dim3A_1235 = arith.constant 10 : i32
    %broadcast_in_dim3A_1236 = vector.broadcast %broadcast_in_dim3A_1235 : i32 to vector<16xi32>
    %gather3A_1237 = tpu.vector_load_idx %arg8[%add3A_1166, %and3A, %broadcast_in_dim3A_1236] : memref<32x8x64xf32, #tpu.memory_space<vmem>>[vector<16xi32>, vector<16xi32>, vector<16xi32>], vector<16xf32>,
    %gather3A_1238 = tpu.vector_load_idx %arg7[%add3A_1166, %broadcast_in_dim3A_1236] : memref<32x64xf32, #tpu.memory_space<vmem>>[vector<16xi32>, vector<16xi32>], vector<16xf32>,
    %sub3A_1239 = arith.subf %gather3A_1238, %gather3A_1237 : vector<16xf32>
    %mul3A_1240 = arith.mulf %sub3A_1239, %sub3A_1239 : vector<16xf32>
    %add3A_1241 = arith.addf %add3A_1234, %mul3A_1240 : vector<16xf32>
    %broadcast_in_dim3A_1242 = arith.constant 11 : i32
    %broadcast_in_dim3A_1243 = vector.broadcast %broadcast_in_dim3A_1242 : i32 to vector<16xi32>
    %gather3A_1244 = tpu.vector_load_idx %arg8[%add3A_1166, %and3A, %broadcast_in_dim3A_1243] : memref<32x8x64xf32, #tpu.memory_space<vmem>>[vector<16xi32>, vector<16xi32>, vector<16xi32>], vector<16xf32>,
    %gather3A_1245 = tpu.vector_load_idx %arg7[%add3A_1166, %broadcast_in_dim3A_1243] : memref<32x64xf32, #tpu.memory_space<vmem>>[vector<16xi32>, vector<16xi32>], vector<16xf32>,
    %sub3A_1246 = arith.subf %gather3A_1245, %gather3A_1244 : vector<16xf32>
    %mul3A_1247 = arith.mulf %sub3A_1246, %sub3A_1246 : vector<16xf32>
    %add3A_1248 = arith.addf %add3A_1241, %mul3A_1247 : vector<16xf32>
    %broadcast_in_dim3A_1249 = arith.constant 12 : i32
    %broadcast_in_dim3A_1250 = vector.broadcast %broadcast_in_dim3A_1249 : i32 to vector<16xi32>
    %gather3A_1251 = tpu.vector_load_idx %arg8[%add3A_1166, %and3A, %broadcast_in_dim3A_1250] : memref<32x8x64xf32, #tpu.memory_space<vmem>>[vector<16xi32>, vector<16xi32>, vector<16xi32>], vector<16xf32>,
    %gather3A_1252 = tpu.vector_load_idx %arg7[%add3A_1166, %broadcast_in_dim3A_1250] : memref<32x64xf32, #tpu.memory_space<vmem>>[vector<16xi32>, vector<16xi32>], vector<16xf32>,
    %sub3A_1253 = arith.subf %gather3A_1252, %gather3A_1251 : vector<16xf32>
    %mul3A_1254 = arith.mulf %sub3A_1253, %sub3A_1253 : vector<16xf32>
    %add3A_1255 = arith.addf %add3A_1248, %mul3A_1254 : vector<16xf32>
    %broadcast_in_dim3A_1256 = arith.constant 13 : i32
    %broadcast_in_dim3A_1257 = vector.broadcast %broadcast_in_dim3A_1256 : i32 to vector<16xi32>
    %gather3A_1258 = tpu.vector_load_idx %arg8[%add3A_1166, %and3A, %broadcast_in_dim3A_1257] : memref<32x8x64xf32, #tpu.memory_space<vmem>>[vector<16xi32>, vector<16xi32>, vector<16xi32>], vector<16xf32>,
    %gather3A_1259 = tpu.vector_load_idx %arg7[%add3A_1166, %broadcast_in_dim3A_1257] : memref<32x64xf32, #tpu.memory_space<vmem>>[vector<16xi32>, vector<16xi32>], vector<16xf32>,
    %sub3A_1260 = arith.subf %gather3A_1259, %gather3A_1258 : vector<16xf32>
    %mul3A_1261 = arith.mulf %sub3A_1260, %sub3A_1260 : vector<16xf32>
    %add3A_1262 = arith.addf %add3A_1255, %mul3A_1261 : vector<16xf32>
    %broadcast_in_dim3A_1263 = arith.constant 14 : i32
    %broadcast_in_dim3A_1264 = vector.broadcast %broadcast_in_dim3A_1263 : i32 to vector<16xi32>
    %gather3A_1265 = tpu.vector_load_idx %arg8[%add3A_1166, %and3A, %broadcast_in_dim3A_1264] : memref<32x8x64xf32, #tpu.memory_space<vmem>>[vector<16xi32>, vector<16xi32>, vector<16xi32>], vector<16xf32>,
    %gather3A_1266 = tpu.vector_load_idx %arg7[%add3A_1166, %broadcast_in_dim3A_1264] : memref<32x64xf32, #tpu.memory_space<vmem>>[vector<16xi32>, vector<16xi32>], vector<16xf32>,
    %sub3A_1267 = arith.subf %gather3A_1266, %gather3A_1265 : vector<16xf32>
    %mul3A_1268 = arith.mulf %sub3A_1267, %sub3A_1267 : vector<16xf32>
    %add3A_1269 = arith.addf %add3A_1262, %mul3A_1268 : vector<16xf32>
    %broadcast_in_dim3A_1270 = arith.constant 15 : i32
    %broadcast_in_dim3A_1271 = vector.broadcast %broadcast_in_dim3A_1270 : i32 to vector<16xi32>
    %gather3A_1272 = tpu.vector_load_idx %arg8[%add3A_1166, %and3A, %broadcast_in_dim3A_1271] : memref<32x8x64xf32, #tpu.memory_space<vmem>>[vector<16xi32>, vector<16xi32>, vector<16xi32>], vector<16xf32>,
    %gather3A_1273 = tpu.vector_load_idx %arg7[%add3A_1166, %broadcast_in_dim3A_1271] : memref<32x64xf32, #tpu.memory_space<vmem>>[vector<16xi32>, vector<16xi32>], vector<16xf32>,
    %sub3A_1274 = arith.subf %gather3A_1273, %gather3A_1272 : vector<16xf32>
    %mul3A_1275 = arith.mulf %sub3A_1274, %sub3A_1274 : vector<16xf32>
    %add3A_1276 = arith.addf %add3A_1269, %mul3A_1275 : vector<16xf32>
    %broadcast_in_dim3A_1277 = arith.constant 16 : i32
    %broadcast_in_dim3A_1278 = vector.broadcast %broadcast_in_dim3A_1277 : i32 to vector<16xi32>
    %gather3A_1279 = tpu.vector_load_idx %arg8[%add3A_1166, %and3A, %broadcast_in_dim3A_1278] : memref<32x8x64xf32, #tpu.memory_space<vmem>>[vector<16xi32>, vector<16xi32>, vector<16xi32>], vector<16xf32>,
    %gather3A_1280 = tpu.vector_load_idx %arg7[%add3A_1166, %broadcast_in_dim3A_1278] : memref<32x64xf32, #tpu.memory_space<vmem>>[vector<16xi32>, vector<16xi32>], vector<16xf32>,
    %sub3A_1281 = arith.subf %gather3A_1280, %gather3A_1279 : vector<16xf32>
    %mul3A_1282 = arith.mulf %sub3A_1281, %sub3A_1281 : vector<16xf32>
    %add3A_1283 = arith.addf %add3A_1276, %mul3A_1282 : vector<16xf32>
    %broadcast_in_dim3A_1284 = arith.constant 17 : i32
    %broadcast_in_dim3A_1285 = vector.broadcast %broadcast_in_dim3A_1284 : i32 to vector<16xi32>
    %gather3A_1286 = tpu.vector_load_idx %arg8[%add3A_1166, %and3A, %broadcast_in_dim3A_1285] : memref<32x8x64xf32, #tpu.memory_space<vmem>>[vector<16xi32>, vector<16xi32>, vector<16xi32>], vector<16xf32>,
    %gather3A_1287 = tpu.vector_load_idx %arg7[%add3A_1166, %broadcast_in_dim3A_1285] : memref<32x64xf32, #tpu.memory_space<vmem>>[vector<16xi32>, vector<16xi32>], vector<16xf32>,
    %sub3A_1288 = arith.subf %gather3A_1287, %gather3A_1286 : vector<16xf32>
    %mul3A_1289 = arith.mulf %sub3A_1288, %sub3A_1288 : vector<16xf32>
    %add3A_1290 = arith.addf %add3A_1283, %mul3A_1289 : vector<16xf32>
    %broadcast_in_dim3A_1291 = arith.constant 18 : i32
    %broadcast_in_dim3A_1292 = vector.broadcast %broadcast_in_dim3A_1291 : i32 to vector<16xi32>
    %gather3A_1293 = tpu.vector_load_idx %arg8[%add3A_1166, %and3A, %broadcast_in_dim3A_1292] : memref<32x8x64xf32, #tpu.memory_space<vmem>>[vector<16xi32>, vector<16xi32>, vector<16xi32>], vector<16xf32>,
    %gather3A_1294 = tpu.vector_load_idx %arg7[%add3A_1166, %broadcast_in_dim3A_1292] : memref<32x64xf32, #tpu.memory_space<vmem>>[vector<16xi32>, vector<16xi32>], vector<16xf32>,
    %sub3A_1295 = arith.subf %gather3A_1294, %gather3A_1293 : vector<16xf32>
    %mul3A_1296 = arith.mulf %sub3A_1295, %sub3A_1295 : vector<16xf32>
    %add3A_1297 = arith.addf %add3A_1290, %mul3A_1296 : vector<16xf32>
    %broadcast_in_dim3A_1298 = arith.constant 19 : i32
    %broadcast_in_dim3A_1299 = vector.broadcast %broadcast_in_dim3A_1298 : i32 to vector<16xi32>
    %gather3A_1300 = tpu.vector_load_idx %arg8[%add3A_1166, %and3A, %broadcast_in_dim3A_1299] : memref<32x8x64xf32, #tpu.memory_space<vmem>>[vector<16xi32>, vector<16xi32>, vector<16xi32>], vector<16xf32>,
    %gather3A_1301 = tpu.vector_load_idx %arg7[%add3A_1166, %broadcast_in_dim3A_1299] : memref<32x64xf32, #tpu.memory_space<vmem>>[vector<16xi32>, vector<16xi32>], vector<16xf32>,
    %sub3A_1302 = arith.subf %gather3A_1301, %gather3A_1300 : vector<16xf32>
    %mul3A_1303 = arith.mulf %sub3A_1302, %sub3A_1302 : vector<16xf32>
    %add3A_1304 = arith.addf %add3A_1297, %mul3A_1303 : vector<16xf32>
    %broadcast_in_dim3A_1305 = arith.constant 20 : i32
    %broadcast_in_dim3A_1306 = vector.broadcast %broadcast_in_dim3A_1305 : i32 to vector<16xi32>
    %gather3A_1307 = tpu.vector_load_idx %arg8[%add3A_1166, %and3A, %broadcast_in_dim3A_1306] : memref<32x8x64xf32, #tpu.memory_space<vmem>>[vector<16xi32>, vector<16xi32>, vector<16xi32>], vector<16xf32>,
    %gather3A_1308 = tpu.vector_load_idx %arg7[%add3A_1166, %broadcast_in_dim3A_1306] : memref<32x64xf32, #tpu.memory_space<vmem>>[vector<16xi32>, vector<16xi32>], vector<16xf32>,
    %sub3A_1309 = arith.subf %gather3A_1308, %gather3A_1307 : vector<16xf32>
    %mul3A_1310 = arith.mulf %sub3A_1309, %sub3A_1309 : vector<16xf32>
    %add3A_1311 = arith.addf %add3A_1304, %mul3A_1310 : vector<16xf32>
    %broadcast_in_dim3A_1312 = arith.constant 21 : i32
    %broadcast_in_dim3A_1313 = vector.broadcast %broadcast_in_dim3A_1312 : i32 to vector<16xi32>
    %gather3A_1314 = tpu.vector_load_idx %arg8[%add3A_1166, %and3A, %broadcast_in_dim3A_1313] : memref<32x8x64xf32, #tpu.memory_space<vmem>>[vector<16xi32>, vector<16xi32>, vector<16xi32>], vector<16xf32>,
    %gather3A_1315 = tpu.vector_load_idx %arg7[%add3A_1166, %broadcast_in_dim3A_1313] : memref<32x64xf32, #tpu.memory_space<vmem>>[vector<16xi32>, vector<16xi32>], vector<16xf32>,
    %sub3A_1316 = arith.subf %gather3A_1315, %gather3A_1314 : vector<16xf32>
    %mul3A_1317 = arith.mulf %sub3A_1316, %sub3A_1316 : vector<16xf32>
    %add3A_1318 = arith.addf %add3A_1311, %mul3A_1317 : vector<16xf32>
    %broadcast_in_dim3A_1319 = arith.constant 22 : i32
    %broadcast_in_dim3A_1320 = vector.broadcast %broadcast_in_dim3A_1319 : i32 to vector<16xi32>
    %gather3A_1321 = tpu.vector_load_idx %arg8[%add3A_1166, %and3A, %broadcast_in_dim3A_1320] : memref<32x8x64xf32, #tpu.memory_space<vmem>>[vector<16xi32>, vector<16xi32>, vector<16xi32>], vector<16xf32>,
    %gather3A_1322 = tpu.vector_load_idx %arg7[%add3A_1166, %broadcast_in_dim3A_1320] : memref<32x64xf32, #tpu.memory_space<vmem>>[vector<16xi32>, vector<16xi32>], vector<16xf32>,
    %sub3A_1323 = arith.subf %gather3A_1322, %gather3A_1321 : vector<16xf32>
    %mul3A_1324 = arith.mulf %sub3A_1323, %sub3A_1323 : vector<16xf32>
    %add3A_1325 = arith.addf %add3A_1318, %mul3A_1324 : vector<16xf32>
    %broadcast_in_dim3A_1326 = arith.constant 23 : i32
    %broadcast_in_dim3A_1327 = vector.broadcast %broadcast_in_dim3A_1326 : i32 to vector<16xi32>
    %gather3A_1328 = tpu.vector_load_idx %arg8[%add3A_1166, %and3A, %broadcast_in_dim3A_1327] : memref<32x8x64xf32, #tpu.memory_space<vmem>>[vector<16xi32>, vector<16xi32>, vector<16xi32>], vector<16xf32>,
    %gather3A_1329 = tpu.vector_load_idx %arg7[%add3A_1166, %broadcast_in_dim3A_1327] : memref<32x64xf32, #tpu.memory_space<vmem>>[vector<16xi32>, vector<16xi32>], vector<16xf32>,
    %sub3A_1330 = arith.subf %gather3A_1329, %gather3A_1328 : vector<16xf32>
    %mul3A_1331 = arith.mulf %sub3A_1330, %sub3A_1330 : vector<16xf32>
    %add3A_1332 = arith.addf %add3A_1325, %mul3A_1331 : vector<16xf32>
    %broadcast_in_dim3A_1333 = arith.constant 24 : i32
    %broadcast_in_dim3A_1334 = vector.broadcast %broadcast_in_dim3A_1333 : i32 to vector<16xi32>
    %gather3A_1335 = tpu.vector_load_idx %arg8[%add3A_1166, %and3A, %broadcast_in_dim3A_1334] : memref<32x8x64xf32, #tpu.memory_space<vmem>>[vector<16xi32>, vector<16xi32>, vector<16xi32>], vector<16xf32>,
    %gather3A_1336 = tpu.vector_load_idx %arg7[%add3A_1166, %broadcast_in_dim3A_1334] : memref<32x64xf32, #tpu.memory_space<vmem>>[vector<16xi32>, vector<16xi32>], vector<16xf32>,
    %sub3A_1337 = arith.subf %gather3A_1336, %gather3A_1335 : vector<16xf32>
    %mul3A_1338 = arith.mulf %sub3A_1337, %sub3A_1337 : vector<16xf32>
    %add3A_1339 = arith.addf %add3A_1332, %mul3A_1338 : vector<16xf32>
    %broadcast_in_dim3A_1340 = arith.constant 25 : i32
    %broadcast_in_dim3A_1341 = vector.broadcast %broadcast_in_dim3A_1340 : i32 to vector<16xi32>
    %gather3A_1342 = tpu.vector_load_idx %arg8[%add3A_1166, %and3A, %broadcast_in_dim3A_1341] : memref<32x8x64xf32, #tpu.memory_space<vmem>>[vector<16xi32>, vector<16xi32>, vector<16xi32>], vector<16xf32>,
    %gather3A_1343 = tpu.vector_load_idx %arg7[%add3A_1166, %broadcast_in_dim3A_1341] : memref<32x64xf32, #tpu.memory_space<vmem>>[vector<16xi32>, vector<16xi32>], vector<16xf32>,
    %sub3A_1344 = arith.subf %gather3A_1343, %gather3A_1342 : vector<16xf32>
    %mul3A_1345 = arith.mulf %sub3A_1344, %sub3A_1344 : vector<16xf32>
    %add3A_1346 = arith.addf %add3A_1339, %mul3A_1345 : vector<16xf32>
    %broadcast_in_dim3A_1347 = arith.constant 26 : i32
    %broadcast_in_dim3A_1348 = vector.broadcast %broadcast_in_dim3A_1347 : i32 to vector<16xi32>
    %gather3A_1349 = tpu.vector_load_idx %arg8[%add3A_1166, %and3A, %broadcast_in_dim3A_1348] : memref<32x8x64xf32, #tpu.memory_space<vmem>>[vector<16xi32>, vector<16xi32>, vector<16xi32>], vector<16xf32>,
    %gather3A_1350 = tpu.vector_load_idx %arg7[%add3A_1166, %broadcast_in_dim3A_1348] : memref<32x64xf32, #tpu.memory_space<vmem>>[vector<16xi32>, vector<16xi32>], vector<16xf32>,
    %sub3A_1351 = arith.subf %gather3A_1350, %gather3A_1349 : vector<16xf32>
    %mul3A_1352 = arith.mulf %sub3A_1351, %sub3A_1351 : vector<16xf32>
    %add3A_1353 = arith.addf %add3A_1346, %mul3A_1352 : vector<16xf32>
    %broadcast_in_dim3A_1354 = arith.constant 27 : i32
    %broadcast_in_dim3A_1355 = vector.broadcast %broadcast_in_dim3A_1354 : i32 to vector<16xi32>
    %gather3A_1356 = tpu.vector_load_idx %arg8[%add3A_1166, %and3A, %broadcast_in_dim3A_1355] : memref<32x8x64xf32, #tpu.memory_space<vmem>>[vector<16xi32>, vector<16xi32>, vector<16xi32>], vector<16xf32>,
    %gather3A_1357 = tpu.vector_load_idx %arg7[%add3A_1166, %broadcast_in_dim3A_1355] : memref<32x64xf32, #tpu.memory_space<vmem>>[vector<16xi32>, vector<16xi32>], vector<16xf32>,
    %sub3A_1358 = arith.subf %gather3A_1357, %gather3A_1356 : vector<16xf32>
    %mul3A_1359 = arith.mulf %sub3A_1358, %sub3A_1358 : vector<16xf32>
    %add3A_1360 = arith.addf %add3A_1353, %mul3A_1359 : vector<16xf32>
    %broadcast_in_dim3A_1361 = arith.constant 28 : i32
    %broadcast_in_dim3A_1362 = vector.broadcast %broadcast_in_dim3A_1361 : i32 to vector<16xi32>
    %gather3A_1363 = tpu.vector_load_idx %arg8[%add3A_1166, %and3A, %broadcast_in_dim3A_1362] : memref<32x8x64xf32, #tpu.memory_space<vmem>>[vector<16xi32>, vector<16xi32>, vector<16xi32>], vector<16xf32>,
    %gather3A_1364 = tpu.vector_load_idx %arg7[%add3A_1166, %broadcast_in_dim3A_1362] : memref<32x64xf32, #tpu.memory_space<vmem>>[vector<16xi32>, vector<16xi32>], vector<16xf32>,
    %sub3A_1365 = arith.subf %gather3A_1364, %gather3A_1363 : vector<16xf32>
    %mul3A_1366 = arith.mulf %sub3A_1365, %sub3A_1365 : vector<16xf32>
    %add3A_1367 = arith.addf %add3A_1360, %mul3A_1366 : vector<16xf32>
    %broadcast_in_dim3A_1368 = arith.constant 29 : i32
    %broadcast_in_dim3A_1369 = vector.broadcast %broadcast_in_dim3A_1368 : i32 to vector<16xi32>
    %gather3A_1370 = tpu.vector_load_idx %arg8[%add3A_1166, %and3A, %broadcast_in_dim3A_1369] : memref<32x8x64xf32, #tpu.memory_space<vmem>>[vector<16xi32>, vector<16xi32>, vector<16xi32>], vector<16xf32>,
    %gather3A_1371 = tpu.vector_load_idx %arg7[%add3A_1166, %broadcast_in_dim3A_1369] : memref<32x64xf32, #tpu.memory_space<vmem>>[vector<16xi32>, vector<16xi32>], vector<16xf32>,
    %sub3A_1372 = arith.subf %gather3A_1371, %gather3A_1370 : vector<16xf32>
    %mul3A_1373 = arith.mulf %sub3A_1372, %sub3A_1372 : vector<16xf32>
    %add3A_1374 = arith.addf %add3A_1367, %mul3A_1373 : vector<16xf32>
    %broadcast_in_dim3A_1375 = arith.constant 30 : i32
    %broadcast_in_dim3A_1376 = vector.broadcast %broadcast_in_dim3A_1375 : i32 to vector<16xi32>
    %gather3A_1377 = tpu.vector_load_idx %arg8[%add3A_1166, %and3A, %broadcast_in_dim3A_1376] : memref<32x8x64xf32, #tpu.memory_space<vmem>>[vector<16xi32>, vector<16xi32>, vector<16xi32>], vector<16xf32>,
    %gather3A_1378 = tpu.vector_load_idx %arg7[%add3A_1166, %broadcast_in_dim3A_1376] : memref<32x64xf32, #tpu.memory_space<vmem>>[vector<16xi32>, vector<16xi32>], vector<16xf32>,
    %sub3A_1379 = arith.subf %gather3A_1378, %gather3A_1377 : vector<16xf32>
    %mul3A_1380 = arith.mulf %sub3A_1379, %sub3A_1379 : vector<16xf32>
    %add3A_1381 = arith.addf %add3A_1374, %mul3A_1380 : vector<16xf32>
    %broadcast_in_dim3A_1382 = arith.constant 31 : i32
    %broadcast_in_dim3A_1383 = vector.broadcast %broadcast_in_dim3A_1382 : i32 to vector<16xi32>
    %gather3A_1384 = tpu.vector_load_idx %arg8[%add3A_1166, %and3A, %broadcast_in_dim3A_1383] : memref<32x8x64xf32, #tpu.memory_space<vmem>>[vector<16xi32>, vector<16xi32>, vector<16xi32>], vector<16xf32>,
    %gather3A_1385 = tpu.vector_load_idx %arg7[%add3A_1166, %broadcast_in_dim3A_1383] : memref<32x64xf32, #tpu.memory_space<vmem>>[vector<16xi32>, vector<16xi32>], vector<16xf32>,
    %sub3A_1386 = arith.subf %gather3A_1385, %gather3A_1384 : vector<16xf32>
    %mul3A_1387 = arith.mulf %sub3A_1386, %sub3A_1386 : vector<16xf32>
    %add3A_1388 = arith.addf %add3A_1381, %mul3A_1387 : vector<16xf32>
    %broadcast_in_dim3A_1389 = arith.constant 32 : i32
    %broadcast_in_dim3A_1390 = vector.broadcast %broadcast_in_dim3A_1389 : i32 to vector<16xi32>
    %gather3A_1391 = tpu.vector_load_idx %arg8[%add3A_1166, %and3A, %broadcast_in_dim3A_1390] : memref<32x8x64xf32, #tpu.memory_space<vmem>>[vector<16xi32>, vector<16xi32>, vector<16xi32>], vector<16xf32>,
    %gather3A_1392 = tpu.vector_load_idx %arg7[%add3A_1166, %broadcast_in_dim3A_1390] : memref<32x64xf32, #tpu.memory_space<vmem>>[vector<16xi32>, vector<16xi32>], vector<16xf32>,
    %sub3A_1393 = arith.subf %gather3A_1392, %gather3A_1391 : vector<16xf32>
    %mul3A_1394 = arith.mulf %sub3A_1393, %sub3A_1393 : vector<16xf32>
    %add3A_1395 = arith.addf %add3A_1388, %mul3A_1394 : vector<16xf32>
    %broadcast_in_dim3A_1396 = arith.constant 33 : i32
    %broadcast_in_dim3A_1397 = vector.broadcast %broadcast_in_dim3A_1396 : i32 to vector<16xi32>
    %gather3A_1398 = tpu.vector_load_idx %arg8[%add3A_1166, %and3A, %broadcast_in_dim3A_1397] : memref<32x8x64xf32, #tpu.memory_space<vmem>>[vector<16xi32>, vector<16xi32>, vector<16xi32>], vector<16xf32>,
    %gather3A_1399 = tpu.vector_load_idx %arg7[%add3A_1166, %broadcast_in_dim3A_1397] : memref<32x64xf32, #tpu.memory_space<vmem>>[vector<16xi32>, vector<16xi32>], vector<16xf32>,
    %sub3A_1400 = arith.subf %gather3A_1399, %gather3A_1398 : vector<16xf32>
    %mul3A_1401 = arith.mulf %sub3A_1400, %sub3A_1400 : vector<16xf32>
    %add3A_1402 = arith.addf %add3A_1395, %mul3A_1401 : vector<16xf32>
    %broadcast_in_dim3A_1403 = arith.constant 34 : i32
    %broadcast_in_dim3A_1404 = vector.broadcast %broadcast_in_dim3A_1403 : i32 to vector<16xi32>
    %gather3A_1405 = tpu.vector_load_idx %arg8[%add3A_1166, %and3A, %broadcast_in_dim3A_1404] : memref<32x8x64xf32, #tpu.memory_space<vmem>>[vector<16xi32>, vector<16xi32>, vector<16xi32>], vector<16xf32>,
    %gather3A_1406 = tpu.vector_load_idx %arg7[%add3A_1166, %broadcast_in_dim3A_1404] : memref<32x64xf32, #tpu.memory_space<vmem>>[vector<16xi32>, vector<16xi32>], vector<16xf32>,
    %sub3A_1407 = arith.subf %gather3A_1406, %gather3A_1405 : vector<16xf32>
    %mul3A_1408 = arith.mulf %sub3A_1407, %sub3A_1407 : vector<16xf32>
    %add3A_1409 = arith.addf %add3A_1402, %mul3A_1408 : vector<16xf32>
    %broadcast_in_dim3A_1410 = arith.constant 35 : i32
    %broadcast_in_dim3A_1411 = vector.broadcast %broadcast_in_dim3A_1410 : i32 to vector<16xi32>
    %gather3A_1412 = tpu.vector_load_idx %arg8[%add3A_1166, %and3A, %broadcast_in_dim3A_1411] : memref<32x8x64xf32, #tpu.memory_space<vmem>>[vector<16xi32>, vector<16xi32>, vector<16xi32>], vector<16xf32>,
    %gather3A_1413 = tpu.vector_load_idx %arg7[%add3A_1166, %broadcast_in_dim3A_1411] : memref<32x64xf32, #tpu.memory_space<vmem>>[vector<16xi32>, vector<16xi32>], vector<16xf32>,
    %sub3A_1414 = arith.subf %gather3A_1413, %gather3A_1412 : vector<16xf32>
    %mul3A_1415 = arith.mulf %sub3A_1414, %sub3A_1414 : vector<16xf32>
    %add3A_1416 = arith.addf %add3A_1409, %mul3A_1415 : vector<16xf32>
    %broadcast_in_dim3A_1417 = arith.constant 36 : i32
    %broadcast_in_dim3A_1418 = vector.broadcast %broadcast_in_dim3A_1417 : i32 to vector<16xi32>
    %gather3A_1419 = tpu.vector_load_idx %arg8[%add3A_1166, %and3A, %broadcast_in_dim3A_1418] : memref<32x8x64xf32, #tpu.memory_space<vmem>>[vector<16xi32>, vector<16xi32>, vector<16xi32>], vector<16xf32>,
    %gather3A_1420 = tpu.vector_load_idx %arg7[%add3A_1166, %broadcast_in_dim3A_1418] : memref<32x64xf32, #tpu.memory_space<vmem>>[vector<16xi32>, vector<16xi32>], vector<16xf32>,
    %sub3A_1421 = arith.subf %gather3A_1420, %gather3A_1419 : vector<16xf32>
    %mul3A_1422 = arith.mulf %sub3A_1421, %sub3A_1421 : vector<16xf32>
    %add3A_1423 = arith.addf %add3A_1416, %mul3A_1422 : vector<16xf32>
    %broadcast_in_dim3A_1424 = arith.constant 37 : i32
    %broadcast_in_dim3A_1425 = vector.broadcast %broadcast_in_dim3A_1424 : i32 to vector<16xi32>
    %gather3A_1426 = tpu.vector_load_idx %arg8[%add3A_1166, %and3A, %broadcast_in_dim3A_1425] : memref<32x8x64xf32, #tpu.memory_space<vmem>>[vector<16xi32>, vector<16xi32>, vector<16xi32>], vector<16xf32>,
    %gather3A_1427 = tpu.vector_load_idx %arg7[%add3A_1166, %broadcast_in_dim3A_1425] : memref<32x64xf32, #tpu.memory_space<vmem>>[vector<16xi32>, vector<16xi32>], vector<16xf32>,
    %sub3A_1428 = arith.subf %gather3A_1427, %gather3A_1426 : vector<16xf32>
    %mul3A_1429 = arith.mulf %sub3A_1428, %sub3A_1428 : vector<16xf32>
    %add3A_1430 = arith.addf %add3A_1423, %mul3A_1429 : vector<16xf32>
    %broadcast_in_dim3A_1431 = arith.constant 38 : i32
    %broadcast_in_dim3A_1432 = vector.broadcast %broadcast_in_dim3A_1431 : i32 to vector<16xi32>
    %gather3A_1433 = tpu.vector_load_idx %arg8[%add3A_1166, %and3A, %broadcast_in_dim3A_1432] : memref<32x8x64xf32, #tpu.memory_space<vmem>>[vector<16xi32>, vector<16xi32>, vector<16xi32>], vector<16xf32>,
    %gather3A_1434 = tpu.vector_load_idx %arg7[%add3A_1166, %broadcast_in_dim3A_1432] : memref<32x64xf32, #tpu.memory_space<vmem>>[vector<16xi32>, vector<16xi32>], vector<16xf32>,
    %sub3A_1435 = arith.subf %gather3A_1434, %gather3A_1433 : vector<16xf32>
    %mul3A_1436 = arith.mulf %sub3A_1435, %sub3A_1435 : vector<16xf32>
    %add3A_1437 = arith.addf %add3A_1430, %mul3A_1436 : vector<16xf32>
    %broadcast_in_dim3A_1438 = arith.constant 39 : i32
    %broadcast_in_dim3A_1439 = vector.broadcast %broadcast_in_dim3A_1438 : i32 to vector<16xi32>
    %gather3A_1440 = tpu.vector_load_idx %arg8[%add3A_1166, %and3A, %broadcast_in_dim3A_1439] : memref<32x8x64xf32, #tpu.memory_space<vmem>>[vector<16xi32>, vector<16xi32>, vector<16xi32>], vector<16xf32>,
    %gather3A_1441 = tpu.vector_load_idx %arg7[%add3A_1166, %broadcast_in_dim3A_1439] : memref<32x64xf32, #tpu.memory_space<vmem>>[vector<16xi32>, vector<16xi32>], vector<16xf32>,
    %sub3A_1442 = arith.subf %gather3A_1441, %gather3A_1440 : vector<16xf32>
    %mul3A_1443 = arith.mulf %sub3A_1442, %sub3A_1442 : vector<16xf32>
    %add3A_1444 = arith.addf %add3A_1437, %mul3A_1443 : vector<16xf32>
    %broadcast_in_dim3A_1445 = arith.constant 40 : i32
    %broadcast_in_dim3A_1446 = vector.broadcast %broadcast_in_dim3A_1445 : i32 to vector<16xi32>
    %gather3A_1447 = tpu.vector_load_idx %arg8[%add3A_1166, %and3A, %broadcast_in_dim3A_1446] : memref<32x8x64xf32, #tpu.memory_space<vmem>>[vector<16xi32>, vector<16xi32>, vector<16xi32>], vector<16xf32>,
    %gather3A_1448 = tpu.vector_load_idx %arg7[%add3A_1166, %broadcast_in_dim3A_1446] : memref<32x64xf32, #tpu.memory_space<vmem>>[vector<16xi32>, vector<16xi32>], vector<16xf32>,
    %sub3A_1449 = arith.subf %gather3A_1448, %gather3A_1447 : vector<16xf32>
    %mul3A_1450 = arith.mulf %sub3A_1449, %sub3A_1449 : vector<16xf32>
    %add3A_1451 = arith.addf %add3A_1444, %mul3A_1450 : vector<16xf32>
    %broadcast_in_dim3A_1452 = arith.constant 41 : i32
    %broadcast_in_dim3A_1453 = vector.broadcast %broadcast_in_dim3A_1452 : i32 to vector<16xi32>
    %gather3A_1454 = tpu.vector_load_idx %arg8[%add3A_1166, %and3A, %broadcast_in_dim3A_1453] : memref<32x8x64xf32, #tpu.memory_space<vmem>>[vector<16xi32>, vector<16xi32>, vector<16xi32>], vector<16xf32>,
    %gather3A_1455 = tpu.vector_load_idx %arg7[%add3A_1166, %broadcast_in_dim3A_1453] : memref<32x64xf32, #tpu.memory_space<vmem>>[vector<16xi32>, vector<16xi32>], vector<16xf32>,
    %sub3A_1456 = arith.subf %gather3A_1455, %gather3A_1454 : vector<16xf32>
    %mul3A_1457 = arith.mulf %sub3A_1456, %sub3A_1456 : vector<16xf32>
    %add3A_1458 = arith.addf %add3A_1451, %mul3A_1457 : vector<16xf32>
    %broadcast_in_dim3A_1459 = arith.constant 42 : i32
    %broadcast_in_dim3A_1460 = vector.broadcast %broadcast_in_dim3A_1459 : i32 to vector<16xi32>
    %gather3A_1461 = tpu.vector_load_idx %arg8[%add3A_1166, %and3A, %broadcast_in_dim3A_1460] : memref<32x8x64xf32, #tpu.memory_space<vmem>>[vector<16xi32>, vector<16xi32>, vector<16xi32>], vector<16xf32>,
    %gather3A_1462 = tpu.vector_load_idx %arg7[%add3A_1166, %broadcast_in_dim3A_1460] : memref<32x64xf32, #tpu.memory_space<vmem>>[vector<16xi32>, vector<16xi32>], vector<16xf32>,
    %sub3A_1463 = arith.subf %gather3A_1462, %gather3A_1461 : vector<16xf32>
    %mul3A_1464 = arith.mulf %sub3A_1463, %sub3A_1463 : vector<16xf32>
    %add3A_1465 = arith.addf %add3A_1458, %mul3A_1464 : vector<16xf32>
    %broadcast_in_dim3A_1466 = arith.constant 43 : i32
    %broadcast_in_dim3A_1467 = vector.broadcast %broadcast_in_dim3A_1466 : i32 to vector<16xi32>
    %gather3A_1468 = tpu.vector_load_idx %arg8[%add3A_1166, %and3A, %broadcast_in_dim3A_1467] : memref<32x8x64xf32, #tpu.memory_space<vmem>>[vector<16xi32>, vector<16xi32>, vector<16xi32>], vector<16xf32>,
    %gather3A_1469 = tpu.vector_load_idx %arg7[%add3A_1166, %broadcast_in_dim3A_1467] : memref<32x64xf32, #tpu.memory_space<vmem>>[vector<16xi32>, vector<16xi32>], vector<16xf32>,
    %sub3A_1470 = arith.subf %gather3A_1469, %gather3A_1468 : vector<16xf32>
    %mul3A_1471 = arith.mulf %sub3A_1470, %sub3A_1470 : vector<16xf32>
    %add3A_1472 = arith.addf %add3A_1465, %mul3A_1471 : vector<16xf32>
    %broadcast_in_dim3A_1473 = arith.constant 44 : i32
    %broadcast_in_dim3A_1474 = vector.broadcast %broadcast_in_dim3A_1473 : i32 to vector<16xi32>
    %gather3A_1475 = tpu.vector_load_idx %arg8[%add3A_1166, %and3A, %broadcast_in_dim3A_1474] : memref<32x8x64xf32, #tpu.memory_space<vmem>>[vector<16xi32>, vector<16xi32>, vector<16xi32>], vector<16xf32>,
    %gather3A_1476 = tpu.vector_load_idx %arg7[%add3A_1166, %broadcast_in_dim3A_1474] : memref<32x64xf32, #tpu.memory_space<vmem>>[vector<16xi32>, vector<16xi32>], vector<16xf32>,
    %sub3A_1477 = arith.subf %gather3A_1476, %gather3A_1475 : vector<16xf32>
    %mul3A_1478 = arith.mulf %sub3A_1477, %sub3A_1477 : vector<16xf32>
    %add3A_1479 = arith.addf %add3A_1472, %mul3A_1478 : vector<16xf32>
    %broadcast_in_dim3A_1480 = arith.constant 45 : i32
    %broadcast_in_dim3A_1481 = vector.broadcast %broadcast_in_dim3A_1480 : i32 to vector<16xi32>
    %gather3A_1482 = tpu.vector_load_idx %arg8[%add3A_1166, %and3A, %broadcast_in_dim3A_1481] : memref<32x8x64xf32, #tpu.memory_space<vmem>>[vector<16xi32>, vector<16xi32>, vector<16xi32>], vector<16xf32>,
    %gather3A_1483 = tpu.vector_load_idx %arg7[%add3A_1166, %broadcast_in_dim3A_1481] : memref<32x64xf32, #tpu.memory_space<vmem>>[vector<16xi32>, vector<16xi32>], vector<16xf32>,
    %sub3A_1484 = arith.subf %gather3A_1483, %gather3A_1482 : vector<16xf32>
    %mul3A_1485 = arith.mulf %sub3A_1484, %sub3A_1484 : vector<16xf32>
    %add3A_1486 = arith.addf %add3A_1479, %mul3A_1485 : vector<16xf32>
    %broadcast_in_dim3A_1487 = arith.constant 46 : i32
    %broadcast_in_dim3A_1488 = vector.broadcast %broadcast_in_dim3A_1487 : i32 to vector<16xi32>
    %gather3A_1489 = tpu.vector_load_idx %arg8[%add3A_1166, %and3A, %broadcast_in_dim3A_1488] : memref<32x8x64xf32, #tpu.memory_space<vmem>>[vector<16xi32>, vector<16xi32>, vector<16xi32>], vector<16xf32>,
    %gather3A_1490 = tpu.vector_load_idx %arg7[%add3A_1166, %broadcast_in_dim3A_1488] : memref<32x64xf32, #tpu.memory_space<vmem>>[vector<16xi32>, vector<16xi32>], vector<16xf32>,
    %sub3A_1491 = arith.subf %gather3A_1490, %gather3A_1489 : vector<16xf32>
    %mul3A_1492 = arith.mulf %sub3A_1491, %sub3A_1491 : vector<16xf32>
    %add3A_1493 = arith.addf %add3A_1486, %mul3A_1492 : vector<16xf32>
    %broadcast_in_dim3A_1494 = arith.constant 47 : i32
    %broadcast_in_dim3A_1495 = vector.broadcast %broadcast_in_dim3A_1494 : i32 to vector<16xi32>
    %gather3A_1496 = tpu.vector_load_idx %arg8[%add3A_1166, %and3A, %broadcast_in_dim3A_1495] : memref<32x8x64xf32, #tpu.memory_space<vmem>>[vector<16xi32>, vector<16xi32>, vector<16xi32>], vector<16xf32>,
    %gather3A_1497 = tpu.vector_load_idx %arg7[%add3A_1166, %broadcast_in_dim3A_1495] : memref<32x64xf32, #tpu.memory_space<vmem>>[vector<16xi32>, vector<16xi32>], vector<16xf32>,
    %sub3A_1498 = arith.subf %gather3A_1497, %gather3A_1496 : vector<16xf32>
    %mul3A_1499 = arith.mulf %sub3A_1498, %sub3A_1498 : vector<16xf32>
    %add3A_1500 = arith.addf %add3A_1493, %mul3A_1499 : vector<16xf32>
    %broadcast_in_dim3A_1501 = arith.constant 48 : i32
    %broadcast_in_dim3A_1502 = vector.broadcast %broadcast_in_dim3A_1501 : i32 to vector<16xi32>
    %gather3A_1503 = tpu.vector_load_idx %arg8[%add3A_1166, %and3A, %broadcast_in_dim3A_1502] : memref<32x8x64xf32, #tpu.memory_space<vmem>>[vector<16xi32>, vector<16xi32>, vector<16xi32>], vector<16xf32>,
    %gather3A_1504 = tpu.vector_load_idx %arg7[%add3A_1166, %broadcast_in_dim3A_1502] : memref<32x64xf32, #tpu.memory_space<vmem>>[vector<16xi32>, vector<16xi32>], vector<16xf32>,
    %sub3A_1505 = arith.subf %gather3A_1504, %gather3A_1503 : vector<16xf32>
    %mul3A_1506 = arith.mulf %sub3A_1505, %sub3A_1505 : vector<16xf32>
    %add3A_1507 = arith.addf %add3A_1500, %mul3A_1506 : vector<16xf32>
    %broadcast_in_dim3A_1508 = arith.constant 49 : i32
    %broadcast_in_dim3A_1509 = vector.broadcast %broadcast_in_dim3A_1508 : i32 to vector<16xi32>
    %gather3A_1510 = tpu.vector_load_idx %arg8[%add3A_1166, %and3A, %broadcast_in_dim3A_1509] : memref<32x8x64xf32, #tpu.memory_space<vmem>>[vector<16xi32>, vector<16xi32>, vector<16xi32>], vector<16xf32>,
    %gather3A_1511 = tpu.vector_load_idx %arg7[%add3A_1166, %broadcast_in_dim3A_1509] : memref<32x64xf32, #tpu.memory_space<vmem>>[vector<16xi32>, vector<16xi32>], vector<16xf32>,
    %sub3A_1512 = arith.subf %gather3A_1511, %gather3A_1510 : vector<16xf32>
    %mul3A_1513 = arith.mulf %sub3A_1512, %sub3A_1512 : vector<16xf32>
    %add3A_1514 = arith.addf %add3A_1507, %mul3A_1513 : vector<16xf32>
    %broadcast_in_dim3A_1515 = arith.constant 50 : i32
    %broadcast_in_dim3A_1516 = vector.broadcast %broadcast_in_dim3A_1515 : i32 to vector<16xi32>
    %gather3A_1517 = tpu.vector_load_idx %arg8[%add3A_1166, %and3A, %broadcast_in_dim3A_1516] : memref<32x8x64xf32, #tpu.memory_space<vmem>>[vector<16xi32>, vector<16xi32>, vector<16xi32>], vector<16xf32>,
    %gather3A_1518 = tpu.vector_load_idx %arg7[%add3A_1166, %broadcast_in_dim3A_1516] : memref<32x64xf32, #tpu.memory_space<vmem>>[vector<16xi32>, vector<16xi32>], vector<16xf32>,
    %sub3A_1519 = arith.subf %gather3A_1518, %gather3A_1517 : vector<16xf32>
    %mul3A_1520 = arith.mulf %sub3A_1519, %sub3A_1519 : vector<16xf32>
    %add3A_1521 = arith.addf %add3A_1514, %mul3A_1520 : vector<16xf32>
    %broadcast_in_dim3A_1522 = arith.constant 51 : i32
    %broadcast_in_dim3A_1523 = vector.broadcast %broadcast_in_dim3A_1522 : i32 to vector<16xi32>
    %gather3A_1524 = tpu.vector_load_idx %arg8[%add3A_1166, %and3A, %broadcast_in_dim3A_1523] : memref<32x8x64xf32, #tpu.memory_space<vmem>>[vector<16xi32>, vector<16xi32>, vector<16xi32>], vector<16xf32>,
    %gather3A_1525 = tpu.vector_load_idx %arg7[%add3A_1166, %broadcast_in_dim3A_1523] : memref<32x64xf32, #tpu.memory_space<vmem>>[vector<16xi32>, vector<16xi32>], vector<16xf32>,
    %sub3A_1526 = arith.subf %gather3A_1525, %gather3A_1524 : vector<16xf32>
    %mul3A_1527 = arith.mulf %sub3A_1526, %sub3A_1526 : vector<16xf32>
    %add3A_1528 = arith.addf %add3A_1521, %mul3A_1527 : vector<16xf32>
    %broadcast_in_dim3A_1529 = arith.constant 52 : i32
    %broadcast_in_dim3A_1530 = vector.broadcast %broadcast_in_dim3A_1529 : i32 to vector<16xi32>
    %gather3A_1531 = tpu.vector_load_idx %arg8[%add3A_1166, %and3A, %broadcast_in_dim3A_1530] : memref<32x8x64xf32, #tpu.memory_space<vmem>>[vector<16xi32>, vector<16xi32>, vector<16xi32>], vector<16xf32>,
    %gather3A_1532 = tpu.vector_load_idx %arg7[%add3A_1166, %broadcast_in_dim3A_1530] : memref<32x64xf32, #tpu.memory_space<vmem>>[vector<16xi32>, vector<16xi32>], vector<16xf32>,
    %sub3A_1533 = arith.subf %gather3A_1532, %gather3A_1531 : vector<16xf32>
    %mul3A_1534 = arith.mulf %sub3A_1533, %sub3A_1533 : vector<16xf32>
    %add3A_1535 = arith.addf %add3A_1528, %mul3A_1534 : vector<16xf32>
    %broadcast_in_dim3A_1536 = arith.constant 53 : i32
    %broadcast_in_dim3A_1537 = vector.broadcast %broadcast_in_dim3A_1536 : i32 to vector<16xi32>
    %gather3A_1538 = tpu.vector_load_idx %arg8[%add3A_1166, %and3A, %broadcast_in_dim3A_1537] : memref<32x8x64xf32, #tpu.memory_space<vmem>>[vector<16xi32>, vector<16xi32>, vector<16xi32>], vector<16xf32>,
    %gather3A_1539 = tpu.vector_load_idx %arg7[%add3A_1166, %broadcast_in_dim3A_1537] : memref<32x64xf32, #tpu.memory_space<vmem>>[vector<16xi32>, vector<16xi32>], vector<16xf32>,
    %sub3A_1540 = arith.subf %gather3A_1539, %gather3A_1538 : vector<16xf32>
    %mul3A_1541 = arith.mulf %sub3A_1540, %sub3A_1540 : vector<16xf32>
    %add3A_1542 = arith.addf %add3A_1535, %mul3A_1541 : vector<16xf32>
    %broadcast_in_dim3A_1543 = arith.constant 54 : i32
    %broadcast_in_dim3A_1544 = vector.broadcast %broadcast_in_dim3A_1543 : i32 to vector<16xi32>
    %gather3A_1545 = tpu.vector_load_idx %arg8[%add3A_1166, %and3A, %broadcast_in_dim3A_1544] : memref<32x8x64xf32, #tpu.memory_space<vmem>>[vector<16xi32>, vector<16xi32>, vector<16xi32>], vector<16xf32>,
    %gather3A_1546 = tpu.vector_load_idx %arg7[%add3A_1166, %broadcast_in_dim3A_1544] : memref<32x64xf32, #tpu.memory_space<vmem>>[vector<16xi32>, vector<16xi32>], vector<16xf32>,
    %sub3A_1547 = arith.subf %gather3A_1546, %gather3A_1545 : vector<16xf32>
    %mul3A_1548 = arith.mulf %sub3A_1547, %sub3A_1547 : vector<16xf32>
    %add3A_1549 = arith.addf %add3A_1542, %mul3A_1548 : vector<16xf32>
    %broadcast_in_dim3A_1550 = arith.constant 55 : i32
    %broadcast_in_dim3A_1551 = vector.broadcast %broadcast_in_dim3A_1550 : i32 to vector<16xi32>
    %gather3A_1552 = tpu.vector_load_idx %arg8[%add3A_1166, %and3A, %broadcast_in_dim3A_1551] : memref<32x8x64xf32, #tpu.memory_space<vmem>>[vector<16xi32>, vector<16xi32>, vector<16xi32>], vector<16xf32>,
    %gather3A_1553 = tpu.vector_load_idx %arg7[%add3A_1166, %broadcast_in_dim3A_1551] : memref<32x64xf32, #tpu.memory_space<vmem>>[vector<16xi32>, vector<16xi32>], vector<16xf32>,
    %sub3A_1554 = arith.subf %gather3A_1553, %gather3A_1552 : vector<16xf32>
    %mul3A_1555 = arith.mulf %sub3A_1554, %sub3A_1554 : vector<16xf32>
    %add3A_1556 = arith.addf %add3A_1549, %mul3A_1555 : vector<16xf32>
    %broadcast_in_dim3A_1557 = arith.constant 56 : i32
    %broadcast_in_dim3A_1558 = vector.broadcast %broadcast_in_dim3A_1557 : i32 to vector<16xi32>
    %gather3A_1559 = tpu.vector_load_idx %arg8[%add3A_1166, %and3A, %broadcast_in_dim3A_1558] : memref<32x8x64xf32, #tpu.memory_space<vmem>>[vector<16xi32>, vector<16xi32>, vector<16xi32>], vector<16xf32>,
    %gather3A_1560 = tpu.vector_load_idx %arg7[%add3A_1166, %broadcast_in_dim3A_1558] : memref<32x64xf32, #tpu.memory_space<vmem>>[vector<16xi32>, vector<16xi32>], vector<16xf32>,
    %sub3A_1561 = arith.subf %gather3A_1560, %gather3A_1559 : vector<16xf32>
    %mul3A_1562 = arith.mulf %sub3A_1561, %sub3A_1561 : vector<16xf32>
    %add3A_1563 = arith.addf %add3A_1556, %mul3A_1562 : vector<16xf32>
    %broadcast_in_dim3A_1564 = arith.constant 57 : i32
    %broadcast_in_dim3A_1565 = vector.broadcast %broadcast_in_dim3A_1564 : i32 to vector<16xi32>
    %gather3A_1566 = tpu.vector_load_idx %arg8[%add3A_1166, %and3A, %broadcast_in_dim3A_1565] : memref<32x8x64xf32, #tpu.memory_space<vmem>>[vector<16xi32>, vector<16xi32>, vector<16xi32>], vector<16xf32>,
    %gather3A_1567 = tpu.vector_load_idx %arg7[%add3A_1166, %broadcast_in_dim3A_1565] : memref<32x64xf32, #tpu.memory_space<vmem>>[vector<16xi32>, vector<16xi32>], vector<16xf32>,
    %sub3A_1568 = arith.subf %gather3A_1567, %gather3A_1566 : vector<16xf32>
    %mul3A_1569 = arith.mulf %sub3A_1568, %sub3A_1568 : vector<16xf32>
    %add3A_1570 = arith.addf %add3A_1563, %mul3A_1569 : vector<16xf32>
    %broadcast_in_dim3A_1571 = arith.constant 58 : i32
    %broadcast_in_dim3A_1572 = vector.broadcast %broadcast_in_dim3A_1571 : i32 to vector<16xi32>
    %gather3A_1573 = tpu.vector_load_idx %arg8[%add3A_1166, %and3A, %broadcast_in_dim3A_1572] : memref<32x8x64xf32, #tpu.memory_space<vmem>>[vector<16xi32>, vector<16xi32>, vector<16xi32>], vector<16xf32>,
    %gather3A_1574 = tpu.vector_load_idx %arg7[%add3A_1166, %broadcast_in_dim3A_1572] : memref<32x64xf32, #tpu.memory_space<vmem>>[vector<16xi32>, vector<16xi32>], vector<16xf32>,
    %sub3A_1575 = arith.subf %gather3A_1574, %gather3A_1573 : vector<16xf32>
    %mul3A_1576 = arith.mulf %sub3A_1575, %sub3A_1575 : vector<16xf32>
    %add3A_1577 = arith.addf %add3A_1570, %mul3A_1576 : vector<16xf32>
    %broadcast_in_dim3A_1578 = arith.constant 59 : i32
    %broadcast_in_dim3A_1579 = vector.broadcast %broadcast_in_dim3A_1578 : i32 to vector<16xi32>
    %gather3A_1580 = tpu.vector_load_idx %arg8[%add3A_1166, %and3A, %broadcast_in_dim3A_1579] : memref<32x8x64xf32, #tpu.memory_space<vmem>>[vector<16xi32>, vector<16xi32>, vector<16xi32>], vector<16xf32>,
    %gather3A_1581 = tpu.vector_load_idx %arg7[%add3A_1166, %broadcast_in_dim3A_1579] : memref<32x64xf32, #tpu.memory_space<vmem>>[vector<16xi32>, vector<16xi32>], vector<16xf32>,
    %sub3A_1582 = arith.subf %gather3A_1581, %gather3A_1580 : vector<16xf32>
    %mul3A_1583 = arith.mulf %sub3A_1582, %sub3A_1582 : vector<16xf32>
    %add3A_1584 = arith.addf %add3A_1577, %mul3A_1583 : vector<16xf32>
    %broadcast_in_dim3A_1585 = arith.constant 60 : i32
    %broadcast_in_dim3A_1586 = vector.broadcast %broadcast_in_dim3A_1585 : i32 to vector<16xi32>
    %gather3A_1587 = tpu.vector_load_idx %arg8[%add3A_1166, %and3A, %broadcast_in_dim3A_1586] : memref<32x8x64xf32, #tpu.memory_space<vmem>>[vector<16xi32>, vector<16xi32>, vector<16xi32>], vector<16xf32>,
    %gather3A_1588 = tpu.vector_load_idx %arg7[%add3A_1166, %broadcast_in_dim3A_1586] : memref<32x64xf32, #tpu.memory_space<vmem>>[vector<16xi32>, vector<16xi32>], vector<16xf32>,
    %sub3A_1589 = arith.subf %gather3A_1588, %gather3A_1587 : vector<16xf32>
    %mul3A_1590 = arith.mulf %sub3A_1589, %sub3A_1589 : vector<16xf32>
    %add3A_1591 = arith.addf %add3A_1584, %mul3A_1590 : vector<16xf32>
    %broadcast_in_dim3A_1592 = arith.constant 61 : i32
    %broadcast_in_dim3A_1593 = vector.broadcast %broadcast_in_dim3A_1592 : i32 to vector<16xi32>
    %gather3A_1594 = tpu.vector_load_idx %arg8[%add3A_1166, %and3A, %broadcast_in_dim3A_1593] : memref<32x8x64xf32, #tpu.memory_space<vmem>>[vector<16xi32>, vector<16xi32>, vector<16xi32>], vector<16xf32>,
    %gather3A_1595 = tpu.vector_load_idx %arg7[%add3A_1166, %broadcast_in_dim3A_1593] : memref<32x64xf32, #tpu.memory_space<vmem>>[vector<16xi32>, vector<16xi32>], vector<16xf32>,
    %sub3A_1596 = arith.subf %gather3A_1595, %gather3A_1594 : vector<16xf32>
    %mul3A_1597 = arith.mulf %sub3A_1596, %sub3A_1596 : vector<16xf32>
    %add3A_1598 = arith.addf %add3A_1591, %mul3A_1597 : vector<16xf32>
    %broadcast_in_dim3A_1599 = arith.constant 62 : i32
    %broadcast_in_dim3A_1600 = vector.broadcast %broadcast_in_dim3A_1599 : i32 to vector<16xi32>
    %gather3A_1601 = tpu.vector_load_idx %arg8[%add3A_1166, %and3A, %broadcast_in_dim3A_1600] : memref<32x8x64xf32, #tpu.memory_space<vmem>>[vector<16xi32>, vector<16xi32>, vector<16xi32>], vector<16xf32>,
    %gather3A_1602 = tpu.vector_load_idx %arg7[%add3A_1166, %broadcast_in_dim3A_1600] : memref<32x64xf32, #tpu.memory_space<vmem>>[vector<16xi32>, vector<16xi32>], vector<16xf32>,
    %sub3A_1603 = arith.subf %gather3A_1602, %gather3A_1601 : vector<16xf32>
    %mul3A_1604 = arith.mulf %sub3A_1603, %sub3A_1603 : vector<16xf32>
    %add3A_1605 = arith.addf %add3A_1598, %mul3A_1604 : vector<16xf32>
    %broadcast_in_dim3A_1606 = arith.constant 63 : i32
    %broadcast_in_dim3A_1607 = vector.broadcast %broadcast_in_dim3A_1606 : i32 to vector<16xi32>
    %gather3A_1608 = tpu.vector_load_idx %arg8[%add3A_1166, %and3A, %broadcast_in_dim3A_1607] : memref<32x8x64xf32, #tpu.memory_space<vmem>>[vector<16xi32>, vector<16xi32>, vector<16xi32>], vector<16xf32>,
    %gather3A_1609 = tpu.vector_load_idx %arg7[%add3A_1166, %broadcast_in_dim3A_1607] : memref<32x64xf32, #tpu.memory_space<vmem>>[vector<16xi32>, vector<16xi32>], vector<16xf32>,
    %sub3A_1610 = arith.subf %gather3A_1609, %gather3A_1608 : vector<16xf32>
    %mul3A_1611 = arith.mulf %sub3A_1610, %sub3A_1610 : vector<16xf32>
    %add3A_1612 = arith.addf %add3A_1605, %mul3A_1611 : vector<16xf32>
    %get3A_1613 = arith.constant 16 : index
    %get3A_1614 = tpu.vector_load %arg6[%get3A_1613] {strides = array<i32>} : memref<32xi32, #tpu.memory_space<vmem>>, vector<16xi32>,
    %broadcast_in_dim3A_1615 = arith.constant 7 : i32
    %broadcast_in_dim3A_1616 = vector.broadcast %broadcast_in_dim3A_1615 : i32 to vector<16xi32>
    %and3A_1617 = arith.andi %get3A_1614, %broadcast_in_dim3A_1616 : vector<16xi32>
    %add3A_1618 = arith.constant 16 : i32
    %add3A_1619 = vector.broadcast %add3A_1618 : i32 to vector<16xi32>
    %add3A_1620 = arith.addi %iota3A, %add3A_1619 : vector<16xi32>
    %broadcast_in_dim3A_1621 = arith.constant 0 : i32
    %broadcast_in_dim3A_1622 = vector.broadcast %broadcast_in_dim3A_1621 : i32 to vector<16xi32>
    %gather3A_1623 = tpu.vector_load_idx %arg8[%add3A_1620, %and3A_1617, %broadcast_in_dim3A_1622] : memref<32x8x64xf32, #tpu.memory_space<vmem>>[vector<16xi32>, vector<16xi32>, vector<16xi32>], vector<16xf32>,
    %gather3A_1624 = tpu.vector_load_idx %arg7[%add3A_1620, %broadcast_in_dim3A_1622] : memref<32x64xf32, #tpu.memory_space<vmem>>[vector<16xi32>, vector<16xi32>], vector<16xf32>,
    %sub3A_1625 = arith.subf %gather3A_1624, %gather3A_1623 : vector<16xf32>
    %mul3A_1626 = arith.mulf %sub3A_1625, %sub3A_1625 : vector<16xf32>
    %add3A_1627 = arith.addf %add3A_1612, %mul3A_1626 : vector<16xf32>
    %broadcast_in_dim3A_1628 = arith.constant 1 : i32
    %broadcast_in_dim3A_1629 = vector.broadcast %broadcast_in_dim3A_1628 : i32 to vector<16xi32>
    %gather3A_1630 = tpu.vector_load_idx %arg8[%add3A_1620, %and3A_1617, %broadcast_in_dim3A_1629] : memref<32x8x64xf32, #tpu.memory_space<vmem>>[vector<16xi32>, vector<16xi32>, vector<16xi32>], vector<16xf32>,
    %gather3A_1631 = tpu.vector_load_idx %arg7[%add3A_1620, %broadcast_in_dim3A_1629] : memref<32x64xf32, #tpu.memory_space<vmem>>[vector<16xi32>, vector<16xi32>], vector<16xf32>,
    %sub3A_1632 = arith.subf %gather3A_1631, %gather3A_1630 : vector<16xf32>
    %mul3A_1633 = arith.mulf %sub3A_1632, %sub3A_1632 : vector<16xf32>
    %add3A_1634 = arith.addf %add3A_1627, %mul3A_1633 : vector<16xf32>
    %broadcast_in_dim3A_1635 = arith.constant 2 : i32
    %broadcast_in_dim3A_1636 = vector.broadcast %broadcast_in_dim3A_1635 : i32 to vector<16xi32>
    %gather3A_1637 = tpu.vector_load_idx %arg8[%add3A_1620, %and3A_1617, %broadcast_in_dim3A_1636] : memref<32x8x64xf32, #tpu.memory_space<vmem>>[vector<16xi32>, vector<16xi32>, vector<16xi32>], vector<16xf32>,
    %gather3A_1638 = tpu.vector_load_idx %arg7[%add3A_1620, %broadcast_in_dim3A_1636] : memref<32x64xf32, #tpu.memory_space<vmem>>[vector<16xi32>, vector<16xi32>], vector<16xf32>,
    %sub3A_1639 = arith.subf %gather3A_1638, %gather3A_1637 : vector<16xf32>
    %mul3A_1640 = arith.mulf %sub3A_1639, %sub3A_1639 : vector<16xf32>
    %add3A_1641 = arith.addf %add3A_1634, %mul3A_1640 : vector<16xf32>
    %broadcast_in_dim3A_1642 = arith.constant 3 : i32
    %broadcast_in_dim3A_1643 = vector.broadcast %broadcast_in_dim3A_1642 : i32 to vector<16xi32>
    %gather3A_1644 = tpu.vector_load_idx %arg8[%add3A_1620, %and3A_1617, %broadcast_in_dim3A_1643] : memref<32x8x64xf32, #tpu.memory_space<vmem>>[vector<16xi32>, vector<16xi32>, vector<16xi32>], vector<16xf32>,
    %gather3A_1645 = tpu.vector_load_idx %arg7[%add3A_1620, %broadcast_in_dim3A_1643] : memref<32x64xf32, #tpu.memory_space<vmem>>[vector<16xi32>, vector<16xi32>], vector<16xf32>,
    %sub3A_1646 = arith.subf %gather3A_1645, %gather3A_1644 : vector<16xf32>
    %mul3A_1647 = arith.mulf %sub3A_1646, %sub3A_1646 : vector<16xf32>
    %add3A_1648 = arith.addf %add3A_1641, %mul3A_1647 : vector<16xf32>
    %broadcast_in_dim3A_1649 = arith.constant 4 : i32
    %broadcast_in_dim3A_1650 = vector.broadcast %broadcast_in_dim3A_1649 : i32 to vector<16xi32>
    %gather3A_1651 = tpu.vector_load_idx %arg8[%add3A_1620, %and3A_1617, %broadcast_in_dim3A_1650] : memref<32x8x64xf32, #tpu.memory_space<vmem>>[vector<16xi32>, vector<16xi32>, vector<16xi32>], vector<16xf32>,
    %gather3A_1652 = tpu.vector_load_idx %arg7[%add3A_1620, %broadcast_in_dim3A_1650] : memref<32x64xf32, #tpu.memory_space<vmem>>[vector<16xi32>, vector<16xi32>], vector<16xf32>,
    %sub3A_1653 = arith.subf %gather3A_1652, %gather3A_1651 : vector<16xf32>
    %mul3A_1654 = arith.mulf %sub3A_1653, %sub3A_1653 : vector<16xf32>
    %add3A_1655 = arith.addf %add3A_1648, %mul3A_1654 : vector<16xf32>
    %broadcast_in_dim3A_1656 = arith.constant 5 : i32
    %broadcast_in_dim3A_1657 = vector.broadcast %broadcast_in_dim3A_1656 : i32 to vector<16xi32>
    %gather3A_1658 = tpu.vector_load_idx %arg8[%add3A_1620, %and3A_1617, %broadcast_in_dim3A_1657] : memref<32x8x64xf32, #tpu.memory_space<vmem>>[vector<16xi32>, vector<16xi32>, vector<16xi32>], vector<16xf32>,
    %gather3A_1659 = tpu.vector_load_idx %arg7[%add3A_1620, %broadcast_in_dim3A_1657] : memref<32x64xf32, #tpu.memory_space<vmem>>[vector<16xi32>, vector<16xi32>], vector<16xf32>,
    %sub3A_1660 = arith.subf %gather3A_1659, %gather3A_1658 : vector<16xf32>
    %mul3A_1661 = arith.mulf %sub3A_1660, %sub3A_1660 : vector<16xf32>
    %add3A_1662 = arith.addf %add3A_1655, %mul3A_1661 : vector<16xf32>
    %broadcast_in_dim3A_1663 = arith.constant 6 : i32
    %broadcast_in_dim3A_1664 = vector.broadcast %broadcast_in_dim3A_1663 : i32 to vector<16xi32>
    %gather3A_1665 = tpu.vector_load_idx %arg8[%add3A_1620, %and3A_1617, %broadcast_in_dim3A_1664] : memref<32x8x64xf32, #tpu.memory_space<vmem>>[vector<16xi32>, vector<16xi32>, vector<16xi32>], vector<16xf32>,
    %gather3A_1666 = tpu.vector_load_idx %arg7[%add3A_1620, %broadcast_in_dim3A_1664] : memref<32x64xf32, #tpu.memory_space<vmem>>[vector<16xi32>, vector<16xi32>], vector<16xf32>,
    %sub3A_1667 = arith.subf %gather3A_1666, %gather3A_1665 : vector<16xf32>
    %mul3A_1668 = arith.mulf %sub3A_1667, %sub3A_1667 : vector<16xf32>
    %add3A_1669 = arith.addf %add3A_1662, %mul3A_1668 : vector<16xf32>
    %broadcast_in_dim3A_1670 = arith.constant 7 : i32
    %broadcast_in_dim3A_1671 = vector.broadcast %broadcast_in_dim3A_1670 : i32 to vector<16xi32>
    %gather3A_1672 = tpu.vector_load_idx %arg8[%add3A_1620, %and3A_1617, %broadcast_in_dim3A_1671] : memref<32x8x64xf32, #tpu.memory_space<vmem>>[vector<16xi32>, vector<16xi32>, vector<16xi32>], vector<16xf32>,
    %gather3A_1673 = tpu.vector_load_idx %arg7[%add3A_1620, %broadcast_in_dim3A_1671] : memref<32x64xf32, #tpu.memory_space<vmem>>[vector<16xi32>, vector<16xi32>], vector<16xf32>,
    %sub3A_1674 = arith.subf %gather3A_1673, %gather3A_1672 : vector<16xf32>
    %mul3A_1675 = arith.mulf %sub3A_1674, %sub3A_1674 : vector<16xf32>
    %add3A_1676 = arith.addf %add3A_1669, %mul3A_1675 : vector<16xf32>
    %broadcast_in_dim3A_1677 = arith.constant 8 : i32
    %broadcast_in_dim3A_1678 = vector.broadcast %broadcast_in_dim3A_1677 : i32 to vector<16xi32>
    %gather3A_1679 = tpu.vector_load_idx %arg8[%add3A_1620, %and3A_1617, %broadcast_in_dim3A_1678] : memref<32x8x64xf32, #tpu.memory_space<vmem>>[vector<16xi32>, vector<16xi32>, vector<16xi32>], vector<16xf32>,
    %gather3A_1680 = tpu.vector_load_idx %arg7[%add3A_1620, %broadcast_in_dim3A_1678] : memref<32x64xf32, #tpu.memory_space<vmem>>[vector<16xi32>, vector<16xi32>], vector<16xf32>,
    %sub3A_1681 = arith.subf %gather3A_1680, %gather3A_1679 : vector<16xf32>
    %mul3A_1682 = arith.mulf %sub3A_1681, %sub3A_1681 : vector<16xf32>
    %add3A_1683 = arith.addf %add3A_1676, %mul3A_1682 : vector<16xf32>
    %broadcast_in_dim3A_1684 = arith.constant 9 : i32
    %broadcast_in_dim3A_1685 = vector.broadcast %broadcast_in_dim3A_1684 : i32 to vector<16xi32>
    %gather3A_1686 = tpu.vector_load_idx %arg8[%add3A_1620, %and3A_1617, %broadcast_in_dim3A_1685] : memref<32x8x64xf32, #tpu.memory_space<vmem>>[vector<16xi32>, vector<16xi32>, vector<16xi32>], vector<16xf32>,
    %gather3A_1687 = tpu.vector_load_idx %arg7[%add3A_1620, %broadcast_in_dim3A_1685] : memref<32x64xf32, #tpu.memory_space<vmem>>[vector<16xi32>, vector<16xi32>], vector<16xf32>,
    %sub3A_1688 = arith.subf %gather3A_1687, %gather3A_1686 : vector<16xf32>
    %mul3A_1689 = arith.mulf %sub3A_1688, %sub3A_1688 : vector<16xf32>
    %add3A_1690 = arith.addf %add3A_1683, %mul3A_1689 : vector<16xf32>
    %broadcast_in_dim3A_1691 = arith.constant 10 : i32
    %broadcast_in_dim3A_1692 = vector.broadcast %broadcast_in_dim3A_1691 : i32 to vector<16xi32>
    %gather3A_1693 = tpu.vector_load_idx %arg8[%add3A_1620, %and3A_1617, %broadcast_in_dim3A_1692] : memref<32x8x64xf32, #tpu.memory_space<vmem>>[vector<16xi32>, vector<16xi32>, vector<16xi32>], vector<16xf32>,
    %gather3A_1694 = tpu.vector_load_idx %arg7[%add3A_1620, %broadcast_in_dim3A_1692] : memref<32x64xf32, #tpu.memory_space<vmem>>[vector<16xi32>, vector<16xi32>], vector<16xf32>,
    %sub3A_1695 = arith.subf %gather3A_1694, %gather3A_1693 : vector<16xf32>
    %mul3A_1696 = arith.mulf %sub3A_1695, %sub3A_1695 : vector<16xf32>
    %add3A_1697 = arith.addf %add3A_1690, %mul3A_1696 : vector<16xf32>
    %broadcast_in_dim3A_1698 = arith.constant 11 : i32
    %broadcast_in_dim3A_1699 = vector.broadcast %broadcast_in_dim3A_1698 : i32 to vector<16xi32>
    %gather3A_1700 = tpu.vector_load_idx %arg8[%add3A_1620, %and3A_1617, %broadcast_in_dim3A_1699] : memref<32x8x64xf32, #tpu.memory_space<vmem>>[vector<16xi32>, vector<16xi32>, vector<16xi32>], vector<16xf32>,
    %gather3A_1701 = tpu.vector_load_idx %arg7[%add3A_1620, %broadcast_in_dim3A_1699] : memref<32x64xf32, #tpu.memory_space<vmem>>[vector<16xi32>, vector<16xi32>], vector<16xf32>,
    %sub3A_1702 = arith.subf %gather3A_1701, %gather3A_1700 : vector<16xf32>
    %mul3A_1703 = arith.mulf %sub3A_1702, %sub3A_1702 : vector<16xf32>
    %add3A_1704 = arith.addf %add3A_1697, %mul3A_1703 : vector<16xf32>
    %broadcast_in_dim3A_1705 = arith.constant 12 : i32
    %broadcast_in_dim3A_1706 = vector.broadcast %broadcast_in_dim3A_1705 : i32 to vector<16xi32>
    %gather3A_1707 = tpu.vector_load_idx %arg8[%add3A_1620, %and3A_1617, %broadcast_in_dim3A_1706] : memref<32x8x64xf32, #tpu.memory_space<vmem>>[vector<16xi32>, vector<16xi32>, vector<16xi32>], vector<16xf32>,
    %gather3A_1708 = tpu.vector_load_idx %arg7[%add3A_1620, %broadcast_in_dim3A_1706] : memref<32x64xf32, #tpu.memory_space<vmem>>[vector<16xi32>, vector<16xi32>], vector<16xf32>,
    %sub3A_1709 = arith.subf %gather3A_1708, %gather3A_1707 : vector<16xf32>
    %mul3A_1710 = arith.mulf %sub3A_1709, %sub3A_1709 : vector<16xf32>
    %add3A_1711 = arith.addf %add3A_1704, %mul3A_1710 : vector<16xf32>
    %broadcast_in_dim3A_1712 = arith.constant 13 : i32
    %broadcast_in_dim3A_1713 = vector.broadcast %broadcast_in_dim3A_1712 : i32 to vector<16xi32>
    %gather3A_1714 = tpu.vector_load_idx %arg8[%add3A_1620, %and3A_1617, %broadcast_in_dim3A_1713] : memref<32x8x64xf32, #tpu.memory_space<vmem>>[vector<16xi32>, vector<16xi32>, vector<16xi32>], vector<16xf32>,
    %gather3A_1715 = tpu.vector_load_idx %arg7[%add3A_1620, %broadcast_in_dim3A_1713] : memref<32x64xf32, #tpu.memory_space<vmem>>[vector<16xi32>, vector<16xi32>], vector<16xf32>,
    %sub3A_1716 = arith.subf %gather3A_1715, %gather3A_1714 : vector<16xf32>
    %mul3A_1717 = arith.mulf %sub3A_1716, %sub3A_1716 : vector<16xf32>
    %add3A_1718 = arith.addf %add3A_1711, %mul3A_1717 : vector<16xf32>
    %broadcast_in_dim3A_1719 = arith.constant 14 : i32
    %broadcast_in_dim3A_1720 = vector.broadcast %broadcast_in_dim3A_1719 : i32 to vector<16xi32>
    %gather3A_1721 = tpu.vector_load_idx %arg8[%add3A_1620, %and3A_1617, %broadcast_in_dim3A_1720] : memref<32x8x64xf32, #tpu.memory_space<vmem>>[vector<16xi32>, vector<16xi32>, vector<16xi32>], vector<16xf32>,
    %gather3A_1722 = tpu.vector_load_idx %arg7[%add3A_1620, %broadcast_in_dim3A_1720] : memref<32x64xf32, #tpu.memory_space<vmem>>[vector<16xi32>, vector<16xi32>], vector<16xf32>,
    %sub3A_1723 = arith.subf %gather3A_1722, %gather3A_1721 : vector<16xf32>
    %mul3A_1724 = arith.mulf %sub3A_1723, %sub3A_1723 : vector<16xf32>
    %add3A_1725 = arith.addf %add3A_1718, %mul3A_1724 : vector<16xf32>
    %broadcast_in_dim3A_1726 = arith.constant 15 : i32
    %broadcast_in_dim3A_1727 = vector.broadcast %broadcast_in_dim3A_1726 : i32 to vector<16xi32>
    %gather3A_1728 = tpu.vector_load_idx %arg8[%add3A_1620, %and3A_1617, %broadcast_in_dim3A_1727] : memref<32x8x64xf32, #tpu.memory_space<vmem>>[vector<16xi32>, vector<16xi32>, vector<16xi32>], vector<16xf32>,
    %gather3A_1729 = tpu.vector_load_idx %arg7[%add3A_1620, %broadcast_in_dim3A_1727] : memref<32x64xf32, #tpu.memory_space<vmem>>[vector<16xi32>, vector<16xi32>], vector<16xf32>,
    %sub3A_1730 = arith.subf %gather3A_1729, %gather3A_1728 : vector<16xf32>
    %mul3A_1731 = arith.mulf %sub3A_1730, %sub3A_1730 : vector<16xf32>
    %add3A_1732 = arith.addf %add3A_1725, %mul3A_1731 : vector<16xf32>
    %broadcast_in_dim3A_1733 = arith.constant 16 : i32
    %broadcast_in_dim3A_1734 = vector.broadcast %broadcast_in_dim3A_1733 : i32 to vector<16xi32>
    %gather3A_1735 = tpu.vector_load_idx %arg8[%add3A_1620, %and3A_1617, %broadcast_in_dim3A_1734] : memref<32x8x64xf32, #tpu.memory_space<vmem>>[vector<16xi32>, vector<16xi32>, vector<16xi32>], vector<16xf32>,
    %gather3A_1736 = tpu.vector_load_idx %arg7[%add3A_1620, %broadcast_in_dim3A_1734] : memref<32x64xf32, #tpu.memory_space<vmem>>[vector<16xi32>, vector<16xi32>], vector<16xf32>,
    %sub3A_1737 = arith.subf %gather3A_1736, %gather3A_1735 : vector<16xf32>
    %mul3A_1738 = arith.mulf %sub3A_1737, %sub3A_1737 : vector<16xf32>
    %add3A_1739 = arith.addf %add3A_1732, %mul3A_1738 : vector<16xf32>
    %broadcast_in_dim3A_1740 = arith.constant 17 : i32
    %broadcast_in_dim3A_1741 = vector.broadcast %broadcast_in_dim3A_1740 : i32 to vector<16xi32>
    %gather3A_1742 = tpu.vector_load_idx %arg8[%add3A_1620, %and3A_1617, %broadcast_in_dim3A_1741] : memref<32x8x64xf32, #tpu.memory_space<vmem>>[vector<16xi32>, vector<16xi32>, vector<16xi32>], vector<16xf32>,
    %gather3A_1743 = tpu.vector_load_idx %arg7[%add3A_1620, %broadcast_in_dim3A_1741] : memref<32x64xf32, #tpu.memory_space<vmem>>[vector<16xi32>, vector<16xi32>], vector<16xf32>,
    %sub3A_1744 = arith.subf %gather3A_1743, %gather3A_1742 : vector<16xf32>
    %mul3A_1745 = arith.mulf %sub3A_1744, %sub3A_1744 : vector<16xf32>
    %add3A_1746 = arith.addf %add3A_1739, %mul3A_1745 : vector<16xf32>
    %broadcast_in_dim3A_1747 = arith.constant 18 : i32
    %broadcast_in_dim3A_1748 = vector.broadcast %broadcast_in_dim3A_1747 : i32 to vector<16xi32>
    %gather3A_1749 = tpu.vector_load_idx %arg8[%add3A_1620, %and3A_1617, %broadcast_in_dim3A_1748] : memref<32x8x64xf32, #tpu.memory_space<vmem>>[vector<16xi32>, vector<16xi32>, vector<16xi32>], vector<16xf32>,
    %gather3A_1750 = tpu.vector_load_idx %arg7[%add3A_1620, %broadcast_in_dim3A_1748] : memref<32x64xf32, #tpu.memory_space<vmem>>[vector<16xi32>, vector<16xi32>], vector<16xf32>,
    %sub3A_1751 = arith.subf %gather3A_1750, %gather3A_1749 : vector<16xf32>
    %mul3A_1752 = arith.mulf %sub3A_1751, %sub3A_1751 : vector<16xf32>
    %add3A_1753 = arith.addf %add3A_1746, %mul3A_1752 : vector<16xf32>
    %broadcast_in_dim3A_1754 = arith.constant 19 : i32
    %broadcast_in_dim3A_1755 = vector.broadcast %broadcast_in_dim3A_1754 : i32 to vector<16xi32>
    %gather3A_1756 = tpu.vector_load_idx %arg8[%add3A_1620, %and3A_1617, %broadcast_in_dim3A_1755] : memref<32x8x64xf32, #tpu.memory_space<vmem>>[vector<16xi32>, vector<16xi32>, vector<16xi32>], vector<16xf32>,
    %gather3A_1757 = tpu.vector_load_idx %arg7[%add3A_1620, %broadcast_in_dim3A_1755] : memref<32x64xf32, #tpu.memory_space<vmem>>[vector<16xi32>, vector<16xi32>], vector<16xf32>,
    %sub3A_1758 = arith.subf %gather3A_1757, %gather3A_1756 : vector<16xf32>
    %mul3A_1759 = arith.mulf %sub3A_1758, %sub3A_1758 : vector<16xf32>
    %add3A_1760 = arith.addf %add3A_1753, %mul3A_1759 : vector<16xf32>
    %broadcast_in_dim3A_1761 = arith.constant 20 : i32
    %broadcast_in_dim3A_1762 = vector.broadcast %broadcast_in_dim3A_1761 : i32 to vector<16xi32>
    %gather3A_1763 = tpu.vector_load_idx %arg8[%add3A_1620, %and3A_1617, %broadcast_in_dim3A_1762] : memref<32x8x64xf32, #tpu.memory_space<vmem>>[vector<16xi32>, vector<16xi32>, vector<16xi32>], vector<16xf32>,
    %gather3A_1764 = tpu.vector_load_idx %arg7[%add3A_1620, %broadcast_in_dim3A_1762] : memref<32x64xf32, #tpu.memory_space<vmem>>[vector<16xi32>, vector<16xi32>], vector<16xf32>,
    %sub3A_1765 = arith.subf %gather3A_1764, %gather3A_1763 : vector<16xf32>
    %mul3A_1766 = arith.mulf %sub3A_1765, %sub3A_1765 : vector<16xf32>
    %add3A_1767 = arith.addf %add3A_1760, %mul3A_1766 : vector<16xf32>
    %broadcast_in_dim3A_1768 = arith.constant 21 : i32
    %broadcast_in_dim3A_1769 = vector.broadcast %broadcast_in_dim3A_1768 : i32 to vector<16xi32>
    %gather3A_1770 = tpu.vector_load_idx %arg8[%add3A_1620, %and3A_1617, %broadcast_in_dim3A_1769] : memref<32x8x64xf32, #tpu.memory_space<vmem>>[vector<16xi32>, vector<16xi32>, vector<16xi32>], vector<16xf32>,
    %gather3A_1771 = tpu.vector_load_idx %arg7[%add3A_1620, %broadcast_in_dim3A_1769] : memref<32x64xf32, #tpu.memory_space<vmem>>[vector<16xi32>, vector<16xi32>], vector<16xf32>,
    %sub3A_1772 = arith.subf %gather3A_1771, %gather3A_1770 : vector<16xf32>
    %mul3A_1773 = arith.mulf %sub3A_1772, %sub3A_1772 : vector<16xf32>
    %add3A_1774 = arith.addf %add3A_1767, %mul3A_1773 : vector<16xf32>
    %broadcast_in_dim3A_1775 = arith.constant 22 : i32
    %broadcast_in_dim3A_1776 = vector.broadcast %broadcast_in_dim3A_1775 : i32 to vector<16xi32>
    %gather3A_1777 = tpu.vector_load_idx %arg8[%add3A_1620, %and3A_1617, %broadcast_in_dim3A_1776] : memref<32x8x64xf32, #tpu.memory_space<vmem>>[vector<16xi32>, vector<16xi32>, vector<16xi32>], vector<16xf32>,
    %gather3A_1778 = tpu.vector_load_idx %arg7[%add3A_1620, %broadcast_in_dim3A_1776] : memref<32x64xf32, #tpu.memory_space<vmem>>[vector<16xi32>, vector<16xi32>], vector<16xf32>,
    %sub3A_1779 = arith.subf %gather3A_1778, %gather3A_1777 : vector<16xf32>
    %mul3A_1780 = arith.mulf %sub3A_1779, %sub3A_1779 : vector<16xf32>
    %add3A_1781 = arith.addf %add3A_1774, %mul3A_1780 : vector<16xf32>
    %broadcast_in_dim3A_1782 = arith.constant 23 : i32
    %broadcast_in_dim3A_1783 = vector.broadcast %broadcast_in_dim3A_1782 : i32 to vector<16xi32>
    %gather3A_1784 = tpu.vector_load_idx %arg8[%add3A_1620, %and3A_1617, %broadcast_in_dim3A_1783] : memref<32x8x64xf32, #tpu.memory_space<vmem>>[vector<16xi32>, vector<16xi32>, vector<16xi32>], vector<16xf32>,
    %gather3A_1785 = tpu.vector_load_idx %arg7[%add3A_1620, %broadcast_in_dim3A_1783] : memref<32x64xf32, #tpu.memory_space<vmem>>[vector<16xi32>, vector<16xi32>], vector<16xf32>,
    %sub3A_1786 = arith.subf %gather3A_1785, %gather3A_1784 : vector<16xf32>
    %mul3A_1787 = arith.mulf %sub3A_1786, %sub3A_1786 : vector<16xf32>
    %add3A_1788 = arith.addf %add3A_1781, %mul3A_1787 : vector<16xf32>
    %broadcast_in_dim3A_1789 = arith.constant 24 : i32
    %broadcast_in_dim3A_1790 = vector.broadcast %broadcast_in_dim3A_1789 : i32 to vector<16xi32>
    %gather3A_1791 = tpu.vector_load_idx %arg8[%add3A_1620, %and3A_1617, %broadcast_in_dim3A_1790] : memref<32x8x64xf32, #tpu.memory_space<vmem>>[vector<16xi32>, vector<16xi32>, vector<16xi32>], vector<16xf32>,
    %gather3A_1792 = tpu.vector_load_idx %arg7[%add3A_1620, %broadcast_in_dim3A_1790] : memref<32x64xf32, #tpu.memory_space<vmem>>[vector<16xi32>, vector<16xi32>], vector<16xf32>,
    %sub3A_1793 = arith.subf %gather3A_1792, %gather3A_1791 : vector<16xf32>
    %mul3A_1794 = arith.mulf %sub3A_1793, %sub3A_1793 : vector<16xf32>
    %add3A_1795 = arith.addf %add3A_1788, %mul3A_1794 : vector<16xf32>
    %broadcast_in_dim3A_1796 = arith.constant 25 : i32
    %broadcast_in_dim3A_1797 = vector.broadcast %broadcast_in_dim3A_1796 : i32 to vector<16xi32>
    %gather3A_1798 = tpu.vector_load_idx %arg8[%add3A_1620, %and3A_1617, %broadcast_in_dim3A_1797] : memref<32x8x64xf32, #tpu.memory_space<vmem>>[vector<16xi32>, vector<16xi32>, vector<16xi32>], vector<16xf32>,
    %gather3A_1799 = tpu.vector_load_idx %arg7[%add3A_1620, %broadcast_in_dim3A_1797] : memref<32x64xf32, #tpu.memory_space<vmem>>[vector<16xi32>, vector<16xi32>], vector<16xf32>,
    %sub3A_1800 = arith.subf %gather3A_1799, %gather3A_1798 : vector<16xf32>
    %mul3A_1801 = arith.mulf %sub3A_1800, %sub3A_1800 : vector<16xf32>
    %add3A_1802 = arith.addf %add3A_1795, %mul3A_1801 : vector<16xf32>
    %broadcast_in_dim3A_1803 = arith.constant 26 : i32
    %broadcast_in_dim3A_1804 = vector.broadcast %broadcast_in_dim3A_1803 : i32 to vector<16xi32>
    %gather3A_1805 = tpu.vector_load_idx %arg8[%add3A_1620, %and3A_1617, %broadcast_in_dim3A_1804] : memref<32x8x64xf32, #tpu.memory_space<vmem>>[vector<16xi32>, vector<16xi32>, vector<16xi32>], vector<16xf32>,
    %gather3A_1806 = tpu.vector_load_idx %arg7[%add3A_1620, %broadcast_in_dim3A_1804] : memref<32x64xf32, #tpu.memory_space<vmem>>[vector<16xi32>, vector<16xi32>], vector<16xf32>,
    %sub3A_1807 = arith.subf %gather3A_1806, %gather3A_1805 : vector<16xf32>
    %mul3A_1808 = arith.mulf %sub3A_1807, %sub3A_1807 : vector<16xf32>
    %add3A_1809 = arith.addf %add3A_1802, %mul3A_1808 : vector<16xf32>
    %broadcast_in_dim3A_1810 = arith.constant 27 : i32
    %broadcast_in_dim3A_1811 = vector.broadcast %broadcast_in_dim3A_1810 : i32 to vector<16xi32>
    %gather3A_1812 = tpu.vector_load_idx %arg8[%add3A_1620, %and3A_1617, %broadcast_in_dim3A_1811] : memref<32x8x64xf32, #tpu.memory_space<vmem>>[vector<16xi32>, vector<16xi32>, vector<16xi32>], vector<16xf32>,
    %gather3A_1813 = tpu.vector_load_idx %arg7[%add3A_1620, %broadcast_in_dim3A_1811] : memref<32x64xf32, #tpu.memory_space<vmem>>[vector<16xi32>, vector<16xi32>], vector<16xf32>,
    %sub3A_1814 = arith.subf %gather3A_1813, %gather3A_1812 : vector<16xf32>
    %mul3A_1815 = arith.mulf %sub3A_1814, %sub3A_1814 : vector<16xf32>
    %add3A_1816 = arith.addf %add3A_1809, %mul3A_1815 : vector<16xf32>
    %broadcast_in_dim3A_1817 = arith.constant 28 : i32
    %broadcast_in_dim3A_1818 = vector.broadcast %broadcast_in_dim3A_1817 : i32 to vector<16xi32>
    %gather3A_1819 = tpu.vector_load_idx %arg8[%add3A_1620, %and3A_1617, %broadcast_in_dim3A_1818] : memref<32x8x64xf32, #tpu.memory_space<vmem>>[vector<16xi32>, vector<16xi32>, vector<16xi32>], vector<16xf32>,
    %gather3A_1820 = tpu.vector_load_idx %arg7[%add3A_1620, %broadcast_in_dim3A_1818] : memref<32x64xf32, #tpu.memory_space<vmem>>[vector<16xi32>, vector<16xi32>], vector<16xf32>,
    %sub3A_1821 = arith.subf %gather3A_1820, %gather3A_1819 : vector<16xf32>
    %mul3A_1822 = arith.mulf %sub3A_1821, %sub3A_1821 : vector<16xf32>
    %add3A_1823 = arith.addf %add3A_1816, %mul3A_1822 : vector<16xf32>
    %broadcast_in_dim3A_1824 = arith.constant 29 : i32
    %broadcast_in_dim3A_1825 = vector.broadcast %broadcast_in_dim3A_1824 : i32 to vector<16xi32>
    %gather3A_1826 = tpu.vector_load_idx %arg8[%add3A_1620, %and3A_1617, %broadcast_in_dim3A_1825] : memref<32x8x64xf32, #tpu.memory_space<vmem>>[vector<16xi32>, vector<16xi32>, vector<16xi32>], vector<16xf32>,
    %gather3A_1827 = tpu.vector_load_idx %arg7[%add3A_1620, %broadcast_in_dim3A_1825] : memref<32x64xf32, #tpu.memory_space<vmem>>[vector<16xi32>, vector<16xi32>], vector<16xf32>,
    %sub3A_1828 = arith.subf %gather3A_1827, %gather3A_1826 : vector<16xf32>
    %mul3A_1829 = arith.mulf %sub3A_1828, %sub3A_1828 : vector<16xf32>
    %add3A_1830 = arith.addf %add3A_1823, %mul3A_1829 : vector<16xf32>
    %broadcast_in_dim3A_1831 = arith.constant 30 : i32
    %broadcast_in_dim3A_1832 = vector.broadcast %broadcast_in_dim3A_1831 : i32 to vector<16xi32>
    %gather3A_1833 = tpu.vector_load_idx %arg8[%add3A_1620, %and3A_1617, %broadcast_in_dim3A_1832] : memref<32x8x64xf32, #tpu.memory_space<vmem>>[vector<16xi32>, vector<16xi32>, vector<16xi32>], vector<16xf32>,
    %gather3A_1834 = tpu.vector_load_idx %arg7[%add3A_1620, %broadcast_in_dim3A_1832] : memref<32x64xf32, #tpu.memory_space<vmem>>[vector<16xi32>, vector<16xi32>], vector<16xf32>,
    %sub3A_1835 = arith.subf %gather3A_1834, %gather3A_1833 : vector<16xf32>
    %mul3A_1836 = arith.mulf %sub3A_1835, %sub3A_1835 : vector<16xf32>
    %add3A_1837 = arith.addf %add3A_1830, %mul3A_1836 : vector<16xf32>
    %broadcast_in_dim3A_1838 = arith.constant 31 : i32
    %broadcast_in_dim3A_1839 = vector.broadcast %broadcast_in_dim3A_1838 : i32 to vector<16xi32>
    %gather3A_1840 = tpu.vector_load_idx %arg8[%add3A_1620, %and3A_1617, %broadcast_in_dim3A_1839] : memref<32x8x64xf32, #tpu.memory_space<vmem>>[vector<16xi32>, vector<16xi32>, vector<16xi32>], vector<16xf32>,
    %gather3A_1841 = tpu.vector_load_idx %arg7[%add3A_1620, %broadcast_in_dim3A_1839] : memref<32x64xf32, #tpu.memory_space<vmem>>[vector<16xi32>, vector<16xi32>], vector<16xf32>,
    %sub3A_1842 = arith.subf %gather3A_1841, %gather3A_1840 : vector<16xf32>
    %mul3A_1843 = arith.mulf %sub3A_1842, %sub3A_1842 : vector<16xf32>
    %add3A_1844 = arith.addf %add3A_1837, %mul3A_1843 : vector<16xf32>
    %broadcast_in_dim3A_1845 = arith.constant 32 : i32
    %broadcast_in_dim3A_1846 = vector.broadcast %broadcast_in_dim3A_1845 : i32 to vector<16xi32>
    %gather3A_1847 = tpu.vector_load_idx %arg8[%add3A_1620, %and3A_1617, %broadcast_in_dim3A_1846] : memref<32x8x64xf32, #tpu.memory_space<vmem>>[vector<16xi32>, vector<16xi32>, vector<16xi32>], vector<16xf32>,
    %gather3A_1848 = tpu.vector_load_idx %arg7[%add3A_1620, %broadcast_in_dim3A_1846] : memref<32x64xf32, #tpu.memory_space<vmem>>[vector<16xi32>, vector<16xi32>], vector<16xf32>,
    %sub3A_1849 = arith.subf %gather3A_1848, %gather3A_1847 : vector<16xf32>
    %mul3A_1850 = arith.mulf %sub3A_1849, %sub3A_1849 : vector<16xf32>
    %add3A_1851 = arith.addf %add3A_1844, %mul3A_1850 : vector<16xf32>
    %broadcast_in_dim3A_1852 = arith.constant 33 : i32
    %broadcast_in_dim3A_1853 = vector.broadcast %broadcast_in_dim3A_1852 : i32 to vector<16xi32>
    %gather3A_1854 = tpu.vector_load_idx %arg8[%add3A_1620, %and3A_1617, %broadcast_in_dim3A_1853] : memref<32x8x64xf32, #tpu.memory_space<vmem>>[vector<16xi32>, vector<16xi32>, vector<16xi32>], vector<16xf32>,
    %gather3A_1855 = tpu.vector_load_idx %arg7[%add3A_1620, %broadcast_in_dim3A_1853] : memref<32x64xf32, #tpu.memory_space<vmem>>[vector<16xi32>, vector<16xi32>], vector<16xf32>,
    %sub3A_1856 = arith.subf %gather3A_1855, %gather3A_1854 : vector<16xf32>
    %mul3A_1857 = arith.mulf %sub3A_1856, %sub3A_1856 : vector<16xf32>
    %add3A_1858 = arith.addf %add3A_1851, %mul3A_1857 : vector<16xf32>
    %broadcast_in_dim3A_1859 = arith.constant 34 : i32
    %broadcast_in_dim3A_1860 = vector.broadcast %broadcast_in_dim3A_1859 : i32 to vector<16xi32>
    %gather3A_1861 = tpu.vector_load_idx %arg8[%add3A_1620, %and3A_1617, %broadcast_in_dim3A_1860] : memref<32x8x64xf32, #tpu.memory_space<vmem>>[vector<16xi32>, vector<16xi32>, vector<16xi32>], vector<16xf32>,
    %gather3A_1862 = tpu.vector_load_idx %arg7[%add3A_1620, %broadcast_in_dim3A_1860] : memref<32x64xf32, #tpu.memory_space<vmem>>[vector<16xi32>, vector<16xi32>], vector<16xf32>,
    %sub3A_1863 = arith.subf %gather3A_1862, %gather3A_1861 : vector<16xf32>
    %mul3A_1864 = arith.mulf %sub3A_1863, %sub3A_1863 : vector<16xf32>
    %add3A_1865 = arith.addf %add3A_1858, %mul3A_1864 : vector<16xf32>
    %broadcast_in_dim3A_1866 = arith.constant 35 : i32
    %broadcast_in_dim3A_1867 = vector.broadcast %broadcast_in_dim3A_1866 : i32 to vector<16xi32>
    %gather3A_1868 = tpu.vector_load_idx %arg8[%add3A_1620, %and3A_1617, %broadcast_in_dim3A_1867] : memref<32x8x64xf32, #tpu.memory_space<vmem>>[vector<16xi32>, vector<16xi32>, vector<16xi32>], vector<16xf32>,
    %gather3A_1869 = tpu.vector_load_idx %arg7[%add3A_1620, %broadcast_in_dim3A_1867] : memref<32x64xf32, #tpu.memory_space<vmem>>[vector<16xi32>, vector<16xi32>], vector<16xf32>,
    %sub3A_1870 = arith.subf %gather3A_1869, %gather3A_1868 : vector<16xf32>
    %mul3A_1871 = arith.mulf %sub3A_1870, %sub3A_1870 : vector<16xf32>
    %add3A_1872 = arith.addf %add3A_1865, %mul3A_1871 : vector<16xf32>
    %broadcast_in_dim3A_1873 = arith.constant 36 : i32
    %broadcast_in_dim3A_1874 = vector.broadcast %broadcast_in_dim3A_1873 : i32 to vector<16xi32>
    %gather3A_1875 = tpu.vector_load_idx %arg8[%add3A_1620, %and3A_1617, %broadcast_in_dim3A_1874] : memref<32x8x64xf32, #tpu.memory_space<vmem>>[vector<16xi32>, vector<16xi32>, vector<16xi32>], vector<16xf32>,
    %gather3A_1876 = tpu.vector_load_idx %arg7[%add3A_1620, %broadcast_in_dim3A_1874] : memref<32x64xf32, #tpu.memory_space<vmem>>[vector<16xi32>, vector<16xi32>], vector<16xf32>,
    %sub3A_1877 = arith.subf %gather3A_1876, %gather3A_1875 : vector<16xf32>
    %mul3A_1878 = arith.mulf %sub3A_1877, %sub3A_1877 : vector<16xf32>
    %add3A_1879 = arith.addf %add3A_1872, %mul3A_1878 : vector<16xf32>
    %broadcast_in_dim3A_1880 = arith.constant 37 : i32
    %broadcast_in_dim3A_1881 = vector.broadcast %broadcast_in_dim3A_1880 : i32 to vector<16xi32>
    %gather3A_1882 = tpu.vector_load_idx %arg8[%add3A_1620, %and3A_1617, %broadcast_in_dim3A_1881] : memref<32x8x64xf32, #tpu.memory_space<vmem>>[vector<16xi32>, vector<16xi32>, vector<16xi32>], vector<16xf32>,
    %gather3A_1883 = tpu.vector_load_idx %arg7[%add3A_1620, %broadcast_in_dim3A_1881] : memref<32x64xf32, #tpu.memory_space<vmem>>[vector<16xi32>, vector<16xi32>], vector<16xf32>,
    %sub3A_1884 = arith.subf %gather3A_1883, %gather3A_1882 : vector<16xf32>
    %mul3A_1885 = arith.mulf %sub3A_1884, %sub3A_1884 : vector<16xf32>
    %add3A_1886 = arith.addf %add3A_1879, %mul3A_1885 : vector<16xf32>
    %broadcast_in_dim3A_1887 = arith.constant 38 : i32
    %broadcast_in_dim3A_1888 = vector.broadcast %broadcast_in_dim3A_1887 : i32 to vector<16xi32>
    %gather3A_1889 = tpu.vector_load_idx %arg8[%add3A_1620, %and3A_1617, %broadcast_in_dim3A_1888] : memref<32x8x64xf32, #tpu.memory_space<vmem>>[vector<16xi32>, vector<16xi32>, vector<16xi32>], vector<16xf32>,
    %gather3A_1890 = tpu.vector_load_idx %arg7[%add3A_1620, %broadcast_in_dim3A_1888] : memref<32x64xf32, #tpu.memory_space<vmem>>[vector<16xi32>, vector<16xi32>], vector<16xf32>,
    %sub3A_1891 = arith.subf %gather3A_1890, %gather3A_1889 : vector<16xf32>
    %mul3A_1892 = arith.mulf %sub3A_1891, %sub3A_1891 : vector<16xf32>
    %add3A_1893 = arith.addf %add3A_1886, %mul3A_1892 : vector<16xf32>
    %broadcast_in_dim3A_1894 = arith.constant 39 : i32
    %broadcast_in_dim3A_1895 = vector.broadcast %broadcast_in_dim3A_1894 : i32 to vector<16xi32>
    %gather3A_1896 = tpu.vector_load_idx %arg8[%add3A_1620, %and3A_1617, %broadcast_in_dim3A_1895] : memref<32x8x64xf32, #tpu.memory_space<vmem>>[vector<16xi32>, vector<16xi32>, vector<16xi32>], vector<16xf32>,
    %gather3A_1897 = tpu.vector_load_idx %arg7[%add3A_1620, %broadcast_in_dim3A_1895] : memref<32x64xf32, #tpu.memory_space<vmem>>[vector<16xi32>, vector<16xi32>], vector<16xf32>,
    %sub3A_1898 = arith.subf %gather3A_1897, %gather3A_1896 : vector<16xf32>
    %mul3A_1899 = arith.mulf %sub3A_1898, %sub3A_1898 : vector<16xf32>
    %add3A_1900 = arith.addf %add3A_1893, %mul3A_1899 : vector<16xf32>
    %broadcast_in_dim3A_1901 = arith.constant 40 : i32
    %broadcast_in_dim3A_1902 = vector.broadcast %broadcast_in_dim3A_1901 : i32 to vector<16xi32>
    %gather3A_1903 = tpu.vector_load_idx %arg8[%add3A_1620, %and3A_1617, %broadcast_in_dim3A_1902] : memref<32x8x64xf32, #tpu.memory_space<vmem>>[vector<16xi32>, vector<16xi32>, vector<16xi32>], vector<16xf32>,
    %gather3A_1904 = tpu.vector_load_idx %arg7[%add3A_1620, %broadcast_in_dim3A_1902] : memref<32x64xf32, #tpu.memory_space<vmem>>[vector<16xi32>, vector<16xi32>], vector<16xf32>,
    %sub3A_1905 = arith.subf %gather3A_1904, %gather3A_1903 : vector<16xf32>
    %mul3A_1906 = arith.mulf %sub3A_1905, %sub3A_1905 : vector<16xf32>
    %add3A_1907 = arith.addf %add3A_1900, %mul3A_1906 : vector<16xf32>
    %broadcast_in_dim3A_1908 = arith.constant 41 : i32
    %broadcast_in_dim3A_1909 = vector.broadcast %broadcast_in_dim3A_1908 : i32 to vector<16xi32>
    %gather3A_1910 = tpu.vector_load_idx %arg8[%add3A_1620, %and3A_1617, %broadcast_in_dim3A_1909] : memref<32x8x64xf32, #tpu.memory_space<vmem>>[vector<16xi32>, vector<16xi32>, vector<16xi32>], vector<16xf32>,
    %gather3A_1911 = tpu.vector_load_idx %arg7[%add3A_1620, %broadcast_in_dim3A_1909] : memref<32x64xf32, #tpu.memory_space<vmem>>[vector<16xi32>, vector<16xi32>], vector<16xf32>,
    %sub3A_1912 = arith.subf %gather3A_1911, %gather3A_1910 : vector<16xf32>
    %mul3A_1913 = arith.mulf %sub3A_1912, %sub3A_1912 : vector<16xf32>
    %add3A_1914 = arith.addf %add3A_1907, %mul3A_1913 : vector<16xf32>
    %broadcast_in_dim3A_1915 = arith.constant 42 : i32
    %broadcast_in_dim3A_1916 = vector.broadcast %broadcast_in_dim3A_1915 : i32 to vector<16xi32>
    %gather3A_1917 = tpu.vector_load_idx %arg8[%add3A_1620, %and3A_1617, %broadcast_in_dim3A_1916] : memref<32x8x64xf32, #tpu.memory_space<vmem>>[vector<16xi32>, vector<16xi32>, vector<16xi32>], vector<16xf32>,
    %gather3A_1918 = tpu.vector_load_idx %arg7[%add3A_1620, %broadcast_in_dim3A_1916] : memref<32x64xf32, #tpu.memory_space<vmem>>[vector<16xi32>, vector<16xi32>], vector<16xf32>,
    %sub3A_1919 = arith.subf %gather3A_1918, %gather3A_1917 : vector<16xf32>
    %mul3A_1920 = arith.mulf %sub3A_1919, %sub3A_1919 : vector<16xf32>
    %add3A_1921 = arith.addf %add3A_1914, %mul3A_1920 : vector<16xf32>
    %broadcast_in_dim3A_1922 = arith.constant 43 : i32
    %broadcast_in_dim3A_1923 = vector.broadcast %broadcast_in_dim3A_1922 : i32 to vector<16xi32>
    %gather3A_1924 = tpu.vector_load_idx %arg8[%add3A_1620, %and3A_1617, %broadcast_in_dim3A_1923] : memref<32x8x64xf32, #tpu.memory_space<vmem>>[vector<16xi32>, vector<16xi32>, vector<16xi32>], vector<16xf32>,
    %gather3A_1925 = tpu.vector_load_idx %arg7[%add3A_1620, %broadcast_in_dim3A_1923] : memref<32x64xf32, #tpu.memory_space<vmem>>[vector<16xi32>, vector<16xi32>], vector<16xf32>,
    %sub3A_1926 = arith.subf %gather3A_1925, %gather3A_1924 : vector<16xf32>
    %mul3A_1927 = arith.mulf %sub3A_1926, %sub3A_1926 : vector<16xf32>
    %add3A_1928 = arith.addf %add3A_1921, %mul3A_1927 : vector<16xf32>
    %broadcast_in_dim3A_1929 = arith.constant 44 : i32
    %broadcast_in_dim3A_1930 = vector.broadcast %broadcast_in_dim3A_1929 : i32 to vector<16xi32>
    %gather3A_1931 = tpu.vector_load_idx %arg8[%add3A_1620, %and3A_1617, %broadcast_in_dim3A_1930] : memref<32x8x64xf32, #tpu.memory_space<vmem>>[vector<16xi32>, vector<16xi32>, vector<16xi32>], vector<16xf32>,
    %gather3A_1932 = tpu.vector_load_idx %arg7[%add3A_1620, %broadcast_in_dim3A_1930] : memref<32x64xf32, #tpu.memory_space<vmem>>[vector<16xi32>, vector<16xi32>], vector<16xf32>,
    %sub3A_1933 = arith.subf %gather3A_1932, %gather3A_1931 : vector<16xf32>
    %mul3A_1934 = arith.mulf %sub3A_1933, %sub3A_1933 : vector<16xf32>
    %add3A_1935 = arith.addf %add3A_1928, %mul3A_1934 : vector<16xf32>
    %broadcast_in_dim3A_1936 = arith.constant 45 : i32
    %broadcast_in_dim3A_1937 = vector.broadcast %broadcast_in_dim3A_1936 : i32 to vector<16xi32>
    %gather3A_1938 = tpu.vector_load_idx %arg8[%add3A_1620, %and3A_1617, %broadcast_in_dim3A_1937] : memref<32x8x64xf32, #tpu.memory_space<vmem>>[vector<16xi32>, vector<16xi32>, vector<16xi32>], vector<16xf32>,
    %gather3A_1939 = tpu.vector_load_idx %arg7[%add3A_1620, %broadcast_in_dim3A_1937] : memref<32x64xf32, #tpu.memory_space<vmem>>[vector<16xi32>, vector<16xi32>], vector<16xf32>,
    %sub3A_1940 = arith.subf %gather3A_1939, %gather3A_1938 : vector<16xf32>
    %mul3A_1941 = arith.mulf %sub3A_1940, %sub3A_1940 : vector<16xf32>
    %add3A_1942 = arith.addf %add3A_1935, %mul3A_1941 : vector<16xf32>
    %broadcast_in_dim3A_1943 = arith.constant 46 : i32
    %broadcast_in_dim3A_1944 = vector.broadcast %broadcast_in_dim3A_1943 : i32 to vector<16xi32>
    %gather3A_1945 = tpu.vector_load_idx %arg8[%add3A_1620, %and3A_1617, %broadcast_in_dim3A_1944] : memref<32x8x64xf32, #tpu.memory_space<vmem>>[vector<16xi32>, vector<16xi32>, vector<16xi32>], vector<16xf32>,
    %gather3A_1946 = tpu.vector_load_idx %arg7[%add3A_1620, %broadcast_in_dim3A_1944] : memref<32x64xf32, #tpu.memory_space<vmem>>[vector<16xi32>, vector<16xi32>], vector<16xf32>,
    %sub3A_1947 = arith.subf %gather3A_1946, %gather3A_1945 : vector<16xf32>
    %mul3A_1948 = arith.mulf %sub3A_1947, %sub3A_1947 : vector<16xf32>
    %add3A_1949 = arith.addf %add3A_1942, %mul3A_1948 : vector<16xf32>
    %broadcast_in_dim3A_1950 = arith.constant 47 : i32
    %broadcast_in_dim3A_1951 = vector.broadcast %broadcast_in_dim3A_1950 : i32 to vector<16xi32>
    %gather3A_1952 = tpu.vector_load_idx %arg8[%add3A_1620, %and3A_1617, %broadcast_in_dim3A_1951] : memref<32x8x64xf32, #tpu.memory_space<vmem>>[vector<16xi32>, vector<16xi32>, vector<16xi32>], vector<16xf32>,
    %gather3A_1953 = tpu.vector_load_idx %arg7[%add3A_1620, %broadcast_in_dim3A_1951] : memref<32x64xf32, #tpu.memory_space<vmem>>[vector<16xi32>, vector<16xi32>], vector<16xf32>,
    %sub3A_1954 = arith.subf %gather3A_1953, %gather3A_1952 : vector<16xf32>
    %mul3A_1955 = arith.mulf %sub3A_1954, %sub3A_1954 : vector<16xf32>
    %add3A_1956 = arith.addf %add3A_1949, %mul3A_1955 : vector<16xf32>
    %broadcast_in_dim3A_1957 = arith.constant 48 : i32
    %broadcast_in_dim3A_1958 = vector.broadcast %broadcast_in_dim3A_1957 : i32 to vector<16xi32>
    %gather3A_1959 = tpu.vector_load_idx %arg8[%add3A_1620, %and3A_1617, %broadcast_in_dim3A_1958] : memref<32x8x64xf32, #tpu.memory_space<vmem>>[vector<16xi32>, vector<16xi32>, vector<16xi32>], vector<16xf32>,
    %gather3A_1960 = tpu.vector_load_idx %arg7[%add3A_1620, %broadcast_in_dim3A_1958] : memref<32x64xf32, #tpu.memory_space<vmem>>[vector<16xi32>, vector<16xi32>], vector<16xf32>,
    %sub3A_1961 = arith.subf %gather3A_1960, %gather3A_1959 : vector<16xf32>
    %mul3A_1962 = arith.mulf %sub3A_1961, %sub3A_1961 : vector<16xf32>
    %add3A_1963 = arith.addf %add3A_1956, %mul3A_1962 : vector<16xf32>
    %broadcast_in_dim3A_1964 = arith.constant 49 : i32
    %broadcast_in_dim3A_1965 = vector.broadcast %broadcast_in_dim3A_1964 : i32 to vector<16xi32>
    %gather3A_1966 = tpu.vector_load_idx %arg8[%add3A_1620, %and3A_1617, %broadcast_in_dim3A_1965] : memref<32x8x64xf32, #tpu.memory_space<vmem>>[vector<16xi32>, vector<16xi32>, vector<16xi32>], vector<16xf32>,
    %gather3A_1967 = tpu.vector_load_idx %arg7[%add3A_1620, %broadcast_in_dim3A_1965] : memref<32x64xf32, #tpu.memory_space<vmem>>[vector<16xi32>, vector<16xi32>], vector<16xf32>,
    %sub3A_1968 = arith.subf %gather3A_1967, %gather3A_1966 : vector<16xf32>
    %mul3A_1969 = arith.mulf %sub3A_1968, %sub3A_1968 : vector<16xf32>
    %add3A_1970 = arith.addf %add3A_1963, %mul3A_1969 : vector<16xf32>
    %broadcast_in_dim3A_1971 = arith.constant 50 : i32
    %broadcast_in_dim3A_1972 = vector.broadcast %broadcast_in_dim3A_1971 : i32 to vector<16xi32>
    %gather3A_1973 = tpu.vector_load_idx %arg8[%add3A_1620, %and3A_1617, %broadcast_in_dim3A_1972] : memref<32x8x64xf32, #tpu.memory_space<vmem>>[vector<16xi32>, vector<16xi32>, vector<16xi32>], vector<16xf32>,
    %gather3A_1974 = tpu.vector_load_idx %arg7[%add3A_1620, %broadcast_in_dim3A_1972] : memref<32x64xf32, #tpu.memory_space<vmem>>[vector<16xi32>, vector<16xi32>], vector<16xf32>,
    %sub3A_1975 = arith.subf %gather3A_1974, %gather3A_1973 : vector<16xf32>
    %mul3A_1976 = arith.mulf %sub3A_1975, %sub3A_1975 : vector<16xf32>
    %add3A_1977 = arith.addf %add3A_1970, %mul3A_1976 : vector<16xf32>
    %broadcast_in_dim3A_1978 = arith.constant 51 : i32
    %broadcast_in_dim3A_1979 = vector.broadcast %broadcast_in_dim3A_1978 : i32 to vector<16xi32>
    %gather3A_1980 = tpu.vector_load_idx %arg8[%add3A_1620, %and3A_1617, %broadcast_in_dim3A_1979] : memref<32x8x64xf32, #tpu.memory_space<vmem>>[vector<16xi32>, vector<16xi32>, vector<16xi32>], vector<16xf32>,
    %gather3A_1981 = tpu.vector_load_idx %arg7[%add3A_1620, %broadcast_in_dim3A_1979] : memref<32x64xf32, #tpu.memory_space<vmem>>[vector<16xi32>, vector<16xi32>], vector<16xf32>,
    %sub3A_1982 = arith.subf %gather3A_1981, %gather3A_1980 : vector<16xf32>
    %mul3A_1983 = arith.mulf %sub3A_1982, %sub3A_1982 : vector<16xf32>
    %add3A_1984 = arith.addf %add3A_1977, %mul3A_1983 : vector<16xf32>
    %broadcast_in_dim3A_1985 = arith.constant 52 : i32
    %broadcast_in_dim3A_1986 = vector.broadcast %broadcast_in_dim3A_1985 : i32 to vector<16xi32>
    %gather3A_1987 = tpu.vector_load_idx %arg8[%add3A_1620, %and3A_1617, %broadcast_in_dim3A_1986] : memref<32x8x64xf32, #tpu.memory_space<vmem>>[vector<16xi32>, vector<16xi32>, vector<16xi32>], vector<16xf32>,
    %gather3A_1988 = tpu.vector_load_idx %arg7[%add3A_1620, %broadcast_in_dim3A_1986] : memref<32x64xf32, #tpu.memory_space<vmem>>[vector<16xi32>, vector<16xi32>], vector<16xf32>,
    %sub3A_1989 = arith.subf %gather3A_1988, %gather3A_1987 : vector<16xf32>
    %mul3A_1990 = arith.mulf %sub3A_1989, %sub3A_1989 : vector<16xf32>
    %add3A_1991 = arith.addf %add3A_1984, %mul3A_1990 : vector<16xf32>
    %broadcast_in_dim3A_1992 = arith.constant 53 : i32
    %broadcast_in_dim3A_1993 = vector.broadcast %broadcast_in_dim3A_1992 : i32 to vector<16xi32>
    %gather3A_1994 = tpu.vector_load_idx %arg8[%add3A_1620, %and3A_1617, %broadcast_in_dim3A_1993] : memref<32x8x64xf32, #tpu.memory_space<vmem>>[vector<16xi32>, vector<16xi32>, vector<16xi32>], vector<16xf32>,
    %gather3A_1995 = tpu.vector_load_idx %arg7[%add3A_1620, %broadcast_in_dim3A_1993] : memref<32x64xf32, #tpu.memory_space<vmem>>[vector<16xi32>, vector<16xi32>], vector<16xf32>,
    %sub3A_1996 = arith.subf %gather3A_1995, %gather3A_1994 : vector<16xf32>
    %mul3A_1997 = arith.mulf %sub3A_1996, %sub3A_1996 : vector<16xf32>
    %add3A_1998 = arith.addf %add3A_1991, %mul3A_1997 : vector<16xf32>
    %broadcast_in_dim3A_1999 = arith.constant 54 : i32
    %broadcast_in_dim3A_2000 = vector.broadcast %broadcast_in_dim3A_1999 : i32 to vector<16xi32>
    %gather3A_2001 = tpu.vector_load_idx %arg8[%add3A_1620, %and3A_1617, %broadcast_in_dim3A_2000] : memref<32x8x64xf32, #tpu.memory_space<vmem>>[vector<16xi32>, vector<16xi32>, vector<16xi32>], vector<16xf32>,
    %gather3A_2002 = tpu.vector_load_idx %arg7[%add3A_1620, %broadcast_in_dim3A_2000] : memref<32x64xf32, #tpu.memory_space<vmem>>[vector<16xi32>, vector<16xi32>], vector<16xf32>,
    %sub3A_2003 = arith.subf %gather3A_2002, %gather3A_2001 : vector<16xf32>
    %mul3A_2004 = arith.mulf %sub3A_2003, %sub3A_2003 : vector<16xf32>
    %add3A_2005 = arith.addf %add3A_1998, %mul3A_2004 : vector<16xf32>
    %broadcast_in_dim3A_2006 = arith.constant 55 : i32
    %broadcast_in_dim3A_2007 = vector.broadcast %broadcast_in_dim3A_2006 : i32 to vector<16xi32>
    %gather3A_2008 = tpu.vector_load_idx %arg8[%add3A_1620, %and3A_1617, %broadcast_in_dim3A_2007] : memref<32x8x64xf32, #tpu.memory_space<vmem>>[vector<16xi32>, vector<16xi32>, vector<16xi32>], vector<16xf32>,
    %gather3A_2009 = tpu.vector_load_idx %arg7[%add3A_1620, %broadcast_in_dim3A_2007] : memref<32x64xf32, #tpu.memory_space<vmem>>[vector<16xi32>, vector<16xi32>], vector<16xf32>,
    %sub3A_2010 = arith.subf %gather3A_2009, %gather3A_2008 : vector<16xf32>
    %mul3A_2011 = arith.mulf %sub3A_2010, %sub3A_2010 : vector<16xf32>
    %add3A_2012 = arith.addf %add3A_2005, %mul3A_2011 : vector<16xf32>
    %broadcast_in_dim3A_2013 = arith.constant 56 : i32
    %broadcast_in_dim3A_2014 = vector.broadcast %broadcast_in_dim3A_2013 : i32 to vector<16xi32>
    %gather3A_2015 = tpu.vector_load_idx %arg8[%add3A_1620, %and3A_1617, %broadcast_in_dim3A_2014] : memref<32x8x64xf32, #tpu.memory_space<vmem>>[vector<16xi32>, vector<16xi32>, vector<16xi32>], vector<16xf32>,
    %gather3A_2016 = tpu.vector_load_idx %arg7[%add3A_1620, %broadcast_in_dim3A_2014] : memref<32x64xf32, #tpu.memory_space<vmem>>[vector<16xi32>, vector<16xi32>], vector<16xf32>,
    %sub3A_2017 = arith.subf %gather3A_2016, %gather3A_2015 : vector<16xf32>
    %mul3A_2018 = arith.mulf %sub3A_2017, %sub3A_2017 : vector<16xf32>
    %add3A_2019 = arith.addf %add3A_2012, %mul3A_2018 : vector<16xf32>
    %broadcast_in_dim3A_2020 = arith.constant 57 : i32
    %broadcast_in_dim3A_2021 = vector.broadcast %broadcast_in_dim3A_2020 : i32 to vector<16xi32>
    %gather3A_2022 = tpu.vector_load_idx %arg8[%add3A_1620, %and3A_1617, %broadcast_in_dim3A_2021] : memref<32x8x64xf32, #tpu.memory_space<vmem>>[vector<16xi32>, vector<16xi32>, vector<16xi32>], vector<16xf32>,
    %gather3A_2023 = tpu.vector_load_idx %arg7[%add3A_1620, %broadcast_in_dim3A_2021] : memref<32x64xf32, #tpu.memory_space<vmem>>[vector<16xi32>, vector<16xi32>], vector<16xf32>,
    %sub3A_2024 = arith.subf %gather3A_2023, %gather3A_2022 : vector<16xf32>
    %mul3A_2025 = arith.mulf %sub3A_2024, %sub3A_2024 : vector<16xf32>
    %add3A_2026 = arith.addf %add3A_2019, %mul3A_2025 : vector<16xf32>
    %broadcast_in_dim3A_2027 = arith.constant 58 : i32
    %broadcast_in_dim3A_2028 = vector.broadcast %broadcast_in_dim3A_2027 : i32 to vector<16xi32>
    %gather3A_2029 = tpu.vector_load_idx %arg8[%add3A_1620, %and3A_1617, %broadcast_in_dim3A_2028] : memref<32x8x64xf32, #tpu.memory_space<vmem>>[vector<16xi32>, vector<16xi32>, vector<16xi32>], vector<16xf32>,
    %gather3A_2030 = tpu.vector_load_idx %arg7[%add3A_1620, %broadcast_in_dim3A_2028] : memref<32x64xf32, #tpu.memory_space<vmem>>[vector<16xi32>, vector<16xi32>], vector<16xf32>,
    %sub3A_2031 = arith.subf %gather3A_2030, %gather3A_2029 : vector<16xf32>
    %mul3A_2032 = arith.mulf %sub3A_2031, %sub3A_2031 : vector<16xf32>
    %add3A_2033 = arith.addf %add3A_2026, %mul3A_2032 : vector<16xf32>
    %broadcast_in_dim3A_2034 = arith.constant 59 : i32
    %broadcast_in_dim3A_2035 = vector.broadcast %broadcast_in_dim3A_2034 : i32 to vector<16xi32>
    %gather3A_2036 = tpu.vector_load_idx %arg8[%add3A_1620, %and3A_1617, %broadcast_in_dim3A_2035] : memref<32x8x64xf32, #tpu.memory_space<vmem>>[vector<16xi32>, vector<16xi32>, vector<16xi32>], vector<16xf32>,
    %gather3A_2037 = tpu.vector_load_idx %arg7[%add3A_1620, %broadcast_in_dim3A_2035] : memref<32x64xf32, #tpu.memory_space<vmem>>[vector<16xi32>, vector<16xi32>], vector<16xf32>,
    %sub3A_2038 = arith.subf %gather3A_2037, %gather3A_2036 : vector<16xf32>
    %mul3A_2039 = arith.mulf %sub3A_2038, %sub3A_2038 : vector<16xf32>
    %add3A_2040 = arith.addf %add3A_2033, %mul3A_2039 : vector<16xf32>
    %broadcast_in_dim3A_2041 = arith.constant 60 : i32
    %broadcast_in_dim3A_2042 = vector.broadcast %broadcast_in_dim3A_2041 : i32 to vector<16xi32>
    %gather3A_2043 = tpu.vector_load_idx %arg8[%add3A_1620, %and3A_1617, %broadcast_in_dim3A_2042] : memref<32x8x64xf32, #tpu.memory_space<vmem>>[vector<16xi32>, vector<16xi32>, vector<16xi32>], vector<16xf32>,
    %gather3A_2044 = tpu.vector_load_idx %arg7[%add3A_1620, %broadcast_in_dim3A_2042] : memref<32x64xf32, #tpu.memory_space<vmem>>[vector<16xi32>, vector<16xi32>], vector<16xf32>,
    %sub3A_2045 = arith.subf %gather3A_2044, %gather3A_2043 : vector<16xf32>
    %mul3A_2046 = arith.mulf %sub3A_2045, %sub3A_2045 : vector<16xf32>
    %add3A_2047 = arith.addf %add3A_2040, %mul3A_2046 : vector<16xf32>
    %broadcast_in_dim3A_2048 = arith.constant 61 : i32
    %broadcast_in_dim3A_2049 = vector.broadcast %broadcast_in_dim3A_2048 : i32 to vector<16xi32>
    %gather3A_2050 = tpu.vector_load_idx %arg8[%add3A_1620, %and3A_1617, %broadcast_in_dim3A_2049] : memref<32x8x64xf32, #tpu.memory_space<vmem>>[vector<16xi32>, vector<16xi32>, vector<16xi32>], vector<16xf32>,
    %gather3A_2051 = tpu.vector_load_idx %arg7[%add3A_1620, %broadcast_in_dim3A_2049] : memref<32x64xf32, #tpu.memory_space<vmem>>[vector<16xi32>, vector<16xi32>], vector<16xf32>,
    %sub3A_2052 = arith.subf %gather3A_2051, %gather3A_2050 : vector<16xf32>
    %mul3A_2053 = arith.mulf %sub3A_2052, %sub3A_2052 : vector<16xf32>
    %add3A_2054 = arith.addf %add3A_2047, %mul3A_2053 : vector<16xf32>
    %broadcast_in_dim3A_2055 = arith.constant 62 : i32
    %broadcast_in_dim3A_2056 = vector.broadcast %broadcast_in_dim3A_2055 : i32 to vector<16xi32>
    %gather3A_2057 = tpu.vector_load_idx %arg8[%add3A_1620, %and3A_1617, %broadcast_in_dim3A_2056] : memref<32x8x64xf32, #tpu.memory_space<vmem>>[vector<16xi32>, vector<16xi32>, vector<16xi32>], vector<16xf32>,
    %gather3A_2058 = tpu.vector_load_idx %arg7[%add3A_1620, %broadcast_in_dim3A_2056] : memref<32x64xf32, #tpu.memory_space<vmem>>[vector<16xi32>, vector<16xi32>], vector<16xf32>,
    %sub3A_2059 = arith.subf %gather3A_2058, %gather3A_2057 : vector<16xf32>
    %mul3A_2060 = arith.mulf %sub3A_2059, %sub3A_2059 : vector<16xf32>
    %add3A_2061 = arith.addf %add3A_2054, %mul3A_2060 : vector<16xf32>
    %broadcast_in_dim3A_2062 = arith.constant 63 : i32
    %broadcast_in_dim3A_2063 = vector.broadcast %broadcast_in_dim3A_2062 : i32 to vector<16xi32>
    %gather3A_2064 = tpu.vector_load_idx %arg8[%add3A_1620, %and3A_1617, %broadcast_in_dim3A_2063] : memref<32x8x64xf32, #tpu.memory_space<vmem>>[vector<16xi32>, vector<16xi32>, vector<16xi32>], vector<16xf32>,
    %gather3A_2065 = tpu.vector_load_idx %arg7[%add3A_1620, %broadcast_in_dim3A_2063] : memref<32x64xf32, #tpu.memory_space<vmem>>[vector<16xi32>, vector<16xi32>], vector<16xf32>,
    %sub3A_2066 = arith.subf %gather3A_2065, %gather3A_2064 : vector<16xf32>
    %mul3A_2067 = arith.mulf %sub3A_2066, %sub3A_2066 : vector<16xf32>
    %add3A_2068 = arith.addf %add3A_2061, %mul3A_2067 : vector<16xf32>
    %swap3A = arith.constant 0 : index
    %swap3A_2069 = tpu.vector_load %arg9[%swap3A] {strides = array<i32>} : memref<16xf32, #tpu.memory_space<vmem>>, vector<16xf32>,
    tpu.vector_store %arg9[%swap3A], %add3A_2068 {strides = array<i32>} : memref<16xf32, #tpu.memory_space<vmem>>, vector<16xf32>,
    "tpu.region"() ({
      %run_scoped3A = tpu.sem_alloc : memref<!tpu.dma_semaphore, #tpu.memory_space<semaphore_mem>>
      %dma_start3A_2070 = arith.constant 0 : i32
      %dma_start3A_2071 = tpu.memref_slice %arg5[%add3A, %dma_start3A_2070] : memref<32x16xf32, #tpu.memory_space<hbm>> -> memref<1x16xf32, #tpu.memory_space<hbm>>
      %dma_start3A_2072 = tpu.memref_squeeze %dma_start3A_2071 : memref<1x16xf32, #tpu.memory_space<hbm>> -> memref<16xf32, #tpu.memory_space<hbm>>
      %dma_start3A_2073 = arith.constant 0 : i32
      %dma_start3A_2074 = tpu.memref_slice %arg5[%add3A, %dma_start3A_2073] : memref<32x16xf32, #tpu.memory_space<hbm>> -> memref<1x16xf32, #tpu.memory_space<hbm>>
      %dma_start3A_2075 = tpu.memref_squeeze %dma_start3A_2074 : memref<1x16xf32, #tpu.memory_space<hbm>> -> memref<16xf32, #tpu.memory_space<hbm>>
      tpu.enqueue_dma source(%arg9 : memref<16xf32, #tpu.memory_space<vmem>>) target(%dma_start3A_2075 : memref<16xf32, #tpu.memory_space<hbm>>) target_semaphore(%run_scoped3A : memref<!tpu.dma_semaphore, #tpu.memory_space<semaphore_mem>>)
      %dma_wait3A_2076 = arith.constant 0 : i32
      %dma_wait3A_2077 = tpu.memref_slice %arg5[%add3A, %dma_wait3A_2076] : memref<32x16xf32, #tpu.memory_space<hbm>> -> memref<1x16xf32, #tpu.memory_space<hbm>>
      %dma_wait3A_2078 = tpu.memref_squeeze %dma_wait3A_2077 : memref<1x16xf32, #tpu.memory_space<hbm>> -> memref<16xf32, #tpu.memory_space<hbm>>
      %dma_wait3A_2079 = arith.constant 0 : i32
      %dma_wait3A_2080 = tpu.memref_slice %arg5[%add3A, %dma_wait3A_2079] : memref<32x16xf32, #tpu.memory_space<hbm>> -> memref<1x16xf32, #tpu.memory_space<hbm>>
      %dma_wait3A_2081 = tpu.memref_squeeze %dma_wait3A_2080 : memref<1x16xf32, #tpu.memory_space<hbm>> -> memref<16xf32, #tpu.memory_space<hbm>>
      tpu.wait_dma2 semaphore(%run_scoped3A : memref<!tpu.dma_semaphore, #tpu.memory_space<semaphore_mem>>) src(%arg9 : memref<16xf32, #tpu.memory_space<vmem>>) dst(%dma_wait3A_2081 : memref<16xf32, #tpu.memory_space<hbm>>)
      tpu.yield
    }) : () -> ()
    return
  }
}

</mosaic_0001>

<sc_bundles>
// kernel: kernel.3.cloned.1.call-start
scs
__scs_entry_jumppad:
0x0: {  	(pc) =	sbr.rel $0x88, $3  }
0x1: {  	(tag) =	ssettag $0x0;
	lr =	simm.s32 $0x1  }
0x2: {  	[smem:$0x3F9E] =	sst lr;
	_ =	strace $0xD0000000  }
0x3: {  	_ = 	snop  }
0x4: {  	_ = 	snop  }
0x5: {  	_ = 	snop  }
0x6: {  	_ = 	snop  }
0x7: {  	_ = 	snop  }
__scs_overlays_trampoline_lowered:
0x8: {  	[smem:$0x3FAD] =	sst s0  }
0x9: {  	[smem:$0x3FAE] =	sst s1  }
0xa: {  	[smem:$0x3FAF] =	sst s2  }
0xb: {  	[smem:$0x3FB0] =	sst s3  }
0xc: {  	[smem:$0x3FB1] =	sst s4  }
0xd: {  	[smem:$0x3FB2] =	sst s5  }
0xe: {  	[smem:$0x3FB3] =	sst s6  }
0xf: {  	[smem:$0x3FB4] =	sst s7  }
0x10: {  	[smem:$0x3FB5] =	sst s8  }
0x11: {  	[smem:$0x3FB6] =	sst s9;
	s0 =	simm.s32 @!p0 $0x0  }
0x12: {  	s1 =	sld [smem:$0x3F9C];
	s0 =	simm.s32 @p0 $0x1  }
0x13: {  	[smem:$0x3FB7] =	sst s0;
	s0 =	simm.s32 @!p1 $0x0  }
0x14: {  	s2 =	sld [smem:$0x3F9B];
	s0 =	simm.s32 @p1 $0x1  }
0x15: {  	[smem:$0x3FB8] =	sst s0;
	s0 =	simm.s32 @!p2 $0x0  }
0x16: {  	s3 =	sld [smem:$0x3FDB];
	s0 =	simm.s32 @p2 $0x1  }
0x17: {  	s4 =	simm.s32 $0x1BF5;
	[smem:$0x3FBA] =	sst s0  }
0x18: {  	s0 =	sld [smem:$0x3F9D];
	_ =	swait.ge [sflag:s4], $0x0  }
0x19: {  	s7 =	sld [smem:$0x3F9E]  }
0x1a: {  	s8 =	sadd.s32 $0xFFFFE003, lr  }
0x1b: {  	s9 =	sadd.s32 $0xFFFFFEF7, lr;
	s5 =	simm.s32 $0xFFFFFFFF;
	p2 =	slt.u32 s8, $0xFFFFF086  }
0x1c: {  	p1 =	slt.u32 s9, $0xF7A;
	s5 =	simm.s32 @!p2 $0x0  }
0x1d: {  	s5 =	simm.s32 @p1 $0x1;
	p0 =	seq.s32 s7, s2  }
0x1e: {  	s7 =	smul.u32 @!p0 $0xF7A, s2;
	p2 =	seq.s32 @!p0 s5, $0x0  }
0x1f: {  	s9 =	smul.u32 $0xF7A, s1;
	s8 =	simm.s32 @!p0 $0x1BF5;
	p2 =	por !p2, p0  }
0x20: {  	[sflag:s8] =	ssyncset.s32 @!p0 $0xFFFFF086;
	s6 =	sadd.s32 @!p0 s3, s7;
	s7 =	simm.s32 @!p0 $0x108  }
0x21: {  	s3 =	sadd.s32 s3, s9;
	s6 =	sadd.s32 @!p0 $0x88, s6;
	s7 =	simm.s32 @p2 $0x1082  }
0x22: {  	[simem:s7], [sflag:s8] =	dma.local @!p0 [hbm:s6], $0xF7A  }
0x23: {  	s9 =	sor.u32 $0xD0000000, s2;
	s6 =	simm.s32 $0x108;
	_ =	swait.ge @!p0 [sflag:s8], $0x0  }
0x24: {  	s3 =	sadd.s32 $0x88, s3;
	s6 =	simm.s32 @!p1 $0x1082;
	[sflag:s4] =	ssyncset.s32 $0xFFFFF086  }
0x25: {  	[simem:s6], [sflag:s4] =	dma.local [hbm:s3], $0xF7A  }
0x26: {  	[smem:$0x3F9E] =	sst s1;
	(tag) =	ssettag s2;
	_ =	strace s9  }
0x27: {  	s1 =	sld [smem:$0x3FAE]  }
0x28: {  	s2 =	sld [smem:$0x3FAF]  }
0x29: {  	s4 =	sld [smem:$0x3FB1]  }
0x2a: {  	p0 =	seq.s32 s5, $0x0;
	s5 =	sld [smem:$0x3FB2]  }
0x2b: {  	s6 =	sld [smem:$0x3FB3]  }
0x2c: {  	s7 =	sld [smem:$0x3FB4]  }
0x2d: {  	s3 =	simm.s32 $0x108;
	s8 =	sld [smem:$0x3FB5]  }
0x2e: {  	s3 =	simm.s32 @!p0 $0x1082;
	s9 =	sld [smem:$0x3FB6]  }
0x2f: {  	lr =	sadd.s32 s0, s3;
	s0 =	sld [smem:$0x3FAD]  }
0x30: {  	s3 =	sld [smem:$0x3FB0]  }
0x31: {  	[smem:$0x3FB9] =	sst s10  }
0x32: {  	s10 =	sld [smem:$0x3FB7];
	_ =	sdelay $0x3  }
0x33: {  	p0 =	seq.s32 s10, $0x1;
	s10 =	sld [smem:$0x3FB9];
	_ =	sdelay $0x3  }
0x34: {  	[smem:$0x3FB9] =	sst s10  }
0x35: {  	s10 =	sld [smem:$0x3FB8];
	_ =	sdelay $0x3  }
0x36: {  	p1 =	seq.s32 s10, $0x1;
	s10 =	sld [smem:$0x3FB9];
	_ =	sdelay $0x3  }
0x37: {  	[smem:$0x3FB9] =	sst s10  }
0x38: {  	s10 =	sld [smem:$0x3FBA]  }
0x39: {  	_ = 	snop;
	(pc) =	sbr.ind lr, $3  }
0x3a: {  	_ = 	snop  }
0x3b: {  	_ = 	snop  }
0x3c: {  	p2 =	seq.s32 s10, $0x1;
	s10 =	sld [smem:$0x3FB9]  }
0x3d: {  	_ =	shalt  }
0x3e: {  	_ =	shalt  }
0x3f: {  	_ =	shalt  }
0x40: {  	_ =	shalt  }
0x41: {  	_ =	shalt  }
0x42: {  	_ =	shalt  }
0x43: {  	_ =	shalt  }
0x44: {  	_ =	shalt  }
0x45: {  	_ =	shalt  }
0x46: {  	_ =	shalt  }
0x47: {  	_ =	shalt  }
0x48: {  	_ =	shalt  }
0x49: {  	_ =	shalt  }
0x4a: {  	_ =	shalt  }
0x4b: {  	_ =	shalt  }
0x4c: {  	_ =	shalt  }
0x4d: {  	_ =	shalt  }
0x4e: {  	_ =	shalt  }
0x4f: {  	_ =	shalt  }
0x50: {  	_ =	shalt  }
0x51: {  	_ =	shalt  }
0x52: {  	_ =	shalt  }
0x53: {  	_ =	shalt  }
0x54: {  	_ =	shalt  }
0x55: {  	_ =	shalt  }
0x56: {  	_ =	shalt  }
0x57: {  	_ =	shalt  }
0x58: {  	_ =	shalt  }
0x59: {  	_ =	shalt  }
0x5a: {  	_ =	shalt  }
0x5b: {  	_ =	shalt  }
0x5c: {  	_ =	shalt  }
0x5d: {  	_ =	shalt  }
0x5e: {  	_ =	shalt  }
0x5f: {  	_ =	shalt  }
0x60: {  	_ =	shalt  }
0x61: {  	_ =	shalt  }
0x62: {  	_ =	shalt  }
0x63: {  	_ =	shalt  }
0x64: {  	_ =	shalt  }
0x65: {  	_ =	shalt  }
0x66: {  	_ =	shalt  }
0x67: {  	_ =	shalt  }
0x68: {  	_ =	shalt  }
0x69: {  	_ =	shalt  }
0x6a: {  	_ =	shalt  }
0x6b: {  	_ =	shalt  }
0x6c: {  	_ =	shalt  }
0x6d: {  	_ =	shalt  }
0x6e: {  	_ =	shalt  }
0x6f: {  	_ =	shalt  }
0x70: {  	_ =	shalt  }
0x71: {  	_ =	shalt  }
0x72: {  	_ =	shalt  }
0x73: {  	_ =	shalt  }
0x74: {  	_ =	shalt  }
0x75: {  	_ =	shalt  }
0x76: {  	_ =	shalt  }
0x77: {  	_ =	shalt  }
0x78: {  	_ =	shalt  }
0x79: {  	_ =	shalt  }
0x7a: {  	_ =	shalt  }
0x7b: {  	_ =	shalt  }
0x7c: {  	_ =	shalt  }
0x7d: {  	_ =	shalt  }
0x7e: {  	_ =	shalt  }
0x7f: {  	_ =	shalt  }
0x80: {  	_ =	shalt  }
0x81: {  	_ =	shalt  }
0x82: {  	_ =	shalt  }
0x83: {  	_ =	shalt  }
0x84: {  	_ =	shalt  }
0x85: {  	_ =	shalt  }
0x86: {  	_ =	shalt  }
0x87: {  	_ =	shalt  }
.Lfunc_end0:
.L_simem_size_0:
called_computation_lowered:
.L_overlay_start_0:
0x88: {  	s2 =	sld [smem:$0x3FD9]  }
0x89: {  	s3 =	sld [smem:$0x3FFE];
	_ =	sdelay $0x1  }
0x8a: {  	s1 =	srdreg.scid  }
0x8b: {  	s0 =	sand.u32 $0x1, s1  }
0x8c: {  	s17 =	sshll.u32 s0, $0xA;
	s2 =	sadd.s32 s3, s2  }
0x8d: {  	s2 =	sadd.s32 s2, s17  }
0x8e: {  	[smem:$0x3FC5] =	sst s2  }
0x8f: {  	_ = 	snop  }
0x90: {  	s2 =	sld [smem:$0x3FC8];
	(tm) =	ssettm $0x1  }
0x91: {  	s18 =	sld [smem:$0x3FFB];
	_ =	sdelay $0x3  }
0x92: {  	_ =	strace s18  }
0x93: {  	s3 =	sld [smem:$0x3FFC];
	_ =	sdelay $0x3  }
0x94: {  	_ =	strace s3  }
0x95: {  	s3 =	sld [smem:$0x3FFD];
	_ =	sdelay $0x3  }
0x96: {  	_ =	strace s3  }
0x97: {  	_ =	strace $0x8FFFFFFF  }
0x98: {  	s19 =	sld [smem:$0x3FDB];
	_ =	sdelay $0x1  }
0x99: {  	s4 =	simm.s32 $_scs_section_size  }
0x9a: {  	s5 =	simm.s32 $_size__tile_overlayer_lowered;
	s6 =	simm.s32 $_tile_overlayer_lowered  }
0x9b: {  	s22 =	simm.s32 $0x1BFF;
	s21 =	sshll.u32 s6, $0x1;
	s3 =	sadd.s32 s4, s19  }
0x9c: {  	s7 =	simm.s32 $0x0;
	s20 =	sshll.u32 s5, $0x1;
	s5 =	sadd.s32 s21, s3  }
0x9d: {  	[timem:s7], [sflag:s22] =	dma.local [hbm:s5], s20  }
0x9e: {  	_ =	swait.ge [sflag:s22], s20  }
0x9f: {  	s4 =	ssub.s32 $0x0, s20;
	[sflag:s22] =	ssyncset.done $0x0  }
0xa0: {  	[sflag:s22] =	ssyncadd.s32 s4;
	_ =	sdelay $0x1  }
0xa1: {  	s23 =	simm.s32 $0x1B8B  }
0xa2: {  	_ =	swait.ge [sflag:s23], $0x1  }
0xa3: {  	[sflag:s23] =	ssyncset.done $0x0  }
0xa4: {  	s25 =	simm.s32 $0x1B8E;
	s24 =	sld [smem:$0x3FFE];
	[sflag:s23] =	ssyncadd.s32 $0xFFFFFFFF  }
0xa5: {  	s26 =	simm.s32 $execute0_lowered;
	[smem:$0x3FD2] =	sst s25  }
0xa6: {  	s5 =	sshll.u32 s26, $0x1;
	_ =	strace $0x80000046;
	[dreg:$0x1] =	wrdreg $0xFFFFFFFF  }
0xa7: {  	s28 =	simm.s32 $_size_execute0_lowered;
	s3 =	sadd.s32 s3, s5;
	[dreg:$0x0] =	wrdreg $0x0  }
0xa8: {  	s5 =	sshll.u32 s28, $0x1;
	[dreg:$0x2] =	wrdreg s3  }
0xa9: {  	[dreg:$0x3] =	wrdreg s5  }
0xaa: {  	[dreg:$0x4] =	wrdreg $0xC0  }
0xab: {  	_ =	task [dreg:s7], $0x5FFFF  }
0xac: {  	[dreg:$0x1] =	wrdreg $0xFFFFFFFF  }
0xad: {  	[dreg:$0x0] =	wrdreg $0x60  }
0xae: {  	[dreg:$0x2] =	wrdreg s24  }
0xaf: {  	[dreg:$0x3] =	wrdreg s2  }
0xb0: {  	[dreg:$0x4] =	wrdreg $0x9  }
0xb1: {  	_ =	task.clear_ibuf [dreg:s7], $0x5FFFF;
	_ =	strace $0x90000046  }
0xb2: {  	s29 =	simm.s32 $0x9;
	_ =	strace $0x80000048  }
0xb3: {  	_ =	swait.ge [sflag:s29], $0x1  }
0xb4: {  	[sflag:s29] =	ssyncadd.s32 $0xFFFFFFFF  }
0xb5: {  	_ =	strace $0x90000048  }
0xb6: {  	_ =	sfence  }
0xb7: {  	s30 =	sld [smem:$0x0];
	_ =	sdelay $0x2  }
0xb8: {  	s31 =	sshll.u32 s1, $0xD;
	s1 =	sshrl.u32 s1, $0x2  }
0xb9: {  	s3 =	sand.u32 $0x4000, s31;
	s1 =	sadd.s32 s1, s30  }
0xba: {  	s0 =	sor.u32 s3, s0;
	s1 =	sshll.u32 s1, $0x11  }
0xbb: {  	s0 =	sor.u32 s1, s0  }
0xbc: {  	s0 =	sadd.s32 $0x8F2B, s0  }
0xbd: {  	[sflag:s0] =	ssyncadd.remote.s32 $0x1  }
0xbe: {  	_ =	sfence.sel $0xFFFF  }
0xbf: {  	[dreg:$0x0] =	wrdreg $0xFFFFFFFF;
	(pc) =	sbr.abs _section_cstart, $3  }
0xc0: {  	[dreg:$0x1] =	wrdreg $0xFFFFFFFF  }
0xc1: {  	_ =	task.clear_ibuf [dreg:s7], $0x2FFFF;
	_ =	strace $0x9FFFFFFF  }
0xc2: {  	(tm) =	ssettm $0x7FFFFFFF  }
0xc3: {  	_ =	shalt  }
tec
execute0_lowered:
.L_overlay_start_1:
0x0: {  	(tag) =	ssettag $0x1  }
0x1: {  	s3 =	rddreg [dreg:$0x0]  }
0x2: {  	s5 =	rddreg [dreg:$0x1]  }
0x3: {  	s0 =	rddreg [dreg:$0x2];
	s2 =	simm.s32 $0x0  }
0x4: {  	s24 =	simm.s32 $0x1480;
	[smem:$0x7FF] =	sst s2  }
0x5: {  	s25 =	simm.s32 $0x1880;
	_ =	strace $0x80000047;
	[dreg:$0x6] =	wrdreg s24  }
0x6: {  	s26 =	simm.s32 $0x1C80;
	[dreg:$0x7] =	wrdreg s25  }
0x7: {  	s28 =	simm.s32 $0x2080;
	[dreg:$0x8] =	wrdreg s26  }
0x8: {  	s29 =	simm.s32 $0x2480;
	[dreg:$0x9] =	wrdreg s28  }
0x9: {  	s30 =	simm.s32 $0x2880;
	[dreg:$0xa] =	wrdreg s29  }
0xa: {  	s31 =	simm.s32 $0x2C80;
	[dreg:$0xb] =	wrdreg s30  }
0xb: {  	s9 =	simm.s32 $0x3C80;
	[dreg:$0xc] =	wrdreg s31  }
0xc: {  	s10 =	simm.s32 $0x4080;
	[dreg:$0x10] =	wrdreg s9  }
0xd: {  	s11 =	simm.s32 $0x4480;
	[dreg:$0x11] =	wrdreg s10  }
0xe: {  	s12 =	simm.s32 $0x4880;
	[dreg:$0x12] =	wrdreg s11  }
0xf: {  	s13 =	simm.s32 $0x4C80;
	[dreg:$0x13] =	wrdreg s12  }
0x10: {  	v1 =	vlaneseq.u32;
	s14 =	simm.s32 $0x5080;
	[dreg:$0x14] =	wrdreg s13  }
0x11: {  	s15 =	simm.s32 $0x5480;
	v0 =	vmul.u32 $0x400, v1;
	[dreg:$0x15] =	wrdreg s14  }
0x12: {  	s16 =	simm.s32 $0x5880;
	v1 =	vmul.u32 $0x80, v1;
	[dreg:$0x16] =	wrdreg s15  }
0x13: {  	s17 =	simm.s32 $0x5C80;
	[dreg:$0x17] =	wrdreg s16;
	v2 =	vor.u32 $0x1, v0  }
0x14: {  	s18 =	simm.s32 $0x6080;
	[dreg:$0x18] =	wrdreg s17;
	v16 =	vor.u32 $0x8, v0;
	v17 =	vor.u32 $0x8, v1;
	v18 =	vor.u32 $0x9, v0  }
0x15: {  	s19 =	simm.s32 $0x6480;
	[dreg:$0x19] =	wrdreg s18;
	v19 =	vor.u32 $0x9, v1;
	v20 =	vor.u32 $0xA, v0;
	v21 =	vor.u32 $0xA, v1  }
0x16: {  	s20 =	simm.s32 $0x6880;
	[dreg:$0x1a] =	wrdreg s19;
	v22 =	vor.u32 $0xB, v0;
	v23 =	vor.u32 $0xB, v1;
	v24 =	vor.u32 $0xC, v0  }
0x17: {  	s4 =	srdreg.scid;
	[dreg:$0x1b] =	wrdreg s20;
	s24 =	simm.s32 $0x7880;
	v25 =	vor.u32 $0xC, v1;
	v26 =	vor.u32 $0xD, v0;
	v27 =	vor.u32 $0xD, v1  }
0x18: {  	s1 =	stileid.u32;
	s25 =	simm.s32 $0x7C80;
	v28 =	vor.u32 $0xE, v0;
	v29 =	vor.u32 $0xE, v1;
	v30 =	vor.u32 $0xF, v0;
	[dreg:$0x1f] =	wrdreg s24  }
0x19: {  	s4 =	sand.u32 $0x1, s4;
	s28 =	simm.s32 $0x8080;
	v31 =	vor.u32 $0xF, v1;
	v32 =	vor.u32 $0x10, v0;
	v33 =	vor.u32 $0x10, v1;
	[smem:$0x7F8] =	sst s25  }
0x1a: {  	s6 =	sshll.u32 s1, $0x1;
	s29 =	simm.s32 $0x8480;
	v34 =	vor.u32 $0x11, v0;
	v35 =	vor.u32 $0x11, v1;
	[smem:$0x7F9] =	sst s28;
	[tilespmem:$0x1FF20] =	vst v2;
	v2 =	vor.u32 $0x1, v1  }
0x1b: {  	s6 =	sor.u32 s4, s6;
	s30 =	simm.s32 $0x8880;
	v36 =	vor.u32 $0x12, v0;
	v37 =	vor.u32 $0x12, v1;
	[smem:$0x7FA] =	sst s29;
	[tilespmem:$0x1FF30] =	vst v2;
	v2 =	vor.u32 $0x2, v0  }
0x1c: {  	s31 =	simm.s32 $0x8C80;
	s9 =	simm.s32 $0x9080;
	v38 =	vor.u32 $0x13, v0;
	v39 =	vor.u32 $0x13, v1;
	[smem:$0x7FB] =	sst s30;
	[tilespmem:$0x1FF40] =	vst v2;
	v2 =	vor.u32 $0x2, v1  }
0x1d: {  	s7 =	sshll.u32 s6, $0x2;
	s8 =	sshll.u32 s6, $0x4;
	v40 =	vor.u32 $0x14, v0;
	v41 =	vor.u32 $0x14, v1;
	[smem:$0x7FC] =	sst s31;
	[tilespmem:$0x1FF50] =	vst v2;
	v2 =	vor.u32 $0x3, v0  }
0x1e: {  	s6 =	sshll.u32 s6, $0x9;
	v42 =	vor.u32 $0x15, v0;
	v43 =	vor.u32 $0x15, v1;
	[smem:$0x7FD] =	sst s9;
	s5 =	sadd.s32 s5, s7;
	[tilespmem:$0x1FF60] =	vst v2;
	v2 =	vor.u32 $0x3, v1  }
0x1f: {  	s4 =	ssub.s32 $0x2, s4;
	v44 =	vor.u32 $0x16, v0;
	v45 =	vor.u32 $0x16, v1;
	s22 =	sadd.s32 s3, s6;
	[dreg:$0x3] =	wrdreg s5;
	[tilespmem:$0x1FF70] =	vst v2;
	v2 =	vor.u32 $0x4, v0  }
0x20: {  	s26 =	sshrl.u32 s4, $0x1;
	v46 =	vor.u32 $0x17, v0;
	v47 =	vor.u32 $0x17, v1;
	s6 =	simm.s32 $0x3080;
	[dreg:$0x4] =	wrdreg s22;
	[tilespmem:$0x1FF80] =	vst v2;
	v2 =	vor.u32 $0x4, v1  }
0x21: {  	v48 =	vor.u32 $0x18, v0;
	v49 =	vor.u32 $0x18, v1;
	s21 =	sadd.s32 s8, s3;
	s7 =	simm.s32 $0x3480;
	[dreg:$0xd] =	wrdreg s6;
	[tilespmem:$0x1FF90] =	vst v2;
	v2 =	vor.u32 $0x5, v0  }
0x22: {  	v50 =	vor.u32 $0x19, v0;
	v51 =	vor.u32 $0x19, v1;
	s8 =	simm.s32 $0x3880;
	s3 =	sadd.s32 $0x4000, s3;
	[dreg:$0xe] =	wrdreg s7;
	[tilespmem:$0x1FFA0] =	vst v2;
	v2 =	vor.u32 $0x5, v1  }
0x23: {  	v52 =	vor.u32 $0x1A, v0;
	v53 =	vor.u32 $0x1A, v1;
	s4 =	ssub.s32 s4, s26;
	s23 =	sadd.s32 $0x18AA00, s21;
	[dreg:$0xf] =	wrdreg s8;
	[tilespmem:$0x1FFB0] =	vst v2;
	v2 =	vor.u32 $0x6, v0  }
0x24: {  	v54 =	vor.u32 $0x1B, v0;
	v55 =	vor.u32 $0x1B, v1;
	s21 =	simm.s32 $0x6C80;
	s22 =	simm.s32 $0x7080;
	[dreg:$0x5] =	wrdreg s23;
	[tilespmem:$0x1FFC0] =	vst v2;
	v2 =	vor.u32 $0x6, v1  }
0x25: {  	v56 =	vor.u32 $0x1C, v0;
	v57 =	vor.u32 $0x1C, v1;
	s4 =	smax.u32 s4, $0x1;
	s5 =	simm.s32 $0x2;
	[dreg:$0x1c] =	wrdreg s21;
	[tilespmem:$0x1FFD0] =	vst v2;
	v2 =	vor.u32 $0x7, v0  }
0x26: {  	v58 =	vor.u32 $0x1D, v0;
	v59 =	vor.u32 $0x1D, v1;
	s6 =	simm.s32 $0x1080;
	[dreg:$0x1d] =	wrdreg s22;
	s23 =	simm.s32 $0x7480;
	[tilespmem:$0x1FFE0] =	vst v2;
	v2 =	vor.u32 $0x7, v1  }
0x27: {  	v60 =	vor.u32 $0x1E, v0;
	v61 =	vor.u32 $0x1E, v1;
	v62 =	vor.u32 $0x1F, v0;
	s7 =	simm.s32 $0x80;
	s8 =	simm.s32 $0x1;
	[dreg:$0x1e] =	wrdreg s23;
	[tilespmem:$0x1FFF0] =	vst v2  }
.LBB2_1:
0x28: {  	s9 =	rddreg [dreg:$0x3]  }
0x29: {  	[tilespmem:s2], [sflag:$0x2] =	stream.linear.gather [hbm4b:s9+s2], $0x20, $0x38;
	[tilespmem:$0x9100] =	vst v63  }
0x2a: {  	_ =	swait.ge [sflag:s5], $0x20  }
0x2b: {  	[sflag:s5] =	ssyncset.done $0x0  }
0x2c: {  	[sflag:s5] =	ssyncadd.s32 $0xFFFFFFE0  }
0x2d: {  	v63 =	vld [tilespmem:$0x0];
	_ =	sdelay $0x4  }
0x2e: {  	v63 =	vshrl.u32 v63, $0x3  }
0x2f: {  	v63 =	vshll.u32 v63, $0x7  }
0x30: {  	(v2sf) =	vpush v63, $0x0;
	_ =	sdelay $0x1  }
0x31: {  	(v2sf) =	vpush v63, $0x1;
	_ =	sdelay $0x1  }
0x32: {  	(v2sf) =	vpush v63, $0x2;
	_ =	sdelay $0x2  }
0x33: {  	(v2sf) =	vpush v63, $0x3;
	_ =	sdelay $0x7  }
0x34: {  	s28 =	spop (v2sf);
	(v2sf) =	vpush v63, $0x4;
	_ =	sdelay $0x1  }
0x35: {  	s29 =	spop (v2sf);
	(v2sf) =	vpush v63, $0x5;
	_ =	sdelay $0x1  }
0x36: {  	s30 =	spop (v2sf);
	(v2sf) =	vpush v63, $0x6;
	_ =	sdelay $0x1  }
0x37: {  	s9 =	sand.u32 $0x1FFFFF80, s28  }
0x38: {  	s9 =	sadd.s32 s3, s9;
	s11 =	spop (v2sf);
	(v2sf) =	vpush v63, $0x7  }
0x39: {  	[tilespmem:s6], [sflag:$0x1] =	stream.linear.gather [hbm4b:s9+s2], $0x400, $0x38;
	[tilespmem:$0x9100] =	vst v63  }
0x3a: {  	s9 =	sand.u32 $0x1FFFFF80, s29  }
0x3b: {  	s10 =	rddreg [dreg:$0x6];
	s9 =	sadd.s32 s3, s9  }
0x3c: {  	[tilespmem:s10], [sflag:$0x1] =	stream.linear.gather [hbm4b:s9+s2], $0x400, $0x38;
	[tilespmem:$0x9100] =	vst v63  }
0x3d: {  	s9 =	sand.u32 $0x1FFFFF80, s30  }
0x3e: {  	s31 =	rddreg [dreg:$0x7];
	s9 =	sadd.s32 s3, s9  }
0x3f: {  	[tilespmem:s31], [sflag:$0x1] =	stream.linear.gather [hbm4b:s9+s2], $0x400, $0x38;
	[tilespmem:$0x9100] =	vst v63  }
0x40: {  	s13 =	spop (v2sf);
	(v2sf) =	vpush v63, $0x8  }
0x41: {  	s9 =	sand.u32 $0x1FFFFF80, s11  }
0x42: {  	s12 =	rddreg [dreg:$0x8];
	s9 =	sadd.s32 s3, s9;
	s15 =	spop (v2sf);
	(v2sf) =	vpush v63, $0x9  }
0x43: {  	[tilespmem:s12], [sflag:$0x1] =	stream.linear.gather [hbm4b:s9+s2], $0x400, $0x38;
	[tilespmem:$0x9100] =	vst v63  }
0x44: {  	s9 =	sand.u32 $0x1FFFFF80, s13;
	s17 =	spop (v2sf);
	(v2sf) =	vpush v63, $0xA  }
0x45: {  	s14 =	rddreg [dreg:$0x9];
	s9 =	sadd.s32 s3, s9  }
0x46: {  	[tilespmem:s14], [sflag:$0x1] =	stream.linear.gather [hbm4b:s9+s2], $0x400, $0x38;
	[tilespmem:$0x9100] =	vst v63  }
0x47: {  	s19 =	spop (v2sf);
	(v2sf) =	vpush v63, $0xB  }
0x48: {  	s9 =	sand.u32 $0x1FFFFF80, s15  }
0x49: {  	s16 =	rddreg [dreg:$0xa];
	s9 =	sadd.s32 s3, s9  }
0x4a: {  	[tilespmem:s16], [sflag:$0x1] =	stream.linear.gather [hbm4b:s9+s2], $0x400, $0x38;
	[tilespmem:$0x9100] =	vst v63  }
0x4b: {  	s9 =	sand.u32 $0x1FFFFF80, s17  }
0x4c: {  	s18 =	rddreg [dreg:$0xb];
	s9 =	sadd.s32 s3, s9  }
0x4d: {  	[tilespmem:s18], [sflag:$0x1] =	stream.linear.gather [hbm4b:s9+s2], $0x400, $0x38;
	[tilespmem:$0x9100] =	vst v63  }
0x4e: {  	s9 =	sand.u32 $0x1FFFFF80, s19  }
0x4f: {  	s20 =	rddreg [dreg:$0xc];
	s9 =	sadd.s32 s3, s9;
	s21 =	spop (v2sf);
	(v2sf) =	vpush v63, $0xC  }
0x50: {  	[tilespmem:s20], [sflag:$0x1] =	stream.linear.gather [hbm4b:s9+s2], $0x400, $0x38;
	[tilespmem:$0x9100] =	vst v63  }
0x51: {  	s23 =	spop (v2sf);
	(v2sf) =	vpush v63, $0xD  }
0x52: {  	s9 =	sand.u32 $0x1FFFFF80, s21  }
0x53: {  	s22 =	rddreg [dreg:$0xd];
	s9 =	sadd.s32 s3, s9;
	s25 =	spop (v2sf)  }
0x54: {  	(v2sf) =	vpush v63, $0xE;
	[tilespmem:s22], [sflag:$0x1] =	stream.linear.gather [hbm4b:s9+s2], $0x400, $0x38;
	[tilespmem:$0x9100] =	vst v63  }
0x55: {  	s9 =	sand.u32 $0x1FFFFF80, s23  }
0x56: {  	s24 =	rddreg [dreg:$0xe];
	s28 =	spop (v2sf);
	s9 =	sadd.s32 s3, s9  }
0x57: {  	(v2sf) =	vpush v63, $0xF;
	[tilespmem:s24], [sflag:$0x1] =	stream.linear.gather [hbm4b:s9+s2], $0x400, $0x38;
	[tilespmem:$0x9100] =	vst v63  }
0x58: {  	s9 =	sand.u32 $0x1FFFFF80, s25  }
0x59: {  	s26 =	rddreg [dreg:$0xf];
	s9 =	sadd.s32 s3, s9  }
0x5a: {  	[tilespmem:s26], [sflag:$0x1] =	stream.linear.gather [hbm4b:s9+s2], $0x400, $0x38;
	[tilespmem:$0x9100] =	vst v63  }
0x5b: {  	s9 =	sand.u32 $0x1FFFFF80, s28  }
0x5c: {  	s29 =	rddreg [dreg:$0x10];
	s9 =	sadd.s32 s3, s9  }
0x5d: {  	[tilespmem:s29], [sflag:$0x1] =	stream.linear.gather [hbm4b:s9+s2], $0x400, $0x38;
	[tilespmem:$0x9100] =	vst v63  }
0x5e: {  	s30 =	spop (v2sf)  }
0x5f: {  	s9 =	sand.u32 $0x1FFFFF80, s30  }
0x60: {  	s31 =	rddreg [dreg:$0x11];
	s11 =	spop (v2sf);
	s9 =	sadd.s32 s3, s9  }
0x61: {  	[tilespmem:s31], [sflag:$0x1] =	stream.linear.gather [hbm4b:s9+s2], $0x400, $0x38;
	[tilespmem:$0x9100] =	vst v63  }
0x62: {  	s9 =	sand.u32 $0x1FFFFF80, s11  }
0x63: {  	s12 =	rddreg [dreg:$0x12];
	s13 =	spop (v2sf);
	s9 =	sadd.s32 s3, s9  }
0x64: {  	[tilespmem:s12], [sflag:$0x1] =	stream.linear.gather [hbm4b:s9+s2], $0x400, $0x38;
	[tilespmem:$0x9100] =	vst v63  }
0x65: {  	s9 =	sand.u32 $0x1FFFFF80, s13  }
0x66: {  	s14 =	rddreg [dreg:$0x13];
	s15 =	spop (v2sf);
	s9 =	sadd.s32 s3, s9  }
0x67: {  	[tilespmem:s14], [sflag:$0x1] =	stream.linear.gather [hbm4b:s9+s2], $0x400, $0x38;
	[tilespmem:$0x9100] =	vst v63  }
0x68: {  	s9 =	sand.u32 $0x1FFFFF80, s15  }
0x69: {  	s16 =	rddreg [dreg:$0x14];
	s9 =	sadd.s32 s3, s9  }
0x6a: {  	[tilespmem:s16], [sflag:$0x1] =	stream.linear.gather [hbm4b:s9+s2], $0x400, $0x38;
	[tilespmem:$0x9100] =	vst v63  }
0x6b: {  	v10 =	vld [tilespmem:$0x10];
	_ =	sdelay $0x4  }
0x6c: {  	v63 =	vshrl.u32 v10, $0x3  }
0x6d: {  	v63 =	vshll.u32 v63, $0x7  }
0x6e: {  	(v2sf) =	vpush v63, $0x0;
	_ =	sdelay $0x1  }
0x6f: {  	(v2sf) =	vpush v63, $0x1;
	_ =	sdelay $0x1  }
0x70: {  	(v2sf) =	vpush v63, $0x2;
	_ =	sdelay $0x2  }
0x71: {  	(v2sf) =	vpush v63, $0x3;
	_ =	sdelay $0x7  }
0x72: {  	s17 =	spop (v2sf);
	(v2sf) =	vpush v63, $0x4;
	_ =	sdelay $0x1  }
0x73: {  	s19 =	spop (v2sf);
	(v2sf) =	vpush v63, $0x5;
	_ =	sdelay $0x1  }
0x74: {  	s21 =	spop (v2sf);
	(v2sf) =	vpush v63, $0x6;
	_ =	sdelay $0x1  }
0x75: {  	s9 =	sand.u32 $0x1FFFFF80, s17  }
0x76: {  	s18 =	rddreg [dreg:$0x15];
	s9 =	sadd.s32 s3, s9;
	s23 =	spop (v2sf);
	(v2sf) =	vpush v63, $0x7  }
0x77: {  	[tilespmem:s18], [sflag:$0x1] =	stream.linear.gather [hbm4b:s9+s2], $0x400, $0x38;
	[tilespmem:$0x9100] =	vst v63  }
0x78: {  	s9 =	sand.u32 $0x1FFFFF80, s19  }
0x79: {  	s20 =	rddreg [dreg:$0x16];
	s9 =	sadd.s32 s3, s9  }
0x7a: {  	[tilespmem:s20], [sflag:$0x1] =	stream.linear.gather [hbm4b:s9+s2], $0x400, $0x38;
	[tilespmem:$0x9100] =	vst v63  }
0x7b: {  	s9 =	sand.u32 $0x1FFFFF80, s21  }
0x7c: {  	s22 =	rddreg [dreg:$0x17];
	s9 =	sadd.s32 s3, s9  }
0x7d: {  	[tilespmem:s22], [sflag:$0x1] =	stream.linear.gather [hbm4b:s9+s2], $0x400, $0x38;
	[tilespmem:$0x9100] =	vst v63  }
0x7e: {  	s25 =	spop (v2sf);
	(v2sf) =	vpush v63, $0x8  }
0x7f: {  	s9 =	sand.u32 $0x1FFFFF80, s23  }
0x80: {  	s24 =	rddreg [dreg:$0x18];
	s9 =	sadd.s32 s3, s9;
	s28 =	spop (v2sf);
	(v2sf) =	vpush v63, $0x9  }
0x81: {  	[tilespmem:s24], [sflag:$0x1] =	stream.linear.gather [hbm4b:s9+s2], $0x400, $0x38;
	[tilespmem:$0x9100] =	vst v63  }
0x82: {  	s9 =	sand.u32 $0x1FFFFF80, s25;
	s30 =	spop (v2sf);
	(v2sf) =	vpush v63, $0xA  }
0x83: {  	s26 =	rddreg [dreg:$0x19];
	s9 =	sadd.s32 s3, s9  }
0x84: {  	[tilespmem:s26], [sflag:$0x1] =	stream.linear.gather [hbm4b:s9+s2], $0x400, $0x38;
	[tilespmem:$0x9100] =	vst v63  }
0x85: {  	s11 =	spop (v2sf);
	(v2sf) =	vpush v63, $0xB  }
0x86: {  	s9 =	sand.u32 $0x1FFFFF80, s28  }
0x87: {  	s29 =	rddreg [dreg:$0x1a];
	s9 =	sadd.s32 s3, s9  }
0x88: {  	[tilespmem:s29], [sflag:$0x1] =	stream.linear.gather [hbm4b:s9+s2], $0x400, $0x38;
	[tilespmem:$0x9100] =	vst v63  }
0x89: {  	s9 =	sand.u32 $0x1FFFFF80, s30  }
0x8a: {  	s31 =	rddreg [dreg:$0x1b];
	s9 =	sadd.s32 s3, s9  }
0x8b: {  	[tilespmem:s31], [sflag:$0x1] =	stream.linear.gather [hbm4b:s9+s2], $0x400, $0x38;
	[tilespmem:$0x9100] =	vst v63  }
0x8c: {  	s9 =	sand.u32 $0x1FFFFF80, s11  }
0x8d: {  	s12 =	rddreg [dreg:$0x1c];
	s9 =	sadd.s32 s3, s9;
	s13 =	spop (v2sf);
	(v2sf) =	vpush v63, $0xC  }
0x8e: {  	[tilespmem:s12], [sflag:$0x1] =	stream.linear.gather [hbm4b:s9+s2], $0x400, $0x38;
	[tilespmem:$0x9100] =	vst v63  }
0x8f: {  	s15 =	spop (v2sf);
	(v2sf) =	vpush v63, $0xD  }
0x90: {  	s9 =	sand.u32 $0x1FFFFF80, s13  }
0x91: {  	s14 =	rddreg [dreg:$0x1d];
	s9 =	sadd.s32 s3, s9;
	s17 =	spop (v2sf)  }
0x92: {  	(v2sf) =	vpush v63, $0xE;
	[tilespmem:s14], [sflag:$0x1] =	stream.linear.gather [hbm4b:s9+s2], $0x400, $0x38;
	[tilespmem:$0x9100] =	vst v63  }
0x93: {  	s9 =	sand.u32 $0x1FFFFF80, s15  }
0x94: {  	s16 =	rddreg [dreg:$0x1e];
	s19 =	spop (v2sf);
	s9 =	sadd.s32 s3, s9  }
0x95: {  	(v2sf) =	vpush v63, $0xF;
	[tilespmem:s16], [sflag:$0x1] =	stream.linear.gather [hbm4b:s9+s2], $0x400, $0x38;
	[tilespmem:$0x9100] =	vst v63  }
0x96: {  	s18 =	rddreg [dreg:$0x1f];
	s9 =	sand.u32 $0x1FFFFF80, s17  }
0x97: {  	s20 =	sld [smem:$0x7F8];
	s9 =	sadd.s32 s3, s9  }
0x98: {  	[tilespmem:s18], [sflag:$0x1] =	stream.linear.gather [hbm4b:s9+s2], $0x400, $0x38;
	[tilespmem:$0x9100] =	vst v63  }
0x99: {  	s9 =	sand.u32 $0x1FFFFF80, s19  }
0x9a: {  	s9 =	sadd.s32 s3, s9  }
0x9b: {  	[tilespmem:s20], [sflag:$0x1] =	stream.linear.gather [hbm4b:s9+s2], $0x400, $0x38;
	[tilespmem:$0x9100] =	vst v63  }
0x9c: {  	s22 =	sld [smem:$0x7F9];
	s21 =	spop (v2sf)  }
0x9d: {  	s9 =	sand.u32 $0x1FFFFF80, s21  }
0x9e: {  	s24 =	sld [smem:$0x7FA];
	s23 =	spop (v2sf);
	s9 =	sadd.s32 s3, s9  }
0x9f: {  	[tilespmem:s22], [sflag:$0x1] =	stream.linear.gather [hbm4b:s9+s2], $0x400, $0x38;
	[tilespmem:$0x9100] =	vst v63  }
0xa0: {  	s9 =	sand.u32 $0x1FFFFF80, s23  }
0xa1: {  	s26 =	sld [smem:$0x7FB];
	s25 =	spop (v2sf);
	s9 =	sadd.s32 s3, s9  }
0xa2: {  	[tilespmem:s24], [sflag:$0x1] =	stream.linear.gather [hbm4b:s9+s2], $0x400, $0x38;
	[tilespmem:$0x9100] =	vst v63  }
0xa3: {  	s9 =	sand.u32 $0x1FFFFF80, s25  }
0xa4: {  	s29 =	sld [smem:$0x7FC];
	s28 =	spop (v2sf);
	s9 =	sadd.s32 s3, s9  }
0xa5: {  	[tilespmem:s26], [sflag:$0x1] =	stream.linear.gather [hbm4b:s9+s2], $0x400, $0x38;
	[tilespmem:$0x9100] =	vst v63  }
0xa6: {  	s9 =	sand.u32 $0x1FFFFF80, s28  }
0xa7: {  	s9 =	sadd.s32 s3, s9  }
0xa8: {  	[tilespmem:s29], [sflag:$0x1] =	stream.linear.gather [hbm4b:s9+s2], $0x400, $0x38;
	[tilespmem:$0x9100] =	vst v63  }
0xa9: {  	s11 =	rddreg [dreg:$0x4]  }
0xaa: {  	[tilespmem:s7], [sflag:$0x2] =	stream.linear.gather [hbm4b:s11+s2], $0x1000, $0x38;
	[tilespmem:$0x9100] =	vst v63  }
0xab: {  	_ =	swait.ge [sflag:s5], $0x1000  }
0xac: {  	[sflag:s5] =	ssyncset.done $0x0  }
0xad: {  	[sflag:s5] =	ssyncadd.s32 $0xFFFFF000  }
0xae: {  	_ =	swait.ge [sflag:s8], $0x400  }
0xaf: {  	[sflag:s8] =	ssyncset.done $0x0  }
0xb0: {  	[sflag:s8] =	ssyncadd.s32 $0xFFFFFC00  }
0xb1: {  	_ =	swait.ge [sflag:s8], $0x400  }
0xb2: {  	[sflag:s8] =	ssyncset.done $0x0  }
0xb3: {  	[sflag:s8] =	ssyncadd.s32 $0xFFFFFC00  }
0xb4: {  	_ =	swait.ge [sflag:s8], $0x400  }
0xb5: {  	[sflag:s8] =	ssyncset.done $0x0  }
0xb6: {  	[sflag:s8] =	ssyncadd.s32 $0xFFFFFC00  }
0xb7: {  	_ =	swait.ge [sflag:s8], $0x400  }
0xb8: {  	[sflag:s8] =	ssyncset.done $0x0  }
0xb9: {  	[sflag:s8] =	ssyncadd.s32 $0xFFFFFC00  }
0xba: {  	_ =	swait.ge [sflag:s8], $0x400  }
0xbb: {  	[sflag:s8] =	ssyncset.done $0x0  }
0xbc: {  	[sflag:s8] =	ssyncadd.s32 $0xFFFFFC00  }
0xbd: {  	_ =	swait.ge [sflag:s8], $0x400  }
0xbe: {  	[sflag:s8] =	ssyncset.done $0x0  }
0xbf: {  	[sflag:s8] =	ssyncadd.s32 $0xFFFFFC00  }
0xc0: {  	_ =	swait.ge [sflag:s8], $0x400  }
0xc1: {  	[sflag:s8] =	ssyncset.done $0x0  }
0xc2: {  	[sflag:s8] =	ssyncadd.s32 $0xFFFFFC00  }
0xc3: {  	_ =	swait.ge [sflag:s8], $0x400  }
0xc4: {  	[sflag:s8] =	ssyncset.done $0x0  }
0xc5: {  	[sflag:s8] =	ssyncadd.s32 $0xFFFFFC00  }
0xc6: {  	_ =	swait.ge [sflag:s8], $0x400  }
0xc7: {  	[sflag:s8] =	ssyncset.done $0x0  }
0xc8: {  	[sflag:s8] =	ssyncadd.s32 $0xFFFFFC00  }
0xc9: {  	_ =	swait.ge [sflag:s8], $0x400  }
0xca: {  	[sflag:s8] =	ssyncset.done $0x0  }
0xcb: {  	[sflag:s8] =	ssyncadd.s32 $0xFFFFFC00  }
0xcc: {  	_ =	swait.ge [sflag:s8], $0x400  }
0xcd: {  	[sflag:s8] =	ssyncset.done $0x0  }
0xce: {  	[sflag:s8] =	ssyncadd.s32 $0xFFFFFC00  }
0xcf: {  	_ =	swait.ge [sflag:s8], $0x400  }
0xd0: {  	[sflag:s8] =	ssyncset.done $0x0  }
0xd1: {  	[sflag:s8] =	ssyncadd.s32 $0xFFFFFC00  }
0xd2: {  	_ =	swait.ge [sflag:s8], $0x400  }
0xd3: {  	[sflag:s8] =	ssyncset.done $0x0  }
0xd4: {  	[sflag:s8] =	ssyncadd.s32 $0xFFFFFC00  }
0xd5: {  	_ =	swait.ge [sflag:s8], $0x400  }
0xd6: {  	[sflag:s8] =	ssyncset.done $0x0  }
0xd7: {  	[sflag:s8] =	ssyncadd.s32 $0xFFFFFC00  }
0xd8: {  	_ =	swait.ge [sflag:s8], $0x400  }
0xd9: {  	[sflag:s8] =	ssyncset.done $0x0  }
0xda: {  	[sflag:s8] =	ssyncadd.s32 $0xFFFFFC00  }
0xdb: {  	_ =	swait.ge [sflag:s8], $0x400  }
0xdc: {  	[sflag:s8] =	ssyncset.done $0x0  }
0xdd: {  	[sflag:s8] =	ssyncadd.s32 $0xFFFFFC00  }
0xde: {  	_ =	swait.ge [sflag:s8], $0x400  }
0xdf: {  	[sflag:s8] =	ssyncset.done $0x0  }
0xe0: {  	[sflag:s8] =	ssyncadd.s32 $0xFFFFFC00  }
0xe1: {  	_ =	swait.ge [sflag:s8], $0x400  }
0xe2: {  	[sflag:s8] =	ssyncset.done $0x0  }
0xe3: {  	[sflag:s8] =	ssyncadd.s32 $0xFFFFFC00  }
0xe4: {  	_ =	swait.ge [sflag:s8], $0x400  }
0xe5: {  	[sflag:s8] =	ssyncset.done $0x0  }
0xe6: {  	[sflag:s8] =	ssyncadd.s32 $0xFFFFFC00  }
0xe7: {  	_ =	swait.ge [sflag:s8], $0x400  }
0xe8: {  	[sflag:s8] =	ssyncset.done $0x0  }
0xe9: {  	[sflag:s8] =	ssyncadd.s32 $0xFFFFFC00  }
0xea: {  	_ =	swait.ge [sflag:s8], $0x400  }
0xeb: {  	[sflag:s8] =	ssyncset.done $0x0  }
0xec: {  	[sflag:s8] =	ssyncadd.s32 $0xFFFFFC00  }
0xed: {  	_ =	swait.ge [sflag:s8], $0x400  }
0xee: {  	[sflag:s8] =	ssyncset.done $0x0  }
0xef: {  	[sflag:s8] =	ssyncadd.s32 $0xFFFFFC00  }
0xf0: {  	_ =	swait.ge [sflag:s8], $0x400  }
0xf1: {  	[sflag:s8] =	ssyncset.done $0x0  }
0xf2: {  	[sflag:s8] =	ssyncadd.s32 $0xFFFFFC00  }
0xf3: {  	_ =	swait.ge [sflag:s8], $0x400  }
0xf4: {  	[sflag:s8] =	ssyncset.done $0x0  }
0xf5: {  	[sflag:s8] =	ssyncadd.s32 $0xFFFFFC00  }
0xf6: {  	_ =	swait.ge [sflag:s8], $0x400  }
0xf7: {  	[sflag:s8] =	ssyncset.done $0x0  }
0xf8: {  	[sflag:s8] =	ssyncadd.s32 $0xFFFFFC00  }
0xf9: {  	_ =	swait.ge [sflag:s8], $0x400  }
0xfa: {  	[sflag:s8] =	ssyncset.done $0x0  }
0xfb: {  	[sflag:s8] =	ssyncadd.s32 $0xFFFFFC00  }
0xfc: {  	_ =	swait.ge [sflag:s8], $0x400  }
0xfd: {  	[sflag:s8] =	ssyncset.done $0x0  }
0xfe: {  	[sflag:s8] =	ssyncadd.s32 $0xFFFFFC00  }
0xff: {  	_ =	swait.ge [sflag:s8], $0x400  }
0x100: {  	[sflag:s8] =	ssyncset.done $0x0  }
0x101: {  	[sflag:s8] =	ssyncadd.s32 $0xFFFFFC00  }
0x102: {  	_ =	swait.ge [sflag:s8], $0x400  }
0x103: {  	[sflag:s8] =	ssyncset.done $0x0  }
0x104: {  	[sflag:s8] =	ssyncadd.s32 $0xFFFFFC00  }
0x105: {  	_ =	swait.ge [sflag:s8], $0x400  }
0x106: {  	[sflag:s8] =	ssyncset.done $0x0  }
0x107: {  	[sflag:s8] =	ssyncadd.s32 $0xFFFFFC00  }
0x108: {  	_ =	swait.ge [sflag:s8], $0x400  }
0x109: {  	[sflag:s8] =	ssyncset.done $0x0  }
0x10a: {  	[sflag:s8] =	ssyncadd.s32 $0xFFFFFC00  }
0x10b: {  	_ =	swait.ge [sflag:s8], $0x400  }
0x10c: {  	[sflag:s8] =	ssyncset.done $0x0;
	v3 =	vld [tilespmem:$0x1FF20]  }
0x10d: {  	v4 =	vld [tilespmem:$0x1FF40];
	[sflag:s8] =	ssyncadd.s32 $0xFFFFFC00  }
0x10e: {  	v11 =	vld [tilespmem:$0x0]  }
0x10f: {  	v6 =	vld [tilespmem:$0x1FF60]  }
0x110: {  	v7 =	vld [tilespmem:$0x1FF30]  }
0x111: {  	v9 =	vld [tilespmem:$0x1FF50]  }
0x112: {  	v8 =	vld [tilespmem:$0x1FF80]  }
0x113: {  	v10 =	vld [tilespmem:$0x1FFA0];
	v63 =	vshll.u32 v11, $0x7  }
0x114: {  	v12 =	vld [tilespmem:$0x1FFC0];
	v63 =	vand.u32 $0x380, v63  }
0x115: {  	v13 =	vld [tilespmem:$0x1FF90];
	v2 =	vor.u32 v0, v63  }
0x116: {  	v11 =	vld [tilespmem:$0x1FF70];
	v3 =	vor.u32 v3, v63  }
0x117: {  	v5 =	vld.idx.msk [tilespmem:v1+s7+$0x0], $0xffff;
	v4 =	vor.u32 v4, v63  }
0x118: {  	v7 =	vld.idx.msk [tilespmem:v7+s7+$0x0], $0xffff;
	v6 =	vor.u32 v6, v63  }
0x119: {  	v9 =	vld.idx.msk [tilespmem:v9+s7+$0x0], $0xffff  }
0x11a: {  	v8 =	vor.u32 v8, v63;
	v2 =	vld.idx.msk [tilespmem:v2+s6+$0x0], $0xffff  }
0x11b: {  	v3 =	vld.idx.msk [tilespmem:v3+s6+$0x0], $0xffff  }
0x11c: {  	v4 =	vld.idx.msk [tilespmem:v4+s6+$0x0], $0xffff  }
0x11d: {  	v6 =	vld.idx.msk [tilespmem:v6+s6+$0x0], $0xffff  }
0x11e: {  	v11 =	vld.idx.msk [tilespmem:v11+s7+$0x0], $0xffff  }
0x11f: {  	v2 =	vsub.f32 v5, v2;
	v5 =	vld.idx.msk [tilespmem:v8+s6+$0x0], $0xffff  }
0x120: {  	v8 =	vld.idx.msk [tilespmem:v13+s7+$0x0], $0xffff  }
0x121: {  	v3 =	vsub.f32 v7, v3;
	v13 =	vld [tilespmem:$0x1FFB0]  }
0x122: {  	v10 =	vor.u32 v10, v63  }
0x123: {  	v4 =	vsub.f32 v9, v4;
	v2 =	vmul.f32 v2, v2;
	v3 =	vmul.f32 v3, v3  }
0x124: {  	v14 =	vld [tilespmem:$0x1FFE0];
	v7 =	vor.u32 v12, v63  }
0x125: {  	v12 =	vsub.f32 v11, v6;
	v2 =	vadd.f32 v3, v2;
	v3 =	vmul.f32 v4, v4;
	_ =	sdelay $0x1  }
0x126: {  	v2 =	vadd.f32 v3, v2;
	v3 =	vmul.f32 v12, v12;
	v12 =	vld [tilespmem:$0x1FFD0]  }
0x127: {  	v9 =	vld.idx.msk [tilespmem:v10+s6+$0x0], $0xffff  }
0x128: {  	v10 =	vor.u32 v14, v63;
	v6 =	vld.idx.msk [tilespmem:v13+s7+$0x0], $0xffff  }
0x129: {  	v13 =	vld [tilespmem:$0x1FFF0]  }
0x12a: {  	v11 =	vor.u32 v16, v63  }
0x12b: {  	v14 =	vsub.f32 v8, v5  }
0x12c: {  	v7 =	vld.idx.msk [tilespmem:v7+s6+$0x0], $0xffff  }
0x12d: {  	v4 =	vld.idx.msk [tilespmem:v10+s6+$0x0], $0xffff;
	v2 =	vadd.f32 v3, v2;
	v3 =	vmul.f32 v14, v14  }
0x12e: {  	v8 =	vor.u32 v18, v63;
	v5 =	vld.idx.msk [tilespmem:v12+s7+$0x0], $0xffff  }
0x12f: {  	v2 =	vadd.f32 v3, v2;
	v3 =	vld.idx.msk [tilespmem:v11+s6+$0x0], $0xffff  }
0x130: {  	v6 =	vsub.f32 v6, v9;
	v12 =	vld.idx.msk [tilespmem:v17+s7+$0x0], $0xffff  }
0x131: {  	v14 =	vor.u32 v20, v63;
	v9 =	vld.idx.msk [tilespmem:v13+s7+$0x0], $0xffff  }
0x132: {  	v6 =	vmul.f32 v6, v6  }
0x133: {  	v8 =	vld.idx.msk [tilespmem:v8+s6+$0x0], $0xffff;
	v13 =	vor.u32 v22, v63;
	v5 =	vsub.f32 v5, v7  }
0x134: {  	v2 =	vadd.f32 v6, v2;
	v6 =	vld.idx.msk [tilespmem:v19+s7+$0x0], $0xffff  }
0x135: {  	v3 =	vsub.f32 v12, v3;
	v12 =	vld.idx.msk [tilespmem:v23+s7+$0x0], $0xffff;
	v5 =	vmul.f32 v5, v5  }
0x136: {  	v10 =	vor.u32 v24, v63;
	v4 =	vsub.f32 v9, v4;
	v9 =	vld.idx.msk [tilespmem:v14+s6+$0x0], $0xffff  }
0x137: {  	v2 =	vadd.f32 v5, v2;
	v5 =	vld.idx.msk [tilespmem:v21+s7+$0x0], $0xffff  }
0x138: {  	v7 =	vld.idx.msk [tilespmem:v13+s6+$0x0], $0xffff  }
0x139: {  	v11 =	vor.u32 v26, v63;
	v4 =	vmul.f32 v4, v4  }
0x13a: {  	v3 =	vmul.f32 v3, v3  }
0x13b: {  	v14 =	vsub.f32 v6, v8;
	v6 =	vld.idx.msk [tilespmem:v10+s6+$0x0], $0xffff;
	v8 =	vor.u32 v28, v63;
	v2 =	vadd.f32 v4, v2  }
0x13c: {  	v13 =	vsub.f32 v5, v9;
	v5 =	vld.idx.msk [tilespmem:v25+s7+$0x0], $0xffff  }
0x13d: {  	v2 =	vadd.f32 v3, v2;
	v3 =	vmul.f32 v14, v14;
	v14 =	vsub.f32 v12, v7;
	v12 =	vld.idx.msk [tilespmem:v27+s7+$0x0], $0xffff  }
0x13e: {  	v10 =	vor.u32 v30, v63;
	v9 =	vld.idx.msk [tilespmem:v11+s6+$0x0], $0xffff  }
0x13f: {  	v2 =	vadd.f32 v3, v2;
	v3 =	vmul.f32 v13, v13;
	v13 =	vor.u32 v32, v63  }
0x140: {  	v4 =	vld.idx.msk [tilespmem:v8+s6+$0x0], $0xffff;
	v8 =	vor.u32 v34, v63  }
0x141: {  	v2 =	vadd.f32 v3, v2;
	v3 =	vmul.f32 v14, v14;
	v5 =	vsub.f32 v5, v6;
	v6 =	vld.idx.msk [tilespmem:v29+s7+$0x0], $0xffff  }
0x142: {  	v14 =	vld.idx.msk [tilespmem:v31+s7+$0x0], $0xffff  }
0x143: {  	v7 =	vsub.f32 v12, v9;
	v12 =	vor.u32 v36, v63;
	v2 =	vadd.f32 v3, v2;
	v3 =	vld.idx.msk [tilespmem:v10+s6+$0x0], $0xffff  }
0x144: {  	v5 =	vmul.f32 v5, v5;
	v11 =	vld.idx.msk [tilespmem:v13+s6+$0x0], $0xffff  }
0x145: {  	v13 =	vmul.f32 v7, v7;
	v7 =	vld.idx.msk [tilespmem:v33+s7+$0x0], $0xffff  }
0x146: {  	v2 =	vadd.f32 v5, v2;
	v4 =	vsub.f32 v6, v4;
	v6 =	vld.idx.msk [tilespmem:v8+s6+$0x0], $0xffff;
	v8 =	vor.u32 v38, v63  }
0x147: {  	v10 =	vor.u32 v40, v63;
	v5 =	vld.idx.msk [tilespmem:v35+s7+$0x0], $0xffff  }
0x148: {  	v9 =	vld.idx.msk [tilespmem:v12+s6+$0x0], $0xffff;
	v2 =	vadd.f32 v13, v2;
	v3 =	vsub.f32 v14, v3;
	v4 =	vmul.f32 v4, v4  }
0x149: {  	v12 =	vld.idx.msk [tilespmem:v37+s7+$0x0], $0xffff  }
0x14a: {  	v14 =	vsub.f32 v7, v11;
	v3 =	vmul.f32 v3, v3;
	v2 =	vadd.f32 v4, v2  }
0x14b: {  	v7 =	vld.idx.msk [tilespmem:v8+s6+$0x0], $0xffff;
	v8 =	vor.u32 v42, v63  }
0x14c: {  	v13 =	vsub.f32 v5, v6;
	v5 =	vld.idx.msk [tilespmem:v39+s7+$0x0], $0xffff;
	v2 =	vadd.f32 v3, v2;
	v3 =	vmul.f32 v14, v14  }
0x14d: {  	v6 =	vld.idx.msk [tilespmem:v10+s6+$0x0], $0xffff;
	v10 =	vor.u32 v44, v63  }
0x14e: {  	v14 =	vsub.f32 v12, v9;
	v12 =	vld.idx.msk [tilespmem:v41+s7+$0x0], $0xffff;
	v2 =	vadd.f32 v3, v2;
	v3 =	vmul.f32 v13, v13  }
0x14f: {  	v13 =	vor.u32 v46, v63  }
0x150: {  	v2 =	vadd.f32 v3, v2;
	v4 =	vld.idx.msk [tilespmem:v8+s6+$0x0], $0xffff  }
0x151: {  	v3 =	vmul.f32 v14, v14;
	v5 =	vsub.f32 v5, v7;
	v7 =	vld.idx.msk [tilespmem:v43+s7+$0x0], $0xffff;
	v8 =	vor.u32 v48, v63  }
0x152: {  	v14 =	vld.idx.msk [tilespmem:v45+s7+$0x0], $0xffff  }
0x153: {  	v6 =	vsub.f32 v12, v6;
	v2 =	vadd.f32 v3, v2;
	v3 =	vld.idx.msk [tilespmem:v10+s6+$0x0], $0xffff  }
0x154: {  	v12 =	vor.u32 v50, v63;
	v5 =	vmul.f32 v5, v5;
	v11 =	vld.idx.msk [tilespmem:v13+s6+$0x0], $0xffff  }
0x155: {  	v13 =	vmul.f32 v6, v6;
	v6 =	vld.idx.msk [tilespmem:v47+s7+$0x0], $0xffff  }
0x156: {  	v2 =	vadd.f32 v5, v2;
	v4 =	vsub.f32 v7, v4;
	v7 =	vld.idx.msk [tilespmem:v8+s6+$0x0], $0xffff;
	v8 =	vor.u32 v52, v63  }
0x157: {  	v10 =	vor.u32 v54, v63;
	v5 =	vld.idx.msk [tilespmem:v49+s7+$0x0], $0xffff  }
0x158: {  	v2 =	vadd.f32 v13, v2;
	v4 =	vmul.f32 v4, v4;
	v3 =	vsub.f32 v14, v3  }
0x159: {  	v9 =	vld.idx.msk [tilespmem:v12+s6+$0x0], $0xffff  }
0x15a: {  	v12 =	vld.idx.msk [tilespmem:v51+s7+$0x0], $0xffff;
	v14 =	vsub.f32 v6, v11;
	v2 =	vadd.f32 v4, v2;
	v3 =	vmul.f32 v3, v3  }
0x15b: {  	v6 =	vld.idx.msk [tilespmem:v8+s6+$0x0], $0xffff;
	v8 =	vor.u32 v56, v63  }
0x15c: {  	v13 =	vsub.f32 v5, v7;
	v5 =	vld.idx.msk [tilespmem:v53+s7+$0x0], $0xffff;
	v2 =	vadd.f32 v3, v2;
	v3 =	vmul.f32 v14, v14  }
0x15d: {  	v7 =	vld.idx.msk [tilespmem:v10+s6+$0x0], $0xffff  }
0x15e: {  	v14 =	vor.u32 v58, v63;
	v2 =	vadd.f32 v3, v2;
	v3 =	vmul.f32 v13, v13;
	v13 =	vld.idx.msk [tilespmem:v55+s7+$0x0], $0xffff  }
0x15f: {  	v12 =	vsub.f32 v12, v9  }
0x160: {  	v4 =	vld.idx.msk [tilespmem:v8+s6+$0x0], $0xffff;
	v8 =	vor.u32 v60, v63  }
0x161: {  	v2 =	vadd.f32 v3, v2;
	v3 =	vmul.f32 v12, v12;
	v5 =	vsub.f32 v5, v6;
	v6 =	vld.idx.msk [tilespmem:v57+s7+$0x0], $0xffff  }
0x162: {  	v11 =	vor.u32 $0x1F, v1;
	v10 =	vor.u32 v62, v63;
	v9 =	vld.idx.msk [tilespmem:v59+s7+$0x0], $0xffff  }
0x163: {  	v2 =	vadd.f32 v3, v2;
	v3 =	vld.idx.msk [tilespmem:v14+s6+$0x0], $0xffff;
	v5 =	vmul.f32 v5, v5;
	v7 =	vsub.f32 v13, v7  }
0x164: {  	v12 =	vor.u32 $0x20, v0  }
0x165: {  	v2 =	vadd.f32 v5, v2;
	v5 =	vmul.f32 v7, v7;
	v7 =	vld.idx.msk [tilespmem:v8+s6+$0x0], $0xffff;
	v8 =	vor.u32 v12, v63  }
0x166: {  	v13 =	vor.u32 $0x21, v0;
	v4 =	vsub.f32 v6, v4;
	v6 =	vld.idx.msk [tilespmem:v61+s7+$0x0], $0xffff;
	v12 =	vor.u32 $0x20, v1  }
0x167: {  	v2 =	vadd.f32 v5, v2;
	v5 =	vld.idx.msk [tilespmem:v10+s6+$0x0], $0xffff;
	v10 =	vor.u32 v13, v63  }
0x168: {  	v4 =	vmul.f32 v4, v4;
	v3 =	vsub.f32 v9, v3;
	v9 =	vld.idx.msk [tilespmem:v11+s7+$0x0], $0xffff;
	v11 =	vor.u32 $0x21, v1  }
0x169: {  	v13 =	vor.u32 $0x22, v0  }
0x16a: {  	v2 =	vadd.f32 v4, v2;
	v3 =	vmul.f32 v3, v3;
	v4 =	vld.idx.msk [tilespmem:v8+s6+$0x0], $0xffff;
	v8 =	vor.u32 v13, v63  }
0x16b: {  	v6 =	vsub.f32 v6, v7;
	v7 =	vld.idx.msk [tilespmem:v12+s7+$0x0], $0xffff;
	v12 =	vor.u32 $0x22, v1;
	v13 =	vor.u32 $0x23, v0  }
0x16c: {  	v2 =	vadd.f32 v3, v2;
	v3 =	vld.idx.msk [tilespmem:v10+s6+$0x0], $0xffff;
	v10 =	vor.u32 v13, v63  }
0x16d: {  	v6 =	vmul.f32 v6, v6;
	v5 =	vsub.f32 v9, v5;
	v9 =	vld.idx.msk [tilespmem:v11+s7+$0x0], $0xffff;
	v11 =	vor.u32 $0x23, v1  }
0x16e: {  	v13 =	vor.u32 $0x24, v0  }
0x16f: {  	v2 =	vadd.f32 v6, v2;
	v5 =	vmul.f32 v5, v5;
	v6 =	vld.idx.msk [tilespmem:v8+s6+$0x0], $0xffff;
	v8 =	vor.u32 v13, v63  }
0x170: {  	v4 =	vsub.f32 v7, v4;
	v7 =	vld.idx.msk [tilespmem:v12+s7+$0x0], $0xffff;
	v12 =	vor.u32 $0x24, v1;
	v13 =	vor.u32 $0x25, v0  }
0x171: {  	v2 =	vadd.f32 v5, v2;
	v5 =	vld.idx.msk [tilespmem:v10+s6+$0x0], $0xffff;
	v10 =	vor.u32 v13, v63  }
0x172: {  	v4 =	vmul.f32 v4, v4;
	v3 =	vsub.f32 v9, v3;
	v9 =	vld.idx.msk [tilespmem:v11+s7+$0x0], $0xffff;
	v11 =	vor.u32 $0x25, v1  }
0x173: {  	v13 =	vor.u32 $0x26, v0  }
0x174: {  	v2 =	vadd.f32 v4, v2;
	v3 =	vmul.f32 v3, v3;
	v4 =	vld.idx.msk [tilespmem:v8+s6+$0x0], $0xffff;
	v8 =	vor.u32 v13, v63  }
0x175: {  	v6 =	vsub.f32 v7, v6;
	v7 =	vld.idx.msk [tilespmem:v12+s7+$0x0], $0xffff;
	v12 =	vor.u32 $0x26, v1;
	v13 =	vor.u32 $0x27, v0  }
0x176: {  	v2 =	vadd.f32 v3, v2;
	v3 =	vld.idx.msk [tilespmem:v10+s6+$0x0], $0xffff;
	v10 =	vor.u32 v13, v63  }
0x177: {  	v6 =	vmul.f32 v6, v6;
	v5 =	vsub.f32 v9, v5;
	v9 =	vld.idx.msk [tilespmem:v11+s7+$0x0], $0xffff;
	v11 =	vor.u32 $0x27, v1  }
0x178: {  	v13 =	vor.u32 $0x28, v0  }
0x179: {  	v2 =	vadd.f32 v6, v2;
	v5 =	vmul.f32 v5, v5;
	v6 =	vld.idx.msk [tilespmem:v8+s6+$0x0], $0xffff;
	v8 =	vor.u32 v13, v63  }
0x17a: {  	v4 =	vsub.f32 v7, v4;
	v7 =	vld.idx.msk [tilespmem:v12+s7+$0x0], $0xffff;
	v12 =	vor.u32 $0x28, v1;
	v13 =	vor.u32 $0x29, v0  }
0x17b: {  	v2 =	vadd.f32 v5, v2;
	v5 =	vld.idx.msk [tilespmem:v10+s6+$0x0], $0xffff;
	v10 =	vor.u32 v13, v63  }
0x17c: {  	v4 =	vmul.f32 v4, v4;
	v3 =	vsub.f32 v9, v3;
	v9 =	vld.idx.msk [tilespmem:v11+s7+$0x0], $0xffff;
	v11 =	vor.u32 $0x29, v1  }
0x17d: {  	v13 =	vor.u32 $0x2A, v0  }
0x17e: {  	v2 =	vadd.f32 v4, v2;
	v3 =	vmul.f32 v3, v3;
	v4 =	vld.idx.msk [tilespmem:v8+s6+$0x0], $0xffff;
	v8 =	vor.u32 v13, v63  }
0x17f: {  	v6 =	vsub.f32 v7, v6;
	v7 =	vld.idx.msk [tilespmem:v12+s7+$0x0], $0xffff;
	v12 =	vor.u32 $0x2A, v1;
	v13 =	vor.u32 $0x2B, v0  }
0x180: {  	v2 =	vadd.f32 v3, v2;
	v3 =	vld.idx.msk [tilespmem:v10+s6+$0x0], $0xffff;
	v10 =	vor.u32 v13, v63  }
0x181: {  	v6 =	vmul.f32 v6, v6;
	v5 =	vsub.f32 v9, v5;
	v9 =	vld.idx.msk [tilespmem:v11+s7+$0x0], $0xffff;
	v11 =	vor.u32 $0x2B, v1  }
0x182: {  	v13 =	vor.u32 $0x2C, v0  }
0x183: {  	v2 =	vadd.f32 v6, v2;
	v5 =	vmul.f32 v5, v5;
	v6 =	vld.idx.msk [tilespmem:v8+s6+$0x0], $0xffff;
	v8 =	vor.u32 v13, v63  }
0x184: {  	v4 =	vsub.f32 v7, v4;
	v7 =	vld.idx.msk [tilespmem:v12+s7+$0x0], $0xffff;
	v12 =	vor.u32 $0x2C, v1;
	v13 =	vor.u32 $0x2D, v0  }
0x185: {  	v2 =	vadd.f32 v5, v2;
	v5 =	vld.idx.msk [tilespmem:v10+s6+$0x0], $0xffff;
	v10 =	vor.u32 v13, v63  }
0x186: {  	v4 =	vmul.f32 v4, v4;
	v3 =	vsub.f32 v9, v3;
	v9 =	vld.idx.msk [tilespmem:v11+s7+$0x0], $0xffff;
	v11 =	vor.u32 $0x2D, v1  }
0x187: {  	v13 =	vor.u32 $0x2E, v0  }
0x188: {  	v2 =	vadd.f32 v4, v2;
	v3 =	vmul.f32 v3, v3;
	v4 =	vld.idx.msk [tilespmem:v8+s6+$0x0], $0xffff;
	v8 =	vor.u32 v13, v63  }
0x189: {  	v6 =	vsub.f32 v7, v6;
	v7 =	vld.idx.msk [tilespmem:v12+s7+$0x0], $0xffff;
	v12 =	vor.u32 $0x2E, v1;
	v13 =	vor.u32 $0x2F, v0  }
0x18a: {  	v2 =	vadd.f32 v3, v2;
	v3 =	vld.idx.msk [tilespmem:v10+s6+$0x0], $0xffff;
	v10 =	vor.u32 v13, v63  }
0x18b: {  	v6 =	vmul.f32 v6, v6;
	v5 =	vsub.f32 v9, v5;
	v9 =	vld.idx.msk [tilespmem:v11+s7+$0x0], $0xffff;
	v11 =	vor.u32 $0x2F, v1  }
0x18c: {  	v13 =	vor.u32 $0x30, v0  }
0x18d: {  	v2 =	vadd.f32 v6, v2;
	v5 =	vmul.f32 v5, v5;
	v6 =	vld.idx.msk [tilespmem:v8+s6+$0x0], $0xffff;
	v8 =	vor.u32 v13, v63  }
0x18e: {  	v4 =	vsub.f32 v7, v4;
	v7 =	vld.idx.msk [tilespmem:v12+s7+$0x0], $0xffff;
	v12 =	vor.u32 $0x30, v1;
	v13 =	vor.u32 $0x31, v0  }
0x18f: {  	v2 =	vadd.f32 v5, v2;
	v5 =	vld.idx.msk [tilespmem:v10+s6+$0x0], $0xffff;
	v10 =	vor.u32 v13, v63  }
0x190: {  	v4 =	vmul.f32 v4, v4;
	v3 =	vsub.f32 v9, v3;
	v9 =	vld.idx.msk [tilespmem:v11+s7+$0x0], $0xffff;
	v11 =	vor.u32 $0x31, v1  }
0x191: {  	v13 =	vor.u32 $0x32, v0  }
0x192: {  	v2 =	vadd.f32 v4, v2;
	v3 =	vmul.f32 v3, v3;
	v4 =	vld.idx.msk [tilespmem:v8+s6+$0x0], $0xffff;
	v8 =	vor.u32 v13, v63  }
0x193: {  	v6 =	vsub.f32 v7, v6;
	v7 =	vld.idx.msk [tilespmem:v12+s7+$0x0], $0xffff;
	v12 =	vor.u32 $0x32, v1;
	v13 =	vor.u32 $0x33, v0  }
0x194: {  	v2 =	vadd.f32 v3, v2;
	v3 =	vld.idx.msk [tilespmem:v10+s6+$0x0], $0xffff;
	v10 =	vor.u32 v13, v63  }
0x195: {  	v6 =	vmul.f32 v6, v6;
	v5 =	vsub.f32 v9, v5;
	v9 =	vld.idx.msk [tilespmem:v11+s7+$0x0], $0xffff;
	v11 =	vor.u32 $0x33, v1  }
0x196: {  	v13 =	vor.u32 $0x34, v0  }
0x197: {  	v2 =	vadd.f32 v6, v2;
	v5 =	vmul.f32 v5, v5;
	v6 =	vld.idx.msk [tilespmem:v8+s6+$0x0], $0xffff;
	v8 =	vor.u32 v13, v63  }
0x198: {  	v4 =	vsub.f32 v7, v4;
	v7 =	vld.idx.msk [tilespmem:v12+s7+$0x0], $0xffff;
	v12 =	vor.u32 $0x34, v1;
	v13 =	vor.u32 $0x35, v0  }
0x199: {  	v2 =	vadd.f32 v5, v2;
	v5 =	vld.idx.msk [tilespmem:v10+s6+$0x0], $0xffff;
	v10 =	vor.u32 v13, v63  }
0x19a: {  	v4 =	vmul.f32 v4, v4;
	v3 =	vsub.f32 v9, v3;
	v9 =	vld.idx.msk [tilespmem:v11+s7+$0x0], $0xffff;
	v11 =	vor.u32 $0x35, v1  }
0x19b: {  	v13 =	vor.u32 $0x36, v0  }
0x19c: {  	v2 =	vadd.f32 v4, v2;
	v3 =	vmul.f32 v3, v3;
	v4 =	vld.idx.msk [tilespmem:v8+s6+$0x0], $0xffff;
	v8 =	vor.u32 v13, v63  }
0x19d: {  	v6 =	vsub.f32 v7, v6;
	v7 =	vld.idx.msk [tilespmem:v12+s7+$0x0], $0xffff;
	v12 =	vor.u32 $0x36, v1  }
0x19e: {  	v14 =	vor.u32 $0x37, v0;
	v2 =	vadd.f32 v3, v2;
	v3 =	vld.idx.msk [tilespmem:v10+s6+$0x0], $0xffff  }
0x19f: {  	v6 =	vmul.f32 v6, v6;
	v5 =	vsub.f32 v9, v5;
	v9 =	vld.idx.msk [tilespmem:v11+s7+$0x0], $0xffff;
	v10 =	vor.u32 v14, v63  }
0x1a0: {  	v13 =	vor.u32 $0x38, v0;
	v11 =	vor.u32 $0x37, v1  }
0x1a1: {  	v2 =	vadd.f32 v6, v2;
	v5 =	vmul.f32 v5, v5;
	v6 =	vld.idx.msk [tilespmem:v8+s6+$0x0], $0xffff;
	v8 =	vor.u32 v13, v63  }
0x1a2: {  	v4 =	vsub.f32 v7, v4;
	v7 =	vld.idx.msk [tilespmem:v12+s7+$0x0], $0xffff;
	v12 =	vor.u32 $0x38, v1  }
0x1a3: {  	v13 =	vor.u32 $0x39, v0;
	v2 =	vadd.f32 v5, v2  }
0x1a4: {  	v5 =	vor.u32 v13, v63;
	v4 =	vmul.f32 v4, v4;
	v3 =	vsub.f32 v9, v3;
	v9 =	vld.idx.msk [tilespmem:v10+s6+$0x0], $0xffff  }
0x1a5: {  	v13 =	vor.u32 $0x3A, v0;
	v10 =	vld.idx.msk [tilespmem:v11+s7+$0x0], $0xffff;
	v11 =	vor.u32 $0x39, v1  }
0x1a6: {  	v2 =	vadd.f32 v4, v2;
	v3 =	vmul.f32 v3, v3;
	v4 =	vld.idx.msk [tilespmem:v8+s6+$0x0], $0xffff;
	v8 =	vor.u32 v13, v63  }
0x1a7: {  	v6 =	vsub.f32 v7, v6;
	v7 =	vld.idx.msk [tilespmem:v12+s7+$0x0], $0xffff;
	v12 =	vor.u32 $0x3A, v1;
	v13 =	vor.u32 $0x3B, v0  }
0x1a8: {  	v13 =	vor.u32 v13, v63  }
0x1a9: {  	v2 =	vadd.f32 v3, v2;
	v5 =	vld.idx.msk [tilespmem:v5+s6+$0x0], $0xffff;
	v3 =	vmul.f32 v6, v6;
	v6 =	vor.u32 $0x3B, v1  }
0x1aa: {  	v9 =	vsub.f32 v10, v9;
	v10 =	vld.idx.msk [tilespmem:v11+s7+$0x0], $0xffff  }
0x1ab: {  	v14 =	vor.u32 $0x3C, v0;
	v2 =	vadd.f32 v3, v2;
	v3 =	vld.idx.msk [tilespmem:v8+s6+$0x0], $0xffff  }
0x1ac: {  	v9 =	vmul.f32 v9, v9;
	v4 =	vsub.f32 v7, v4;
	v7 =	vld.idx.msk [tilespmem:v12+s7+$0x0], $0xffff;
	v8 =	vor.u32 v14, v63  }
0x1ad: {  	v12 =	vor.u32 $0x3C, v1;
	v11 =	vld.idx.msk [tilespmem:v13+s6+$0x0], $0xffff;
	v13 =	vor.u32 $0x3D, v0  }
0x1ae: {  	v2 =	vadd.f32 v9, v2;
	v4 =	vmul.f32 v4, v4;
	v6 =	vld.idx.msk [tilespmem:v6+s7+$0x0], $0xffff;
	v9 =	vor.u32 v13, v63  }
0x1af: {  	v5 =	vsub.f32 v10, v5;
	v10 =	vor.u32 $0x3D, v1;
	v13 =	vld [tilespmem:$0x10]  }
0x1b0: {  	v14 =	vor.u32 $0x3E, v0;
	v2 =	vadd.f32 v4, v2  }
0x1b1: {  	v5 =	vmul.f32 v5, v5;
	v4 =	vor.u32 v14, v63;
	v3 =	vsub.f32 v7, v3;
	v7 =	vld.idx.msk [tilespmem:v8+s6+$0x0], $0xffff  }
0x1b2: {  	v14 =	vor.u32 $0x3F, v0;
	v8 =	vld.idx.msk [tilespmem:v12+s7+$0x0], $0xffff;
	v12 =	vor.u32 $0x3E, v1  }
0x1b3: {  	v2 =	vadd.f32 v5, v2;
	v3 =	vmul.f32 v3, v3;
	v5 =	vld.idx.msk [tilespmem:v9+s6+$0x0], $0xffff;
	v9 =	vor.u32 v14, v63  }
0x1b4: {  	v6 =	vsub.f32 v6, v11;
	v10 =	vld.idx.msk [tilespmem:v10+s7+$0x0], $0xffff;
	v11 =	vor.u32 $0x3F, v1;
	v13 =	vshll.u32 v13, $0x7  }
0x1b5: {  	v63 =	vand.u32 $0x380, v13;
	v13 =	vor.u32 $0x4000, v0  }
0x1b6: {  	v2 =	vadd.f32 v3, v2;
	v3 =	vmul.f32 v6, v6;
	v4 =	vld.idx.msk [tilespmem:v4+s6+$0x0], $0xffff;
	v6 =	vor.u32 v13, v63  }
0x1b7: {  	v13 =	vor.u32 $0x4001, v0;
	v7 =	vsub.f32 v8, v7;
	v8 =	vld.idx.msk [tilespmem:v12+s7+$0x0], $0xffff;
	v12 =	vor.u32 $0x800, v1  }
0x1b8: {  	v2 =	vadd.f32 v3, v2;
	v3 =	vld.idx.msk [tilespmem:v9+s6+$0x0], $0xffff;
	v9 =	vor.u32 v13, v63  }
0x1b9: {  	v7 =	vmul.f32 v7, v7;
	v5 =	vsub.f32 v10, v5;
	v10 =	vld.idx.msk [tilespmem:v11+s7+$0x0], $0xffff;
	v11 =	vor.u32 $0x801, v1  }
0x1ba: {  	v13 =	vor.u32 $0x4002, v0  }
0x1bb: {  	v2 =	vadd.f32 v7, v2;
	v5 =	vmul.f32 v5, v5;
	v6 =	vld.idx.msk [tilespmem:v6+s6+$0x0], $0xffff;
	v7 =	vor.u32 v13, v63  }
0x1bc: {  	v13 =	vor.u32 $0x4003, v0;
	v4 =	vsub.f32 v8, v4;
	v8 =	vld.idx.msk [tilespmem:v12+s7+$0x0], $0xffff;
	v12 =	vor.u32 $0x802, v1  }
0x1bd: {  	v2 =	vadd.f32 v5, v2;
	v5 =	vld.idx.msk [tilespmem:v9+s6+$0x0], $0xffff;
	v9 =	vor.u32 v13, v63  }
0x1be: {  	v4 =	vmul.f32 v4, v4;
	v3 =	vsub.f32 v10, v3;
	v10 =	vld.idx.msk [tilespmem:v11+s7+$0x0], $0xffff;
	v11 =	vor.u32 $0x803, v1  }
0x1bf: {  	v13 =	vor.u32 $0x4004, v0  }
0x1c0: {  	v2 =	vadd.f32 v4, v2;
	v3 =	vmul.f32 v3, v3;
	v4 =	vld.idx.msk [tilespmem:v7+s6+$0x0], $0xffff;
	v7 =	vor.u32 v13, v63  }
0x1c1: {  	v13 =	vor.u32 $0x4005, v0;
	v6 =	vsub.f32 v8, v6;
	v8 =	vld.idx.msk [tilespmem:v12+s7+$0x0], $0xffff;
	v12 =	vor.u32 $0x804, v1  }
0x1c2: {  	v2 =	vadd.f32 v3, v2;
	v3 =	vld.idx.msk [tilespmem:v9+s6+$0x0], $0xffff;
	v9 =	vor.u32 v13, v63  }
0x1c3: {  	v6 =	vmul.f32 v6, v6;
	v5 =	vsub.f32 v10, v5;
	v10 =	vld.idx.msk [tilespmem:v11+s7+$0x0], $0xffff;
	v11 =	vor.u32 $0x805, v1  }
0x1c4: {  	v13 =	vor.u32 $0x4006, v0  }
0x1c5: {  	v2 =	vadd.f32 v6, v2;
	v5 =	vmul.f32 v5, v5;
	v6 =	vld.idx.msk [tilespmem:v7+s6+$0x0], $0xffff;
	v7 =	vor.u32 v13, v63  }
0x1c6: {  	v13 =	vor.u32 $0x4007, v0;
	v4 =	vsub.f32 v8, v4;
	v8 =	vld.idx.msk [tilespmem:v12+s7+$0x0], $0xffff;
	v12 =	vor.u32 $0x806, v1  }
0x1c7: {  	v2 =	vadd.f32 v5, v2;
	v5 =	vld.idx.msk [tilespmem:v9+s6+$0x0], $0xffff;
	v9 =	vor.u32 v13, v63  }
0x1c8: {  	v4 =	vmul.f32 v4, v4;
	v3 =	vsub.f32 v10, v3;
	v10 =	vld.idx.msk [tilespmem:v11+s7+$0x0], $0xffff;
	v11 =	vor.u32 $0x807, v1  }
0x1c9: {  	v13 =	vor.u32 $0x4008, v0  }
0x1ca: {  	v2 =	vadd.f32 v4, v2;
	v3 =	vmul.f32 v3, v3;
	v4 =	vld.idx.msk [tilespmem:v7+s6+$0x0], $0xffff;
	v7 =	vor.u32 v13, v63  }
0x1cb: {  	v13 =	vor.u32 $0x4009, v0;
	v6 =	vsub.f32 v8, v6;
	v8 =	vld.idx.msk [tilespmem:v12+s7+$0x0], $0xffff;
	v12 =	vor.u32 $0x808, v1  }
0x1cc: {  	v2 =	vadd.f32 v3, v2;
	v3 =	vld.idx.msk [tilespmem:v9+s6+$0x0], $0xffff;
	v9 =	vor.u32 v13, v63  }
0x1cd: {  	v6 =	vmul.f32 v6, v6;
	v5 =	vsub.f32 v10, v5;
	v10 =	vld.idx.msk [tilespmem:v11+s7+$0x0], $0xffff;
	v11 =	vor.u32 $0x809, v1  }
0x1ce: {  	v13 =	vor.u32 $0x400A, v0  }
0x1cf: {  	v2 =	vadd.f32 v6, v2;
	v5 =	vmul.f32 v5, v5;
	v6 =	vld.idx.msk [tilespmem:v7+s6+$0x0], $0xffff;
	v7 =	vor.u32 v13, v63  }
0x1d0: {  	v13 =	vor.u32 $0x400B, v0;
	v4 =	vsub.f32 v8, v4;
	v8 =	vld.idx.msk [tilespmem:v12+s7+$0x0], $0xffff;
	v12 =	vor.u32 $0x80A, v1  }
0x1d1: {  	v2 =	vadd.f32 v5, v2;
	v5 =	vld.idx.msk [tilespmem:v9+s6+$0x0], $0xffff;
	v9 =	vor.u32 v13, v63  }
0x1d2: {  	v4 =	vmul.f32 v4, v4;
	v3 =	vsub.f32 v10, v3;
	v10 =	vld.idx.msk [tilespmem:v11+s7+$0x0], $0xffff;
	v11 =	vor.u32 $0x80B, v1  }
0x1d3: {  	v13 =	vor.u32 $0x400C, v0  }
0x1d4: {  	v2 =	vadd.f32 v4, v2;
	v3 =	vmul.f32 v3, v3;
	v4 =	vld.idx.msk [tilespmem:v7+s6+$0x0], $0xffff;
	v7 =	vor.u32 v13, v63  }
0x1d5: {  	v13 =	vor.u32 $0x400D, v0;
	v6 =	vsub.f32 v8, v6;
	v8 =	vld.idx.msk [tilespmem:v12+s7+$0x0], $0xffff;
	v12 =	vor.u32 $0x80C, v1  }
0x1d6: {  	v2 =	vadd.f32 v3, v2;
	v3 =	vld.idx.msk [tilespmem:v9+s6+$0x0], $0xffff;
	v9 =	vor.u32 v13, v63  }
0x1d7: {  	v6 =	vmul.f32 v6, v6;
	v5 =	vsub.f32 v10, v5;
	v10 =	vld.idx.msk [tilespmem:v11+s7+$0x0], $0xffff;
	v11 =	vor.u32 $0x80D, v1  }
0x1d8: {  	v13 =	vor.u32 $0x400E, v0  }
0x1d9: {  	v2 =	vadd.f32 v6, v2;
	v5 =	vmul.f32 v5, v5;
	v6 =	vld.idx.msk [tilespmem:v7+s6+$0x0], $0xffff;
	v7 =	vor.u32 v13, v63  }
0x1da: {  	v13 =	vor.u32 $0x400F, v0;
	v4 =	vsub.f32 v8, v4;
	v8 =	vld.idx.msk [tilespmem:v12+s7+$0x0], $0xffff;
	v12 =	vor.u32 $0x80E, v1  }
0x1db: {  	v2 =	vadd.f32 v5, v2;
	v5 =	vld.idx.msk [tilespmem:v9+s6+$0x0], $0xffff;
	v9 =	vor.u32 v13, v63  }
0x1dc: {  	v4 =	vmul.f32 v4, v4;
	v3 =	vsub.f32 v10, v3;
	v10 =	vld.idx.msk [tilespmem:v11+s7+$0x0], $0xffff;
	v11 =	vor.u32 $0x80F, v1  }
0x1dd: {  	v13 =	vor.u32 $0x4010, v0  }
0x1de: {  	v2 =	vadd.f32 v4, v2;
	v3 =	vmul.f32 v3, v3;
	v4 =	vld.idx.msk [tilespmem:v7+s6+$0x0], $0xffff;
	v7 =	vor.u32 v13, v63  }
0x1df: {  	v13 =	vor.u32 $0x4011, v0;
	v6 =	vsub.f32 v8, v6;
	v8 =	vld.idx.msk [tilespmem:v12+s7+$0x0], $0xffff;
	v12 =	vor.u32 $0x810, v1  }
0x1e0: {  	v2 =	vadd.f32 v3, v2;
	v3 =	vld.idx.msk [tilespmem:v9+s6+$0x0], $0xffff;
	v9 =	vor.u32 v13, v63  }
0x1e1: {  	v6 =	vmul.f32 v6, v6;
	v5 =	vsub.f32 v10, v5;
	v10 =	vld.idx.msk [tilespmem:v11+s7+$0x0], $0xffff;
	v11 =	vor.u32 $0x811, v1  }
0x1e2: {  	v13 =	vor.u32 $0x4012, v0  }
0x1e3: {  	v2 =	vadd.f32 v6, v2;
	v5 =	vmul.f32 v5, v5;
	v6 =	vld.idx.msk [tilespmem:v7+s6+$0x0], $0xffff;
	v7 =	vor.u32 v13, v63  }
0x1e4: {  	v13 =	vor.u32 $0x4013, v0;
	v4 =	vsub.f32 v8, v4;
	v8 =	vld.idx.msk [tilespmem:v12+s7+$0x0], $0xffff;
	v12 =	vor.u32 $0x812, v1  }
0x1e5: {  	v2 =	vadd.f32 v5, v2;
	v5 =	vld.idx.msk [tilespmem:v9+s6+$0x0], $0xffff;
	v9 =	vor.u32 v13, v63  }
0x1e6: {  	v4 =	vmul.f32 v4, v4;
	v3 =	vsub.f32 v10, v3;
	v10 =	vld.idx.msk [tilespmem:v11+s7+$0x0], $0xffff;
	v11 =	vor.u32 $0x813, v1  }
0x1e7: {  	v13 =	vor.u32 $0x4014, v0  }
0x1e8: {  	v2 =	vadd.f32 v4, v2;
	v3 =	vmul.f32 v3, v3;
	v4 =	vld.idx.msk [tilespmem:v7+s6+$0x0], $0xffff;
	v7 =	vor.u32 v13, v63  }
0x1e9: {  	v13 =	vor.u32 $0x4015, v0;
	v6 =	vsub.f32 v8, v6;
	v8 =	vld.idx.msk [tilespmem:v12+s7+$0x0], $0xffff;
	v12 =	vor.u32 $0x814, v1  }
0x1ea: {  	v2 =	vadd.f32 v3, v2;
	v3 =	vld.idx.msk [tilespmem:v9+s6+$0x0], $0xffff;
	v9 =	vor.u32 v13, v63  }
0x1eb: {  	v6 =	vmul.f32 v6, v6;
	v5 =	vsub.f32 v10, v5;
	v10 =	vld.idx.msk [tilespmem:v11+s7+$0x0], $0xffff;
	v11 =	vor.u32 $0x815, v1  }
0x1ec: {  	v13 =	vor.u32 $0x4016, v0  }
0x1ed: {  	v2 =	vadd.f32 v6, v2;
	v5 =	vmul.f32 v5, v5;
	v6 =	vld.idx.msk [tilespmem:v7+s6+$0x0], $0xffff;
	v7 =	vor.u32 v13, v63  }
0x1ee: {  	v13 =	vor.u32 $0x4017, v0;
	v4 =	vsub.f32 v8, v4;
	v8 =	vld.idx.msk [tilespmem:v12+s7+$0x0], $0xffff;
	v12 =	vor.u32 $0x816, v1  }
0x1ef: {  	v2 =	vadd.f32 v5, v2;
	v5 =	vld.idx.msk [tilespmem:v9+s6+$0x0], $0xffff;
	v9 =	vor.u32 v13, v63  }
0x1f0: {  	v4 =	vmul.f32 v4, v4;
	v3 =	vsub.f32 v10, v3;
	v10 =	vld.idx.msk [tilespmem:v11+s7+$0x0], $0xffff;
	v11 =	vor.u32 $0x817, v1  }
0x1f1: {  	v13 =	vor.u32 $0x4018, v0  }
0x1f2: {  	v2 =	vadd.f32 v4, v2;
	v3 =	vmul.f32 v3, v3;
	v4 =	vld.idx.msk [tilespmem:v7+s6+$0x0], $0xffff;
	v7 =	vor.u32 v13, v63  }
0x1f3: {  	v13 =	vor.u32 $0x4019, v0;
	v6 =	vsub.f32 v8, v6;
	v8 =	vld.idx.msk [tilespmem:v12+s7+$0x0], $0xffff;
	v12 =	vor.u32 $0x818, v1  }
0x1f4: {  	v2 =	vadd.f32 v3, v2;
	v3 =	vld.idx.msk [tilespmem:v9+s6+$0x0], $0xffff;
	v9 =	vor.u32 v13, v63  }
0x1f5: {  	v6 =	vmul.f32 v6, v6;
	v5 =	vsub.f32 v10, v5;
	v10 =	vld.idx.msk [tilespmem:v11+s7+$0x0], $0xffff;
	v11 =	vor.u32 $0x819, v1  }
0x1f6: {  	v13 =	vor.u32 $0x401A, v0  }
0x1f7: {  	v2 =	vadd.f32 v6, v2;
	v5 =	vmul.f32 v5, v5;
	v6 =	vld.idx.msk [tilespmem:v7+s6+$0x0], $0xffff;
	v7 =	vor.u32 v13, v63  }
0x1f8: {  	v13 =	vor.u32 $0x401B, v0;
	v4 =	vsub.f32 v8, v4;
	v8 =	vld.idx.msk [tilespmem:v12+s7+$0x0], $0xffff;
	v12 =	vor.u32 $0x81A, v1  }
0x1f9: {  	v2 =	vadd.f32 v5, v2;
	v5 =	vld.idx.msk [tilespmem:v9+s6+$0x0], $0xffff;
	v9 =	vor.u32 v13, v63  }
0x1fa: {  	v4 =	vmul.f32 v4, v4;
	v3 =	vsub.f32 v10, v3;
	v10 =	vld.idx.msk [tilespmem:v11+s7+$0x0], $0xffff;
	v11 =	vor.u32 $0x81B, v1  }
0x1fb: {  	v13 =	vor.u32 $0x401C, v0  }
0x1fc: {  	v2 =	vadd.f32 v4, v2;
	v3 =	vmul.f32 v3, v3;
	v4 =	vld.idx.msk [tilespmem:v7+s6+$0x0], $0xffff;
	v7 =	vor.u32 v13, v63  }
0x1fd: {  	v13 =	vor.u32 $0x401D, v0;
	v6 =	vsub.f32 v8, v6;
	v8 =	vld.idx.msk [tilespmem:v12+s7+$0x0], $0xffff;
	v12 =	vor.u32 $0x81C, v1  }
0x1fe: {  	v2 =	vadd.f32 v3, v2;
	v3 =	vld.idx.msk [tilespmem:v9+s6+$0x0], $0xffff;
	v9 =	vor.u32 v13, v63  }
0x1ff: {  	v6 =	vmul.f32 v6, v6;
	v5 =	vsub.f32 v10, v5;
	v10 =	vld.idx.msk [tilespmem:v11+s7+$0x0], $0xffff;
	v11 =	vor.u32 $0x81D, v1  }
0x200: {  	v13 =	vor.u32 $0x401E, v0  }
0x201: {  	v2 =	vadd.f32 v6, v2;
	v5 =	vmul.f32 v5, v5;
	v6 =	vld.idx.msk [tilespmem:v7+s6+$0x0], $0xffff;
	v7 =	vor.u32 v13, v63  }
0x202: {  	v13 =	vor.u32 $0x401F, v0;
	v4 =	vsub.f32 v8, v4;
	v8 =	vld.idx.msk [tilespmem:v12+s7+$0x0], $0xffff;
	v12 =	vor.u32 $0x81E, v1  }
0x203: {  	v2 =	vadd.f32 v5, v2;
	v5 =	vld.idx.msk [tilespmem:v9+s6+$0x0], $0xffff;
	v9 =	vor.u32 v13, v63  }
0x204: {  	v4 =	vmul.f32 v4, v4;
	v3 =	vsub.f32 v10, v3;
	v10 =	vld.idx.msk [tilespmem:v11+s7+$0x0], $0xffff;
	v11 =	vor.u32 $0x81F, v1  }
0x205: {  	v13 =	vor.u32 $0x4020, v0  }
0x206: {  	v2 =	vadd.f32 v4, v2;
	v3 =	vmul.f32 v3, v3;
	v4 =	vld.idx.msk [tilespmem:v7+s6+$0x0], $0xffff;
	v7 =	vor.u32 v13, v63  }
0x207: {  	v13 =	vor.u32 $0x4021, v0;
	v6 =	vsub.f32 v8, v6;
	v8 =	vld.idx.msk [tilespmem:v12+s7+$0x0], $0xffff;
	v12 =	vor.u32 $0x820, v1  }
0x208: {  	v2 =	vadd.f32 v3, v2;
	v3 =	vld.idx.msk [tilespmem:v9+s6+$0x0], $0xffff;
	v9 =	vor.u32 v13, v63  }
0x209: {  	v6 =	vmul.f32 v6, v6;
	v5 =	vsub.f32 v10, v5;
	v10 =	vld.idx.msk [tilespmem:v11+s7+$0x0], $0xffff;
	v11 =	vor.u32 $0x821, v1  }
0x20a: {  	v13 =	vor.u32 $0x4022, v0  }
0x20b: {  	v2 =	vadd.f32 v6, v2;
	v5 =	vmul.f32 v5, v5;
	v6 =	vld.idx.msk [tilespmem:v7+s6+$0x0], $0xffff;
	v7 =	vor.u32 v13, v63  }
0x20c: {  	v13 =	vor.u32 $0x4023, v0;
	v4 =	vsub.f32 v8, v4;
	v8 =	vld.idx.msk [tilespmem:v12+s7+$0x0], $0xffff;
	v12 =	vor.u32 $0x822, v1  }
0x20d: {  	v2 =	vadd.f32 v5, v2;
	v5 =	vld.idx.msk [tilespmem:v9+s6+$0x0], $0xffff;
	v9 =	vor.u32 v13, v63  }
0x20e: {  	v4 =	vmul.f32 v4, v4;
	v3 =	vsub.f32 v10, v3;
	v10 =	vld.idx.msk [tilespmem:v11+s7+$0x0], $0xffff;
	v11 =	vor.u32 $0x823, v1  }
0x20f: {  	v13 =	vor.u32 $0x4024, v0  }
0x210: {  	v2 =	vadd.f32 v4, v2;
	v3 =	vmul.f32 v3, v3;
	v4 =	vld.idx.msk [tilespmem:v7+s6+$0x0], $0xffff;
	v7 =	vor.u32 v13, v63  }
0x211: {  	v13 =	vor.u32 $0x4025, v0;
	v6 =	vsub.f32 v8, v6;
	v8 =	vld.idx.msk [tilespmem:v12+s7+$0x0], $0xffff;
	v12 =	vor.u32 $0x824, v1  }
0x212: {  	v2 =	vadd.f32 v3, v2;
	v3 =	vld.idx.msk [tilespmem:v9+s6+$0x0], $0xffff;
	v9 =	vor.u32 v13, v63  }
0x213: {  	v6 =	vmul.f32 v6, v6;
	v5 =	vsub.f32 v10, v5;
	v10 =	vld.idx.msk [tilespmem:v11+s7+$0x0], $0xffff;
	v11 =	vor.u32 $0x825, v1  }
0x214: {  	v13 =	vor.u32 $0x4026, v0  }
0x215: {  	v2 =	vadd.f32 v6, v2;
	v5 =	vmul.f32 v5, v5;
	v6 =	vld.idx.msk [tilespmem:v7+s6+$0x0], $0xffff;
	v7 =	vor.u32 v13, v63  }
0x216: {  	v13 =	vor.u32 $0x4027, v0;
	v4 =	vsub.f32 v8, v4;
	v8 =	vld.idx.msk [tilespmem:v12+s7+$0x0], $0xffff;
	v12 =	vor.u32 $0x826, v1  }
0x217: {  	v2 =	vadd.f32 v5, v2;
	v5 =	vld.idx.msk [tilespmem:v9+s6+$0x0], $0xffff;
	v9 =	vor.u32 v13, v63  }
0x218: {  	v4 =	vmul.f32 v4, v4;
	v3 =	vsub.f32 v10, v3;
	v10 =	vld.idx.msk [tilespmem:v11+s7+$0x0], $0xffff;
	v11 =	vor.u32 $0x827, v1  }
0x219: {  	v13 =	vor.u32 $0x4028, v0  }
0x21a: {  	v2 =	vadd.f32 v4, v2;
	v3 =	vmul.f32 v3, v3;
	v4 =	vld.idx.msk [tilespmem:v7+s6+$0x0], $0xffff;
	v7 =	vor.u32 v13, v63  }
0x21b: {  	v13 =	vor.u32 $0x4029, v0;
	v6 =	vsub.f32 v8, v6;
	v8 =	vld.idx.msk [tilespmem:v12+s7+$0x0], $0xffff;
	v12 =	vor.u32 $0x828, v1  }
0x21c: {  	v2 =	vadd.f32 v3, v2;
	v3 =	vld.idx.msk [tilespmem:v9+s6+$0x0], $0xffff;
	v9 =	vor.u32 v13, v63  }
0x21d: {  	v6 =	vmul.f32 v6, v6;
	v5 =	vsub.f32 v10, v5;
	v10 =	vld.idx.msk [tilespmem:v11+s7+$0x0], $0xffff;
	v11 =	vor.u32 $0x829, v1  }
0x21e: {  	v13 =	vor.u32 $0x402A, v0  }
0x21f: {  	v2 =	vadd.f32 v6, v2;
	v5 =	vmul.f32 v5, v5;
	v6 =	vld.idx.msk [tilespmem:v7+s6+$0x0], $0xffff;
	v7 =	vor.u32 v13, v63  }
0x220: {  	v13 =	vor.u32 $0x402B, v0;
	v4 =	vsub.f32 v8, v4;
	v8 =	vld.idx.msk [tilespmem:v12+s7+$0x0], $0xffff;
	v12 =	vor.u32 $0x82A, v1  }
0x221: {  	v2 =	vadd.f32 v5, v2;
	v5 =	vld.idx.msk [tilespmem:v9+s6+$0x0], $0xffff;
	v9 =	vor.u32 v13, v63  }
0x222: {  	v4 =	vmul.f32 v4, v4;
	v3 =	vsub.f32 v10, v3;
	v10 =	vld.idx.msk [tilespmem:v11+s7+$0x0], $0xffff;
	v11 =	vor.u32 $0x82B, v1  }
0x223: {  	v13 =	vor.u32 $0x402C, v0  }
0x224: {  	v2 =	vadd.f32 v4, v2;
	v3 =	vmul.f32 v3, v3;
	v4 =	vld.idx.msk [tilespmem:v7+s6+$0x0], $0xffff;
	v7 =	vor.u32 v13, v63  }
0x225: {  	v13 =	vor.u32 $0x402D, v0;
	v6 =	vsub.f32 v8, v6;
	v8 =	vld.idx.msk [tilespmem:v12+s7+$0x0], $0xffff;
	v12 =	vor.u32 $0x82C, v1  }
0x226: {  	v2 =	vadd.f32 v3, v2;
	v3 =	vld.idx.msk [tilespmem:v9+s6+$0x0], $0xffff;
	v9 =	vor.u32 v13, v63  }
0x227: {  	v6 =	vmul.f32 v6, v6;
	v5 =	vsub.f32 v10, v5;
	v10 =	vld.idx.msk [tilespmem:v11+s7+$0x0], $0xffff;
	v11 =	vor.u32 $0x82D, v1  }
0x228: {  	v13 =	vor.u32 $0x402E, v0  }
0x229: {  	v2 =	vadd.f32 v6, v2;
	v5 =	vmul.f32 v5, v5;
	v6 =	vld.idx.msk [tilespmem:v7+s6+$0x0], $0xffff;
	v7 =	vor.u32 v13, v63  }
0x22a: {  	v13 =	vor.u32 $0x402F, v0;
	v4 =	vsub.f32 v8, v4;
	v8 =	vld.idx.msk [tilespmem:v12+s7+$0x0], $0xffff;
	v12 =	vor.u32 $0x82E, v1  }
0x22b: {  	v2 =	vadd.f32 v5, v2;
	v5 =	vld.idx.msk [tilespmem:v9+s6+$0x0], $0xffff;
	v9 =	vor.u32 v13, v63  }
0x22c: {  	v4 =	vmul.f32 v4, v4;
	v3 =	vsub.f32 v10, v3;
	v10 =	vld.idx.msk [tilespmem:v11+s7+$0x0], $0xffff;
	v11 =	vor.u32 $0x82F, v1  }
0x22d: {  	v13 =	vor.u32 $0x4030, v0  }
0x22e: {  	v2 =	vadd.f32 v4, v2;
	v3 =	vmul.f32 v3, v3;
	v4 =	vld.idx.msk [tilespmem:v7+s6+$0x0], $0xffff;
	v7 =	vor.u32 v13, v63  }
0x22f: {  	v13 =	vor.u32 $0x4031, v0;
	v6 =	vsub.f32 v8, v6;
	v8 =	vld.idx.msk [tilespmem:v12+s7+$0x0], $0xffff;
	v12 =	vor.u32 $0x830, v1  }
0x230: {  	v2 =	vadd.f32 v3, v2;
	v3 =	vld.idx.msk [tilespmem:v9+s6+$0x0], $0xffff;
	v9 =	vor.u32 v13, v63  }
0x231: {  	v6 =	vmul.f32 v6, v6;
	v5 =	vsub.f32 v10, v5;
	v10 =	vld.idx.msk [tilespmem:v11+s7+$0x0], $0xffff;
	v11 =	vor.u32 $0x831, v1  }
0x232: {  	v13 =	vor.u32 $0x4032, v0  }
0x233: {  	v2 =	vadd.f32 v6, v2;
	v5 =	vmul.f32 v5, v5;
	v6 =	vld.idx.msk [tilespmem:v7+s6+$0x0], $0xffff;
	v7 =	vor.u32 v13, v63  }
0x234: {  	v13 =	vor.u32 $0x4033, v0;
	v4 =	vsub.f32 v8, v4;
	v8 =	vld.idx.msk [tilespmem:v12+s7+$0x0], $0xffff;
	v12 =	vor.u32 $0x832, v1  }
0x235: {  	v2 =	vadd.f32 v5, v2;
	v5 =	vld.idx.msk [tilespmem:v9+s6+$0x0], $0xffff;
	v9 =	vor.u32 v13, v63  }
0x236: {  	v4 =	vmul.f32 v4, v4;
	v3 =	vsub.f32 v10, v3;
	v10 =	vld.idx.msk [tilespmem:v11+s7+$0x0], $0xffff;
	v11 =	vor.u32 $0x833, v1  }
0x237: {  	v13 =	vor.u32 $0x4034, v0  }
0x238: {  	v2 =	vadd.f32 v4, v2;
	v3 =	vmul.f32 v3, v3;
	v4 =	vld.idx.msk [tilespmem:v7+s6+$0x0], $0xffff;
	v7 =	vor.u32 v13, v63  }
0x239: {  	v13 =	vor.u32 $0x4035, v0;
	v6 =	vsub.f32 v8, v6;
	v8 =	vld.idx.msk [tilespmem:v12+s7+$0x0], $0xffff;
	v12 =	vor.u32 $0x834, v1  }
0x23a: {  	v2 =	vadd.f32 v3, v2;
	v3 =	vld.idx.msk [tilespmem:v9+s6+$0x0], $0xffff;
	v9 =	vor.u32 v13, v63  }
0x23b: {  	v6 =	vmul.f32 v6, v6;
	v5 =	vsub.f32 v10, v5;
	v10 =	vld.idx.msk [tilespmem:v11+s7+$0x0], $0xffff;
	v11 =	vor.u32 $0x835, v1  }
0x23c: {  	v13 =	vor.u32 $0x4036, v0  }
0x23d: {  	v2 =	vadd.f32 v6, v2;
	v5 =	vmul.f32 v5, v5;
	v6 =	vld.idx.msk [tilespmem:v7+s6+$0x0], $0xffff;
	v7 =	vor.u32 v13, v63  }
0x23e: {  	v4 =	vsub.f32 v8, v4;
	v8 =	vld.idx.msk [tilespmem:v12+s7+$0x0], $0xffff;
	v12 =	vor.u32 $0x836, v1  }
0x23f: {  	v14 =	vor.u32 $0x4037, v0;
	v2 =	vadd.f32 v5, v2;
	v5 =	vld.idx.msk [tilespmem:v9+s6+$0x0], $0xffff  }
0x240: {  	v4 =	vmul.f32 v4, v4;
	v3 =	vsub.f32 v10, v3;
	v10 =	vld.idx.msk [tilespmem:v11+s7+$0x0], $0xffff;
	v9 =	vor.u32 v14, v63  }
0x241: {  	v13 =	vor.u32 $0x4038, v0;
	v11 =	vor.u32 $0x837, v1  }
0x242: {  	v2 =	vadd.f32 v4, v2;
	v3 =	vmul.f32 v3, v3;
	v4 =	vld.idx.msk [tilespmem:v7+s6+$0x0], $0xffff;
	v7 =	vor.u32 v13, v63  }
0x243: {  	v6 =	vsub.f32 v8, v6;
	v8 =	vld.idx.msk [tilespmem:v12+s7+$0x0], $0xffff;
	v12 =	vor.u32 $0x838, v1  }
0x244: {  	v2 =	vadd.f32 v3, v2;
	v3 =	vor.u32 $0x4039, v0  }
0x245: {  	v6 =	vmul.f32 v6, v6;
	v5 =	vsub.f32 v10, v5;
	v9 =	vld.idx.msk [tilespmem:v9+s6+$0x0], $0xffff;
	v3 =	vor.u32 v3, v63  }
0x246: {  	v13 =	vor.u32 $0x403A, v0;
	v10 =	vld.idx.msk [tilespmem:v11+s7+$0x0], $0xffff;
	v11 =	vor.u32 $0x839, v1  }
0x247: {  	v2 =	vadd.f32 v6, v2;
	v5 =	vmul.f32 v5, v5;
	v6 =	vld.idx.msk [tilespmem:v7+s6+$0x0], $0xffff;
	v7 =	vor.u32 v13, v63  }
0x248: {  	v13 =	vor.u32 $0x403B, v0;
	v4 =	vsub.f32 v8, v4;
	v8 =	vld.idx.msk [tilespmem:v12+s7+$0x0], $0xffff;
	v12 =	vor.u32 $0x83A, v1  }
0x249: {  	v2 =	vadd.f32 v5, v2;
	v5 =	vor.u32 v13, v63  }
0x24a: {  	v14 =	vor.u32 $0x403C, v0;
	v13 =	vor.u32 $0x83B, v1;
	v4 =	vmul.f32 v4, v4;
	v3 =	vld.idx.msk [tilespmem:v3+s6+$0x0], $0xffff  }
0x24b: {  	v9 =	vsub.f32 v10, v9;
	v10 =	vld.idx.msk [tilespmem:v11+s7+$0x0], $0xffff;
	v11 =	vor.u32 v14, v63  }
0x24c: {  	v14 =	vor.u32 $0x403D, v0;
	v2 =	vadd.f32 v4, v2;
	v4 =	vld.idx.msk [tilespmem:v7+s6+$0x0], $0xffff;
	v7 =	vor.u32 $0x83C, v1  }
0x24d: {  	v9 =	vmul.f32 v9, v9;
	v6 =	vsub.f32 v8, v6;
	v8 =	vld.idx.msk [tilespmem:v12+s7+$0x0], $0xffff;
	v12 =	vor.u32 v14, v63  }
0x24e: {  	v15 =	vor.u32 $0x403E, v0;
	v14 =	vor.u32 $0x83D, v1;
	v5 =	vld.idx.msk [tilespmem:v5+s6+$0x0], $0xffff  }
0x24f: {  	v2 =	vadd.f32 v9, v2;
	v9 =	vld.idx.msk [tilespmem:v13+s7+$0x0], $0xffff;
	v13 =	vor.u32 v15, v63;
	v6 =	vmul.f32 v6, v6  }
0x250: {  	v15 =	vor.u32 $0x403F, v0;
	v3 =	vsub.f32 v10, v3;
	v10 =	vld.idx.msk [tilespmem:v11+s6+$0x0], $0xffff;
	v11 =	vor.u32 $0x83E, v1  }
0x251: {  	v2 =	vadd.f32 v6, v2;
	v6 =	vor.u32 v15, v63;
	v7 =	vld.idx.msk [tilespmem:v7+s7+$0x0], $0xffff  }
0x252: {  	v3 =	vmul.f32 v3, v3;
	v4 =	vsub.f32 v8, v4;
	v8 =	vld.idx.msk [tilespmem:v12+s6+$0x0], $0xffff;
	v12 =	vor.u32 $0x83F, v1  }
0x253: {  	v14 =	vld.idx.msk [tilespmem:v14+s7+$0x0], $0xffff  }
0x254: {  	v2 =	vadd.f32 v3, v2;
	v3 =	vsub.f32 v9, v5;
	v5 =	vld.idx.msk [tilespmem:v13+s6+$0x0], $0xffff;
	v4 =	vmul.f32 v4, v4  }
0x255: {  	v63 =	vld.idx.msk [tilespmem:v11+s7+$0x0], $0xffff  }
0x256: {  	v3 =	vmul.f32 v3, v3;
	v2 =	vadd.f32 v4, v2;
	v11 =	vsub.f32 v7, v10;
	v6 =	vld.idx.msk [tilespmem:v6+s6+$0x0], $0xffff  }
0x257: {  	v13 =	vld.idx.msk [tilespmem:v12+s7+$0x0], $0xffff  }
0x258: {  	v2 =	vadd.f32 v3, v2;
	v3 =	vsub.f32 v14, v8;
	v4 =	vmul.f32 v11, v11;
	_ =	sdelay $0x1  }
0x259: {  	v63 =	vsub.f32 v63, v5;
	v2 =	vadd.f32 v4, v2;
	v3 =	vmul.f32 v3, v3;
	_ =	sdelay $0x1  }
0x25a: {  	v4 =	vmul.f32 v63, v63;
	v2 =	vadd.f32 v3, v2;
	v3 =	vsub.f32 v13, v6;
	_ =	sdelay $0x1  }
0x25b: {  	v2 =	vadd.f32 v4, v2;
	v3 =	vmul.f32 v3, v3;
	_ =	sdelay $0x1  }
0x25c: {  	s31 =	sld [smem:$0x7FD];
	v2 =	vadd.f32 v3, v2  }
0x25d: {  	p0 =	sne.s32 s4, $0x1  }
.Ltmp0:
0x25e: {  	s30 =	rddreg [dreg:$0x5];
	[tilespmem:$0x9080] =	vst v2;
	(pc) =	sbr.rel @p0 .LBB2_1-.Ltmp0, $4  }
0x25f: {  	[hbm4b:s30+s2] =	stream.linear.scatter [tilespmem:s31], [sflag:$0x2], $0x80, $0x38;
	[tilespmem:$0x9100] =	vst v63  }
0x260: {  	_ =	swait.ge [sflag:s5], $0x80  }
0x261: {  	[sflag:s5] =	ssyncset.done $0x0  }
0x262: {  	s4 =	sadd.s32 $0xFFFFFFFF, s4;
	[sflag:s5] =	ssyncadd.s32 $0xFFFFFF80  }
0x263: {  	_ =	sfence.sel $0x180000  }
0x264: {  	[bflag:$0x0] =	sbarrier.arrive $0xFFFF  }
0x265: {  	p0 =	sne.s32 s1, $0x0;
	_ =	strace $0x90000047  }
0x266: {  	s0 =	sadd.s32 @!p0 $0x100000, s0;
	[bflag:$0x2] =	sbarrier.arrive $0xFFFF  }
0x267: {  	[sflag:s0] =	ssyncadd.tile.s32 @!p0 $0x1;
	_ =	shalt  }
.Lfunc_end2:
_tile_overlayer_lowered:
.L_overlay_start_2:
0x268: {  	(tag) =	ssettag $0x2  }
0x269: {  	s0 =	rddreg [dreg:$0x0];
	s2 =	stileid.u32  }
0x26a: {  	s1 =	rddreg [dreg:$0x1];
	p0 =	sne.s32 s2, $0x0  }
0x26b: {  	s3 =	rddreg [dreg:$0x2];
	[bflag:$0x3] =	sbarrier.arrive $0xFFFF;
	s2 =	simm.s32 @!p0 $0x1C02  }
0x26c: {  	[timem:s3], [sflag:s2] =	dma.local @!p0 [hbm:s0], s1  }
0x26d: {  	s0 =	simm.s32 @!p0 $0x2  }
0x26e: {  	_ =	swait.ge @!p0 [sflag:s0], s1  }
0x26f: {  	s1 =	ssub.s32 @!p0 $0x0, s1;
	[sflag:s0] =	ssyncset.done @!p0 $0x0  }
0x270: {  	[sflag:s0] =	ssyncadd.s32 @!p0 s1  }
0x271: {  	[bflag:$0x3] =	sbarrier.arrive $0xFFFF  }
0x272: {  	_ =	shalt  }

</sc_bundles>
